<compile_context>
chip_gen: v7x
topology: tpu7x:2x2x1
jax: 0.10.2.dev20260603
libtpu: 0.0.44.dev20260713+nightly
codegen_flags: <defaults>
</compile_context>

<pallas_src>
import functools

import jax
import jax.numpy as jnp
from jax import lax
from jax.experimental import pallas as pl
from jax.experimental.pallas import tpu as pltpu
from jax.experimental.pallas import tpu_sc as plsc

N = 262144
M = 64
K = 16

N_SC = 49152
N_TC = N - N_SC

NC = 2
NS = 16
NW = NC * NS
CHUNK2 = 256
ROW_UNROLL = 1

N_SC2 = N_SC // 2
SC_ROWS2_PER_W = N_SC2 // NW
SC_NCHUNK = SC_ROWS2_PER_W // CHUNK2

_GATHER_DNUMS = lax.GatherDimensionNumbers(
    offset_dims=(), collapsed_slice_dims=(0,), start_index_map=(0,))


def _lane_shuffle(v, idx):
    return lax.gather(v, idx[:, None], _GATHER_DNUMS, (1,),
                      mode=lax.GatherScatterMode.PROMISE_IN_BOUNDS)


def _lane_allreduce_sum(v):
    lane = lax.iota(jnp.int32, 16)
    for k in range(4):
        v = v + _lane_shuffle(v, lane ^ (1 << k))
    return v


def _row_compute(lbuf, obuf, r):
    p = [jnp.exp(lbuf[r, pl.ds(16 * j, 16)]) for j in range(8)]
    kh = None
    for _ in range(K):
        rinv = []
        for h in (0, 4):
            sv = _lane_allreduce_sum((p[h] + p[h + 1]) + (p[h + 2] + p[h + 3]))
            rinv.append(1.0 / sv)
        o = [x * rinv[j // 4] for j, x in enumerate(p)]
        kh = o if kh is None else [a + b for a, b in zip(kh, o)]
        p = [x * (1.0 - oo) for x, oo in zip(p, o)]
    for j in range(8):
        obuf[r, pl.ds(16 * j, 16)] = kh[j]


def _tec_body(l_hbm, out_hbm, lbuf, obuf):
    wid = lax.axis_index("s") * NC + lax.axis_index("c")
    base = wid * SC_ROWS2_PER_W

    def chunk_body(g, carry):
        start = base + g * CHUNK2
        pltpu.sync_copy(l_hbm.at[pl.ds(start, CHUNK2)], lbuf)

        def row_body(r):
            _row_compute(lbuf, obuf, r)

        plsc.parallel_loop(0, CHUNK2, 1, unroll=ROW_UNROLL)(row_body)
        pltpu.sync_copy(obuf, out_hbm.at[pl.ds(start, CHUNK2)])
        return carry

    lax.fori_loop(0, SC_NCHUNK, chunk_body, 0)


def _sc_part(l2):
    mesh = plsc.VectorSubcoreMesh(core_axis_name="c", subcore_axis_name="s",
                                  num_cores=NC, num_subcores=NS)
    return pl.kernel(
        _tec_body,
        out_type=jax.ShapeDtypeStruct((N_SC2, 2 * M), jnp.float32),
        mesh=mesh,
        scratch_types=[
            pltpu.VMEM((CHUNK2, 2 * M), jnp.float32),
            pltpu.VMEM((CHUNK2, 2 * M), jnp.float32),
        ],
    )(l2)


PRE_BLK = 512
PRE_NBLK = N_SC2 // PRE_BLK


def _pre_body(lt_ref, gt_ref, lb_ref, gb_ref, o_ref):
    o_ref[:, pl.ds(0, M)] = jnp.transpose(lt_ref[...] + gt_ref[...])
    o_ref[:, pl.ds(M, M)] = jnp.transpose(lb_ref[...] + gb_ref[...])


def _pre_part(lT, gT):
    return pl.pallas_call(
        _pre_body,
        out_shape=jax.ShapeDtypeStruct((N_SC2, 2 * M), jnp.float32),
        grid=(PRE_NBLK,),
        in_specs=[pl.BlockSpec((M, PRE_BLK), lambda i: (0, i)),
                  pl.BlockSpec((M, PRE_BLK), lambda i: (0, i)),
                  pl.BlockSpec((M, PRE_BLK), lambda i: (0, i + PRE_NBLK)),
                  pl.BlockSpec((M, PRE_BLK), lambda i: (0, i + PRE_NBLK))],
        out_specs=pl.BlockSpec((PRE_BLK, 2 * M), lambda i: (i, 0)),
    )(lT, gT, lT, gT)


TC_BLK = 4096
TC_BLK0 = N_SC // TC_BLK


def _tc_body(l_ref, g_ref, o_ref):
    p = jnp.exp(l_ref[...] + g_ref[...])
    kh = jnp.zeros_like(p)
    for _ in range(K):
        s = jnp.sum(p, axis=0, keepdims=True)
        r = 1.0 / s
        o = p * r
        kh = kh + o
        p = p * (1.0 - o)
    o_ref[...] = kh


def _tc_part(lT, gT):
    return pl.pallas_call(
        _tc_body,
        out_shape=jax.ShapeDtypeStruct((M, N), jnp.float32),
        grid=(N_TC // TC_BLK,),
        in_specs=[pl.BlockSpec((M, TC_BLK), lambda i: (0, i + TC_BLK0)),
                  pl.BlockSpec((M, TC_BLK), lambda i: (0, i + TC_BLK0))],
        out_specs=pl.BlockSpec((M, TC_BLK), lambda i: (0, i + TC_BLK0)),
    )(lT, gT)


@jax.jit
def _gtnm(logits, gumbel):
    lT = jnp.transpose(logits)
    gT = jnp.transpose(gumbel)
    l2 = _pre_part(lT, gT)
    sc_out = _sc_part(l2)
    tc_outT = _tc_part(lT, gT)
    top = jnp.transpose(lax.slice(sc_out, (0, 0), (N_SC2, M)))
    bot = jnp.transpose(lax.slice(sc_out, (0, M), (N_SC2, 2 * M)))
    outT = lax.dynamic_update_slice(tc_outT, top, (0, 0))
    outT = lax.dynamic_update_slice(outT, bot, (0, N_SC2))
    return jnp.transpose(outT)


def kernel(logits, gumbel):
    return _gtnm(logits, gumbel)

# --- scband reference (transcript-rebuilt; emitter-appended) ---
"""Pipeline reference for scband-gtnmmask-24558622998981 (READ-ONLY COPY).

The authoritative reference and input builder live on the scoring server;
editing this copy changes nothing except your own understanding.
"""

import jax, jax.numpy as jnp
import numpy as np

N_GROUP = 262144
M = 64
K = 16
TAU = 1.0
LOGIT_SCALING = 1.0
INIT_STD = 0.01


def setup_inputs(seed: int = 0) -> dict:
    key = jax.random.key(seed)
    k1, k2 = jax.random.split(key)
    # learned parameter (module init: normal with std=init_std)
    logits = jax.random.normal(k1, (N_GROUP, M), dtype=jnp.float32) * INIT_STD
    # torch does g = -log(Exp(1)) inside forward, i.e. standard Gumbel noise;
    # materialized here as an input so the reference is deterministic.
    gumbel = jax.random.gumbel(k2, (N_GROUP, M), dtype=jnp.float32)
    return {"logits": logits, "gumbel": gumbel}


def reference(logits, gumbel):
    # GTNMMask.forward in training mode (hard=False):
    #   mask = gumbel_soft_topk(logits * logit_scaling, k=N, tau, hard=False)
    l = logits * LOGIT_SCALING + gumbel
    tiny = jnp.finfo(l.dtype).tiny
    khot = jnp.zeros_like(l)
    onehot_approx = jnp.zeros_like(l)
    for _ in range(K):
        khot_mask = jnp.maximum(1.0 - onehot_approx, tiny)
        l = l + jnp.log(khot_mask)
        onehot_approx = jax.nn.softmax(l / TAU, axis=1)
        khot = khot + onehot_approx
    return khot

if __name__ == "__main__":
    import jax
    _d = setup_inputs()
    print(jax.jit(kernel)(*tuple(_d.values())))

</pallas_src>

<mosaic_0001>
#map = affine_map<(d0, d1) -> (0, 0)>
module attributes {stable_mosaic.version = 14 : i64} {
  func.func @_tec_body(%arg0: i32, %arg1: i32, %arg2: memref<24576x128xf32, #tpu.memory_space<hbm>>, %arg3: memref<24576x128xf32, #tpu.memory_space<hbm>>, %arg4: memref<256x128xf32, #tpu.memory_space<vmem>>, %arg5: memref<256x128xf32, #tpu.memory_space<vmem>>) attributes {dimension_semantics = [#tpu.dimension_semantics<core_parallel>, #tpu.dimension_semantics<subcore_parallel>], iteration_bounds = array<i64: 2, 16>, scalar_prefetch = 0 : i64, scratch_operands = 2 : i64, tpu.core_type = #tpu.core_type<sc_vector_subcore>, window_params = [{transform_indices = #map}, {transform_indices = #map}]} {
    %mul3A = arith.constant 2 : i32
    %mul3A_0 = arith.muli %arg1, %mul3A : i32
    %add3A = arith.addi %mul3A_0, %arg0 : i32
    %mul3A_1 = arith.constant 768 : i32
    %mul3A_2 = arith.muli %add3A, %mul3A_1 : i32
    %scan3A = arith.constant 0 : i32
    %scan3A_3 = arith.constant 0 : i32
    %scan3A_4 = arith.constant 3 : i32
    %scan3A_5 = arith.addi %scan3A_3, %scan3A_4 : i32
    %scan3A_6 = arith.constant 1 : i32
    scf.for %scan3A_8 = %scan3A_3 to %scan3A_5 step %scan3A_6  : i32 {
      %mul3A_9 = arith.constant 256 : i32
      %mul3A_10 = arith.muli %scan3A_8, %mul3A_9 : i32
      %add3A_11 = arith.addi %mul3A_2, %mul3A_10 : i32
      "tpu.region"() ({
        %run_scoped3A = tpu.sem_alloc : memref<!tpu.dma_semaphore, #tpu.memory_space<semaphore_mem>>
        %dma_start3A = arith.constant 0 : i32
        %dma_start3A_14 = tpu.memref_slice %arg2[%add3A_11, %dma_start3A] : memref<24576x128xf32, #tpu.memory_space<hbm>> -> memref<256x128xf32, #tpu.memory_space<hbm>>
        %dma_start3A_15 = arith.constant 0 : i32
        %dma_start3A_16 = tpu.memref_slice %arg2[%add3A_11, %dma_start3A_15] : memref<24576x128xf32, #tpu.memory_space<hbm>> -> memref<256x128xf32, #tpu.memory_space<hbm>>
        tpu.enqueue_dma source(%dma_start3A_16 : memref<256x128xf32, #tpu.memory_space<hbm>>) target(%arg4 : memref<256x128xf32, #tpu.memory_space<vmem>>) target_semaphore(%run_scoped3A : memref<!tpu.dma_semaphore, #tpu.memory_space<semaphore_mem>>)
        %dma_wait3A = arith.constant 0 : i32
        %dma_wait3A_17 = tpu.memref_slice %arg2[%add3A_11, %dma_wait3A] : memref<24576x128xf32, #tpu.memory_space<hbm>> -> memref<256x128xf32, #tpu.memory_space<hbm>>
        %dma_wait3A_18 = arith.constant 0 : i32
        %dma_wait3A_19 = tpu.memref_slice %arg2[%add3A_11, %dma_wait3A_18] : memref<24576x128xf32, #tpu.memory_space<hbm>> -> memref<256x128xf32, #tpu.memory_space<hbm>>
        tpu.wait_dma2 semaphore(%run_scoped3A : memref<!tpu.dma_semaphore, #tpu.memory_space<semaphore_mem>>) src(%dma_wait3A_19 : memref<256x128xf32, #tpu.memory_space<hbm>>) dst(%arg4 : memref<256x128xf32, #tpu.memory_space<vmem>>)
        tpu.yield
      }) : () -> ()
      %parallel_loop3A = arith.constant 0 : i32
      %parallel_loop3A_12 = arith.constant 256 : i32
      %parallel_loop3A_13 = arith.constant 1 : i32
      scf.for %parallel_loop3A_14 = %parallel_loop3A to %parallel_loop3A_12 step %parallel_loop3A_13  : i32 {
        %parallel_loop3A_15 = arith.index_cast %parallel_loop3A_14 : i32 to index
        %parallel_loop3A_16 = arith.constant 0 : index
        %parallel_loop3A_17 = tpu.vector_load %arg4[%parallel_loop3A_15, %parallel_loop3A_16] {strides = array<i32>} : memref<256x128xf32, #tpu.memory_space<vmem>>, vector<1x16xf32>,
        %parallel_loop3A_18 = vector.shape_cast %parallel_loop3A_17 : vector<1x16xf32> to vector<16xf32>
        %parallel_loop3A_19 = math.exp %parallel_loop3A_18 : vector<16xf32>
        %parallel_loop3A_20 = arith.index_cast %parallel_loop3A_14 : i32 to index
        %parallel_loop3A_21 = arith.constant 16 : index
        %parallel_loop3A_22 = tpu.vector_load %arg4[%parallel_loop3A_20, %parallel_loop3A_21] {strides = array<i32>} : memref<256x128xf32, #tpu.memory_space<vmem>>, vector<1x16xf32>,
        %parallel_loop3A_23 = vector.shape_cast %parallel_loop3A_22 : vector<1x16xf32> to vector<16xf32>
        %parallel_loop3A_24 = math.exp %parallel_loop3A_23 : vector<16xf32>
        %parallel_loop3A_25 = arith.index_cast %parallel_loop3A_14 : i32 to index
        %parallel_loop3A_26 = arith.constant 32 : index
        %parallel_loop3A_27 = tpu.vector_load %arg4[%parallel_loop3A_25, %parallel_loop3A_26] {strides = array<i32>} : memref<256x128xf32, #tpu.memory_space<vmem>>, vector<1x16xf32>,
        %parallel_loop3A_28 = vector.shape_cast %parallel_loop3A_27 : vector<1x16xf32> to vector<16xf32>
        %parallel_loop3A_29 = math.exp %parallel_loop3A_28 : vector<16xf32>
        %parallel_loop3A_30 = arith.index_cast %parallel_loop3A_14 : i32 to index
        %parallel_loop3A_31 = arith.constant 48 : index
        %parallel_loop3A_32 = tpu.vector_load %arg4[%parallel_loop3A_30, %parallel_loop3A_31] {strides = array<i32>} : memref<256x128xf32, #tpu.memory_space<vmem>>, vector<1x16xf32>,
        %parallel_loop3A_33 = vector.shape_cast %parallel_loop3A_32 : vector<1x16xf32> to vector<16xf32>
        %parallel_loop3A_34 = math.exp %parallel_loop3A_33 : vector<16xf32>
        %parallel_loop3A_35 = arith.index_cast %parallel_loop3A_14 : i32 to index
        %parallel_loop3A_36 = arith.constant 64 : index
        %parallel_loop3A_37 = tpu.vector_load %arg4[%parallel_loop3A_35, %parallel_loop3A_36] {strides = array<i32>} : memref<256x128xf32, #tpu.memory_space<vmem>>, vector<1x16xf32>,
        %parallel_loop3A_38 = vector.shape_cast %parallel_loop3A_37 : vector<1x16xf32> to vector<16xf32>
        %parallel_loop3A_39 = math.exp %parallel_loop3A_38 : vector<16xf32>
        %parallel_loop3A_40 = arith.index_cast %parallel_loop3A_14 : i32 to index
        %parallel_loop3A_41 = arith.constant 80 : index
        %parallel_loop3A_42 = tpu.vector_load %arg4[%parallel_loop3A_40, %parallel_loop3A_41] {strides = array<i32>} : memref<256x128xf32, #tpu.memory_space<vmem>>, vector<1x16xf32>,
        %parallel_loop3A_43 = vector.shape_cast %parallel_loop3A_42 : vector<1x16xf32> to vector<16xf32>
        %parallel_loop3A_44 = math.exp %parallel_loop3A_43 : vector<16xf32>
        %parallel_loop3A_45 = arith.index_cast %parallel_loop3A_14 : i32 to index
        %parallel_loop3A_46 = arith.constant 96 : index
        %parallel_loop3A_47 = tpu.vector_load %arg4[%parallel_loop3A_45, %parallel_loop3A_46] {strides = array<i32>} : memref<256x128xf32, #tpu.memory_space<vmem>>, vector<1x16xf32>,
        %parallel_loop3A_48 = vector.shape_cast %parallel_loop3A_47 : vector<1x16xf32> to vector<16xf32>
        %parallel_loop3A_49 = math.exp %parallel_loop3A_48 : vector<16xf32>
        %parallel_loop3A_50 = arith.index_cast %parallel_loop3A_14 : i32 to index
        %parallel_loop3A_51 = arith.constant 112 : index
        %parallel_loop3A_52 = tpu.vector_load %arg4[%parallel_loop3A_50, %parallel_loop3A_51] {strides = array<i32>} : memref<256x128xf32, #tpu.memory_space<vmem>>, vector<1x16xf32>,
        %parallel_loop3A_53 = vector.shape_cast %parallel_loop3A_52 : vector<1x16xf32> to vector<16xf32>
        %parallel_loop3A_54 = math.exp %parallel_loop3A_53 : vector<16xf32>
        %parallel_loop3A_55 = arith.addf %parallel_loop3A_19, %parallel_loop3A_24 : vector<16xf32>
        %parallel_loop3A_56 = arith.addf %parallel_loop3A_29, %parallel_loop3A_34 : vector<16xf32>
        %parallel_loop3A_57 = arith.addf %parallel_loop3A_55, %parallel_loop3A_56 : vector<16xf32>
        %parallel_loop3A_58 = tpu.iota {dimensions = array<i32: 0>} : vector<16xi32>
        %parallel_loop3A_59 = arith.constant 1 : i32
        %parallel_loop3A_60 = vector.broadcast %parallel_loop3A_59 : i32 to vector<16xi32>
        %parallel_loop3A_61 = arith.xori %parallel_loop3A_58, %parallel_loop3A_60 : vector<16xi32>
        %parallel_loop3A_62 = vector.shape_cast %parallel_loop3A_61 : vector<16xi32> to vector<16x1xi32>
        %parallel_loop3A_63 = vector.shape_cast %parallel_loop3A_62 : vector<16x1xi32> to vector<16xi32>
        %parallel_loop3A_64 = tpu.dynamic_gather %parallel_loop3A_57[%parallel_loop3A_63] in [0] : vector<16xf32>, vector<16xi32> -> vector<16xf32>
        %parallel_loop3A_65 = arith.addf %parallel_loop3A_57, %parallel_loop3A_64 : vector<16xf32>
        %parallel_loop3A_66 = arith.constant 2 : i32
        %parallel_loop3A_67 = vector.broadcast %parallel_loop3A_66 : i32 to vector<16xi32>
        %parallel_loop3A_68 = arith.xori %parallel_loop3A_58, %parallel_loop3A_67 : vector<16xi32>
        %parallel_loop3A_69 = vector.shape_cast %parallel_loop3A_68 : vector<16xi32> to vector<16x1xi32>
        %parallel_loop3A_70 = vector.shape_cast %parallel_loop3A_69 : vector<16x1xi32> to vector<16xi32>
        %parallel_loop3A_71 = tpu.dynamic_gather %parallel_loop3A_65[%parallel_loop3A_70] in [0] : vector<16xf32>, vector<16xi32> -> vector<16xf32>
        %parallel_loop3A_72 = arith.addf %parallel_loop3A_65, %parallel_loop3A_71 : vector<16xf32>
        %parallel_loop3A_73 = arith.constant 4 : i32
        %parallel_loop3A_74 = vector.broadcast %parallel_loop3A_73 : i32 to vector<16xi32>
        %parallel_loop3A_75 = arith.xori %parallel_loop3A_58, %parallel_loop3A_74 : vector<16xi32>
        %parallel_loop3A_76 = vector.shape_cast %parallel_loop3A_75 : vector<16xi32> to vector<16x1xi32>
        %parallel_loop3A_77 = vector.shape_cast %parallel_loop3A_76 : vector<16x1xi32> to vector<16xi32>
        %parallel_loop3A_78 = tpu.dynamic_gather %parallel_loop3A_72[%parallel_loop3A_77] in [0] : vector<16xf32>, vector<16xi32> -> vector<16xf32>
        %parallel_loop3A_79 = arith.addf %parallel_loop3A_72, %parallel_loop3A_78 : vector<16xf32>
        %parallel_loop3A_80 = arith.constant 8 : i32
        %parallel_loop3A_81 = vector.broadcast %parallel_loop3A_80 : i32 to vector<16xi32>
        %parallel_loop3A_82 = arith.xori %parallel_loop3A_58, %parallel_loop3A_81 : vector<16xi32>
        %parallel_loop3A_83 = vector.shape_cast %parallel_loop3A_82 : vector<16xi32> to vector<16x1xi32>
        %parallel_loop3A_84 = vector.shape_cast %parallel_loop3A_83 : vector<16x1xi32> to vector<16xi32>
        %parallel_loop3A_85 = tpu.dynamic_gather %parallel_loop3A_79[%parallel_loop3A_84] in [0] : vector<16xf32>, vector<16xi32> -> vector<16xf32>
        %parallel_loop3A_86 = arith.addf %parallel_loop3A_79, %parallel_loop3A_85 : vector<16xf32>
        %parallel_loop3A_87 = arith.constant 1.000000e+00 : f32
        %parallel_loop3A_88 = vector.broadcast %parallel_loop3A_87 : f32 to vector<16xf32>
        %parallel_loop3A_89 = arith.divf %parallel_loop3A_88, %parallel_loop3A_86 : vector<16xf32>
        %parallel_loop3A_90 = arith.addf %parallel_loop3A_39, %parallel_loop3A_44 : vector<16xf32>
        %parallel_loop3A_91 = arith.addf %parallel_loop3A_49, %parallel_loop3A_54 : vector<16xf32>
        %parallel_loop3A_92 = arith.addf %parallel_loop3A_90, %parallel_loop3A_91 : vector<16xf32>
        %parallel_loop3A_93 = tpu.iota {dimensions = array<i32: 0>} : vector<16xi32>
        %parallel_loop3A_94 = arith.constant 1 : i32
        %parallel_loop3A_95 = vector.broadcast %parallel_loop3A_94 : i32 to vector<16xi32>
        %parallel_loop3A_96 = arith.xori %parallel_loop3A_93, %parallel_loop3A_95 : vector<16xi32>
        %parallel_loop3A_97 = vector.shape_cast %parallel_loop3A_96 : vector<16xi32> to vector<16x1xi32>
        %parallel_loop3A_98 = vector.shape_cast %parallel_loop3A_97 : vector<16x1xi32> to vector<16xi32>
        %parallel_loop3A_99 = tpu.dynamic_gather %parallel_loop3A_92[%parallel_loop3A_98] in [0] : vector<16xf32>, vector<16xi32> -> vector<16xf32>
        %parallel_loop3A_100 = arith.addf %parallel_loop3A_92, %parallel_loop3A_99 : vector<16xf32>
        %parallel_loop3A_101 = arith.constant 2 : i32
        %parallel_loop3A_102 = vector.broadcast %parallel_loop3A_101 : i32 to vector<16xi32>
        %parallel_loop3A_103 = arith.xori %parallel_loop3A_93, %parallel_loop3A_102 : vector<16xi32>
        %parallel_loop3A_104 = vector.shape_cast %parallel_loop3A_103 : vector<16xi32> to vector<16x1xi32>
        %parallel_loop3A_105 = vector.shape_cast %parallel_loop3A_104 : vector<16x1xi32> to vector<16xi32>
        %parallel_loop3A_106 = tpu.dynamic_gather %parallel_loop3A_100[%parallel_loop3A_105] in [0] : vector<16xf32>, vector<16xi32> -> vector<16xf32>
        %parallel_loop3A_107 = arith.addf %parallel_loop3A_100, %parallel_loop3A_106 : vector<16xf32>
        %parallel_loop3A_108 = arith.constant 4 : i32
        %parallel_loop3A_109 = vector.broadcast %parallel_loop3A_108 : i32 to vector<16xi32>
        %parallel_loop3A_110 = arith.xori %parallel_loop3A_93, %parallel_loop3A_109 : vector<16xi32>
        %parallel_loop3A_111 = vector.shape_cast %parallel_loop3A_110 : vector<16xi32> to vector<16x1xi32>
        %parallel_loop3A_112 = vector.shape_cast %parallel_loop3A_111 : vector<16x1xi32> to vector<16xi32>
        %parallel_loop3A_113 = tpu.dynamic_gather %parallel_loop3A_107[%parallel_loop3A_112] in [0] : vector<16xf32>, vector<16xi32> -> vector<16xf32>
        %parallel_loop3A_114 = arith.addf %parallel_loop3A_107, %parallel_loop3A_113 : vector<16xf32>
        %parallel_loop3A_115 = arith.constant 8 : i32
        %parallel_loop3A_116 = vector.broadcast %parallel_loop3A_115 : i32 to vector<16xi32>
        %parallel_loop3A_117 = arith.xori %parallel_loop3A_93, %parallel_loop3A_116 : vector<16xi32>
        %parallel_loop3A_118 = vector.shape_cast %parallel_loop3A_117 : vector<16xi32> to vector<16x1xi32>
        %parallel_loop3A_119 = vector.shape_cast %parallel_loop3A_118 : vector<16x1xi32> to vector<16xi32>
        %parallel_loop3A_120 = tpu.dynamic_gather %parallel_loop3A_114[%parallel_loop3A_119] in [0] : vector<16xf32>, vector<16xi32> -> vector<16xf32>
        %parallel_loop3A_121 = arith.addf %parallel_loop3A_114, %parallel_loop3A_120 : vector<16xf32>
        %parallel_loop3A_122 = arith.constant 1.000000e+00 : f32
        %parallel_loop3A_123 = vector.broadcast %parallel_loop3A_122 : f32 to vector<16xf32>
        %parallel_loop3A_124 = arith.divf %parallel_loop3A_123, %parallel_loop3A_121 : vector<16xf32>
        %parallel_loop3A_125 = arith.mulf %parallel_loop3A_19, %parallel_loop3A_89 : vector<16xf32>
        %parallel_loop3A_126 = arith.mulf %parallel_loop3A_24, %parallel_loop3A_89 : vector<16xf32>
        %parallel_loop3A_127 = arith.mulf %parallel_loop3A_29, %parallel_loop3A_89 : vector<16xf32>
        %parallel_loop3A_128 = arith.mulf %parallel_loop3A_34, %parallel_loop3A_89 : vector<16xf32>
        %parallel_loop3A_129 = arith.mulf %parallel_loop3A_39, %parallel_loop3A_124 : vector<16xf32>
        %parallel_loop3A_130 = arith.mulf %parallel_loop3A_44, %parallel_loop3A_124 : vector<16xf32>
        %parallel_loop3A_131 = arith.mulf %parallel_loop3A_49, %parallel_loop3A_124 : vector<16xf32>
        %parallel_loop3A_132 = arith.mulf %parallel_loop3A_54, %parallel_loop3A_124 : vector<16xf32>
        %parallel_loop3A_133 = arith.constant 1.000000e+00 : f32
        %parallel_loop3A_134 = vector.broadcast %parallel_loop3A_133 : f32 to vector<16xf32>
        %parallel_loop3A_135 = arith.subf %parallel_loop3A_134, %parallel_loop3A_125 : vector<16xf32>
        %parallel_loop3A_136 = arith.mulf %parallel_loop3A_19, %parallel_loop3A_135 : vector<16xf32>
        %parallel_loop3A_137 = arith.constant 1.000000e+00 : f32
        %parallel_loop3A_138 = vector.broadcast %parallel_loop3A_137 : f32 to vector<16xf32>
        %parallel_loop3A_139 = arith.subf %parallel_loop3A_138, %parallel_loop3A_126 : vector<16xf32>
        %parallel_loop3A_140 = arith.mulf %parallel_loop3A_24, %parallel_loop3A_139 : vector<16xf32>
        %parallel_loop3A_141 = arith.constant 1.000000e+00 : f32
        %parallel_loop3A_142 = vector.broadcast %parallel_loop3A_141 : f32 to vector<16xf32>
        %parallel_loop3A_143 = arith.subf %parallel_loop3A_142, %parallel_loop3A_127 : vector<16xf32>
        %parallel_loop3A_144 = arith.mulf %parallel_loop3A_29, %parallel_loop3A_143 : vector<16xf32>
        %parallel_loop3A_145 = arith.constant 1.000000e+00 : f32
        %parallel_loop3A_146 = vector.broadcast %parallel_loop3A_145 : f32 to vector<16xf32>
        %parallel_loop3A_147 = arith.subf %parallel_loop3A_146, %parallel_loop3A_128 : vector<16xf32>
        %parallel_loop3A_148 = arith.mulf %parallel_loop3A_34, %parallel_loop3A_147 : vector<16xf32>
        %parallel_loop3A_149 = arith.constant 1.000000e+00 : f32
        %parallel_loop3A_150 = vector.broadcast %parallel_loop3A_149 : f32 to vector<16xf32>
        %parallel_loop3A_151 = arith.subf %parallel_loop3A_150, %parallel_loop3A_129 : vector<16xf32>
        %parallel_loop3A_152 = arith.mulf %parallel_loop3A_39, %parallel_loop3A_151 : vector<16xf32>
        %parallel_loop3A_153 = arith.constant 1.000000e+00 : f32
        %parallel_loop3A_154 = vector.broadcast %parallel_loop3A_153 : f32 to vector<16xf32>
        %parallel_loop3A_155 = arith.subf %parallel_loop3A_154, %parallel_loop3A_130 : vector<16xf32>
        %parallel_loop3A_156 = arith.mulf %parallel_loop3A_44, %parallel_loop3A_155 : vector<16xf32>
        %parallel_loop3A_157 = arith.constant 1.000000e+00 : f32
        %parallel_loop3A_158 = vector.broadcast %parallel_loop3A_157 : f32 to vector<16xf32>
        %parallel_loop3A_159 = arith.subf %parallel_loop3A_158, %parallel_loop3A_131 : vector<16xf32>
        %parallel_loop3A_160 = arith.mulf %parallel_loop3A_49, %parallel_loop3A_159 : vector<16xf32>
        %parallel_loop3A_161 = arith.constant 1.000000e+00 : f32
        %parallel_loop3A_162 = vector.broadcast %parallel_loop3A_161 : f32 to vector<16xf32>
        %parallel_loop3A_163 = arith.subf %parallel_loop3A_162, %parallel_loop3A_132 : vector<16xf32>
        %parallel_loop3A_164 = arith.mulf %parallel_loop3A_54, %parallel_loop3A_163 : vector<16xf32>
        %parallel_loop3A_165 = arith.addf %parallel_loop3A_136, %parallel_loop3A_140 : vector<16xf32>
        %parallel_loop3A_166 = arith.addf %parallel_loop3A_144, %parallel_loop3A_148 : vector<16xf32>
        %parallel_loop3A_167 = arith.addf %parallel_loop3A_165, %parallel_loop3A_166 : vector<16xf32>
        %parallel_loop3A_168 = tpu.iota {dimensions = array<i32: 0>} : vector<16xi32>
        %parallel_loop3A_169 = arith.constant 1 : i32
        %parallel_loop3A_170 = vector.broadcast %parallel_loop3A_169 : i32 to vector<16xi32>
        %parallel_loop3A_171 = arith.xori %parallel_loop3A_168, %parallel_loop3A_170 : vector<16xi32>
        %parallel_loop3A_172 = vector.shape_cast %parallel_loop3A_171 : vector<16xi32> to vector<16x1xi32>
        %parallel_loop3A_173 = vector.shape_cast %parallel_loop3A_172 : vector<16x1xi32> to vector<16xi32>
        %parallel_loop3A_174 = tpu.dynamic_gather %parallel_loop3A_167[%parallel_loop3A_173] in [0] : vector<16xf32>, vector<16xi32> -> vector<16xf32>
        %parallel_loop3A_175 = arith.addf %parallel_loop3A_167, %parallel_loop3A_174 : vector<16xf32>
        %parallel_loop3A_176 = arith.constant 2 : i32
        %parallel_loop3A_177 = vector.broadcast %parallel_loop3A_176 : i32 to vector<16xi32>
        %parallel_loop3A_178 = arith.xori %parallel_loop3A_168, %parallel_loop3A_177 : vector<16xi32>
        %parallel_loop3A_179 = vector.shape_cast %parallel_loop3A_178 : vector<16xi32> to vector<16x1xi32>
        %parallel_loop3A_180 = vector.shape_cast %parallel_loop3A_179 : vector<16x1xi32> to vector<16xi32>
        %parallel_loop3A_181 = tpu.dynamic_gather %parallel_loop3A_175[%parallel_loop3A_180] in [0] : vector<16xf32>, vector<16xi32> -> vector<16xf32>
        %parallel_loop3A_182 = arith.addf %parallel_loop3A_175, %parallel_loop3A_181 : vector<16xf32>
        %parallel_loop3A_183 = arith.constant 4 : i32
        %parallel_loop3A_184 = vector.broadcast %parallel_loop3A_183 : i32 to vector<16xi32>
        %parallel_loop3A_185 = arith.xori %parallel_loop3A_168, %parallel_loop3A_184 : vector<16xi32>
        %parallel_loop3A_186 = vector.shape_cast %parallel_loop3A_185 : vector<16xi32> to vector<16x1xi32>
        %parallel_loop3A_187 = vector.shape_cast %parallel_loop3A_186 : vector<16x1xi32> to vector<16xi32>
        %parallel_loop3A_188 = tpu.dynamic_gather %parallel_loop3A_182[%parallel_loop3A_187] in [0] : vector<16xf32>, vector<16xi32> -> vector<16xf32>
        %parallel_loop3A_189 = arith.addf %parallel_loop3A_182, %parallel_loop3A_188 : vector<16xf32>
        %parallel_loop3A_190 = arith.constant 8 : i32
        %parallel_loop3A_191 = vector.broadcast %parallel_loop3A_190 : i32 to vector<16xi32>
        %parallel_loop3A_192 = arith.xori %parallel_loop3A_168, %parallel_loop3A_191 : vector<16xi32>
        %parallel_loop3A_193 = vector.shape_cast %parallel_loop3A_192 : vector<16xi32> to vector<16x1xi32>
        %parallel_loop3A_194 = vector.shape_cast %parallel_loop3A_193 : vector<16x1xi32> to vector<16xi32>
        %parallel_loop3A_195 = tpu.dynamic_gather %parallel_loop3A_189[%parallel_loop3A_194] in [0] : vector<16xf32>, vector<16xi32> -> vector<16xf32>
        %parallel_loop3A_196 = arith.addf %parallel_loop3A_189, %parallel_loop3A_195 : vector<16xf32>
        %parallel_loop3A_197 = arith.constant 1.000000e+00 : f32
        %parallel_loop3A_198 = vector.broadcast %parallel_loop3A_197 : f32 to vector<16xf32>
        %parallel_loop3A_199 = arith.divf %parallel_loop3A_198, %parallel_loop3A_196 : vector<16xf32>
        %parallel_loop3A_200 = arith.addf %parallel_loop3A_152, %parallel_loop3A_156 : vector<16xf32>
        %parallel_loop3A_201 = arith.addf %parallel_loop3A_160, %parallel_loop3A_164 : vector<16xf32>
        %parallel_loop3A_202 = arith.addf %parallel_loop3A_200, %parallel_loop3A_201 : vector<16xf32>
        %parallel_loop3A_203 = tpu.iota {dimensions = array<i32: 0>} : vector<16xi32>
        %parallel_loop3A_204 = arith.constant 1 : i32
        %parallel_loop3A_205 = vector.broadcast %parallel_loop3A_204 : i32 to vector<16xi32>
        %parallel_loop3A_206 = arith.xori %parallel_loop3A_203, %parallel_loop3A_205 : vector<16xi32>
        %parallel_loop3A_207 = vector.shape_cast %parallel_loop3A_206 : vector<16xi32> to vector<16x1xi32>
        %parallel_loop3A_208 = vector.shape_cast %parallel_loop3A_207 : vector<16x1xi32> to vector<16xi32>
        %parallel_loop3A_209 = tpu.dynamic_gather %parallel_loop3A_202[%parallel_loop3A_208] in [0] : vector<16xf32>, vector<16xi32> -> vector<16xf32>
        %parallel_loop3A_210 = arith.addf %parallel_loop3A_202, %parallel_loop3A_209 : vector<16xf32>
        %parallel_loop3A_211 = arith.constant 2 : i32
        %parallel_loop3A_212 = vector.broadcast %parallel_loop3A_211 : i32 to vector<16xi32>
        %parallel_loop3A_213 = arith.xori %parallel_loop3A_203, %parallel_loop3A_212 : vector<16xi32>
        %parallel_loop3A_214 = vector.shape_cast %parallel_loop3A_213 : vector<16xi32> to vector<16x1xi32>
        %parallel_loop3A_215 = vector.shape_cast %parallel_loop3A_214 : vector<16x1xi32> to vector<16xi32>
        %parallel_loop3A_216 = tpu.dynamic_gather %parallel_loop3A_210[%parallel_loop3A_215] in [0] : vector<16xf32>, vector<16xi32> -> vector<16xf32>
        %parallel_loop3A_217 = arith.addf %parallel_loop3A_210, %parallel_loop3A_216 : vector<16xf32>
        %parallel_loop3A_218 = arith.constant 4 : i32
        %parallel_loop3A_219 = vector.broadcast %parallel_loop3A_218 : i32 to vector<16xi32>
        %parallel_loop3A_220 = arith.xori %parallel_loop3A_203, %parallel_loop3A_219 : vector<16xi32>
        %parallel_loop3A_221 = vector.shape_cast %parallel_loop3A_220 : vector<16xi32> to vector<16x1xi32>
        %parallel_loop3A_222 = vector.shape_cast %parallel_loop3A_221 : vector<16x1xi32> to vector<16xi32>
        %parallel_loop3A_223 = tpu.dynamic_gather %parallel_loop3A_217[%parallel_loop3A_222] in [0] : vector<16xf32>, vector<16xi32> -> vector<16xf32>
        %parallel_loop3A_224 = arith.addf %parallel_loop3A_217, %parallel_loop3A_223 : vector<16xf32>
        %parallel_loop3A_225 = arith.constant 8 : i32
        %parallel_loop3A_226 = vector.broadcast %parallel_loop3A_225 : i32 to vector<16xi32>
        %parallel_loop3A_227 = arith.xori %parallel_loop3A_203, %parallel_loop3A_226 : vector<16xi32>
        %parallel_loop3A_228 = vector.shape_cast %parallel_loop3A_227 : vector<16xi32> to vector<16x1xi32>
        %parallel_loop3A_229 = vector.shape_cast %parallel_loop3A_228 : vector<16x1xi32> to vector<16xi32>
        %parallel_loop3A_230 = tpu.dynamic_gather %parallel_loop3A_224[%parallel_loop3A_229] in [0] : vector<16xf32>, vector<16xi32> -> vector<16xf32>
        %parallel_loop3A_231 = arith.addf %parallel_loop3A_224, %parallel_loop3A_230 : vector<16xf32>
        %parallel_loop3A_232 = arith.constant 1.000000e+00 : f32
        %parallel_loop3A_233 = vector.broadcast %parallel_loop3A_232 : f32 to vector<16xf32>
        %parallel_loop3A_234 = arith.divf %parallel_loop3A_233, %parallel_loop3A_231 : vector<16xf32>
        %parallel_loop3A_235 = arith.mulf %parallel_loop3A_136, %parallel_loop3A_199 : vector<16xf32>
        %parallel_loop3A_236 = arith.mulf %parallel_loop3A_140, %parallel_loop3A_199 : vector<16xf32>
        %parallel_loop3A_237 = arith.mulf %parallel_loop3A_144, %parallel_loop3A_199 : vector<16xf32>
        %parallel_loop3A_238 = arith.mulf %parallel_loop3A_148, %parallel_loop3A_199 : vector<16xf32>
        %parallel_loop3A_239 = arith.mulf %parallel_loop3A_152, %parallel_loop3A_234 : vector<16xf32>
        %parallel_loop3A_240 = arith.mulf %parallel_loop3A_156, %parallel_loop3A_234 : vector<16xf32>
        %parallel_loop3A_241 = arith.mulf %parallel_loop3A_160, %parallel_loop3A_234 : vector<16xf32>
        %parallel_loop3A_242 = arith.mulf %parallel_loop3A_164, %parallel_loop3A_234 : vector<16xf32>
        %parallel_loop3A_243 = arith.addf %parallel_loop3A_125, %parallel_loop3A_235 : vector<16xf32>
        %parallel_loop3A_244 = arith.addf %parallel_loop3A_126, %parallel_loop3A_236 : vector<16xf32>
        %parallel_loop3A_245 = arith.addf %parallel_loop3A_127, %parallel_loop3A_237 : vector<16xf32>
        %parallel_loop3A_246 = arith.addf %parallel_loop3A_128, %parallel_loop3A_238 : vector<16xf32>
        %parallel_loop3A_247 = arith.addf %parallel_loop3A_129, %parallel_loop3A_239 : vector<16xf32>
        %parallel_loop3A_248 = arith.addf %parallel_loop3A_130, %parallel_loop3A_240 : vector<16xf32>
        %parallel_loop3A_249 = arith.addf %parallel_loop3A_131, %parallel_loop3A_241 : vector<16xf32>
        %parallel_loop3A_250 = arith.addf %parallel_loop3A_132, %parallel_loop3A_242 : vector<16xf32>
        %parallel_loop3A_251 = arith.constant 1.000000e+00 : f32
        %parallel_loop3A_252 = vector.broadcast %parallel_loop3A_251 : f32 to vector<16xf32>
        %parallel_loop3A_253 = arith.subf %parallel_loop3A_252, %parallel_loop3A_235 : vector<16xf32>
        %parallel_loop3A_254 = arith.mulf %parallel_loop3A_136, %parallel_loop3A_253 : vector<16xf32>
        %parallel_loop3A_255 = arith.constant 1.000000e+00 : f32
        %parallel_loop3A_256 = vector.broadcast %parallel_loop3A_255 : f32 to vector<16xf32>
        %parallel_loop3A_257 = arith.subf %parallel_loop3A_256, %parallel_loop3A_236 : vector<16xf32>
        %parallel_loop3A_258 = arith.mulf %parallel_loop3A_140, %parallel_loop3A_257 : vector<16xf32>
        %parallel_loop3A_259 = arith.constant 1.000000e+00 : f32
        %parallel_loop3A_260 = vector.broadcast %parallel_loop3A_259 : f32 to vector<16xf32>
        %parallel_loop3A_261 = arith.subf %parallel_loop3A_260, %parallel_loop3A_237 : vector<16xf32>
        %parallel_loop3A_262 = arith.mulf %parallel_loop3A_144, %parallel_loop3A_261 : vector<16xf32>
        %parallel_loop3A_263 = arith.constant 1.000000e+00 : f32
        %parallel_loop3A_264 = vector.broadcast %parallel_loop3A_263 : f32 to vector<16xf32>
        %parallel_loop3A_265 = arith.subf %parallel_loop3A_264, %parallel_loop3A_238 : vector<16xf32>
        %parallel_loop3A_266 = arith.mulf %parallel_loop3A_148, %parallel_loop3A_265 : vector<16xf32>
        %parallel_loop3A_267 = arith.constant 1.000000e+00 : f32
        %parallel_loop3A_268 = vector.broadcast %parallel_loop3A_267 : f32 to vector<16xf32>
        %parallel_loop3A_269 = arith.subf %parallel_loop3A_268, %parallel_loop3A_239 : vector<16xf32>
        %parallel_loop3A_270 = arith.mulf %parallel_loop3A_152, %parallel_loop3A_269 : vector<16xf32>
        %parallel_loop3A_271 = arith.constant 1.000000e+00 : f32
        %parallel_loop3A_272 = vector.broadcast %parallel_loop3A_271 : f32 to vector<16xf32>
        %parallel_loop3A_273 = arith.subf %parallel_loop3A_272, %parallel_loop3A_240 : vector<16xf32>
        %parallel_loop3A_274 = arith.mulf %parallel_loop3A_156, %parallel_loop3A_273 : vector<16xf32>
        %parallel_loop3A_275 = arith.constant 1.000000e+00 : f32
        %parallel_loop3A_276 = vector.broadcast %parallel_loop3A_275 : f32 to vector<16xf32>
        %parallel_loop3A_277 = arith.subf %parallel_loop3A_276, %parallel_loop3A_241 : vector<16xf32>
        %parallel_loop3A_278 = arith.mulf %parallel_loop3A_160, %parallel_loop3A_277 : vector<16xf32>
        %parallel_loop3A_279 = arith.constant 1.000000e+00 : f32
        %parallel_loop3A_280 = vector.broadcast %parallel_loop3A_279 : f32 to vector<16xf32>
        %parallel_loop3A_281 = arith.subf %parallel_loop3A_280, %parallel_loop3A_242 : vector<16xf32>
        %parallel_loop3A_282 = arith.mulf %parallel_loop3A_164, %parallel_loop3A_281 : vector<16xf32>
        %parallel_loop3A_283 = arith.addf %parallel_loop3A_254, %parallel_loop3A_258 : vector<16xf32>
        %parallel_loop3A_284 = arith.addf %parallel_loop3A_262, %parallel_loop3A_266 : vector<16xf32>
        %parallel_loop3A_285 = arith.addf %parallel_loop3A_283, %parallel_loop3A_284 : vector<16xf32>
        %parallel_loop3A_286 = tpu.iota {dimensions = array<i32: 0>} : vector<16xi32>
        %parallel_loop3A_287 = arith.constant 1 : i32
        %parallel_loop3A_288 = vector.broadcast %parallel_loop3A_287 : i32 to vector<16xi32>
        %parallel_loop3A_289 = arith.xori %parallel_loop3A_286, %parallel_loop3A_288 : vector<16xi32>
        %parallel_loop3A_290 = vector.shape_cast %parallel_loop3A_289 : vector<16xi32> to vector<16x1xi32>
        %parallel_loop3A_291 = vector.shape_cast %parallel_loop3A_290 : vector<16x1xi32> to vector<16xi32>
        %parallel_loop3A_292 = tpu.dynamic_gather %parallel_loop3A_285[%parallel_loop3A_291] in [0] : vector<16xf32>, vector<16xi32> -> vector<16xf32>
        %parallel_loop3A_293 = arith.addf %parallel_loop3A_285, %parallel_loop3A_292 : vector<16xf32>
        %parallel_loop3A_294 = arith.constant 2 : i32
        %parallel_loop3A_295 = vector.broadcast %parallel_loop3A_294 : i32 to vector<16xi32>
        %parallel_loop3A_296 = arith.xori %parallel_loop3A_286, %parallel_loop3A_295 : vector<16xi32>
        %parallel_loop3A_297 = vector.shape_cast %parallel_loop3A_296 : vector<16xi32> to vector<16x1xi32>
        %parallel_loop3A_298 = vector.shape_cast %parallel_loop3A_297 : vector<16x1xi32> to vector<16xi32>
        %parallel_loop3A_299 = tpu.dynamic_gather %parallel_loop3A_293[%parallel_loop3A_298] in [0] : vector<16xf32>, vector<16xi32> -> vector<16xf32>
        %parallel_loop3A_300 = arith.addf %parallel_loop3A_293, %parallel_loop3A_299 : vector<16xf32>
        %parallel_loop3A_301 = arith.constant 4 : i32
        %parallel_loop3A_302 = vector.broadcast %parallel_loop3A_301 : i32 to vector<16xi32>
        %parallel_loop3A_303 = arith.xori %parallel_loop3A_286, %parallel_loop3A_302 : vector<16xi32>
        %parallel_loop3A_304 = vector.shape_cast %parallel_loop3A_303 : vector<16xi32> to vector<16x1xi32>
        %parallel_loop3A_305 = vector.shape_cast %parallel_loop3A_304 : vector<16x1xi32> to vector<16xi32>
        %parallel_loop3A_306 = tpu.dynamic_gather %parallel_loop3A_300[%parallel_loop3A_305] in [0] : vector<16xf32>, vector<16xi32> -> vector<16xf32>
        %parallel_loop3A_307 = arith.addf %parallel_loop3A_300, %parallel_loop3A_306 : vector<16xf32>
        %parallel_loop3A_308 = arith.constant 8 : i32
        %parallel_loop3A_309 = vector.broadcast %parallel_loop3A_308 : i32 to vector<16xi32>
        %parallel_loop3A_310 = arith.xori %parallel_loop3A_286, %parallel_loop3A_309 : vector<16xi32>
        %parallel_loop3A_311 = vector.shape_cast %parallel_loop3A_310 : vector<16xi32> to vector<16x1xi32>
        %parallel_loop3A_312 = vector.shape_cast %parallel_loop3A_311 : vector<16x1xi32> to vector<16xi32>
        %parallel_loop3A_313 = tpu.dynamic_gather %parallel_loop3A_307[%parallel_loop3A_312] in [0] : vector<16xf32>, vector<16xi32> -> vector<16xf32>
        %parallel_loop3A_314 = arith.addf %parallel_loop3A_307, %parallel_loop3A_313 : vector<16xf32>
        %parallel_loop3A_315 = arith.constant 1.000000e+00 : f32
        %parallel_loop3A_316 = vector.broadcast %parallel_loop3A_315 : f32 to vector<16xf32>
        %parallel_loop3A_317 = arith.divf %parallel_loop3A_316, %parallel_loop3A_314 : vector<16xf32>
        %parallel_loop3A_318 = arith.addf %parallel_loop3A_270, %parallel_loop3A_274 : vector<16xf32>
        %parallel_loop3A_319 = arith.addf %parallel_loop3A_278, %parallel_loop3A_282 : vector<16xf32>
        %parallel_loop3A_320 = arith.addf %parallel_loop3A_318, %parallel_loop3A_319 : vector<16xf32>
        %parallel_loop3A_321 = tpu.iota {dimensions = array<i32: 0>} : vector<16xi32>
        %parallel_loop3A_322 = arith.constant 1 : i32
        %parallel_loop3A_323 = vector.broadcast %parallel_loop3A_322 : i32 to vector<16xi32>
        %parallel_loop3A_324 = arith.xori %parallel_loop3A_321, %parallel_loop3A_323 : vector<16xi32>
        %parallel_loop3A_325 = vector.shape_cast %parallel_loop3A_324 : vector<16xi32> to vector<16x1xi32>
        %parallel_loop3A_326 = vector.shape_cast %parallel_loop3A_325 : vector<16x1xi32> to vector<16xi32>
        %parallel_loop3A_327 = tpu.dynamic_gather %parallel_loop3A_320[%parallel_loop3A_326] in [0] : vector<16xf32>, vector<16xi32> -> vector<16xf32>
        %parallel_loop3A_328 = arith.addf %parallel_loop3A_320, %parallel_loop3A_327 : vector<16xf32>
        %parallel_loop3A_329 = arith.constant 2 : i32
        %parallel_loop3A_330 = vector.broadcast %parallel_loop3A_329 : i32 to vector<16xi32>
        %parallel_loop3A_331 = arith.xori %parallel_loop3A_321, %parallel_loop3A_330 : vector<16xi32>
        %parallel_loop3A_332 = vector.shape_cast %parallel_loop3A_331 : vector<16xi32> to vector<16x1xi32>
        %parallel_loop3A_333 = vector.shape_cast %parallel_loop3A_332 : vector<16x1xi32> to vector<16xi32>
        %parallel_loop3A_334 = tpu.dynamic_gather %parallel_loop3A_328[%parallel_loop3A_333] in [0] : vector<16xf32>, vector<16xi32> -> vector<16xf32>
        %parallel_loop3A_335 = arith.addf %parallel_loop3A_328, %parallel_loop3A_334 : vector<16xf32>
        %parallel_loop3A_336 = arith.constant 4 : i32
        %parallel_loop3A_337 = vector.broadcast %parallel_loop3A_336 : i32 to vector<16xi32>
        %parallel_loop3A_338 = arith.xori %parallel_loop3A_321, %parallel_loop3A_337 : vector<16xi32>
        %parallel_loop3A_339 = vector.shape_cast %parallel_loop3A_338 : vector<16xi32> to vector<16x1xi32>
        %parallel_loop3A_340 = vector.shape_cast %parallel_loop3A_339 : vector<16x1xi32> to vector<16xi32>
        %parallel_loop3A_341 = tpu.dynamic_gather %parallel_loop3A_335[%parallel_loop3A_340] in [0] : vector<16xf32>, vector<16xi32> -> vector<16xf32>
        %parallel_loop3A_342 = arith.addf %parallel_loop3A_335, %parallel_loop3A_341 : vector<16xf32>
        %parallel_loop3A_343 = arith.constant 8 : i32
        %parallel_loop3A_344 = vector.broadcast %parallel_loop3A_343 : i32 to vector<16xi32>
        %parallel_loop3A_345 = arith.xori %parallel_loop3A_321, %parallel_loop3A_344 : vector<16xi32>
        %parallel_loop3A_346 = vector.shape_cast %parallel_loop3A_345 : vector<16xi32> to vector<16x1xi32>
        %parallel_loop3A_347 = vector.shape_cast %parallel_loop3A_346 : vector<16x1xi32> to vector<16xi32>
        %parallel_loop3A_348 = tpu.dynamic_gather %parallel_loop3A_342[%parallel_loop3A_347] in [0] : vector<16xf32>, vector<16xi32> -> vector<16xf32>
        %parallel_loop3A_349 = arith.addf %parallel_loop3A_342, %parallel_loop3A_348 : vector<16xf32>
        %parallel_loop3A_350 = arith.constant 1.000000e+00 : f32
        %parallel_loop3A_351 = vector.broadcast %parallel_loop3A_350 : f32 to vector<16xf32>
        %parallel_loop3A_352 = arith.divf %parallel_loop3A_351, %parallel_loop3A_349 : vector<16xf32>
        %parallel_loop3A_353 = arith.mulf %parallel_loop3A_254, %parallel_loop3A_317 : vector<16xf32>
        %parallel_loop3A_354 = arith.mulf %parallel_loop3A_258, %parallel_loop3A_317 : vector<16xf32>
        %parallel_loop3A_355 = arith.mulf %parallel_loop3A_262, %parallel_loop3A_317 : vector<16xf32>
        %parallel_loop3A_356 = arith.mulf %parallel_loop3A_266, %parallel_loop3A_317 : vector<16xf32>
        %parallel_loop3A_357 = arith.mulf %parallel_loop3A_270, %parallel_loop3A_352 : vector<16xf32>
        %parallel_loop3A_358 = arith.mulf %parallel_loop3A_274, %parallel_loop3A_352 : vector<16xf32>
        %parallel_loop3A_359 = arith.mulf %parallel_loop3A_278, %parallel_loop3A_352 : vector<16xf32>
        %parallel_loop3A_360 = arith.mulf %parallel_loop3A_282, %parallel_loop3A_352 : vector<16xf32>
        %parallel_loop3A_361 = arith.addf %parallel_loop3A_243, %parallel_loop3A_353 : vector<16xf32>
        %parallel_loop3A_362 = arith.addf %parallel_loop3A_244, %parallel_loop3A_354 : vector<16xf32>
        %parallel_loop3A_363 = arith.addf %parallel_loop3A_245, %parallel_loop3A_355 : vector<16xf32>
        %parallel_loop3A_364 = arith.addf %parallel_loop3A_246, %parallel_loop3A_356 : vector<16xf32>
        %parallel_loop3A_365 = arith.addf %parallel_loop3A_247, %parallel_loop3A_357 : vector<16xf32>
        %parallel_loop3A_366 = arith.addf %parallel_loop3A_248, %parallel_loop3A_358 : vector<16xf32>
        %parallel_loop3A_367 = arith.addf %parallel_loop3A_249, %parallel_loop3A_359 : vector<16xf32>
        %parallel_loop3A_368 = arith.addf %parallel_loop3A_250, %parallel_loop3A_360 : vector<16xf32>
        %parallel_loop3A_369 = arith.constant 1.000000e+00 : f32
        %parallel_loop3A_370 = vector.broadcast %parallel_loop3A_369 : f32 to vector<16xf32>
        %parallel_loop3A_371 = arith.subf %parallel_loop3A_370, %parallel_loop3A_353 : vector<16xf32>
        %parallel_loop3A_372 = arith.mulf %parallel_loop3A_254, %parallel_loop3A_371 : vector<16xf32>
        %parallel_loop3A_373 = arith.constant 1.000000e+00 : f32
        %parallel_loop3A_374 = vector.broadcast %parallel_loop3A_373 : f32 to vector<16xf32>
        %parallel_loop3A_375 = arith.subf %parallel_loop3A_374, %parallel_loop3A_354 : vector<16xf32>
        %parallel_loop3A_376 = arith.mulf %parallel_loop3A_258, %parallel_loop3A_375 : vector<16xf32>
        %parallel_loop3A_377 = arith.constant 1.000000e+00 : f32
        %parallel_loop3A_378 = vector.broadcast %parallel_loop3A_377 : f32 to vector<16xf32>
        %parallel_loop3A_379 = arith.subf %parallel_loop3A_378, %parallel_loop3A_355 : vector<16xf32>
        %parallel_loop3A_380 = arith.mulf %parallel_loop3A_262, %parallel_loop3A_379 : vector<16xf32>
        %parallel_loop3A_381 = arith.constant 1.000000e+00 : f32
        %parallel_loop3A_382 = vector.broadcast %parallel_loop3A_381 : f32 to vector<16xf32>
        %parallel_loop3A_383 = arith.subf %parallel_loop3A_382, %parallel_loop3A_356 : vector<16xf32>
        %parallel_loop3A_384 = arith.mulf %parallel_loop3A_266, %parallel_loop3A_383 : vector<16xf32>
        %parallel_loop3A_385 = arith.constant 1.000000e+00 : f32
        %parallel_loop3A_386 = vector.broadcast %parallel_loop3A_385 : f32 to vector<16xf32>
        %parallel_loop3A_387 = arith.subf %parallel_loop3A_386, %parallel_loop3A_357 : vector<16xf32>
        %parallel_loop3A_388 = arith.mulf %parallel_loop3A_270, %parallel_loop3A_387 : vector<16xf32>
        %parallel_loop3A_389 = arith.constant 1.000000e+00 : f32
        %parallel_loop3A_390 = vector.broadcast %parallel_loop3A_389 : f32 to vector<16xf32>
        %parallel_loop3A_391 = arith.subf %parallel_loop3A_390, %parallel_loop3A_358 : vector<16xf32>
        %parallel_loop3A_392 = arith.mulf %parallel_loop3A_274, %parallel_loop3A_391 : vector<16xf32>
        %parallel_loop3A_393 = arith.constant 1.000000e+00 : f32
        %parallel_loop3A_394 = vector.broadcast %parallel_loop3A_393 : f32 to vector<16xf32>
        %parallel_loop3A_395 = arith.subf %parallel_loop3A_394, %parallel_loop3A_359 : vector<16xf32>
        %parallel_loop3A_396 = arith.mulf %parallel_loop3A_278, %parallel_loop3A_395 : vector<16xf32>
        %parallel_loop3A_397 = arith.constant 1.000000e+00 : f32
        %parallel_loop3A_398 = vector.broadcast %parallel_loop3A_397 : f32 to vector<16xf32>
        %parallel_loop3A_399 = arith.subf %parallel_loop3A_398, %parallel_loop3A_360 : vector<16xf32>
        %parallel_loop3A_400 = arith.mulf %parallel_loop3A_282, %parallel_loop3A_399 : vector<16xf32>
        %parallel_loop3A_401 = arith.addf %parallel_loop3A_372, %parallel_loop3A_376 : vector<16xf32>
        %parallel_loop3A_402 = arith.addf %parallel_loop3A_380, %parallel_loop3A_384 : vector<16xf32>
        %parallel_loop3A_403 = arith.addf %parallel_loop3A_401, %parallel_loop3A_402 : vector<16xf32>
        %parallel_loop3A_404 = tpu.iota {dimensions = array<i32: 0>} : vector<16xi32>
        %parallel_loop3A_405 = arith.constant 1 : i32
        %parallel_loop3A_406 = vector.broadcast %parallel_loop3A_405 : i32 to vector<16xi32>
        %parallel_loop3A_407 = arith.xori %parallel_loop3A_404, %parallel_loop3A_406 : vector<16xi32>
        %parallel_loop3A_408 = vector.shape_cast %parallel_loop3A_407 : vector<16xi32> to vector<16x1xi32>
        %parallel_loop3A_409 = vector.shape_cast %parallel_loop3A_408 : vector<16x1xi32> to vector<16xi32>
        %parallel_loop3A_410 = tpu.dynamic_gather %parallel_loop3A_403[%parallel_loop3A_409] in [0] : vector<16xf32>, vector<16xi32> -> vector<16xf32>
        %parallel_loop3A_411 = arith.addf %parallel_loop3A_403, %parallel_loop3A_410 : vector<16xf32>
        %parallel_loop3A_412 = arith.constant 2 : i32
        %parallel_loop3A_413 = vector.broadcast %parallel_loop3A_412 : i32 to vector<16xi32>
        %parallel_loop3A_414 = arith.xori %parallel_loop3A_404, %parallel_loop3A_413 : vector<16xi32>
        %parallel_loop3A_415 = vector.shape_cast %parallel_loop3A_414 : vector<16xi32> to vector<16x1xi32>
        %parallel_loop3A_416 = vector.shape_cast %parallel_loop3A_415 : vector<16x1xi32> to vector<16xi32>
        %parallel_loop3A_417 = tpu.dynamic_gather %parallel_loop3A_411[%parallel_loop3A_416] in [0] : vector<16xf32>, vector<16xi32> -> vector<16xf32>
        %parallel_loop3A_418 = arith.addf %parallel_loop3A_411, %parallel_loop3A_417 : vector<16xf32>
        %parallel_loop3A_419 = arith.constant 4 : i32
        %parallel_loop3A_420 = vector.broadcast %parallel_loop3A_419 : i32 to vector<16xi32>
        %parallel_loop3A_421 = arith.xori %parallel_loop3A_404, %parallel_loop3A_420 : vector<16xi32>
        %parallel_loop3A_422 = vector.shape_cast %parallel_loop3A_421 : vector<16xi32> to vector<16x1xi32>
        %parallel_loop3A_423 = vector.shape_cast %parallel_loop3A_422 : vector<16x1xi32> to vector<16xi32>
        %parallel_loop3A_424 = tpu.dynamic_gather %parallel_loop3A_418[%parallel_loop3A_423] in [0] : vector<16xf32>, vector<16xi32> -> vector<16xf32>
        %parallel_loop3A_425 = arith.addf %parallel_loop3A_418, %parallel_loop3A_424 : vector<16xf32>
        %parallel_loop3A_426 = arith.constant 8 : i32
        %parallel_loop3A_427 = vector.broadcast %parallel_loop3A_426 : i32 to vector<16xi32>
        %parallel_loop3A_428 = arith.xori %parallel_loop3A_404, %parallel_loop3A_427 : vector<16xi32>
        %parallel_loop3A_429 = vector.shape_cast %parallel_loop3A_428 : vector<16xi32> to vector<16x1xi32>
        %parallel_loop3A_430 = vector.shape_cast %parallel_loop3A_429 : vector<16x1xi32> to vector<16xi32>
        %parallel_loop3A_431 = tpu.dynamic_gather %parallel_loop3A_425[%parallel_loop3A_430] in [0] : vector<16xf32>, vector<16xi32> -> vector<16xf32>
        %parallel_loop3A_432 = arith.addf %parallel_loop3A_425, %parallel_loop3A_431 : vector<16xf32>
        %parallel_loop3A_433 = arith.constant 1.000000e+00 : f32
        %parallel_loop3A_434 = vector.broadcast %parallel_loop3A_433 : f32 to vector<16xf32>
        %parallel_loop3A_435 = arith.divf %parallel_loop3A_434, %parallel_loop3A_432 : vector<16xf32>
        %parallel_loop3A_436 = arith.addf %parallel_loop3A_388, %parallel_loop3A_392 : vector<16xf32>
        %parallel_loop3A_437 = arith.addf %parallel_loop3A_396, %parallel_loop3A_400 : vector<16xf32>
        %parallel_loop3A_438 = arith.addf %parallel_loop3A_436, %parallel_loop3A_437 : vector<16xf32>
        %parallel_loop3A_439 = tpu.iota {dimensions = array<i32: 0>} : vector<16xi32>
        %parallel_loop3A_440 = arith.constant 1 : i32
        %parallel_loop3A_441 = vector.broadcast %parallel_loop3A_440 : i32 to vector<16xi32>
        %parallel_loop3A_442 = arith.xori %parallel_loop3A_439, %parallel_loop3A_441 : vector<16xi32>
        %parallel_loop3A_443 = vector.shape_cast %parallel_loop3A_442 : vector<16xi32> to vector<16x1xi32>
        %parallel_loop3A_444 = vector.shape_cast %parallel_loop3A_443 : vector<16x1xi32> to vector<16xi32>
        %parallel_loop3A_445 = tpu.dynamic_gather %parallel_loop3A_438[%parallel_loop3A_444] in [0] : vector<16xf32>, vector<16xi32> -> vector<16xf32>
        %parallel_loop3A_446 = arith.addf %parallel_loop3A_438, %parallel_loop3A_445 : vector<16xf32>
        %parallel_loop3A_447 = arith.constant 2 : i32
        %parallel_loop3A_448 = vector.broadcast %parallel_loop3A_447 : i32 to vector<16xi32>
        %parallel_loop3A_449 = arith.xori %parallel_loop3A_439, %parallel_loop3A_448 : vector<16xi32>
        %parallel_loop3A_450 = vector.shape_cast %parallel_loop3A_449 : vector<16xi32> to vector<16x1xi32>
        %parallel_loop3A_451 = vector.shape_cast %parallel_loop3A_450 : vector<16x1xi32> to vector<16xi32>
        %parallel_loop3A_452 = tpu.dynamic_gather %parallel_loop3A_446[%parallel_loop3A_451] in [0] : vector<16xf32>, vector<16xi32> -> vector<16xf32>
        %parallel_loop3A_453 = arith.addf %parallel_loop3A_446, %parallel_loop3A_452 : vector<16xf32>
        %parallel_loop3A_454 = arith.constant 4 : i32
        %parallel_loop3A_455 = vector.broadcast %parallel_loop3A_454 : i32 to vector<16xi32>
        %parallel_loop3A_456 = arith.xori %parallel_loop3A_439, %parallel_loop3A_455 : vector<16xi32>
        %parallel_loop3A_457 = vector.shape_cast %parallel_loop3A_456 : vector<16xi32> to vector<16x1xi32>
        %parallel_loop3A_458 = vector.shape_cast %parallel_loop3A_457 : vector<16x1xi32> to vector<16xi32>
        %parallel_loop3A_459 = tpu.dynamic_gather %parallel_loop3A_453[%parallel_loop3A_458] in [0] : vector<16xf32>, vector<16xi32> -> vector<16xf32>
        %parallel_loop3A_460 = arith.addf %parallel_loop3A_453, %parallel_loop3A_459 : vector<16xf32>
        %parallel_loop3A_461 = arith.constant 8 : i32
        %parallel_loop3A_462 = vector.broadcast %parallel_loop3A_461 : i32 to vector<16xi32>
        %parallel_loop3A_463 = arith.xori %parallel_loop3A_439, %parallel_loop3A_462 : vector<16xi32>
        %parallel_loop3A_464 = vector.shape_cast %parallel_loop3A_463 : vector<16xi32> to vector<16x1xi32>
        %parallel_loop3A_465 = vector.shape_cast %parallel_loop3A_464 : vector<16x1xi32> to vector<16xi32>
        %parallel_loop3A_466 = tpu.dynamic_gather %parallel_loop3A_460[%parallel_loop3A_465] in [0] : vector<16xf32>, vector<16xi32> -> vector<16xf32>
        %parallel_loop3A_467 = arith.addf %parallel_loop3A_460, %parallel_loop3A_466 : vector<16xf32>
        %parallel_loop3A_468 = arith.constant 1.000000e+00 : f32
        %parallel_loop3A_469 = vector.broadcast %parallel_loop3A_468 : f32 to vector<16xf32>
        %parallel_loop3A_470 = arith.divf %parallel_loop3A_469, %parallel_loop3A_467 : vector<16xf32>
        %parallel_loop3A_471 = arith.mulf %parallel_loop3A_372, %parallel_loop3A_435 : vector<16xf32>
        %parallel_loop3A_472 = arith.mulf %parallel_loop3A_376, %parallel_loop3A_435 : vector<16xf32>
        %parallel_loop3A_473 = arith.mulf %parallel_loop3A_380, %parallel_loop3A_435 : vector<16xf32>
        %parallel_loop3A_474 = arith.mulf %parallel_loop3A_384, %parallel_loop3A_435 : vector<16xf32>
        %parallel_loop3A_475 = arith.mulf %parallel_loop3A_388, %parallel_loop3A_470 : vector<16xf32>
        %parallel_loop3A_476 = arith.mulf %parallel_loop3A_392, %parallel_loop3A_470 : vector<16xf32>
        %parallel_loop3A_477 = arith.mulf %parallel_loop3A_396, %parallel_loop3A_470 : vector<16xf32>
        %parallel_loop3A_478 = arith.mulf %parallel_loop3A_400, %parallel_loop3A_470 : vector<16xf32>
        %parallel_loop3A_479 = arith.addf %parallel_loop3A_361, %parallel_loop3A_471 : vector<16xf32>
        %parallel_loop3A_480 = arith.addf %parallel_loop3A_362, %parallel_loop3A_472 : vector<16xf32>
        %parallel_loop3A_481 = arith.addf %parallel_loop3A_363, %parallel_loop3A_473 : vector<16xf32>
        %parallel_loop3A_482 = arith.addf %parallel_loop3A_364, %parallel_loop3A_474 : vector<16xf32>
        %parallel_loop3A_483 = arith.addf %parallel_loop3A_365, %parallel_loop3A_475 : vector<16xf32>
        %parallel_loop3A_484 = arith.addf %parallel_loop3A_366, %parallel_loop3A_476 : vector<16xf32>
        %parallel_loop3A_485 = arith.addf %parallel_loop3A_367, %parallel_loop3A_477 : vector<16xf32>
        %parallel_loop3A_486 = arith.addf %parallel_loop3A_368, %parallel_loop3A_478 : vector<16xf32>
        %parallel_loop3A_487 = arith.constant 1.000000e+00 : f32
        %parallel_loop3A_488 = vector.broadcast %parallel_loop3A_487 : f32 to vector<16xf32>
        %parallel_loop3A_489 = arith.subf %parallel_loop3A_488, %parallel_loop3A_471 : vector<16xf32>
        %parallel_loop3A_490 = arith.mulf %parallel_loop3A_372, %parallel_loop3A_489 : vector<16xf32>
        %parallel_loop3A_491 = arith.constant 1.000000e+00 : f32
        %parallel_loop3A_492 = vector.broadcast %parallel_loop3A_491 : f32 to vector<16xf32>
        %parallel_loop3A_493 = arith.subf %parallel_loop3A_492, %parallel_loop3A_472 : vector<16xf32>
        %parallel_loop3A_494 = arith.mulf %parallel_loop3A_376, %parallel_loop3A_493 : vector<16xf32>
        %parallel_loop3A_495 = arith.constant 1.000000e+00 : f32
        %parallel_loop3A_496 = vector.broadcast %parallel_loop3A_495 : f32 to vector<16xf32>
        %parallel_loop3A_497 = arith.subf %parallel_loop3A_496, %parallel_loop3A_473 : vector<16xf32>
        %parallel_loop3A_498 = arith.mulf %parallel_loop3A_380, %parallel_loop3A_497 : vector<16xf32>
        %parallel_loop3A_499 = arith.constant 1.000000e+00 : f32
        %parallel_loop3A_500 = vector.broadcast %parallel_loop3A_499 : f32 to vector<16xf32>
        %parallel_loop3A_501 = arith.subf %parallel_loop3A_500, %parallel_loop3A_474 : vector<16xf32>
        %parallel_loop3A_502 = arith.mulf %parallel_loop3A_384, %parallel_loop3A_501 : vector<16xf32>
        %parallel_loop3A_503 = arith.constant 1.000000e+00 : f32
        %parallel_loop3A_504 = vector.broadcast %parallel_loop3A_503 : f32 to vector<16xf32>
        %parallel_loop3A_505 = arith.subf %parallel_loop3A_504, %parallel_loop3A_475 : vector<16xf32>
        %parallel_loop3A_506 = arith.mulf %parallel_loop3A_388, %parallel_loop3A_505 : vector<16xf32>
        %parallel_loop3A_507 = arith.constant 1.000000e+00 : f32
        %parallel_loop3A_508 = vector.broadcast %parallel_loop3A_507 : f32 to vector<16xf32>
        %parallel_loop3A_509 = arith.subf %parallel_loop3A_508, %parallel_loop3A_476 : vector<16xf32>
        %parallel_loop3A_510 = arith.mulf %parallel_loop3A_392, %parallel_loop3A_509 : vector<16xf32>
        %parallel_loop3A_511 = arith.constant 1.000000e+00 : f32
        %parallel_loop3A_512 = vector.broadcast %parallel_loop3A_511 : f32 to vector<16xf32>
        %parallel_loop3A_513 = arith.subf %parallel_loop3A_512, %parallel_loop3A_477 : vector<16xf32>
        %parallel_loop3A_514 = arith.mulf %parallel_loop3A_396, %parallel_loop3A_513 : vector<16xf32>
        %parallel_loop3A_515 = arith.constant 1.000000e+00 : f32
        %parallel_loop3A_516 = vector.broadcast %parallel_loop3A_515 : f32 to vector<16xf32>
        %parallel_loop3A_517 = arith.subf %parallel_loop3A_516, %parallel_loop3A_478 : vector<16xf32>
        %parallel_loop3A_518 = arith.mulf %parallel_loop3A_400, %parallel_loop3A_517 : vector<16xf32>
        %parallel_loop3A_519 = arith.addf %parallel_loop3A_490, %parallel_loop3A_494 : vector<16xf32>
        %parallel_loop3A_520 = arith.addf %parallel_loop3A_498, %parallel_loop3A_502 : vector<16xf32>
        %parallel_loop3A_521 = arith.addf %parallel_loop3A_519, %parallel_loop3A_520 : vector<16xf32>
        %parallel_loop3A_522 = tpu.iota {dimensions = array<i32: 0>} : vector<16xi32>
        %parallel_loop3A_523 = arith.constant 1 : i32
        %parallel_loop3A_524 = vector.broadcast %parallel_loop3A_523 : i32 to vector<16xi32>
        %parallel_loop3A_525 = arith.xori %parallel_loop3A_522, %parallel_loop3A_524 : vector<16xi32>
        %parallel_loop3A_526 = vector.shape_cast %parallel_loop3A_525 : vector<16xi32> to vector<16x1xi32>
        %parallel_loop3A_527 = vector.shape_cast %parallel_loop3A_526 : vector<16x1xi32> to vector<16xi32>
        %parallel_loop3A_528 = tpu.dynamic_gather %parallel_loop3A_521[%parallel_loop3A_527] in [0] : vector<16xf32>, vector<16xi32> -> vector<16xf32>
        %parallel_loop3A_529 = arith.addf %parallel_loop3A_521, %parallel_loop3A_528 : vector<16xf32>
        %parallel_loop3A_530 = arith.constant 2 : i32
        %parallel_loop3A_531 = vector.broadcast %parallel_loop3A_530 : i32 to vector<16xi32>
        %parallel_loop3A_532 = arith.xori %parallel_loop3A_522, %parallel_loop3A_531 : vector<16xi32>
        %parallel_loop3A_533 = vector.shape_cast %parallel_loop3A_532 : vector<16xi32> to vector<16x1xi32>
        %parallel_loop3A_534 = vector.shape_cast %parallel_loop3A_533 : vector<16x1xi32> to vector<16xi32>
        %parallel_loop3A_535 = tpu.dynamic_gather %parallel_loop3A_529[%parallel_loop3A_534] in [0] : vector<16xf32>, vector<16xi32> -> vector<16xf32>
        %parallel_loop3A_536 = arith.addf %parallel_loop3A_529, %parallel_loop3A_535 : vector<16xf32>
        %parallel_loop3A_537 = arith.constant 4 : i32
        %parallel_loop3A_538 = vector.broadcast %parallel_loop3A_537 : i32 to vector<16xi32>
        %parallel_loop3A_539 = arith.xori %parallel_loop3A_522, %parallel_loop3A_538 : vector<16xi32>
        %parallel_loop3A_540 = vector.shape_cast %parallel_loop3A_539 : vector<16xi32> to vector<16x1xi32>
        %parallel_loop3A_541 = vector.shape_cast %parallel_loop3A_540 : vector<16x1xi32> to vector<16xi32>
        %parallel_loop3A_542 = tpu.dynamic_gather %parallel_loop3A_536[%parallel_loop3A_541] in [0] : vector<16xf32>, vector<16xi32> -> vector<16xf32>
        %parallel_loop3A_543 = arith.addf %parallel_loop3A_536, %parallel_loop3A_542 : vector<16xf32>
        %parallel_loop3A_544 = arith.constant 8 : i32
        %parallel_loop3A_545 = vector.broadcast %parallel_loop3A_544 : i32 to vector<16xi32>
        %parallel_loop3A_546 = arith.xori %parallel_loop3A_522, %parallel_loop3A_545 : vector<16xi32>
        %parallel_loop3A_547 = vector.shape_cast %parallel_loop3A_546 : vector<16xi32> to vector<16x1xi32>
        %parallel_loop3A_548 = vector.shape_cast %parallel_loop3A_547 : vector<16x1xi32> to vector<16xi32>
        %parallel_loop3A_549 = tpu.dynamic_gather %parallel_loop3A_543[%parallel_loop3A_548] in [0] : vector<16xf32>, vector<16xi32> -> vector<16xf32>
        %parallel_loop3A_550 = arith.addf %parallel_loop3A_543, %parallel_loop3A_549 : vector<16xf32>
        %parallel_loop3A_551 = arith.constant 1.000000e+00 : f32
        %parallel_loop3A_552 = vector.broadcast %parallel_loop3A_551 : f32 to vector<16xf32>
        %parallel_loop3A_553 = arith.divf %parallel_loop3A_552, %parallel_loop3A_550 : vector<16xf32>
        %parallel_loop3A_554 = arith.addf %parallel_loop3A_506, %parallel_loop3A_510 : vector<16xf32>
        %parallel_loop3A_555 = arith.addf %parallel_loop3A_514, %parallel_loop3A_518 : vector<16xf32>
        %parallel_loop3A_556 = arith.addf %parallel_loop3A_554, %parallel_loop3A_555 : vector<16xf32>
        %parallel_loop3A_557 = tpu.iota {dimensions = array<i32: 0>} : vector<16xi32>
        %parallel_loop3A_558 = arith.constant 1 : i32
        %parallel_loop3A_559 = vector.broadcast %parallel_loop3A_558 : i32 to vector<16xi32>
        %parallel_loop3A_560 = arith.xori %parallel_loop3A_557, %parallel_loop3A_559 : vector<16xi32>
        %parallel_loop3A_561 = vector.shape_cast %parallel_loop3A_560 : vector<16xi32> to vector<16x1xi32>
        %parallel_loop3A_562 = vector.shape_cast %parallel_loop3A_561 : vector<16x1xi32> to vector<16xi32>
        %parallel_loop3A_563 = tpu.dynamic_gather %parallel_loop3A_556[%parallel_loop3A_562] in [0] : vector<16xf32>, vector<16xi32> -> vector<16xf32>
        %parallel_loop3A_564 = arith.addf %parallel_loop3A_556, %parallel_loop3A_563 : vector<16xf32>
        %parallel_loop3A_565 = arith.constant 2 : i32
        %parallel_loop3A_566 = vector.broadcast %parallel_loop3A_565 : i32 to vector<16xi32>
        %parallel_loop3A_567 = arith.xori %parallel_loop3A_557, %parallel_loop3A_566 : vector<16xi32>
        %parallel_loop3A_568 = vector.shape_cast %parallel_loop3A_567 : vector<16xi32> to vector<16x1xi32>
        %parallel_loop3A_569 = vector.shape_cast %parallel_loop3A_568 : vector<16x1xi32> to vector<16xi32>
        %parallel_loop3A_570 = tpu.dynamic_gather %parallel_loop3A_564[%parallel_loop3A_569] in [0] : vector<16xf32>, vector<16xi32> -> vector<16xf32>
        %parallel_loop3A_571 = arith.addf %parallel_loop3A_564, %parallel_loop3A_570 : vector<16xf32>
        %parallel_loop3A_572 = arith.constant 4 : i32
        %parallel_loop3A_573 = vector.broadcast %parallel_loop3A_572 : i32 to vector<16xi32>
        %parallel_loop3A_574 = arith.xori %parallel_loop3A_557, %parallel_loop3A_573 : vector<16xi32>
        %parallel_loop3A_575 = vector.shape_cast %parallel_loop3A_574 : vector<16xi32> to vector<16x1xi32>
        %parallel_loop3A_576 = vector.shape_cast %parallel_loop3A_575 : vector<16x1xi32> to vector<16xi32>
        %parallel_loop3A_577 = tpu.dynamic_gather %parallel_loop3A_571[%parallel_loop3A_576] in [0] : vector<16xf32>, vector<16xi32> -> vector<16xf32>
        %parallel_loop3A_578 = arith.addf %parallel_loop3A_571, %parallel_loop3A_577 : vector<16xf32>
        %parallel_loop3A_579 = arith.constant 8 : i32
        %parallel_loop3A_580 = vector.broadcast %parallel_loop3A_579 : i32 to vector<16xi32>
        %parallel_loop3A_581 = arith.xori %parallel_loop3A_557, %parallel_loop3A_580 : vector<16xi32>
        %parallel_loop3A_582 = vector.shape_cast %parallel_loop3A_581 : vector<16xi32> to vector<16x1xi32>
        %parallel_loop3A_583 = vector.shape_cast %parallel_loop3A_582 : vector<16x1xi32> to vector<16xi32>
        %parallel_loop3A_584 = tpu.dynamic_gather %parallel_loop3A_578[%parallel_loop3A_583] in [0] : vector<16xf32>, vector<16xi32> -> vector<16xf32>
        %parallel_loop3A_585 = arith.addf %parallel_loop3A_578, %parallel_loop3A_584 : vector<16xf32>
        %parallel_loop3A_586 = arith.constant 1.000000e+00 : f32
        %parallel_loop3A_587 = vector.broadcast %parallel_loop3A_586 : f32 to vector<16xf32>
        %parallel_loop3A_588 = arith.divf %parallel_loop3A_587, %parallel_loop3A_585 : vector<16xf32>
        %parallel_loop3A_589 = arith.mulf %parallel_loop3A_490, %parallel_loop3A_553 : vector<16xf32>
        %parallel_loop3A_590 = arith.mulf %parallel_loop3A_494, %parallel_loop3A_553 : vector<16xf32>
        %parallel_loop3A_591 = arith.mulf %parallel_loop3A_498, %parallel_loop3A_553 : vector<16xf32>
        %parallel_loop3A_592 = arith.mulf %parallel_loop3A_502, %parallel_loop3A_553 : vector<16xf32>
        %parallel_loop3A_593 = arith.mulf %parallel_loop3A_506, %parallel_loop3A_588 : vector<16xf32>
        %parallel_loop3A_594 = arith.mulf %parallel_loop3A_510, %parallel_loop3A_588 : vector<16xf32>
        %parallel_loop3A_595 = arith.mulf %parallel_loop3A_514, %parallel_loop3A_588 : vector<16xf32>
        %parallel_loop3A_596 = arith.mulf %parallel_loop3A_518, %parallel_loop3A_588 : vector<16xf32>
        %parallel_loop3A_597 = arith.addf %parallel_loop3A_479, %parallel_loop3A_589 : vector<16xf32>
        %parallel_loop3A_598 = arith.addf %parallel_loop3A_480, %parallel_loop3A_590 : vector<16xf32>
        %parallel_loop3A_599 = arith.addf %parallel_loop3A_481, %parallel_loop3A_591 : vector<16xf32>
        %parallel_loop3A_600 = arith.addf %parallel_loop3A_482, %parallel_loop3A_592 : vector<16xf32>
        %parallel_loop3A_601 = arith.addf %parallel_loop3A_483, %parallel_loop3A_593 : vector<16xf32>
        %parallel_loop3A_602 = arith.addf %parallel_loop3A_484, %parallel_loop3A_594 : vector<16xf32>
        %parallel_loop3A_603 = arith.addf %parallel_loop3A_485, %parallel_loop3A_595 : vector<16xf32>
        %parallel_loop3A_604 = arith.addf %parallel_loop3A_486, %parallel_loop3A_596 : vector<16xf32>
        %parallel_loop3A_605 = arith.constant 1.000000e+00 : f32
        %parallel_loop3A_606 = vector.broadcast %parallel_loop3A_605 : f32 to vector<16xf32>
        %parallel_loop3A_607 = arith.subf %parallel_loop3A_606, %parallel_loop3A_589 : vector<16xf32>
        %parallel_loop3A_608 = arith.mulf %parallel_loop3A_490, %parallel_loop3A_607 : vector<16xf32>
        %parallel_loop3A_609 = arith.constant 1.000000e+00 : f32
        %parallel_loop3A_610 = vector.broadcast %parallel_loop3A_609 : f32 to vector<16xf32>
        %parallel_loop3A_611 = arith.subf %parallel_loop3A_610, %parallel_loop3A_590 : vector<16xf32>
        %parallel_loop3A_612 = arith.mulf %parallel_loop3A_494, %parallel_loop3A_611 : vector<16xf32>
        %parallel_loop3A_613 = arith.constant 1.000000e+00 : f32
        %parallel_loop3A_614 = vector.broadcast %parallel_loop3A_613 : f32 to vector<16xf32>
        %parallel_loop3A_615 = arith.subf %parallel_loop3A_614, %parallel_loop3A_591 : vector<16xf32>
        %parallel_loop3A_616 = arith.mulf %parallel_loop3A_498, %parallel_loop3A_615 : vector<16xf32>
        %parallel_loop3A_617 = arith.constant 1.000000e+00 : f32
        %parallel_loop3A_618 = vector.broadcast %parallel_loop3A_617 : f32 to vector<16xf32>
        %parallel_loop3A_619 = arith.subf %parallel_loop3A_618, %parallel_loop3A_592 : vector<16xf32>
        %parallel_loop3A_620 = arith.mulf %parallel_loop3A_502, %parallel_loop3A_619 : vector<16xf32>
        %parallel_loop3A_621 = arith.constant 1.000000e+00 : f32
        %parallel_loop3A_622 = vector.broadcast %parallel_loop3A_621 : f32 to vector<16xf32>
        %parallel_loop3A_623 = arith.subf %parallel_loop3A_622, %parallel_loop3A_593 : vector<16xf32>
        %parallel_loop3A_624 = arith.mulf %parallel_loop3A_506, %parallel_loop3A_623 : vector<16xf32>
        %parallel_loop3A_625 = arith.constant 1.000000e+00 : f32
        %parallel_loop3A_626 = vector.broadcast %parallel_loop3A_625 : f32 to vector<16xf32>
        %parallel_loop3A_627 = arith.subf %parallel_loop3A_626, %parallel_loop3A_594 : vector<16xf32>
        %parallel_loop3A_628 = arith.mulf %parallel_loop3A_510, %parallel_loop3A_627 : vector<16xf32>
        %parallel_loop3A_629 = arith.constant 1.000000e+00 : f32
        %parallel_loop3A_630 = vector.broadcast %parallel_loop3A_629 : f32 to vector<16xf32>
        %parallel_loop3A_631 = arith.subf %parallel_loop3A_630, %parallel_loop3A_595 : vector<16xf32>
        %parallel_loop3A_632 = arith.mulf %parallel_loop3A_514, %parallel_loop3A_631 : vector<16xf32>
        %parallel_loop3A_633 = arith.constant 1.000000e+00 : f32
        %parallel_loop3A_634 = vector.broadcast %parallel_loop3A_633 : f32 to vector<16xf32>
        %parallel_loop3A_635 = arith.subf %parallel_loop3A_634, %parallel_loop3A_596 : vector<16xf32>
        %parallel_loop3A_636 = arith.mulf %parallel_loop3A_518, %parallel_loop3A_635 : vector<16xf32>
        %parallel_loop3A_637 = arith.addf %parallel_loop3A_608, %parallel_loop3A_612 : vector<16xf32>
        %parallel_loop3A_638 = arith.addf %parallel_loop3A_616, %parallel_loop3A_620 : vector<16xf32>
        %parallel_loop3A_639 = arith.addf %parallel_loop3A_637, %parallel_loop3A_638 : vector<16xf32>
        %parallel_loop3A_640 = tpu.iota {dimensions = array<i32: 0>} : vector<16xi32>
        %parallel_loop3A_641 = arith.constant 1 : i32
        %parallel_loop3A_642 = vector.broadcast %parallel_loop3A_641 : i32 to vector<16xi32>
        %parallel_loop3A_643 = arith.xori %parallel_loop3A_640, %parallel_loop3A_642 : vector<16xi32>
        %parallel_loop3A_644 = vector.shape_cast %parallel_loop3A_643 : vector<16xi32> to vector<16x1xi32>
        %parallel_loop3A_645 = vector.shape_cast %parallel_loop3A_644 : vector<16x1xi32> to vector<16xi32>
        %parallel_loop3A_646 = tpu.dynamic_gather %parallel_loop3A_639[%parallel_loop3A_645] in [0] : vector<16xf32>, vector<16xi32> -> vector<16xf32>
        %parallel_loop3A_647 = arith.addf %parallel_loop3A_639, %parallel_loop3A_646 : vector<16xf32>
        %parallel_loop3A_648 = arith.constant 2 : i32
        %parallel_loop3A_649 = vector.broadcast %parallel_loop3A_648 : i32 to vector<16xi32>
        %parallel_loop3A_650 = arith.xori %parallel_loop3A_640, %parallel_loop3A_649 : vector<16xi32>
        %parallel_loop3A_651 = vector.shape_cast %parallel_loop3A_650 : vector<16xi32> to vector<16x1xi32>
        %parallel_loop3A_652 = vector.shape_cast %parallel_loop3A_651 : vector<16x1xi32> to vector<16xi32>
        %parallel_loop3A_653 = tpu.dynamic_gather %parallel_loop3A_647[%parallel_loop3A_652] in [0] : vector<16xf32>, vector<16xi32> -> vector<16xf32>
        %parallel_loop3A_654 = arith.addf %parallel_loop3A_647, %parallel_loop3A_653 : vector<16xf32>
        %parallel_loop3A_655 = arith.constant 4 : i32
        %parallel_loop3A_656 = vector.broadcast %parallel_loop3A_655 : i32 to vector<16xi32>
        %parallel_loop3A_657 = arith.xori %parallel_loop3A_640, %parallel_loop3A_656 : vector<16xi32>
        %parallel_loop3A_658 = vector.shape_cast %parallel_loop3A_657 : vector<16xi32> to vector<16x1xi32>
        %parallel_loop3A_659 = vector.shape_cast %parallel_loop3A_658 : vector<16x1xi32> to vector<16xi32>
        %parallel_loop3A_660 = tpu.dynamic_gather %parallel_loop3A_654[%parallel_loop3A_659] in [0] : vector<16xf32>, vector<16xi32> -> vector<16xf32>
        %parallel_loop3A_661 = arith.addf %parallel_loop3A_654, %parallel_loop3A_660 : vector<16xf32>
        %parallel_loop3A_662 = arith.constant 8 : i32
        %parallel_loop3A_663 = vector.broadcast %parallel_loop3A_662 : i32 to vector<16xi32>
        %parallel_loop3A_664 = arith.xori %parallel_loop3A_640, %parallel_loop3A_663 : vector<16xi32>
        %parallel_loop3A_665 = vector.shape_cast %parallel_loop3A_664 : vector<16xi32> to vector<16x1xi32>
        %parallel_loop3A_666 = vector.shape_cast %parallel_loop3A_665 : vector<16x1xi32> to vector<16xi32>
        %parallel_loop3A_667 = tpu.dynamic_gather %parallel_loop3A_661[%parallel_loop3A_666] in [0] : vector<16xf32>, vector<16xi32> -> vector<16xf32>
        %parallel_loop3A_668 = arith.addf %parallel_loop3A_661, %parallel_loop3A_667 : vector<16xf32>
        %parallel_loop3A_669 = arith.constant 1.000000e+00 : f32
        %parallel_loop3A_670 = vector.broadcast %parallel_loop3A_669 : f32 to vector<16xf32>
        %parallel_loop3A_671 = arith.divf %parallel_loop3A_670, %parallel_loop3A_668 : vector<16xf32>
        %parallel_loop3A_672 = arith.addf %parallel_loop3A_624, %parallel_loop3A_628 : vector<16xf32>
        %parallel_loop3A_673 = arith.addf %parallel_loop3A_632, %parallel_loop3A_636 : vector<16xf32>
        %parallel_loop3A_674 = arith.addf %parallel_loop3A_672, %parallel_loop3A_673 : vector<16xf32>
        %parallel_loop3A_675 = tpu.iota {dimensions = array<i32: 0>} : vector<16xi32>
        %parallel_loop3A_676 = arith.constant 1 : i32
        %parallel_loop3A_677 = vector.broadcast %parallel_loop3A_676 : i32 to vector<16xi32>
        %parallel_loop3A_678 = arith.xori %parallel_loop3A_675, %parallel_loop3A_677 : vector<16xi32>
        %parallel_loop3A_679 = vector.shape_cast %parallel_loop3A_678 : vector<16xi32> to vector<16x1xi32>
        %parallel_loop3A_680 = vector.shape_cast %parallel_loop3A_679 : vector<16x1xi32> to vector<16xi32>
        %parallel_loop3A_681 = tpu.dynamic_gather %parallel_loop3A_674[%parallel_loop3A_680] in [0] : vector<16xf32>, vector<16xi32> -> vector<16xf32>
        %parallel_loop3A_682 = arith.addf %parallel_loop3A_674, %parallel_loop3A_681 : vector<16xf32>
        %parallel_loop3A_683 = arith.constant 2 : i32
        %parallel_loop3A_684 = vector.broadcast %parallel_loop3A_683 : i32 to vector<16xi32>
        %parallel_loop3A_685 = arith.xori %parallel_loop3A_675, %parallel_loop3A_684 : vector<16xi32>
        %parallel_loop3A_686 = vector.shape_cast %parallel_loop3A_685 : vector<16xi32> to vector<16x1xi32>
        %parallel_loop3A_687 = vector.shape_cast %parallel_loop3A_686 : vector<16x1xi32> to vector<16xi32>
        %parallel_loop3A_688 = tpu.dynamic_gather %parallel_loop3A_682[%parallel_loop3A_687] in [0] : vector<16xf32>, vector<16xi32> -> vector<16xf32>
        %parallel_loop3A_689 = arith.addf %parallel_loop3A_682, %parallel_loop3A_688 : vector<16xf32>
        %parallel_loop3A_690 = arith.constant 4 : i32
        %parallel_loop3A_691 = vector.broadcast %parallel_loop3A_690 : i32 to vector<16xi32>
        %parallel_loop3A_692 = arith.xori %parallel_loop3A_675, %parallel_loop3A_691 : vector<16xi32>
        %parallel_loop3A_693 = vector.shape_cast %parallel_loop3A_692 : vector<16xi32> to vector<16x1xi32>
        %parallel_loop3A_694 = vector.shape_cast %parallel_loop3A_693 : vector<16x1xi32> to vector<16xi32>
        %parallel_loop3A_695 = tpu.dynamic_gather %parallel_loop3A_689[%parallel_loop3A_694] in [0] : vector<16xf32>, vector<16xi32> -> vector<16xf32>
        %parallel_loop3A_696 = arith.addf %parallel_loop3A_689, %parallel_loop3A_695 : vector<16xf32>
        %parallel_loop3A_697 = arith.constant 8 : i32
        %parallel_loop3A_698 = vector.broadcast %parallel_loop3A_697 : i32 to vector<16xi32>
        %parallel_loop3A_699 = arith.xori %parallel_loop3A_675, %parallel_loop3A_698 : vector<16xi32>
        %parallel_loop3A_700 = vector.shape_cast %parallel_loop3A_699 : vector<16xi32> to vector<16x1xi32>
        %parallel_loop3A_701 = vector.shape_cast %parallel_loop3A_700 : vector<16x1xi32> to vector<16xi32>
        %parallel_loop3A_702 = tpu.dynamic_gather %parallel_loop3A_696[%parallel_loop3A_701] in [0] : vector<16xf32>, vector<16xi32> -> vector<16xf32>
        %parallel_loop3A_703 = arith.addf %parallel_loop3A_696, %parallel_loop3A_702 : vector<16xf32>
        %parallel_loop3A_704 = arith.constant 1.000000e+00 : f32
        %parallel_loop3A_705 = vector.broadcast %parallel_loop3A_704 : f32 to vector<16xf32>
        %parallel_loop3A_706 = arith.divf %parallel_loop3A_705, %parallel_loop3A_703 : vector<16xf32>
        %parallel_loop3A_707 = arith.mulf %parallel_loop3A_608, %parallel_loop3A_671 : vector<16xf32>
        %parallel_loop3A_708 = arith.mulf %parallel_loop3A_612, %parallel_loop3A_671 : vector<16xf32>
        %parallel_loop3A_709 = arith.mulf %parallel_loop3A_616, %parallel_loop3A_671 : vector<16xf32>
        %parallel_loop3A_710 = arith.mulf %parallel_loop3A_620, %parallel_loop3A_671 : vector<16xf32>
        %parallel_loop3A_711 = arith.mulf %parallel_loop3A_624, %parallel_loop3A_706 : vector<16xf32>
        %parallel_loop3A_712 = arith.mulf %parallel_loop3A_628, %parallel_loop3A_706 : vector<16xf32>
        %parallel_loop3A_713 = arith.mulf %parallel_loop3A_632, %parallel_loop3A_706 : vector<16xf32>
        %parallel_loop3A_714 = arith.mulf %parallel_loop3A_636, %parallel_loop3A_706 : vector<16xf32>
        %parallel_loop3A_715 = arith.addf %parallel_loop3A_597, %parallel_loop3A_707 : vector<16xf32>
        %parallel_loop3A_716 = arith.addf %parallel_loop3A_598, %parallel_loop3A_708 : vector<16xf32>
        %parallel_loop3A_717 = arith.addf %parallel_loop3A_599, %parallel_loop3A_709 : vector<16xf32>
        %parallel_loop3A_718 = arith.addf %parallel_loop3A_600, %parallel_loop3A_710 : vector<16xf32>
        %parallel_loop3A_719 = arith.addf %parallel_loop3A_601, %parallel_loop3A_711 : vector<16xf32>
        %parallel_loop3A_720 = arith.addf %parallel_loop3A_602, %parallel_loop3A_712 : vector<16xf32>
        %parallel_loop3A_721 = arith.addf %parallel_loop3A_603, %parallel_loop3A_713 : vector<16xf32>
        %parallel_loop3A_722 = arith.addf %parallel_loop3A_604, %parallel_loop3A_714 : vector<16xf32>
        %parallel_loop3A_723 = arith.constant 1.000000e+00 : f32
        %parallel_loop3A_724 = vector.broadcast %parallel_loop3A_723 : f32 to vector<16xf32>
        %parallel_loop3A_725 = arith.subf %parallel_loop3A_724, %parallel_loop3A_707 : vector<16xf32>
        %parallel_loop3A_726 = arith.mulf %parallel_loop3A_608, %parallel_loop3A_725 : vector<16xf32>
        %parallel_loop3A_727 = arith.constant 1.000000e+00 : f32
        %parallel_loop3A_728 = vector.broadcast %parallel_loop3A_727 : f32 to vector<16xf32>
        %parallel_loop3A_729 = arith.subf %parallel_loop3A_728, %parallel_loop3A_708 : vector<16xf32>
        %parallel_loop3A_730 = arith.mulf %parallel_loop3A_612, %parallel_loop3A_729 : vector<16xf32>
        %parallel_loop3A_731 = arith.constant 1.000000e+00 : f32
        %parallel_loop3A_732 = vector.broadcast %parallel_loop3A_731 : f32 to vector<16xf32>
        %parallel_loop3A_733 = arith.subf %parallel_loop3A_732, %parallel_loop3A_709 : vector<16xf32>
        %parallel_loop3A_734 = arith.mulf %parallel_loop3A_616, %parallel_loop3A_733 : vector<16xf32>
        %parallel_loop3A_735 = arith.constant 1.000000e+00 : f32
        %parallel_loop3A_736 = vector.broadcast %parallel_loop3A_735 : f32 to vector<16xf32>
        %parallel_loop3A_737 = arith.subf %parallel_loop3A_736, %parallel_loop3A_710 : vector<16xf32>
        %parallel_loop3A_738 = arith.mulf %parallel_loop3A_620, %parallel_loop3A_737 : vector<16xf32>
        %parallel_loop3A_739 = arith.constant 1.000000e+00 : f32
        %parallel_loop3A_740 = vector.broadcast %parallel_loop3A_739 : f32 to vector<16xf32>
        %parallel_loop3A_741 = arith.subf %parallel_loop3A_740, %parallel_loop3A_711 : vector<16xf32>
        %parallel_loop3A_742 = arith.mulf %parallel_loop3A_624, %parallel_loop3A_741 : vector<16xf32>
        %parallel_loop3A_743 = arith.constant 1.000000e+00 : f32
        %parallel_loop3A_744 = vector.broadcast %parallel_loop3A_743 : f32 to vector<16xf32>
        %parallel_loop3A_745 = arith.subf %parallel_loop3A_744, %parallel_loop3A_712 : vector<16xf32>
        %parallel_loop3A_746 = arith.mulf %parallel_loop3A_628, %parallel_loop3A_745 : vector<16xf32>
        %parallel_loop3A_747 = arith.constant 1.000000e+00 : f32
        %parallel_loop3A_748 = vector.broadcast %parallel_loop3A_747 : f32 to vector<16xf32>
        %parallel_loop3A_749 = arith.subf %parallel_loop3A_748, %parallel_loop3A_713 : vector<16xf32>
        %parallel_loop3A_750 = arith.mulf %parallel_loop3A_632, %parallel_loop3A_749 : vector<16xf32>
        %parallel_loop3A_751 = arith.constant 1.000000e+00 : f32
        %parallel_loop3A_752 = vector.broadcast %parallel_loop3A_751 : f32 to vector<16xf32>
        %parallel_loop3A_753 = arith.subf %parallel_loop3A_752, %parallel_loop3A_714 : vector<16xf32>
        %parallel_loop3A_754 = arith.mulf %parallel_loop3A_636, %parallel_loop3A_753 : vector<16xf32>
        %parallel_loop3A_755 = arith.addf %parallel_loop3A_726, %parallel_loop3A_730 : vector<16xf32>
        %parallel_loop3A_756 = arith.addf %parallel_loop3A_734, %parallel_loop3A_738 : vector<16xf32>
        %parallel_loop3A_757 = arith.addf %parallel_loop3A_755, %parallel_loop3A_756 : vector<16xf32>
        %parallel_loop3A_758 = tpu.iota {dimensions = array<i32: 0>} : vector<16xi32>
        %parallel_loop3A_759 = arith.constant 1 : i32
        %parallel_loop3A_760 = vector.broadcast %parallel_loop3A_759 : i32 to vector<16xi32>
        %parallel_loop3A_761 = arith.xori %parallel_loop3A_758, %parallel_loop3A_760 : vector<16xi32>
        %parallel_loop3A_762 = vector.shape_cast %parallel_loop3A_761 : vector<16xi32> to vector<16x1xi32>
        %parallel_loop3A_763 = vector.shape_cast %parallel_loop3A_762 : vector<16x1xi32> to vector<16xi32>
        %parallel_loop3A_764 = tpu.dynamic_gather %parallel_loop3A_757[%parallel_loop3A_763] in [0] : vector<16xf32>, vector<16xi32> -> vector<16xf32>
        %parallel_loop3A_765 = arith.addf %parallel_loop3A_757, %parallel_loop3A_764 : vector<16xf32>
        %parallel_loop3A_766 = arith.constant 2 : i32
        %parallel_loop3A_767 = vector.broadcast %parallel_loop3A_766 : i32 to vector<16xi32>
        %parallel_loop3A_768 = arith.xori %parallel_loop3A_758, %parallel_loop3A_767 : vector<16xi32>
        %parallel_loop3A_769 = vector.shape_cast %parallel_loop3A_768 : vector<16xi32> to vector<16x1xi32>
        %parallel_loop3A_770 = vector.shape_cast %parallel_loop3A_769 : vector<16x1xi32> to vector<16xi32>
        %parallel_loop3A_771 = tpu.dynamic_gather %parallel_loop3A_765[%parallel_loop3A_770] in [0] : vector<16xf32>, vector<16xi32> -> vector<16xf32>
        %parallel_loop3A_772 = arith.addf %parallel_loop3A_765, %parallel_loop3A_771 : vector<16xf32>
        %parallel_loop3A_773 = arith.constant 4 : i32
        %parallel_loop3A_774 = vector.broadcast %parallel_loop3A_773 : i32 to vector<16xi32>
        %parallel_loop3A_775 = arith.xori %parallel_loop3A_758, %parallel_loop3A_774 : vector<16xi32>
        %parallel_loop3A_776 = vector.shape_cast %parallel_loop3A_775 : vector<16xi32> to vector<16x1xi32>
        %parallel_loop3A_777 = vector.shape_cast %parallel_loop3A_776 : vector<16x1xi32> to vector<16xi32>
        %parallel_loop3A_778 = tpu.dynamic_gather %parallel_loop3A_772[%parallel_loop3A_777] in [0] : vector<16xf32>, vector<16xi32> -> vector<16xf32>
        %parallel_loop3A_779 = arith.addf %parallel_loop3A_772, %parallel_loop3A_778 : vector<16xf32>
        %parallel_loop3A_780 = arith.constant 8 : i32
        %parallel_loop3A_781 = vector.broadcast %parallel_loop3A_780 : i32 to vector<16xi32>
        %parallel_loop3A_782 = arith.xori %parallel_loop3A_758, %parallel_loop3A_781 : vector<16xi32>
        %parallel_loop3A_783 = vector.shape_cast %parallel_loop3A_782 : vector<16xi32> to vector<16x1xi32>
        %parallel_loop3A_784 = vector.shape_cast %parallel_loop3A_783 : vector<16x1xi32> to vector<16xi32>
        %parallel_loop3A_785 = tpu.dynamic_gather %parallel_loop3A_779[%parallel_loop3A_784] in [0] : vector<16xf32>, vector<16xi32> -> vector<16xf32>
        %parallel_loop3A_786 = arith.addf %parallel_loop3A_779, %parallel_loop3A_785 : vector<16xf32>
        %parallel_loop3A_787 = arith.constant 1.000000e+00 : f32
        %parallel_loop3A_788 = vector.broadcast %parallel_loop3A_787 : f32 to vector<16xf32>
        %parallel_loop3A_789 = arith.divf %parallel_loop3A_788, %parallel_loop3A_786 : vector<16xf32>
        %parallel_loop3A_790 = arith.addf %parallel_loop3A_742, %parallel_loop3A_746 : vector<16xf32>
        %parallel_loop3A_791 = arith.addf %parallel_loop3A_750, %parallel_loop3A_754 : vector<16xf32>
        %parallel_loop3A_792 = arith.addf %parallel_loop3A_790, %parallel_loop3A_791 : vector<16xf32>
        %parallel_loop3A_793 = tpu.iota {dimensions = array<i32: 0>} : vector<16xi32>
        %parallel_loop3A_794 = arith.constant 1 : i32
        %parallel_loop3A_795 = vector.broadcast %parallel_loop3A_794 : i32 to vector<16xi32>
        %parallel_loop3A_796 = arith.xori %parallel_loop3A_793, %parallel_loop3A_795 : vector<16xi32>
        %parallel_loop3A_797 = vector.shape_cast %parallel_loop3A_796 : vector<16xi32> to vector<16x1xi32>
        %parallel_loop3A_798 = vector.shape_cast %parallel_loop3A_797 : vector<16x1xi32> to vector<16xi32>
        %parallel_loop3A_799 = tpu.dynamic_gather %parallel_loop3A_792[%parallel_loop3A_798] in [0] : vector<16xf32>, vector<16xi32> -> vector<16xf32>
        %parallel_loop3A_800 = arith.addf %parallel_loop3A_792, %parallel_loop3A_799 : vector<16xf32>
        %parallel_loop3A_801 = arith.constant 2 : i32
        %parallel_loop3A_802 = vector.broadcast %parallel_loop3A_801 : i32 to vector<16xi32>
        %parallel_loop3A_803 = arith.xori %parallel_loop3A_793, %parallel_loop3A_802 : vector<16xi32>
        %parallel_loop3A_804 = vector.shape_cast %parallel_loop3A_803 : vector<16xi32> to vector<16x1xi32>
        %parallel_loop3A_805 = vector.shape_cast %parallel_loop3A_804 : vector<16x1xi32> to vector<16xi32>
        %parallel_loop3A_806 = tpu.dynamic_gather %parallel_loop3A_800[%parallel_loop3A_805] in [0] : vector<16xf32>, vector<16xi32> -> vector<16xf32>
        %parallel_loop3A_807 = arith.addf %parallel_loop3A_800, %parallel_loop3A_806 : vector<16xf32>
        %parallel_loop3A_808 = arith.constant 4 : i32
        %parallel_loop3A_809 = vector.broadcast %parallel_loop3A_808 : i32 to vector<16xi32>
        %parallel_loop3A_810 = arith.xori %parallel_loop3A_793, %parallel_loop3A_809 : vector<16xi32>
        %parallel_loop3A_811 = vector.shape_cast %parallel_loop3A_810 : vector<16xi32> to vector<16x1xi32>
        %parallel_loop3A_812 = vector.shape_cast %parallel_loop3A_811 : vector<16x1xi32> to vector<16xi32>
        %parallel_loop3A_813 = tpu.dynamic_gather %parallel_loop3A_807[%parallel_loop3A_812] in [0] : vector<16xf32>, vector<16xi32> -> vector<16xf32>
        %parallel_loop3A_814 = arith.addf %parallel_loop3A_807, %parallel_loop3A_813 : vector<16xf32>
        %parallel_loop3A_815 = arith.constant 8 : i32
        %parallel_loop3A_816 = vector.broadcast %parallel_loop3A_815 : i32 to vector<16xi32>
        %parallel_loop3A_817 = arith.xori %parallel_loop3A_793, %parallel_loop3A_816 : vector<16xi32>
        %parallel_loop3A_818 = vector.shape_cast %parallel_loop3A_817 : vector<16xi32> to vector<16x1xi32>
        %parallel_loop3A_819 = vector.shape_cast %parallel_loop3A_818 : vector<16x1xi32> to vector<16xi32>
        %parallel_loop3A_820 = tpu.dynamic_gather %parallel_loop3A_814[%parallel_loop3A_819] in [0] : vector<16xf32>, vector<16xi32> -> vector<16xf32>
        %parallel_loop3A_821 = arith.addf %parallel_loop3A_814, %parallel_loop3A_820 : vector<16xf32>
        %parallel_loop3A_822 = arith.constant 1.000000e+00 : f32
        %parallel_loop3A_823 = vector.broadcast %parallel_loop3A_822 : f32 to vector<16xf32>
        %parallel_loop3A_824 = arith.divf %parallel_loop3A_823, %parallel_loop3A_821 : vector<16xf32>
        %parallel_loop3A_825 = arith.mulf %parallel_loop3A_726, %parallel_loop3A_789 : vector<16xf32>
        %parallel_loop3A_826 = arith.mulf %parallel_loop3A_730, %parallel_loop3A_789 : vector<16xf32>
        %parallel_loop3A_827 = arith.mulf %parallel_loop3A_734, %parallel_loop3A_789 : vector<16xf32>
        %parallel_loop3A_828 = arith.mulf %parallel_loop3A_738, %parallel_loop3A_789 : vector<16xf32>
        %parallel_loop3A_829 = arith.mulf %parallel_loop3A_742, %parallel_loop3A_824 : vector<16xf32>
        %parallel_loop3A_830 = arith.mulf %parallel_loop3A_746, %parallel_loop3A_824 : vector<16xf32>
        %parallel_loop3A_831 = arith.mulf %parallel_loop3A_750, %parallel_loop3A_824 : vector<16xf32>
        %parallel_loop3A_832 = arith.mulf %parallel_loop3A_754, %parallel_loop3A_824 : vector<16xf32>
        %parallel_loop3A_833 = arith.addf %parallel_loop3A_715, %parallel_loop3A_825 : vector<16xf32>
        %parallel_loop3A_834 = arith.addf %parallel_loop3A_716, %parallel_loop3A_826 : vector<16xf32>
        %parallel_loop3A_835 = arith.addf %parallel_loop3A_717, %parallel_loop3A_827 : vector<16xf32>
        %parallel_loop3A_836 = arith.addf %parallel_loop3A_718, %parallel_loop3A_828 : vector<16xf32>
        %parallel_loop3A_837 = arith.addf %parallel_loop3A_719, %parallel_loop3A_829 : vector<16xf32>
        %parallel_loop3A_838 = arith.addf %parallel_loop3A_720, %parallel_loop3A_830 : vector<16xf32>
        %parallel_loop3A_839 = arith.addf %parallel_loop3A_721, %parallel_loop3A_831 : vector<16xf32>
        %parallel_loop3A_840 = arith.addf %parallel_loop3A_722, %parallel_loop3A_832 : vector<16xf32>
        %parallel_loop3A_841 = arith.constant 1.000000e+00 : f32
        %parallel_loop3A_842 = vector.broadcast %parallel_loop3A_841 : f32 to vector<16xf32>
        %parallel_loop3A_843 = arith.subf %parallel_loop3A_842, %parallel_loop3A_825 : vector<16xf32>
        %parallel_loop3A_844 = arith.mulf %parallel_loop3A_726, %parallel_loop3A_843 : vector<16xf32>
        %parallel_loop3A_845 = arith.constant 1.000000e+00 : f32
        %parallel_loop3A_846 = vector.broadcast %parallel_loop3A_845 : f32 to vector<16xf32>
        %parallel_loop3A_847 = arith.subf %parallel_loop3A_846, %parallel_loop3A_826 : vector<16xf32>
        %parallel_loop3A_848 = arith.mulf %parallel_loop3A_730, %parallel_loop3A_847 : vector<16xf32>
        %parallel_loop3A_849 = arith.constant 1.000000e+00 : f32
        %parallel_loop3A_850 = vector.broadcast %parallel_loop3A_849 : f32 to vector<16xf32>
        %parallel_loop3A_851 = arith.subf %parallel_loop3A_850, %parallel_loop3A_827 : vector<16xf32>
        %parallel_loop3A_852 = arith.mulf %parallel_loop3A_734, %parallel_loop3A_851 : vector<16xf32>
        %parallel_loop3A_853 = arith.constant 1.000000e+00 : f32
        %parallel_loop3A_854 = vector.broadcast %parallel_loop3A_853 : f32 to vector<16xf32>
        %parallel_loop3A_855 = arith.subf %parallel_loop3A_854, %parallel_loop3A_828 : vector<16xf32>
        %parallel_loop3A_856 = arith.mulf %parallel_loop3A_738, %parallel_loop3A_855 : vector<16xf32>
        %parallel_loop3A_857 = arith.constant 1.000000e+00 : f32
        %parallel_loop3A_858 = vector.broadcast %parallel_loop3A_857 : f32 to vector<16xf32>
        %parallel_loop3A_859 = arith.subf %parallel_loop3A_858, %parallel_loop3A_829 : vector<16xf32>
        %parallel_loop3A_860 = arith.mulf %parallel_loop3A_742, %parallel_loop3A_859 : vector<16xf32>
        %parallel_loop3A_861 = arith.constant 1.000000e+00 : f32
        %parallel_loop3A_862 = vector.broadcast %parallel_loop3A_861 : f32 to vector<16xf32>
        %parallel_loop3A_863 = arith.subf %parallel_loop3A_862, %parallel_loop3A_830 : vector<16xf32>
        %parallel_loop3A_864 = arith.mulf %parallel_loop3A_746, %parallel_loop3A_863 : vector<16xf32>
        %parallel_loop3A_865 = arith.constant 1.000000e+00 : f32
        %parallel_loop3A_866 = vector.broadcast %parallel_loop3A_865 : f32 to vector<16xf32>
        %parallel_loop3A_867 = arith.subf %parallel_loop3A_866, %parallel_loop3A_831 : vector<16xf32>
        %parallel_loop3A_868 = arith.mulf %parallel_loop3A_750, %parallel_loop3A_867 : vector<16xf32>
        %parallel_loop3A_869 = arith.constant 1.000000e+00 : f32
        %parallel_loop3A_870 = vector.broadcast %parallel_loop3A_869 : f32 to vector<16xf32>
        %parallel_loop3A_871 = arith.subf %parallel_loop3A_870, %parallel_loop3A_832 : vector<16xf32>
        %parallel_loop3A_872 = arith.mulf %parallel_loop3A_754, %parallel_loop3A_871 : vector<16xf32>
        %parallel_loop3A_873 = arith.addf %parallel_loop3A_844, %parallel_loop3A_848 : vector<16xf32>
        %parallel_loop3A_874 = arith.addf %parallel_loop3A_852, %parallel_loop3A_856 : vector<16xf32>
        %parallel_loop3A_875 = arith.addf %parallel_loop3A_873, %parallel_loop3A_874 : vector<16xf32>
        %parallel_loop3A_876 = tpu.iota {dimensions = array<i32: 0>} : vector<16xi32>
        %parallel_loop3A_877 = arith.constant 1 : i32
        %parallel_loop3A_878 = vector.broadcast %parallel_loop3A_877 : i32 to vector<16xi32>
        %parallel_loop3A_879 = arith.xori %parallel_loop3A_876, %parallel_loop3A_878 : vector<16xi32>
        %parallel_loop3A_880 = vector.shape_cast %parallel_loop3A_879 : vector<16xi32> to vector<16x1xi32>
        %parallel_loop3A_881 = vector.shape_cast %parallel_loop3A_880 : vector<16x1xi32> to vector<16xi32>
        %parallel_loop3A_882 = tpu.dynamic_gather %parallel_loop3A_875[%parallel_loop3A_881] in [0] : vector<16xf32>, vector<16xi32> -> vector<16xf32>
        %parallel_loop3A_883 = arith.addf %parallel_loop3A_875, %parallel_loop3A_882 : vector<16xf32>
        %parallel_loop3A_884 = arith.constant 2 : i32
        %parallel_loop3A_885 = vector.broadcast %parallel_loop3A_884 : i32 to vector<16xi32>
        %parallel_loop3A_886 = arith.xori %parallel_loop3A_876, %parallel_loop3A_885 : vector<16xi32>
        %parallel_loop3A_887 = vector.shape_cast %parallel_loop3A_886 : vector<16xi32> to vector<16x1xi32>
        %parallel_loop3A_888 = vector.shape_cast %parallel_loop3A_887 : vector<16x1xi32> to vector<16xi32>
        %parallel_loop3A_889 = tpu.dynamic_gather %parallel_loop3A_883[%parallel_loop3A_888] in [0] : vector<16xf32>, vector<16xi32> -> vector<16xf32>
        %parallel_loop3A_890 = arith.addf %parallel_loop3A_883, %parallel_loop3A_889 : vector<16xf32>
        %parallel_loop3A_891 = arith.constant 4 : i32
        %parallel_loop3A_892 = vector.broadcast %parallel_loop3A_891 : i32 to vector<16xi32>
        %parallel_loop3A_893 = arith.xori %parallel_loop3A_876, %parallel_loop3A_892 : vector<16xi32>
        %parallel_loop3A_894 = vector.shape_cast %parallel_loop3A_893 : vector<16xi32> to vector<16x1xi32>
        %parallel_loop3A_895 = vector.shape_cast %parallel_loop3A_894 : vector<16x1xi32> to vector<16xi32>
        %parallel_loop3A_896 = tpu.dynamic_gather %parallel_loop3A_890[%parallel_loop3A_895] in [0] : vector<16xf32>, vector<16xi32> -> vector<16xf32>
        %parallel_loop3A_897 = arith.addf %parallel_loop3A_890, %parallel_loop3A_896 : vector<16xf32>
        %parallel_loop3A_898 = arith.constant 8 : i32
        %parallel_loop3A_899 = vector.broadcast %parallel_loop3A_898 : i32 to vector<16xi32>
        %parallel_loop3A_900 = arith.xori %parallel_loop3A_876, %parallel_loop3A_899 : vector<16xi32>
        %parallel_loop3A_901 = vector.shape_cast %parallel_loop3A_900 : vector<16xi32> to vector<16x1xi32>
        %parallel_loop3A_902 = vector.shape_cast %parallel_loop3A_901 : vector<16x1xi32> to vector<16xi32>
        %parallel_loop3A_903 = tpu.dynamic_gather %parallel_loop3A_897[%parallel_loop3A_902] in [0] : vector<16xf32>, vector<16xi32> -> vector<16xf32>
        %parallel_loop3A_904 = arith.addf %parallel_loop3A_897, %parallel_loop3A_903 : vector<16xf32>
        %parallel_loop3A_905 = arith.constant 1.000000e+00 : f32
        %parallel_loop3A_906 = vector.broadcast %parallel_loop3A_905 : f32 to vector<16xf32>
        %parallel_loop3A_907 = arith.divf %parallel_loop3A_906, %parallel_loop3A_904 : vector<16xf32>
        %parallel_loop3A_908 = arith.addf %parallel_loop3A_860, %parallel_loop3A_864 : vector<16xf32>
        %parallel_loop3A_909 = arith.addf %parallel_loop3A_868, %parallel_loop3A_872 : vector<16xf32>
        %parallel_loop3A_910 = arith.addf %parallel_loop3A_908, %parallel_loop3A_909 : vector<16xf32>
        %parallel_loop3A_911 = tpu.iota {dimensions = array<i32: 0>} : vector<16xi32>
        %parallel_loop3A_912 = arith.constant 1 : i32
        %parallel_loop3A_913 = vector.broadcast %parallel_loop3A_912 : i32 to vector<16xi32>
        %parallel_loop3A_914 = arith.xori %parallel_loop3A_911, %parallel_loop3A_913 : vector<16xi32>
        %parallel_loop3A_915 = vector.shape_cast %parallel_loop3A_914 : vector<16xi32> to vector<16x1xi32>
        %parallel_loop3A_916 = vector.shape_cast %parallel_loop3A_915 : vector<16x1xi32> to vector<16xi32>
        %parallel_loop3A_917 = tpu.dynamic_gather %parallel_loop3A_910[%parallel_loop3A_916] in [0] : vector<16xf32>, vector<16xi32> -> vector<16xf32>
        %parallel_loop3A_918 = arith.addf %parallel_loop3A_910, %parallel_loop3A_917 : vector<16xf32>
        %parallel_loop3A_919 = arith.constant 2 : i32
        %parallel_loop3A_920 = vector.broadcast %parallel_loop3A_919 : i32 to vector<16xi32>
        %parallel_loop3A_921 = arith.xori %parallel_loop3A_911, %parallel_loop3A_920 : vector<16xi32>
        %parallel_loop3A_922 = vector.shape_cast %parallel_loop3A_921 : vector<16xi32> to vector<16x1xi32>
        %parallel_loop3A_923 = vector.shape_cast %parallel_loop3A_922 : vector<16x1xi32> to vector<16xi32>
        %parallel_loop3A_924 = tpu.dynamic_gather %parallel_loop3A_918[%parallel_loop3A_923] in [0] : vector<16xf32>, vector<16xi32> -> vector<16xf32>
        %parallel_loop3A_925 = arith.addf %parallel_loop3A_918, %parallel_loop3A_924 : vector<16xf32>
        %parallel_loop3A_926 = arith.constant 4 : i32
        %parallel_loop3A_927 = vector.broadcast %parallel_loop3A_926 : i32 to vector<16xi32>
        %parallel_loop3A_928 = arith.xori %parallel_loop3A_911, %parallel_loop3A_927 : vector<16xi32>
        %parallel_loop3A_929 = vector.shape_cast %parallel_loop3A_928 : vector<16xi32> to vector<16x1xi32>
        %parallel_loop3A_930 = vector.shape_cast %parallel_loop3A_929 : vector<16x1xi32> to vector<16xi32>
        %parallel_loop3A_931 = tpu.dynamic_gather %parallel_loop3A_925[%parallel_loop3A_930] in [0] : vector<16xf32>, vector<16xi32> -> vector<16xf32>
        %parallel_loop3A_932 = arith.addf %parallel_loop3A_925, %parallel_loop3A_931 : vector<16xf32>
        %parallel_loop3A_933 = arith.constant 8 : i32
        %parallel_loop3A_934 = vector.broadcast %parallel_loop3A_933 : i32 to vector<16xi32>
        %parallel_loop3A_935 = arith.xori %parallel_loop3A_911, %parallel_loop3A_934 : vector<16xi32>
        %parallel_loop3A_936 = vector.shape_cast %parallel_loop3A_935 : vector<16xi32> to vector<16x1xi32>
        %parallel_loop3A_937 = vector.shape_cast %parallel_loop3A_936 : vector<16x1xi32> to vector<16xi32>
        %parallel_loop3A_938 = tpu.dynamic_gather %parallel_loop3A_932[%parallel_loop3A_937] in [0] : vector<16xf32>, vector<16xi32> -> vector<16xf32>
        %parallel_loop3A_939 = arith.addf %parallel_loop3A_932, %parallel_loop3A_938 : vector<16xf32>
        %parallel_loop3A_940 = arith.constant 1.000000e+00 : f32
        %parallel_loop3A_941 = vector.broadcast %parallel_loop3A_940 : f32 to vector<16xf32>
        %parallel_loop3A_942 = arith.divf %parallel_loop3A_941, %parallel_loop3A_939 : vector<16xf32>
        %parallel_loop3A_943 = arith.mulf %parallel_loop3A_844, %parallel_loop3A_907 : vector<16xf32>
        %parallel_loop3A_944 = arith.mulf %parallel_loop3A_848, %parallel_loop3A_907 : vector<16xf32>
        %parallel_loop3A_945 = arith.mulf %parallel_loop3A_852, %parallel_loop3A_907 : vector<16xf32>
        %parallel_loop3A_946 = arith.mulf %parallel_loop3A_856, %parallel_loop3A_907 : vector<16xf32>
        %parallel_loop3A_947 = arith.mulf %parallel_loop3A_860, %parallel_loop3A_942 : vector<16xf32>
        %parallel_loop3A_948 = arith.mulf %parallel_loop3A_864, %parallel_loop3A_942 : vector<16xf32>
        %parallel_loop3A_949 = arith.mulf %parallel_loop3A_868, %parallel_loop3A_942 : vector<16xf32>
        %parallel_loop3A_950 = arith.mulf %parallel_loop3A_872, %parallel_loop3A_942 : vector<16xf32>
        %parallel_loop3A_951 = arith.addf %parallel_loop3A_833, %parallel_loop3A_943 : vector<16xf32>
        %parallel_loop3A_952 = arith.addf %parallel_loop3A_834, %parallel_loop3A_944 : vector<16xf32>
        %parallel_loop3A_953 = arith.addf %parallel_loop3A_835, %parallel_loop3A_945 : vector<16xf32>
        %parallel_loop3A_954 = arith.addf %parallel_loop3A_836, %parallel_loop3A_946 : vector<16xf32>
        %parallel_loop3A_955 = arith.addf %parallel_loop3A_837, %parallel_loop3A_947 : vector<16xf32>
        %parallel_loop3A_956 = arith.addf %parallel_loop3A_838, %parallel_loop3A_948 : vector<16xf32>
        %parallel_loop3A_957 = arith.addf %parallel_loop3A_839, %parallel_loop3A_949 : vector<16xf32>
        %parallel_loop3A_958 = arith.addf %parallel_loop3A_840, %parallel_loop3A_950 : vector<16xf32>
        %parallel_loop3A_959 = arith.constant 1.000000e+00 : f32
        %parallel_loop3A_960 = vector.broadcast %parallel_loop3A_959 : f32 to vector<16xf32>
        %parallel_loop3A_961 = arith.subf %parallel_loop3A_960, %parallel_loop3A_943 : vector<16xf32>
        %parallel_loop3A_962 = arith.mulf %parallel_loop3A_844, %parallel_loop3A_961 : vector<16xf32>
        %parallel_loop3A_963 = arith.constant 1.000000e+00 : f32
        %parallel_loop3A_964 = vector.broadcast %parallel_loop3A_963 : f32 to vector<16xf32>
        %parallel_loop3A_965 = arith.subf %parallel_loop3A_964, %parallel_loop3A_944 : vector<16xf32>
        %parallel_loop3A_966 = arith.mulf %parallel_loop3A_848, %parallel_loop3A_965 : vector<16xf32>
        %parallel_loop3A_967 = arith.constant 1.000000e+00 : f32
        %parallel_loop3A_968 = vector.broadcast %parallel_loop3A_967 : f32 to vector<16xf32>
        %parallel_loop3A_969 = arith.subf %parallel_loop3A_968, %parallel_loop3A_945 : vector<16xf32>
        %parallel_loop3A_970 = arith.mulf %parallel_loop3A_852, %parallel_loop3A_969 : vector<16xf32>
        %parallel_loop3A_971 = arith.constant 1.000000e+00 : f32
        %parallel_loop3A_972 = vector.broadcast %parallel_loop3A_971 : f32 to vector<16xf32>
        %parallel_loop3A_973 = arith.subf %parallel_loop3A_972, %parallel_loop3A_946 : vector<16xf32>
        %parallel_loop3A_974 = arith.mulf %parallel_loop3A_856, %parallel_loop3A_973 : vector<16xf32>
        %parallel_loop3A_975 = arith.constant 1.000000e+00 : f32
        %parallel_loop3A_976 = vector.broadcast %parallel_loop3A_975 : f32 to vector<16xf32>
        %parallel_loop3A_977 = arith.subf %parallel_loop3A_976, %parallel_loop3A_947 : vector<16xf32>
        %parallel_loop3A_978 = arith.mulf %parallel_loop3A_860, %parallel_loop3A_977 : vector<16xf32>
        %parallel_loop3A_979 = arith.constant 1.000000e+00 : f32
        %parallel_loop3A_980 = vector.broadcast %parallel_loop3A_979 : f32 to vector<16xf32>
        %parallel_loop3A_981 = arith.subf %parallel_loop3A_980, %parallel_loop3A_948 : vector<16xf32>
        %parallel_loop3A_982 = arith.mulf %parallel_loop3A_864, %parallel_loop3A_981 : vector<16xf32>
        %parallel_loop3A_983 = arith.constant 1.000000e+00 : f32
        %parallel_loop3A_984 = vector.broadcast %parallel_loop3A_983 : f32 to vector<16xf32>
        %parallel_loop3A_985 = arith.subf %parallel_loop3A_984, %parallel_loop3A_949 : vector<16xf32>
        %parallel_loop3A_986 = arith.mulf %parallel_loop3A_868, %parallel_loop3A_985 : vector<16xf32>
        %parallel_loop3A_987 = arith.constant 1.000000e+00 : f32
        %parallel_loop3A_988 = vector.broadcast %parallel_loop3A_987 : f32 to vector<16xf32>
        %parallel_loop3A_989 = arith.subf %parallel_loop3A_988, %parallel_loop3A_950 : vector<16xf32>
        %parallel_loop3A_990 = arith.mulf %parallel_loop3A_872, %parallel_loop3A_989 : vector<16xf32>
        %parallel_loop3A_991 = arith.addf %parallel_loop3A_962, %parallel_loop3A_966 : vector<16xf32>
        %parallel_loop3A_992 = arith.addf %parallel_loop3A_970, %parallel_loop3A_974 : vector<16xf32>
        %parallel_loop3A_993 = arith.addf %parallel_loop3A_991, %parallel_loop3A_992 : vector<16xf32>
        %parallel_loop3A_994 = tpu.iota {dimensions = array<i32: 0>} : vector<16xi32>
        %parallel_loop3A_995 = arith.constant 1 : i32
        %parallel_loop3A_996 = vector.broadcast %parallel_loop3A_995 : i32 to vector<16xi32>
        %parallel_loop3A_997 = arith.xori %parallel_loop3A_994, %parallel_loop3A_996 : vector<16xi32>
        %parallel_loop3A_998 = vector.shape_cast %parallel_loop3A_997 : vector<16xi32> to vector<16x1xi32>
        %parallel_loop3A_999 = vector.shape_cast %parallel_loop3A_998 : vector<16x1xi32> to vector<16xi32>
        %parallel_loop3A_1000 = tpu.dynamic_gather %parallel_loop3A_993[%parallel_loop3A_999] in [0] : vector<16xf32>, vector<16xi32> -> vector<16xf32>
        %parallel_loop3A_1001 = arith.addf %parallel_loop3A_993, %parallel_loop3A_1000 : vector<16xf32>
        %parallel_loop3A_1002 = arith.constant 2 : i32
        %parallel_loop3A_1003 = vector.broadcast %parallel_loop3A_1002 : i32 to vector<16xi32>
        %parallel_loop3A_1004 = arith.xori %parallel_loop3A_994, %parallel_loop3A_1003 : vector<16xi32>
        %parallel_loop3A_1005 = vector.shape_cast %parallel_loop3A_1004 : vector<16xi32> to vector<16x1xi32>
        %parallel_loop3A_1006 = vector.shape_cast %parallel_loop3A_1005 : vector<16x1xi32> to vector<16xi32>
        %parallel_loop3A_1007 = tpu.dynamic_gather %parallel_loop3A_1001[%parallel_loop3A_1006] in [0] : vector<16xf32>, vector<16xi32> -> vector<16xf32>
        %parallel_loop3A_1008 = arith.addf %parallel_loop3A_1001, %parallel_loop3A_1007 : vector<16xf32>
        %parallel_loop3A_1009 = arith.constant 4 : i32
        %parallel_loop3A_1010 = vector.broadcast %parallel_loop3A_1009 : i32 to vector<16xi32>
        %parallel_loop3A_1011 = arith.xori %parallel_loop3A_994, %parallel_loop3A_1010 : vector<16xi32>
        %parallel_loop3A_1012 = vector.shape_cast %parallel_loop3A_1011 : vector<16xi32> to vector<16x1xi32>
        %parallel_loop3A_1013 = vector.shape_cast %parallel_loop3A_1012 : vector<16x1xi32> to vector<16xi32>
        %parallel_loop3A_1014 = tpu.dynamic_gather %parallel_loop3A_1008[%parallel_loop3A_1013] in [0] : vector<16xf32>, vector<16xi32> -> vector<16xf32>
        %parallel_loop3A_1015 = arith.addf %parallel_loop3A_1008, %parallel_loop3A_1014 : vector<16xf32>
        %parallel_loop3A_1016 = arith.constant 8 : i32
        %parallel_loop3A_1017 = vector.broadcast %parallel_loop3A_1016 : i32 to vector<16xi32>
        %parallel_loop3A_1018 = arith.xori %parallel_loop3A_994, %parallel_loop3A_1017 : vector<16xi32>
        %parallel_loop3A_1019 = vector.shape_cast %parallel_loop3A_1018 : vector<16xi32> to vector<16x1xi32>
        %parallel_loop3A_1020 = vector.shape_cast %parallel_loop3A_1019 : vector<16x1xi32> to vector<16xi32>
        %parallel_loop3A_1021 = tpu.dynamic_gather %parallel_loop3A_1015[%parallel_loop3A_1020] in [0] : vector<16xf32>, vector<16xi32> -> vector<16xf32>
        %parallel_loop3A_1022 = arith.addf %parallel_loop3A_1015, %parallel_loop3A_1021 : vector<16xf32>
        %parallel_loop3A_1023 = arith.constant 1.000000e+00 : f32
        %parallel_loop3A_1024 = vector.broadcast %parallel_loop3A_1023 : f32 to vector<16xf32>
        %parallel_loop3A_1025 = arith.divf %parallel_loop3A_1024, %parallel_loop3A_1022 : vector<16xf32>
        %parallel_loop3A_1026 = arith.addf %parallel_loop3A_978, %parallel_loop3A_982 : vector<16xf32>
        %parallel_loop3A_1027 = arith.addf %parallel_loop3A_986, %parallel_loop3A_990 : vector<16xf32>
        %parallel_loop3A_1028 = arith.addf %parallel_loop3A_1026, %parallel_loop3A_1027 : vector<16xf32>
        %parallel_loop3A_1029 = tpu.iota {dimensions = array<i32: 0>} : vector<16xi32>
        %parallel_loop3A_1030 = arith.constant 1 : i32
        %parallel_loop3A_1031 = vector.broadcast %parallel_loop3A_1030 : i32 to vector<16xi32>
        %parallel_loop3A_1032 = arith.xori %parallel_loop3A_1029, %parallel_loop3A_1031 : vector<16xi32>
        %parallel_loop3A_1033 = vector.shape_cast %parallel_loop3A_1032 : vector<16xi32> to vector<16x1xi32>
        %parallel_loop3A_1034 = vector.shape_cast %parallel_loop3A_1033 : vector<16x1xi32> to vector<16xi32>
        %parallel_loop3A_1035 = tpu.dynamic_gather %parallel_loop3A_1028[%parallel_loop3A_1034] in [0] : vector<16xf32>, vector<16xi32> -> vector<16xf32>
        %parallel_loop3A_1036 = arith.addf %parallel_loop3A_1028, %parallel_loop3A_1035 : vector<16xf32>
        %parallel_loop3A_1037 = arith.constant 2 : i32
        %parallel_loop3A_1038 = vector.broadcast %parallel_loop3A_1037 : i32 to vector<16xi32>
        %parallel_loop3A_1039 = arith.xori %parallel_loop3A_1029, %parallel_loop3A_1038 : vector<16xi32>
        %parallel_loop3A_1040 = vector.shape_cast %parallel_loop3A_1039 : vector<16xi32> to vector<16x1xi32>
        %parallel_loop3A_1041 = vector.shape_cast %parallel_loop3A_1040 : vector<16x1xi32> to vector<16xi32>
        %parallel_loop3A_1042 = tpu.dynamic_gather %parallel_loop3A_1036[%parallel_loop3A_1041] in [0] : vector<16xf32>, vector<16xi32> -> vector<16xf32>
        %parallel_loop3A_1043 = arith.addf %parallel_loop3A_1036, %parallel_loop3A_1042 : vector<16xf32>
        %parallel_loop3A_1044 = arith.constant 4 : i32
        %parallel_loop3A_1045 = vector.broadcast %parallel_loop3A_1044 : i32 to vector<16xi32>
        %parallel_loop3A_1046 = arith.xori %parallel_loop3A_1029, %parallel_loop3A_1045 : vector<16xi32>
        %parallel_loop3A_1047 = vector.shape_cast %parallel_loop3A_1046 : vector<16xi32> to vector<16x1xi32>
        %parallel_loop3A_1048 = vector.shape_cast %parallel_loop3A_1047 : vector<16x1xi32> to vector<16xi32>
        %parallel_loop3A_1049 = tpu.dynamic_gather %parallel_loop3A_1043[%parallel_loop3A_1048] in [0] : vector<16xf32>, vector<16xi32> -> vector<16xf32>
        %parallel_loop3A_1050 = arith.addf %parallel_loop3A_1043, %parallel_loop3A_1049 : vector<16xf32>
        %parallel_loop3A_1051 = arith.constant 8 : i32
        %parallel_loop3A_1052 = vector.broadcast %parallel_loop3A_1051 : i32 to vector<16xi32>
        %parallel_loop3A_1053 = arith.xori %parallel_loop3A_1029, %parallel_loop3A_1052 : vector<16xi32>
        %parallel_loop3A_1054 = vector.shape_cast %parallel_loop3A_1053 : vector<16xi32> to vector<16x1xi32>
        %parallel_loop3A_1055 = vector.shape_cast %parallel_loop3A_1054 : vector<16x1xi32> to vector<16xi32>
        %parallel_loop3A_1056 = tpu.dynamic_gather %parallel_loop3A_1050[%parallel_loop3A_1055] in [0] : vector<16xf32>, vector<16xi32> -> vector<16xf32>
        %parallel_loop3A_1057 = arith.addf %parallel_loop3A_1050, %parallel_loop3A_1056 : vector<16xf32>
        %parallel_loop3A_1058 = arith.constant 1.000000e+00 : f32
        %parallel_loop3A_1059 = vector.broadcast %parallel_loop3A_1058 : f32 to vector<16xf32>
        %parallel_loop3A_1060 = arith.divf %parallel_loop3A_1059, %parallel_loop3A_1057 : vector<16xf32>
        %parallel_loop3A_1061 = arith.mulf %parallel_loop3A_962, %parallel_loop3A_1025 : vector<16xf32>
        %parallel_loop3A_1062 = arith.mulf %parallel_loop3A_966, %parallel_loop3A_1025 : vector<16xf32>
        %parallel_loop3A_1063 = arith.mulf %parallel_loop3A_970, %parallel_loop3A_1025 : vector<16xf32>
        %parallel_loop3A_1064 = arith.mulf %parallel_loop3A_974, %parallel_loop3A_1025 : vector<16xf32>
        %parallel_loop3A_1065 = arith.mulf %parallel_loop3A_978, %parallel_loop3A_1060 : vector<16xf32>
        %parallel_loop3A_1066 = arith.mulf %parallel_loop3A_982, %parallel_loop3A_1060 : vector<16xf32>
        %parallel_loop3A_1067 = arith.mulf %parallel_loop3A_986, %parallel_loop3A_1060 : vector<16xf32>
        %parallel_loop3A_1068 = arith.mulf %parallel_loop3A_990, %parallel_loop3A_1060 : vector<16xf32>
        %parallel_loop3A_1069 = arith.addf %parallel_loop3A_951, %parallel_loop3A_1061 : vector<16xf32>
        %parallel_loop3A_1070 = arith.addf %parallel_loop3A_952, %parallel_loop3A_1062 : vector<16xf32>
        %parallel_loop3A_1071 = arith.addf %parallel_loop3A_953, %parallel_loop3A_1063 : vector<16xf32>
        %parallel_loop3A_1072 = arith.addf %parallel_loop3A_954, %parallel_loop3A_1064 : vector<16xf32>
        %parallel_loop3A_1073 = arith.addf %parallel_loop3A_955, %parallel_loop3A_1065 : vector<16xf32>
        %parallel_loop3A_1074 = arith.addf %parallel_loop3A_956, %parallel_loop3A_1066 : vector<16xf32>
        %parallel_loop3A_1075 = arith.addf %parallel_loop3A_957, %parallel_loop3A_1067 : vector<16xf32>
        %parallel_loop3A_1076 = arith.addf %parallel_loop3A_958, %parallel_loop3A_1068 : vector<16xf32>
        %parallel_loop3A_1077 = arith.constant 1.000000e+00 : f32
        %parallel_loop3A_1078 = vector.broadcast %parallel_loop3A_1077 : f32 to vector<16xf32>
        %parallel_loop3A_1079 = arith.subf %parallel_loop3A_1078, %parallel_loop3A_1061 : vector<16xf32>
        %parallel_loop3A_1080 = arith.mulf %parallel_loop3A_962, %parallel_loop3A_1079 : vector<16xf32>
        %parallel_loop3A_1081 = arith.constant 1.000000e+00 : f32
        %parallel_loop3A_1082 = vector.broadcast %parallel_loop3A_1081 : f32 to vector<16xf32>
        %parallel_loop3A_1083 = arith.subf %parallel_loop3A_1082, %parallel_loop3A_1062 : vector<16xf32>
        %parallel_loop3A_1084 = arith.mulf %parallel_loop3A_966, %parallel_loop3A_1083 : vector<16xf32>
        %parallel_loop3A_1085 = arith.constant 1.000000e+00 : f32
        %parallel_loop3A_1086 = vector.broadcast %parallel_loop3A_1085 : f32 to vector<16xf32>
        %parallel_loop3A_1087 = arith.subf %parallel_loop3A_1086, %parallel_loop3A_1063 : vector<16xf32>
        %parallel_loop3A_1088 = arith.mulf %parallel_loop3A_970, %parallel_loop3A_1087 : vector<16xf32>
        %parallel_loop3A_1089 = arith.constant 1.000000e+00 : f32
        %parallel_loop3A_1090 = vector.broadcast %parallel_loop3A_1089 : f32 to vector<16xf32>
        %parallel_loop3A_1091 = arith.subf %parallel_loop3A_1090, %parallel_loop3A_1064 : vector<16xf32>
        %parallel_loop3A_1092 = arith.mulf %parallel_loop3A_974, %parallel_loop3A_1091 : vector<16xf32>
        %parallel_loop3A_1093 = arith.constant 1.000000e+00 : f32
        %parallel_loop3A_1094 = vector.broadcast %parallel_loop3A_1093 : f32 to vector<16xf32>
        %parallel_loop3A_1095 = arith.subf %parallel_loop3A_1094, %parallel_loop3A_1065 : vector<16xf32>
        %parallel_loop3A_1096 = arith.mulf %parallel_loop3A_978, %parallel_loop3A_1095 : vector<16xf32>
        %parallel_loop3A_1097 = arith.constant 1.000000e+00 : f32
        %parallel_loop3A_1098 = vector.broadcast %parallel_loop3A_1097 : f32 to vector<16xf32>
        %parallel_loop3A_1099 = arith.subf %parallel_loop3A_1098, %parallel_loop3A_1066 : vector<16xf32>
        %parallel_loop3A_1100 = arith.mulf %parallel_loop3A_982, %parallel_loop3A_1099 : vector<16xf32>
        %parallel_loop3A_1101 = arith.constant 1.000000e+00 : f32
        %parallel_loop3A_1102 = vector.broadcast %parallel_loop3A_1101 : f32 to vector<16xf32>
        %parallel_loop3A_1103 = arith.subf %parallel_loop3A_1102, %parallel_loop3A_1067 : vector<16xf32>
        %parallel_loop3A_1104 = arith.mulf %parallel_loop3A_986, %parallel_loop3A_1103 : vector<16xf32>
        %parallel_loop3A_1105 = arith.constant 1.000000e+00 : f32
        %parallel_loop3A_1106 = vector.broadcast %parallel_loop3A_1105 : f32 to vector<16xf32>
        %parallel_loop3A_1107 = arith.subf %parallel_loop3A_1106, %parallel_loop3A_1068 : vector<16xf32>
        %parallel_loop3A_1108 = arith.mulf %parallel_loop3A_990, %parallel_loop3A_1107 : vector<16xf32>
        %parallel_loop3A_1109 = arith.addf %parallel_loop3A_1080, %parallel_loop3A_1084 : vector<16xf32>
        %parallel_loop3A_1110 = arith.addf %parallel_loop3A_1088, %parallel_loop3A_1092 : vector<16xf32>
        %parallel_loop3A_1111 = arith.addf %parallel_loop3A_1109, %parallel_loop3A_1110 : vector<16xf32>
        %parallel_loop3A_1112 = tpu.iota {dimensions = array<i32: 0>} : vector<16xi32>
        %parallel_loop3A_1113 = arith.constant 1 : i32
        %parallel_loop3A_1114 = vector.broadcast %parallel_loop3A_1113 : i32 to vector<16xi32>
        %parallel_loop3A_1115 = arith.xori %parallel_loop3A_1112, %parallel_loop3A_1114 : vector<16xi32>
        %parallel_loop3A_1116 = vector.shape_cast %parallel_loop3A_1115 : vector<16xi32> to vector<16x1xi32>
        %parallel_loop3A_1117 = vector.shape_cast %parallel_loop3A_1116 : vector<16x1xi32> to vector<16xi32>
        %parallel_loop3A_1118 = tpu.dynamic_gather %parallel_loop3A_1111[%parallel_loop3A_1117] in [0] : vector<16xf32>, vector<16xi32> -> vector<16xf32>
        %parallel_loop3A_1119 = arith.addf %parallel_loop3A_1111, %parallel_loop3A_1118 : vector<16xf32>
        %parallel_loop3A_1120 = arith.constant 2 : i32
        %parallel_loop3A_1121 = vector.broadcast %parallel_loop3A_1120 : i32 to vector<16xi32>
        %parallel_loop3A_1122 = arith.xori %parallel_loop3A_1112, %parallel_loop3A_1121 : vector<16xi32>
        %parallel_loop3A_1123 = vector.shape_cast %parallel_loop3A_1122 : vector<16xi32> to vector<16x1xi32>
        %parallel_loop3A_1124 = vector.shape_cast %parallel_loop3A_1123 : vector<16x1xi32> to vector<16xi32>
        %parallel_loop3A_1125 = tpu.dynamic_gather %parallel_loop3A_1119[%parallel_loop3A_1124] in [0] : vector<16xf32>, vector<16xi32> -> vector<16xf32>
        %parallel_loop3A_1126 = arith.addf %parallel_loop3A_1119, %parallel_loop3A_1125 : vector<16xf32>
        %parallel_loop3A_1127 = arith.constant 4 : i32
        %parallel_loop3A_1128 = vector.broadcast %parallel_loop3A_1127 : i32 to vector<16xi32>
        %parallel_loop3A_1129 = arith.xori %parallel_loop3A_1112, %parallel_loop3A_1128 : vector<16xi32>
        %parallel_loop3A_1130 = vector.shape_cast %parallel_loop3A_1129 : vector<16xi32> to vector<16x1xi32>
        %parallel_loop3A_1131 = vector.shape_cast %parallel_loop3A_1130 : vector<16x1xi32> to vector<16xi32>
        %parallel_loop3A_1132 = tpu.dynamic_gather %parallel_loop3A_1126[%parallel_loop3A_1131] in [0] : vector<16xf32>, vector<16xi32> -> vector<16xf32>
        %parallel_loop3A_1133 = arith.addf %parallel_loop3A_1126, %parallel_loop3A_1132 : vector<16xf32>
        %parallel_loop3A_1134 = arith.constant 8 : i32
        %parallel_loop3A_1135 = vector.broadcast %parallel_loop3A_1134 : i32 to vector<16xi32>
        %parallel_loop3A_1136 = arith.xori %parallel_loop3A_1112, %parallel_loop3A_1135 : vector<16xi32>
        %parallel_loop3A_1137 = vector.shape_cast %parallel_loop3A_1136 : vector<16xi32> to vector<16x1xi32>
        %parallel_loop3A_1138 = vector.shape_cast %parallel_loop3A_1137 : vector<16x1xi32> to vector<16xi32>
        %parallel_loop3A_1139 = tpu.dynamic_gather %parallel_loop3A_1133[%parallel_loop3A_1138] in [0] : vector<16xf32>, vector<16xi32> -> vector<16xf32>
        %parallel_loop3A_1140 = arith.addf %parallel_loop3A_1133, %parallel_loop3A_1139 : vector<16xf32>
        %parallel_loop3A_1141 = arith.constant 1.000000e+00 : f32
        %parallel_loop3A_1142 = vector.broadcast %parallel_loop3A_1141 : f32 to vector<16xf32>
        %parallel_loop3A_1143 = arith.divf %parallel_loop3A_1142, %parallel_loop3A_1140 : vector<16xf32>
        %parallel_loop3A_1144 = arith.addf %parallel_loop3A_1096, %parallel_loop3A_1100 : vector<16xf32>
        %parallel_loop3A_1145 = arith.addf %parallel_loop3A_1104, %parallel_loop3A_1108 : vector<16xf32>
        %parallel_loop3A_1146 = arith.addf %parallel_loop3A_1144, %parallel_loop3A_1145 : vector<16xf32>
        %parallel_loop3A_1147 = tpu.iota {dimensions = array<i32: 0>} : vector<16xi32>
        %parallel_loop3A_1148 = arith.constant 1 : i32
        %parallel_loop3A_1149 = vector.broadcast %parallel_loop3A_1148 : i32 to vector<16xi32>
        %parallel_loop3A_1150 = arith.xori %parallel_loop3A_1147, %parallel_loop3A_1149 : vector<16xi32>
        %parallel_loop3A_1151 = vector.shape_cast %parallel_loop3A_1150 : vector<16xi32> to vector<16x1xi32>
        %parallel_loop3A_1152 = vector.shape_cast %parallel_loop3A_1151 : vector<16x1xi32> to vector<16xi32>
        %parallel_loop3A_1153 = tpu.dynamic_gather %parallel_loop3A_1146[%parallel_loop3A_1152] in [0] : vector<16xf32>, vector<16xi32> -> vector<16xf32>
        %parallel_loop3A_1154 = arith.addf %parallel_loop3A_1146, %parallel_loop3A_1153 : vector<16xf32>
        %parallel_loop3A_1155 = arith.constant 2 : i32
        %parallel_loop3A_1156 = vector.broadcast %parallel_loop3A_1155 : i32 to vector<16xi32>
        %parallel_loop3A_1157 = arith.xori %parallel_loop3A_1147, %parallel_loop3A_1156 : vector<16xi32>
        %parallel_loop3A_1158 = vector.shape_cast %parallel_loop3A_1157 : vector<16xi32> to vector<16x1xi32>
        %parallel_loop3A_1159 = vector.shape_cast %parallel_loop3A_1158 : vector<16x1xi32> to vector<16xi32>
        %parallel_loop3A_1160 = tpu.dynamic_gather %parallel_loop3A_1154[%parallel_loop3A_1159] in [0] : vector<16xf32>, vector<16xi32> -> vector<16xf32>
        %parallel_loop3A_1161 = arith.addf %parallel_loop3A_1154, %parallel_loop3A_1160 : vector<16xf32>
        %parallel_loop3A_1162 = arith.constant 4 : i32
        %parallel_loop3A_1163 = vector.broadcast %parallel_loop3A_1162 : i32 to vector<16xi32>
        %parallel_loop3A_1164 = arith.xori %parallel_loop3A_1147, %parallel_loop3A_1163 : vector<16xi32>
        %parallel_loop3A_1165 = vector.shape_cast %parallel_loop3A_1164 : vector<16xi32> to vector<16x1xi32>
        %parallel_loop3A_1166 = vector.shape_cast %parallel_loop3A_1165 : vector<16x1xi32> to vector<16xi32>
        %parallel_loop3A_1167 = tpu.dynamic_gather %parallel_loop3A_1161[%parallel_loop3A_1166] in [0] : vector<16xf32>, vector<16xi32> -> vector<16xf32>
        %parallel_loop3A_1168 = arith.addf %parallel_loop3A_1161, %parallel_loop3A_1167 : vector<16xf32>
        %parallel_loop3A_1169 = arith.constant 8 : i32
        %parallel_loop3A_1170 = vector.broadcast %parallel_loop3A_1169 : i32 to vector<16xi32>
        %parallel_loop3A_1171 = arith.xori %parallel_loop3A_1147, %parallel_loop3A_1170 : vector<16xi32>
        %parallel_loop3A_1172 = vector.shape_cast %parallel_loop3A_1171 : vector<16xi32> to vector<16x1xi32>
        %parallel_loop3A_1173 = vector.shape_cast %parallel_loop3A_1172 : vector<16x1xi32> to vector<16xi32>
        %parallel_loop3A_1174 = tpu.dynamic_gather %parallel_loop3A_1168[%parallel_loop3A_1173] in [0] : vector<16xf32>, vector<16xi32> -> vector<16xf32>
        %parallel_loop3A_1175 = arith.addf %parallel_loop3A_1168, %parallel_loop3A_1174 : vector<16xf32>
        %parallel_loop3A_1176 = arith.constant 1.000000e+00 : f32
        %parallel_loop3A_1177 = vector.broadcast %parallel_loop3A_1176 : f32 to vector<16xf32>
        %parallel_loop3A_1178 = arith.divf %parallel_loop3A_1177, %parallel_loop3A_1175 : vector<16xf32>
        %parallel_loop3A_1179 = arith.mulf %parallel_loop3A_1080, %parallel_loop3A_1143 : vector<16xf32>
        %parallel_loop3A_1180 = arith.mulf %parallel_loop3A_1084, %parallel_loop3A_1143 : vector<16xf32>
        %parallel_loop3A_1181 = arith.mulf %parallel_loop3A_1088, %parallel_loop3A_1143 : vector<16xf32>
        %parallel_loop3A_1182 = arith.mulf %parallel_loop3A_1092, %parallel_loop3A_1143 : vector<16xf32>
        %parallel_loop3A_1183 = arith.mulf %parallel_loop3A_1096, %parallel_loop3A_1178 : vector<16xf32>
        %parallel_loop3A_1184 = arith.mulf %parallel_loop3A_1100, %parallel_loop3A_1178 : vector<16xf32>
        %parallel_loop3A_1185 = arith.mulf %parallel_loop3A_1104, %parallel_loop3A_1178 : vector<16xf32>
        %parallel_loop3A_1186 = arith.mulf %parallel_loop3A_1108, %parallel_loop3A_1178 : vector<16xf32>
        %parallel_loop3A_1187 = arith.addf %parallel_loop3A_1069, %parallel_loop3A_1179 : vector<16xf32>
        %parallel_loop3A_1188 = arith.addf %parallel_loop3A_1070, %parallel_loop3A_1180 : vector<16xf32>
        %parallel_loop3A_1189 = arith.addf %parallel_loop3A_1071, %parallel_loop3A_1181 : vector<16xf32>
        %parallel_loop3A_1190 = arith.addf %parallel_loop3A_1072, %parallel_loop3A_1182 : vector<16xf32>
        %parallel_loop3A_1191 = arith.addf %parallel_loop3A_1073, %parallel_loop3A_1183 : vector<16xf32>
        %parallel_loop3A_1192 = arith.addf %parallel_loop3A_1074, %parallel_loop3A_1184 : vector<16xf32>
        %parallel_loop3A_1193 = arith.addf %parallel_loop3A_1075, %parallel_loop3A_1185 : vector<16xf32>
        %parallel_loop3A_1194 = arith.addf %parallel_loop3A_1076, %parallel_loop3A_1186 : vector<16xf32>
        %parallel_loop3A_1195 = arith.constant 1.000000e+00 : f32
        %parallel_loop3A_1196 = vector.broadcast %parallel_loop3A_1195 : f32 to vector<16xf32>
        %parallel_loop3A_1197 = arith.subf %parallel_loop3A_1196, %parallel_loop3A_1179 : vector<16xf32>
        %parallel_loop3A_1198 = arith.mulf %parallel_loop3A_1080, %parallel_loop3A_1197 : vector<16xf32>
        %parallel_loop3A_1199 = arith.constant 1.000000e+00 : f32
        %parallel_loop3A_1200 = vector.broadcast %parallel_loop3A_1199 : f32 to vector<16xf32>
        %parallel_loop3A_1201 = arith.subf %parallel_loop3A_1200, %parallel_loop3A_1180 : vector<16xf32>
        %parallel_loop3A_1202 = arith.mulf %parallel_loop3A_1084, %parallel_loop3A_1201 : vector<16xf32>
        %parallel_loop3A_1203 = arith.constant 1.000000e+00 : f32
        %parallel_loop3A_1204 = vector.broadcast %parallel_loop3A_1203 : f32 to vector<16xf32>
        %parallel_loop3A_1205 = arith.subf %parallel_loop3A_1204, %parallel_loop3A_1181 : vector<16xf32>
        %parallel_loop3A_1206 = arith.mulf %parallel_loop3A_1088, %parallel_loop3A_1205 : vector<16xf32>
        %parallel_loop3A_1207 = arith.constant 1.000000e+00 : f32
        %parallel_loop3A_1208 = vector.broadcast %parallel_loop3A_1207 : f32 to vector<16xf32>
        %parallel_loop3A_1209 = arith.subf %parallel_loop3A_1208, %parallel_loop3A_1182 : vector<16xf32>
        %parallel_loop3A_1210 = arith.mulf %parallel_loop3A_1092, %parallel_loop3A_1209 : vector<16xf32>
        %parallel_loop3A_1211 = arith.constant 1.000000e+00 : f32
        %parallel_loop3A_1212 = vector.broadcast %parallel_loop3A_1211 : f32 to vector<16xf32>
        %parallel_loop3A_1213 = arith.subf %parallel_loop3A_1212, %parallel_loop3A_1183 : vector<16xf32>
        %parallel_loop3A_1214 = arith.mulf %parallel_loop3A_1096, %parallel_loop3A_1213 : vector<16xf32>
        %parallel_loop3A_1215 = arith.constant 1.000000e+00 : f32
        %parallel_loop3A_1216 = vector.broadcast %parallel_loop3A_1215 : f32 to vector<16xf32>
        %parallel_loop3A_1217 = arith.subf %parallel_loop3A_1216, %parallel_loop3A_1184 : vector<16xf32>
        %parallel_loop3A_1218 = arith.mulf %parallel_loop3A_1100, %parallel_loop3A_1217 : vector<16xf32>
        %parallel_loop3A_1219 = arith.constant 1.000000e+00 : f32
        %parallel_loop3A_1220 = vector.broadcast %parallel_loop3A_1219 : f32 to vector<16xf32>
        %parallel_loop3A_1221 = arith.subf %parallel_loop3A_1220, %parallel_loop3A_1185 : vector<16xf32>
        %parallel_loop3A_1222 = arith.mulf %parallel_loop3A_1104, %parallel_loop3A_1221 : vector<16xf32>
        %parallel_loop3A_1223 = arith.constant 1.000000e+00 : f32
        %parallel_loop3A_1224 = vector.broadcast %parallel_loop3A_1223 : f32 to vector<16xf32>
        %parallel_loop3A_1225 = arith.subf %parallel_loop3A_1224, %parallel_loop3A_1186 : vector<16xf32>
        %parallel_loop3A_1226 = arith.mulf %parallel_loop3A_1108, %parallel_loop3A_1225 : vector<16xf32>
        %parallel_loop3A_1227 = arith.addf %parallel_loop3A_1198, %parallel_loop3A_1202 : vector<16xf32>
        %parallel_loop3A_1228 = arith.addf %parallel_loop3A_1206, %parallel_loop3A_1210 : vector<16xf32>
        %parallel_loop3A_1229 = arith.addf %parallel_loop3A_1227, %parallel_loop3A_1228 : vector<16xf32>
        %parallel_loop3A_1230 = tpu.iota {dimensions = array<i32: 0>} : vector<16xi32>
        %parallel_loop3A_1231 = arith.constant 1 : i32
        %parallel_loop3A_1232 = vector.broadcast %parallel_loop3A_1231 : i32 to vector<16xi32>
        %parallel_loop3A_1233 = arith.xori %parallel_loop3A_1230, %parallel_loop3A_1232 : vector<16xi32>
        %parallel_loop3A_1234 = vector.shape_cast %parallel_loop3A_1233 : vector<16xi32> to vector<16x1xi32>
        %parallel_loop3A_1235 = vector.shape_cast %parallel_loop3A_1234 : vector<16x1xi32> to vector<16xi32>
        %parallel_loop3A_1236 = tpu.dynamic_gather %parallel_loop3A_1229[%parallel_loop3A_1235] in [0] : vector<16xf32>, vector<16xi32> -> vector<16xf32>
        %parallel_loop3A_1237 = arith.addf %parallel_loop3A_1229, %parallel_loop3A_1236 : vector<16xf32>
        %parallel_loop3A_1238 = arith.constant 2 : i32
        %parallel_loop3A_1239 = vector.broadcast %parallel_loop3A_1238 : i32 to vector<16xi32>
        %parallel_loop3A_1240 = arith.xori %parallel_loop3A_1230, %parallel_loop3A_1239 : vector<16xi32>
        %parallel_loop3A_1241 = vector.shape_cast %parallel_loop3A_1240 : vector<16xi32> to vector<16x1xi32>
        %parallel_loop3A_1242 = vector.shape_cast %parallel_loop3A_1241 : vector<16x1xi32> to vector<16xi32>
        %parallel_loop3A_1243 = tpu.dynamic_gather %parallel_loop3A_1237[%parallel_loop3A_1242] in [0] : vector<16xf32>, vector<16xi32> -> vector<16xf32>
        %parallel_loop3A_1244 = arith.addf %parallel_loop3A_1237, %parallel_loop3A_1243 : vector<16xf32>
        %parallel_loop3A_1245 = arith.constant 4 : i32
        %parallel_loop3A_1246 = vector.broadcast %parallel_loop3A_1245 : i32 to vector<16xi32>
        %parallel_loop3A_1247 = arith.xori %parallel_loop3A_1230, %parallel_loop3A_1246 : vector<16xi32>
        %parallel_loop3A_1248 = vector.shape_cast %parallel_loop3A_1247 : vector<16xi32> to vector<16x1xi32>
        %parallel_loop3A_1249 = vector.shape_cast %parallel_loop3A_1248 : vector<16x1xi32> to vector<16xi32>
        %parallel_loop3A_1250 = tpu.dynamic_gather %parallel_loop3A_1244[%parallel_loop3A_1249] in [0] : vector<16xf32>, vector<16xi32> -> vector<16xf32>
        %parallel_loop3A_1251 = arith.addf %parallel_loop3A_1244, %parallel_loop3A_1250 : vector<16xf32>
        %parallel_loop3A_1252 = arith.constant 8 : i32
        %parallel_loop3A_1253 = vector.broadcast %parallel_loop3A_1252 : i32 to vector<16xi32>
        %parallel_loop3A_1254 = arith.xori %parallel_loop3A_1230, %parallel_loop3A_1253 : vector<16xi32>
        %parallel_loop3A_1255 = vector.shape_cast %parallel_loop3A_1254 : vector<16xi32> to vector<16x1xi32>
        %parallel_loop3A_1256 = vector.shape_cast %parallel_loop3A_1255 : vector<16x1xi32> to vector<16xi32>
        %parallel_loop3A_1257 = tpu.dynamic_gather %parallel_loop3A_1251[%parallel_loop3A_1256] in [0] : vector<16xf32>, vector<16xi32> -> vector<16xf32>
        %parallel_loop3A_1258 = arith.addf %parallel_loop3A_1251, %parallel_loop3A_1257 : vector<16xf32>
        %parallel_loop3A_1259 = arith.constant 1.000000e+00 : f32
        %parallel_loop3A_1260 = vector.broadcast %parallel_loop3A_1259 : f32 to vector<16xf32>
        %parallel_loop3A_1261 = arith.divf %parallel_loop3A_1260, %parallel_loop3A_1258 : vector<16xf32>
        %parallel_loop3A_1262 = arith.addf %parallel_loop3A_1214, %parallel_loop3A_1218 : vector<16xf32>
        %parallel_loop3A_1263 = arith.addf %parallel_loop3A_1222, %parallel_loop3A_1226 : vector<16xf32>
        %parallel_loop3A_1264 = arith.addf %parallel_loop3A_1262, %parallel_loop3A_1263 : vector<16xf32>
        %parallel_loop3A_1265 = tpu.iota {dimensions = array<i32: 0>} : vector<16xi32>
        %parallel_loop3A_1266 = arith.constant 1 : i32
        %parallel_loop3A_1267 = vector.broadcast %parallel_loop3A_1266 : i32 to vector<16xi32>
        %parallel_loop3A_1268 = arith.xori %parallel_loop3A_1265, %parallel_loop3A_1267 : vector<16xi32>
        %parallel_loop3A_1269 = vector.shape_cast %parallel_loop3A_1268 : vector<16xi32> to vector<16x1xi32>
        %parallel_loop3A_1270 = vector.shape_cast %parallel_loop3A_1269 : vector<16x1xi32> to vector<16xi32>
        %parallel_loop3A_1271 = tpu.dynamic_gather %parallel_loop3A_1264[%parallel_loop3A_1270] in [0] : vector<16xf32>, vector<16xi32> -> vector<16xf32>
        %parallel_loop3A_1272 = arith.addf %parallel_loop3A_1264, %parallel_loop3A_1271 : vector<16xf32>
        %parallel_loop3A_1273 = arith.constant 2 : i32
        %parallel_loop3A_1274 = vector.broadcast %parallel_loop3A_1273 : i32 to vector<16xi32>
        %parallel_loop3A_1275 = arith.xori %parallel_loop3A_1265, %parallel_loop3A_1274 : vector<16xi32>
        %parallel_loop3A_1276 = vector.shape_cast %parallel_loop3A_1275 : vector<16xi32> to vector<16x1xi32>
        %parallel_loop3A_1277 = vector.shape_cast %parallel_loop3A_1276 : vector<16x1xi32> to vector<16xi32>
        %parallel_loop3A_1278 = tpu.dynamic_gather %parallel_loop3A_1272[%parallel_loop3A_1277] in [0] : vector<16xf32>, vector<16xi32> -> vector<16xf32>
        %parallel_loop3A_1279 = arith.addf %parallel_loop3A_1272, %parallel_loop3A_1278 : vector<16xf32>
        %parallel_loop3A_1280 = arith.constant 4 : i32
        %parallel_loop3A_1281 = vector.broadcast %parallel_loop3A_1280 : i32 to vector<16xi32>
        %parallel_loop3A_1282 = arith.xori %parallel_loop3A_1265, %parallel_loop3A_1281 : vector<16xi32>
        %parallel_loop3A_1283 = vector.shape_cast %parallel_loop3A_1282 : vector<16xi32> to vector<16x1xi32>
        %parallel_loop3A_1284 = vector.shape_cast %parallel_loop3A_1283 : vector<16x1xi32> to vector<16xi32>
        %parallel_loop3A_1285 = tpu.dynamic_gather %parallel_loop3A_1279[%parallel_loop3A_1284] in [0] : vector<16xf32>, vector<16xi32> -> vector<16xf32>
        %parallel_loop3A_1286 = arith.addf %parallel_loop3A_1279, %parallel_loop3A_1285 : vector<16xf32>
        %parallel_loop3A_1287 = arith.constant 8 : i32
        %parallel_loop3A_1288 = vector.broadcast %parallel_loop3A_1287 : i32 to vector<16xi32>
        %parallel_loop3A_1289 = arith.xori %parallel_loop3A_1265, %parallel_loop3A_1288 : vector<16xi32>
        %parallel_loop3A_1290 = vector.shape_cast %parallel_loop3A_1289 : vector<16xi32> to vector<16x1xi32>
        %parallel_loop3A_1291 = vector.shape_cast %parallel_loop3A_1290 : vector<16x1xi32> to vector<16xi32>
        %parallel_loop3A_1292 = tpu.dynamic_gather %parallel_loop3A_1286[%parallel_loop3A_1291] in [0] : vector<16xf32>, vector<16xi32> -> vector<16xf32>
        %parallel_loop3A_1293 = arith.addf %parallel_loop3A_1286, %parallel_loop3A_1292 : vector<16xf32>
        %parallel_loop3A_1294 = arith.constant 1.000000e+00 : f32
        %parallel_loop3A_1295 = vector.broadcast %parallel_loop3A_1294 : f32 to vector<16xf32>
        %parallel_loop3A_1296 = arith.divf %parallel_loop3A_1295, %parallel_loop3A_1293 : vector<16xf32>
        %parallel_loop3A_1297 = arith.mulf %parallel_loop3A_1198, %parallel_loop3A_1261 : vector<16xf32>
        %parallel_loop3A_1298 = arith.mulf %parallel_loop3A_1202, %parallel_loop3A_1261 : vector<16xf32>
        %parallel_loop3A_1299 = arith.mulf %parallel_loop3A_1206, %parallel_loop3A_1261 : vector<16xf32>
        %parallel_loop3A_1300 = arith.mulf %parallel_loop3A_1210, %parallel_loop3A_1261 : vector<16xf32>
        %parallel_loop3A_1301 = arith.mulf %parallel_loop3A_1214, %parallel_loop3A_1296 : vector<16xf32>
        %parallel_loop3A_1302 = arith.mulf %parallel_loop3A_1218, %parallel_loop3A_1296 : vector<16xf32>
        %parallel_loop3A_1303 = arith.mulf %parallel_loop3A_1222, %parallel_loop3A_1296 : vector<16xf32>
        %parallel_loop3A_1304 = arith.mulf %parallel_loop3A_1226, %parallel_loop3A_1296 : vector<16xf32>
        %parallel_loop3A_1305 = arith.addf %parallel_loop3A_1187, %parallel_loop3A_1297 : vector<16xf32>
        %parallel_loop3A_1306 = arith.addf %parallel_loop3A_1188, %parallel_loop3A_1298 : vector<16xf32>
        %parallel_loop3A_1307 = arith.addf %parallel_loop3A_1189, %parallel_loop3A_1299 : vector<16xf32>
        %parallel_loop3A_1308 = arith.addf %parallel_loop3A_1190, %parallel_loop3A_1300 : vector<16xf32>
        %parallel_loop3A_1309 = arith.addf %parallel_loop3A_1191, %parallel_loop3A_1301 : vector<16xf32>
        %parallel_loop3A_1310 = arith.addf %parallel_loop3A_1192, %parallel_loop3A_1302 : vector<16xf32>
        %parallel_loop3A_1311 = arith.addf %parallel_loop3A_1193, %parallel_loop3A_1303 : vector<16xf32>
        %parallel_loop3A_1312 = arith.addf %parallel_loop3A_1194, %parallel_loop3A_1304 : vector<16xf32>
        %parallel_loop3A_1313 = arith.constant 1.000000e+00 : f32
        %parallel_loop3A_1314 = vector.broadcast %parallel_loop3A_1313 : f32 to vector<16xf32>
        %parallel_loop3A_1315 = arith.subf %parallel_loop3A_1314, %parallel_loop3A_1297 : vector<16xf32>
        %parallel_loop3A_1316 = arith.mulf %parallel_loop3A_1198, %parallel_loop3A_1315 : vector<16xf32>
        %parallel_loop3A_1317 = arith.constant 1.000000e+00 : f32
        %parallel_loop3A_1318 = vector.broadcast %parallel_loop3A_1317 : f32 to vector<16xf32>
        %parallel_loop3A_1319 = arith.subf %parallel_loop3A_1318, %parallel_loop3A_1298 : vector<16xf32>
        %parallel_loop3A_1320 = arith.mulf %parallel_loop3A_1202, %parallel_loop3A_1319 : vector<16xf32>
        %parallel_loop3A_1321 = arith.constant 1.000000e+00 : f32
        %parallel_loop3A_1322 = vector.broadcast %parallel_loop3A_1321 : f32 to vector<16xf32>
        %parallel_loop3A_1323 = arith.subf %parallel_loop3A_1322, %parallel_loop3A_1299 : vector<16xf32>
        %parallel_loop3A_1324 = arith.mulf %parallel_loop3A_1206, %parallel_loop3A_1323 : vector<16xf32>
        %parallel_loop3A_1325 = arith.constant 1.000000e+00 : f32
        %parallel_loop3A_1326 = vector.broadcast %parallel_loop3A_1325 : f32 to vector<16xf32>
        %parallel_loop3A_1327 = arith.subf %parallel_loop3A_1326, %parallel_loop3A_1300 : vector<16xf32>
        %parallel_loop3A_1328 = arith.mulf %parallel_loop3A_1210, %parallel_loop3A_1327 : vector<16xf32>
        %parallel_loop3A_1329 = arith.constant 1.000000e+00 : f32
        %parallel_loop3A_1330 = vector.broadcast %parallel_loop3A_1329 : f32 to vector<16xf32>
        %parallel_loop3A_1331 = arith.subf %parallel_loop3A_1330, %parallel_loop3A_1301 : vector<16xf32>
        %parallel_loop3A_1332 = arith.mulf %parallel_loop3A_1214, %parallel_loop3A_1331 : vector<16xf32>
        %parallel_loop3A_1333 = arith.constant 1.000000e+00 : f32
        %parallel_loop3A_1334 = vector.broadcast %parallel_loop3A_1333 : f32 to vector<16xf32>
        %parallel_loop3A_1335 = arith.subf %parallel_loop3A_1334, %parallel_loop3A_1302 : vector<16xf32>
        %parallel_loop3A_1336 = arith.mulf %parallel_loop3A_1218, %parallel_loop3A_1335 : vector<16xf32>
        %parallel_loop3A_1337 = arith.constant 1.000000e+00 : f32
        %parallel_loop3A_1338 = vector.broadcast %parallel_loop3A_1337 : f32 to vector<16xf32>
        %parallel_loop3A_1339 = arith.subf %parallel_loop3A_1338, %parallel_loop3A_1303 : vector<16xf32>
        %parallel_loop3A_1340 = arith.mulf %parallel_loop3A_1222, %parallel_loop3A_1339 : vector<16xf32>
        %parallel_loop3A_1341 = arith.constant 1.000000e+00 : f32
        %parallel_loop3A_1342 = vector.broadcast %parallel_loop3A_1341 : f32 to vector<16xf32>
        %parallel_loop3A_1343 = arith.subf %parallel_loop3A_1342, %parallel_loop3A_1304 : vector<16xf32>
        %parallel_loop3A_1344 = arith.mulf %parallel_loop3A_1226, %parallel_loop3A_1343 : vector<16xf32>
        %parallel_loop3A_1345 = arith.addf %parallel_loop3A_1316, %parallel_loop3A_1320 : vector<16xf32>
        %parallel_loop3A_1346 = arith.addf %parallel_loop3A_1324, %parallel_loop3A_1328 : vector<16xf32>
        %parallel_loop3A_1347 = arith.addf %parallel_loop3A_1345, %parallel_loop3A_1346 : vector<16xf32>
        %parallel_loop3A_1348 = tpu.iota {dimensions = array<i32: 0>} : vector<16xi32>
        %parallel_loop3A_1349 = arith.constant 1 : i32
        %parallel_loop3A_1350 = vector.broadcast %parallel_loop3A_1349 : i32 to vector<16xi32>
        %parallel_loop3A_1351 = arith.xori %parallel_loop3A_1348, %parallel_loop3A_1350 : vector<16xi32>
        %parallel_loop3A_1352 = vector.shape_cast %parallel_loop3A_1351 : vector<16xi32> to vector<16x1xi32>
        %parallel_loop3A_1353 = vector.shape_cast %parallel_loop3A_1352 : vector<16x1xi32> to vector<16xi32>
        %parallel_loop3A_1354 = tpu.dynamic_gather %parallel_loop3A_1347[%parallel_loop3A_1353] in [0] : vector<16xf32>, vector<16xi32> -> vector<16xf32>
        %parallel_loop3A_1355 = arith.addf %parallel_loop3A_1347, %parallel_loop3A_1354 : vector<16xf32>
        %parallel_loop3A_1356 = arith.constant 2 : i32
        %parallel_loop3A_1357 = vector.broadcast %parallel_loop3A_1356 : i32 to vector<16xi32>
        %parallel_loop3A_1358 = arith.xori %parallel_loop3A_1348, %parallel_loop3A_1357 : vector<16xi32>
        %parallel_loop3A_1359 = vector.shape_cast %parallel_loop3A_1358 : vector<16xi32> to vector<16x1xi32>
        %parallel_loop3A_1360 = vector.shape_cast %parallel_loop3A_1359 : vector<16x1xi32> to vector<16xi32>
        %parallel_loop3A_1361 = tpu.dynamic_gather %parallel_loop3A_1355[%parallel_loop3A_1360] in [0] : vector<16xf32>, vector<16xi32> -> vector<16xf32>
        %parallel_loop3A_1362 = arith.addf %parallel_loop3A_1355, %parallel_loop3A_1361 : vector<16xf32>
        %parallel_loop3A_1363 = arith.constant 4 : i32
        %parallel_loop3A_1364 = vector.broadcast %parallel_loop3A_1363 : i32 to vector<16xi32>
        %parallel_loop3A_1365 = arith.xori %parallel_loop3A_1348, %parallel_loop3A_1364 : vector<16xi32>
        %parallel_loop3A_1366 = vector.shape_cast %parallel_loop3A_1365 : vector<16xi32> to vector<16x1xi32>
        %parallel_loop3A_1367 = vector.shape_cast %parallel_loop3A_1366 : vector<16x1xi32> to vector<16xi32>
        %parallel_loop3A_1368 = tpu.dynamic_gather %parallel_loop3A_1362[%parallel_loop3A_1367] in [0] : vector<16xf32>, vector<16xi32> -> vector<16xf32>
        %parallel_loop3A_1369 = arith.addf %parallel_loop3A_1362, %parallel_loop3A_1368 : vector<16xf32>
        %parallel_loop3A_1370 = arith.constant 8 : i32
        %parallel_loop3A_1371 = vector.broadcast %parallel_loop3A_1370 : i32 to vector<16xi32>
        %parallel_loop3A_1372 = arith.xori %parallel_loop3A_1348, %parallel_loop3A_1371 : vector<16xi32>
        %parallel_loop3A_1373 = vector.shape_cast %parallel_loop3A_1372 : vector<16xi32> to vector<16x1xi32>
        %parallel_loop3A_1374 = vector.shape_cast %parallel_loop3A_1373 : vector<16x1xi32> to vector<16xi32>
        %parallel_loop3A_1375 = tpu.dynamic_gather %parallel_loop3A_1369[%parallel_loop3A_1374] in [0] : vector<16xf32>, vector<16xi32> -> vector<16xf32>
        %parallel_loop3A_1376 = arith.addf %parallel_loop3A_1369, %parallel_loop3A_1375 : vector<16xf32>
        %parallel_loop3A_1377 = arith.constant 1.000000e+00 : f32
        %parallel_loop3A_1378 = vector.broadcast %parallel_loop3A_1377 : f32 to vector<16xf32>
        %parallel_loop3A_1379 = arith.divf %parallel_loop3A_1378, %parallel_loop3A_1376 : vector<16xf32>
        %parallel_loop3A_1380 = arith.addf %parallel_loop3A_1332, %parallel_loop3A_1336 : vector<16xf32>
        %parallel_loop3A_1381 = arith.addf %parallel_loop3A_1340, %parallel_loop3A_1344 : vector<16xf32>
        %parallel_loop3A_1382 = arith.addf %parallel_loop3A_1380, %parallel_loop3A_1381 : vector<16xf32>
        %parallel_loop3A_1383 = tpu.iota {dimensions = array<i32: 0>} : vector<16xi32>
        %parallel_loop3A_1384 = arith.constant 1 : i32
        %parallel_loop3A_1385 = vector.broadcast %parallel_loop3A_1384 : i32 to vector<16xi32>
        %parallel_loop3A_1386 = arith.xori %parallel_loop3A_1383, %parallel_loop3A_1385 : vector<16xi32>
        %parallel_loop3A_1387 = vector.shape_cast %parallel_loop3A_1386 : vector<16xi32> to vector<16x1xi32>
        %parallel_loop3A_1388 = vector.shape_cast %parallel_loop3A_1387 : vector<16x1xi32> to vector<16xi32>
        %parallel_loop3A_1389 = tpu.dynamic_gather %parallel_loop3A_1382[%parallel_loop3A_1388] in [0] : vector<16xf32>, vector<16xi32> -> vector<16xf32>
        %parallel_loop3A_1390 = arith.addf %parallel_loop3A_1382, %parallel_loop3A_1389 : vector<16xf32>
        %parallel_loop3A_1391 = arith.constant 2 : i32
        %parallel_loop3A_1392 = vector.broadcast %parallel_loop3A_1391 : i32 to vector<16xi32>
        %parallel_loop3A_1393 = arith.xori %parallel_loop3A_1383, %parallel_loop3A_1392 : vector<16xi32>
        %parallel_loop3A_1394 = vector.shape_cast %parallel_loop3A_1393 : vector<16xi32> to vector<16x1xi32>
        %parallel_loop3A_1395 = vector.shape_cast %parallel_loop3A_1394 : vector<16x1xi32> to vector<16xi32>
        %parallel_loop3A_1396 = tpu.dynamic_gather %parallel_loop3A_1390[%parallel_loop3A_1395] in [0] : vector<16xf32>, vector<16xi32> -> vector<16xf32>
        %parallel_loop3A_1397 = arith.addf %parallel_loop3A_1390, %parallel_loop3A_1396 : vector<16xf32>
        %parallel_loop3A_1398 = arith.constant 4 : i32
        %parallel_loop3A_1399 = vector.broadcast %parallel_loop3A_1398 : i32 to vector<16xi32>
        %parallel_loop3A_1400 = arith.xori %parallel_loop3A_1383, %parallel_loop3A_1399 : vector<16xi32>
        %parallel_loop3A_1401 = vector.shape_cast %parallel_loop3A_1400 : vector<16xi32> to vector<16x1xi32>
        %parallel_loop3A_1402 = vector.shape_cast %parallel_loop3A_1401 : vector<16x1xi32> to vector<16xi32>
        %parallel_loop3A_1403 = tpu.dynamic_gather %parallel_loop3A_1397[%parallel_loop3A_1402] in [0] : vector<16xf32>, vector<16xi32> -> vector<16xf32>
        %parallel_loop3A_1404 = arith.addf %parallel_loop3A_1397, %parallel_loop3A_1403 : vector<16xf32>
        %parallel_loop3A_1405 = arith.constant 8 : i32
        %parallel_loop3A_1406 = vector.broadcast %parallel_loop3A_1405 : i32 to vector<16xi32>
        %parallel_loop3A_1407 = arith.xori %parallel_loop3A_1383, %parallel_loop3A_1406 : vector<16xi32>
        %parallel_loop3A_1408 = vector.shape_cast %parallel_loop3A_1407 : vector<16xi32> to vector<16x1xi32>
        %parallel_loop3A_1409 = vector.shape_cast %parallel_loop3A_1408 : vector<16x1xi32> to vector<16xi32>
        %parallel_loop3A_1410 = tpu.dynamic_gather %parallel_loop3A_1404[%parallel_loop3A_1409] in [0] : vector<16xf32>, vector<16xi32> -> vector<16xf32>
        %parallel_loop3A_1411 = arith.addf %parallel_loop3A_1404, %parallel_loop3A_1410 : vector<16xf32>
        %parallel_loop3A_1412 = arith.constant 1.000000e+00 : f32
        %parallel_loop3A_1413 = vector.broadcast %parallel_loop3A_1412 : f32 to vector<16xf32>
        %parallel_loop3A_1414 = arith.divf %parallel_loop3A_1413, %parallel_loop3A_1411 : vector<16xf32>
        %parallel_loop3A_1415 = arith.mulf %parallel_loop3A_1316, %parallel_loop3A_1379 : vector<16xf32>
        %parallel_loop3A_1416 = arith.mulf %parallel_loop3A_1320, %parallel_loop3A_1379 : vector<16xf32>
        %parallel_loop3A_1417 = arith.mulf %parallel_loop3A_1324, %parallel_loop3A_1379 : vector<16xf32>
        %parallel_loop3A_1418 = arith.mulf %parallel_loop3A_1328, %parallel_loop3A_1379 : vector<16xf32>
        %parallel_loop3A_1419 = arith.mulf %parallel_loop3A_1332, %parallel_loop3A_1414 : vector<16xf32>
        %parallel_loop3A_1420 = arith.mulf %parallel_loop3A_1336, %parallel_loop3A_1414 : vector<16xf32>
        %parallel_loop3A_1421 = arith.mulf %parallel_loop3A_1340, %parallel_loop3A_1414 : vector<16xf32>
        %parallel_loop3A_1422 = arith.mulf %parallel_loop3A_1344, %parallel_loop3A_1414 : vector<16xf32>
        %parallel_loop3A_1423 = arith.addf %parallel_loop3A_1305, %parallel_loop3A_1415 : vector<16xf32>
        %parallel_loop3A_1424 = arith.addf %parallel_loop3A_1306, %parallel_loop3A_1416 : vector<16xf32>
        %parallel_loop3A_1425 = arith.addf %parallel_loop3A_1307, %parallel_loop3A_1417 : vector<16xf32>
        %parallel_loop3A_1426 = arith.addf %parallel_loop3A_1308, %parallel_loop3A_1418 : vector<16xf32>
        %parallel_loop3A_1427 = arith.addf %parallel_loop3A_1309, %parallel_loop3A_1419 : vector<16xf32>
        %parallel_loop3A_1428 = arith.addf %parallel_loop3A_1310, %parallel_loop3A_1420 : vector<16xf32>
        %parallel_loop3A_1429 = arith.addf %parallel_loop3A_1311, %parallel_loop3A_1421 : vector<16xf32>
        %parallel_loop3A_1430 = arith.addf %parallel_loop3A_1312, %parallel_loop3A_1422 : vector<16xf32>
        %parallel_loop3A_1431 = arith.constant 1.000000e+00 : f32
        %parallel_loop3A_1432 = vector.broadcast %parallel_loop3A_1431 : f32 to vector<16xf32>
        %parallel_loop3A_1433 = arith.subf %parallel_loop3A_1432, %parallel_loop3A_1415 : vector<16xf32>
        %parallel_loop3A_1434 = arith.mulf %parallel_loop3A_1316, %parallel_loop3A_1433 : vector<16xf32>
        %parallel_loop3A_1435 = arith.constant 1.000000e+00 : f32
        %parallel_loop3A_1436 = vector.broadcast %parallel_loop3A_1435 : f32 to vector<16xf32>
        %parallel_loop3A_1437 = arith.subf %parallel_loop3A_1436, %parallel_loop3A_1416 : vector<16xf32>
        %parallel_loop3A_1438 = arith.mulf %parallel_loop3A_1320, %parallel_loop3A_1437 : vector<16xf32>
        %parallel_loop3A_1439 = arith.constant 1.000000e+00 : f32
        %parallel_loop3A_1440 = vector.broadcast %parallel_loop3A_1439 : f32 to vector<16xf32>
        %parallel_loop3A_1441 = arith.subf %parallel_loop3A_1440, %parallel_loop3A_1417 : vector<16xf32>
        %parallel_loop3A_1442 = arith.mulf %parallel_loop3A_1324, %parallel_loop3A_1441 : vector<16xf32>
        %parallel_loop3A_1443 = arith.constant 1.000000e+00 : f32
        %parallel_loop3A_1444 = vector.broadcast %parallel_loop3A_1443 : f32 to vector<16xf32>
        %parallel_loop3A_1445 = arith.subf %parallel_loop3A_1444, %parallel_loop3A_1418 : vector<16xf32>
        %parallel_loop3A_1446 = arith.mulf %parallel_loop3A_1328, %parallel_loop3A_1445 : vector<16xf32>
        %parallel_loop3A_1447 = arith.constant 1.000000e+00 : f32
        %parallel_loop3A_1448 = vector.broadcast %parallel_loop3A_1447 : f32 to vector<16xf32>
        %parallel_loop3A_1449 = arith.subf %parallel_loop3A_1448, %parallel_loop3A_1419 : vector<16xf32>
        %parallel_loop3A_1450 = arith.mulf %parallel_loop3A_1332, %parallel_loop3A_1449 : vector<16xf32>
        %parallel_loop3A_1451 = arith.constant 1.000000e+00 : f32
        %parallel_loop3A_1452 = vector.broadcast %parallel_loop3A_1451 : f32 to vector<16xf32>
        %parallel_loop3A_1453 = arith.subf %parallel_loop3A_1452, %parallel_loop3A_1420 : vector<16xf32>
        %parallel_loop3A_1454 = arith.mulf %parallel_loop3A_1336, %parallel_loop3A_1453 : vector<16xf32>
        %parallel_loop3A_1455 = arith.constant 1.000000e+00 : f32
        %parallel_loop3A_1456 = vector.broadcast %parallel_loop3A_1455 : f32 to vector<16xf32>
        %parallel_loop3A_1457 = arith.subf %parallel_loop3A_1456, %parallel_loop3A_1421 : vector<16xf32>
        %parallel_loop3A_1458 = arith.mulf %parallel_loop3A_1340, %parallel_loop3A_1457 : vector<16xf32>
        %parallel_loop3A_1459 = arith.constant 1.000000e+00 : f32
        %parallel_loop3A_1460 = vector.broadcast %parallel_loop3A_1459 : f32 to vector<16xf32>
        %parallel_loop3A_1461 = arith.subf %parallel_loop3A_1460, %parallel_loop3A_1422 : vector<16xf32>
        %parallel_loop3A_1462 = arith.mulf %parallel_loop3A_1344, %parallel_loop3A_1461 : vector<16xf32>
        %parallel_loop3A_1463 = arith.addf %parallel_loop3A_1434, %parallel_loop3A_1438 : vector<16xf32>
        %parallel_loop3A_1464 = arith.addf %parallel_loop3A_1442, %parallel_loop3A_1446 : vector<16xf32>
        %parallel_loop3A_1465 = arith.addf %parallel_loop3A_1463, %parallel_loop3A_1464 : vector<16xf32>
        %parallel_loop3A_1466 = tpu.iota {dimensions = array<i32: 0>} : vector<16xi32>
        %parallel_loop3A_1467 = arith.constant 1 : i32
        %parallel_loop3A_1468 = vector.broadcast %parallel_loop3A_1467 : i32 to vector<16xi32>
        %parallel_loop3A_1469 = arith.xori %parallel_loop3A_1466, %parallel_loop3A_1468 : vector<16xi32>
        %parallel_loop3A_1470 = vector.shape_cast %parallel_loop3A_1469 : vector<16xi32> to vector<16x1xi32>
        %parallel_loop3A_1471 = vector.shape_cast %parallel_loop3A_1470 : vector<16x1xi32> to vector<16xi32>
        %parallel_loop3A_1472 = tpu.dynamic_gather %parallel_loop3A_1465[%parallel_loop3A_1471] in [0] : vector<16xf32>, vector<16xi32> -> vector<16xf32>
        %parallel_loop3A_1473 = arith.addf %parallel_loop3A_1465, %parallel_loop3A_1472 : vector<16xf32>
        %parallel_loop3A_1474 = arith.constant 2 : i32
        %parallel_loop3A_1475 = vector.broadcast %parallel_loop3A_1474 : i32 to vector<16xi32>
        %parallel_loop3A_1476 = arith.xori %parallel_loop3A_1466, %parallel_loop3A_1475 : vector<16xi32>
        %parallel_loop3A_1477 = vector.shape_cast %parallel_loop3A_1476 : vector<16xi32> to vector<16x1xi32>
        %parallel_loop3A_1478 = vector.shape_cast %parallel_loop3A_1477 : vector<16x1xi32> to vector<16xi32>
        %parallel_loop3A_1479 = tpu.dynamic_gather %parallel_loop3A_1473[%parallel_loop3A_1478] in [0] : vector<16xf32>, vector<16xi32> -> vector<16xf32>
        %parallel_loop3A_1480 = arith.addf %parallel_loop3A_1473, %parallel_loop3A_1479 : vector<16xf32>
        %parallel_loop3A_1481 = arith.constant 4 : i32
        %parallel_loop3A_1482 = vector.broadcast %parallel_loop3A_1481 : i32 to vector<16xi32>
        %parallel_loop3A_1483 = arith.xori %parallel_loop3A_1466, %parallel_loop3A_1482 : vector<16xi32>
        %parallel_loop3A_1484 = vector.shape_cast %parallel_loop3A_1483 : vector<16xi32> to vector<16x1xi32>
        %parallel_loop3A_1485 = vector.shape_cast %parallel_loop3A_1484 : vector<16x1xi32> to vector<16xi32>
        %parallel_loop3A_1486 = tpu.dynamic_gather %parallel_loop3A_1480[%parallel_loop3A_1485] in [0] : vector<16xf32>, vector<16xi32> -> vector<16xf32>
        %parallel_loop3A_1487 = arith.addf %parallel_loop3A_1480, %parallel_loop3A_1486 : vector<16xf32>
        %parallel_loop3A_1488 = arith.constant 8 : i32
        %parallel_loop3A_1489 = vector.broadcast %parallel_loop3A_1488 : i32 to vector<16xi32>
        %parallel_loop3A_1490 = arith.xori %parallel_loop3A_1466, %parallel_loop3A_1489 : vector<16xi32>
        %parallel_loop3A_1491 = vector.shape_cast %parallel_loop3A_1490 : vector<16xi32> to vector<16x1xi32>
        %parallel_loop3A_1492 = vector.shape_cast %parallel_loop3A_1491 : vector<16x1xi32> to vector<16xi32>
        %parallel_loop3A_1493 = tpu.dynamic_gather %parallel_loop3A_1487[%parallel_loop3A_1492] in [0] : vector<16xf32>, vector<16xi32> -> vector<16xf32>
        %parallel_loop3A_1494 = arith.addf %parallel_loop3A_1487, %parallel_loop3A_1493 : vector<16xf32>
        %parallel_loop3A_1495 = arith.constant 1.000000e+00 : f32
        %parallel_loop3A_1496 = vector.broadcast %parallel_loop3A_1495 : f32 to vector<16xf32>
        %parallel_loop3A_1497 = arith.divf %parallel_loop3A_1496, %parallel_loop3A_1494 : vector<16xf32>
        %parallel_loop3A_1498 = arith.addf %parallel_loop3A_1450, %parallel_loop3A_1454 : vector<16xf32>
        %parallel_loop3A_1499 = arith.addf %parallel_loop3A_1458, %parallel_loop3A_1462 : vector<16xf32>
        %parallel_loop3A_1500 = arith.addf %parallel_loop3A_1498, %parallel_loop3A_1499 : vector<16xf32>
        %parallel_loop3A_1501 = tpu.iota {dimensions = array<i32: 0>} : vector<16xi32>
        %parallel_loop3A_1502 = arith.constant 1 : i32
        %parallel_loop3A_1503 = vector.broadcast %parallel_loop3A_1502 : i32 to vector<16xi32>
        %parallel_loop3A_1504 = arith.xori %parallel_loop3A_1501, %parallel_loop3A_1503 : vector<16xi32>
        %parallel_loop3A_1505 = vector.shape_cast %parallel_loop3A_1504 : vector<16xi32> to vector<16x1xi32>
        %parallel_loop3A_1506 = vector.shape_cast %parallel_loop3A_1505 : vector<16x1xi32> to vector<16xi32>
        %parallel_loop3A_1507 = tpu.dynamic_gather %parallel_loop3A_1500[%parallel_loop3A_1506] in [0] : vector<16xf32>, vector<16xi32> -> vector<16xf32>
        %parallel_loop3A_1508 = arith.addf %parallel_loop3A_1500, %parallel_loop3A_1507 : vector<16xf32>
        %parallel_loop3A_1509 = arith.constant 2 : i32
        %parallel_loop3A_1510 = vector.broadcast %parallel_loop3A_1509 : i32 to vector<16xi32>
        %parallel_loop3A_1511 = arith.xori %parallel_loop3A_1501, %parallel_loop3A_1510 : vector<16xi32>
        %parallel_loop3A_1512 = vector.shape_cast %parallel_loop3A_1511 : vector<16xi32> to vector<16x1xi32>
        %parallel_loop3A_1513 = vector.shape_cast %parallel_loop3A_1512 : vector<16x1xi32> to vector<16xi32>
        %parallel_loop3A_1514 = tpu.dynamic_gather %parallel_loop3A_1508[%parallel_loop3A_1513] in [0] : vector<16xf32>, vector<16xi32> -> vector<16xf32>
        %parallel_loop3A_1515 = arith.addf %parallel_loop3A_1508, %parallel_loop3A_1514 : vector<16xf32>
        %parallel_loop3A_1516 = arith.constant 4 : i32
        %parallel_loop3A_1517 = vector.broadcast %parallel_loop3A_1516 : i32 to vector<16xi32>
        %parallel_loop3A_1518 = arith.xori %parallel_loop3A_1501, %parallel_loop3A_1517 : vector<16xi32>
        %parallel_loop3A_1519 = vector.shape_cast %parallel_loop3A_1518 : vector<16xi32> to vector<16x1xi32>
        %parallel_loop3A_1520 = vector.shape_cast %parallel_loop3A_1519 : vector<16x1xi32> to vector<16xi32>
        %parallel_loop3A_1521 = tpu.dynamic_gather %parallel_loop3A_1515[%parallel_loop3A_1520] in [0] : vector<16xf32>, vector<16xi32> -> vector<16xf32>
        %parallel_loop3A_1522 = arith.addf %parallel_loop3A_1515, %parallel_loop3A_1521 : vector<16xf32>
        %parallel_loop3A_1523 = arith.constant 8 : i32
        %parallel_loop3A_1524 = vector.broadcast %parallel_loop3A_1523 : i32 to vector<16xi32>
        %parallel_loop3A_1525 = arith.xori %parallel_loop3A_1501, %parallel_loop3A_1524 : vector<16xi32>
        %parallel_loop3A_1526 = vector.shape_cast %parallel_loop3A_1525 : vector<16xi32> to vector<16x1xi32>
        %parallel_loop3A_1527 = vector.shape_cast %parallel_loop3A_1526 : vector<16x1xi32> to vector<16xi32>
        %parallel_loop3A_1528 = tpu.dynamic_gather %parallel_loop3A_1522[%parallel_loop3A_1527] in [0] : vector<16xf32>, vector<16xi32> -> vector<16xf32>
        %parallel_loop3A_1529 = arith.addf %parallel_loop3A_1522, %parallel_loop3A_1528 : vector<16xf32>
        %parallel_loop3A_1530 = arith.constant 1.000000e+00 : f32
        %parallel_loop3A_1531 = vector.broadcast %parallel_loop3A_1530 : f32 to vector<16xf32>
        %parallel_loop3A_1532 = arith.divf %parallel_loop3A_1531, %parallel_loop3A_1529 : vector<16xf32>
        %parallel_loop3A_1533 = arith.mulf %parallel_loop3A_1434, %parallel_loop3A_1497 : vector<16xf32>
        %parallel_loop3A_1534 = arith.mulf %parallel_loop3A_1438, %parallel_loop3A_1497 : vector<16xf32>
        %parallel_loop3A_1535 = arith.mulf %parallel_loop3A_1442, %parallel_loop3A_1497 : vector<16xf32>
        %parallel_loop3A_1536 = arith.mulf %parallel_loop3A_1446, %parallel_loop3A_1497 : vector<16xf32>
        %parallel_loop3A_1537 = arith.mulf %parallel_loop3A_1450, %parallel_loop3A_1532 : vector<16xf32>
        %parallel_loop3A_1538 = arith.mulf %parallel_loop3A_1454, %parallel_loop3A_1532 : vector<16xf32>
        %parallel_loop3A_1539 = arith.mulf %parallel_loop3A_1458, %parallel_loop3A_1532 : vector<16xf32>
        %parallel_loop3A_1540 = arith.mulf %parallel_loop3A_1462, %parallel_loop3A_1532 : vector<16xf32>
        %parallel_loop3A_1541 = arith.addf %parallel_loop3A_1423, %parallel_loop3A_1533 : vector<16xf32>
        %parallel_loop3A_1542 = arith.addf %parallel_loop3A_1424, %parallel_loop3A_1534 : vector<16xf32>
        %parallel_loop3A_1543 = arith.addf %parallel_loop3A_1425, %parallel_loop3A_1535 : vector<16xf32>
        %parallel_loop3A_1544 = arith.addf %parallel_loop3A_1426, %parallel_loop3A_1536 : vector<16xf32>
        %parallel_loop3A_1545 = arith.addf %parallel_loop3A_1427, %parallel_loop3A_1537 : vector<16xf32>
        %parallel_loop3A_1546 = arith.addf %parallel_loop3A_1428, %parallel_loop3A_1538 : vector<16xf32>
        %parallel_loop3A_1547 = arith.addf %parallel_loop3A_1429, %parallel_loop3A_1539 : vector<16xf32>
        %parallel_loop3A_1548 = arith.addf %parallel_loop3A_1430, %parallel_loop3A_1540 : vector<16xf32>
        %parallel_loop3A_1549 = arith.constant 1.000000e+00 : f32
        %parallel_loop3A_1550 = vector.broadcast %parallel_loop3A_1549 : f32 to vector<16xf32>
        %parallel_loop3A_1551 = arith.subf %parallel_loop3A_1550, %parallel_loop3A_1533 : vector<16xf32>
        %parallel_loop3A_1552 = arith.mulf %parallel_loop3A_1434, %parallel_loop3A_1551 : vector<16xf32>
        %parallel_loop3A_1553 = arith.constant 1.000000e+00 : f32
        %parallel_loop3A_1554 = vector.broadcast %parallel_loop3A_1553 : f32 to vector<16xf32>
        %parallel_loop3A_1555 = arith.subf %parallel_loop3A_1554, %parallel_loop3A_1534 : vector<16xf32>
        %parallel_loop3A_1556 = arith.mulf %parallel_loop3A_1438, %parallel_loop3A_1555 : vector<16xf32>
        %parallel_loop3A_1557 = arith.constant 1.000000e+00 : f32
        %parallel_loop3A_1558 = vector.broadcast %parallel_loop3A_1557 : f32 to vector<16xf32>
        %parallel_loop3A_1559 = arith.subf %parallel_loop3A_1558, %parallel_loop3A_1535 : vector<16xf32>
        %parallel_loop3A_1560 = arith.mulf %parallel_loop3A_1442, %parallel_loop3A_1559 : vector<16xf32>
        %parallel_loop3A_1561 = arith.constant 1.000000e+00 : f32
        %parallel_loop3A_1562 = vector.broadcast %parallel_loop3A_1561 : f32 to vector<16xf32>
        %parallel_loop3A_1563 = arith.subf %parallel_loop3A_1562, %parallel_loop3A_1536 : vector<16xf32>
        %parallel_loop3A_1564 = arith.mulf %parallel_loop3A_1446, %parallel_loop3A_1563 : vector<16xf32>
        %parallel_loop3A_1565 = arith.constant 1.000000e+00 : f32
        %parallel_loop3A_1566 = vector.broadcast %parallel_loop3A_1565 : f32 to vector<16xf32>
        %parallel_loop3A_1567 = arith.subf %parallel_loop3A_1566, %parallel_loop3A_1537 : vector<16xf32>
        %parallel_loop3A_1568 = arith.mulf %parallel_loop3A_1450, %parallel_loop3A_1567 : vector<16xf32>
        %parallel_loop3A_1569 = arith.constant 1.000000e+00 : f32
        %parallel_loop3A_1570 = vector.broadcast %parallel_loop3A_1569 : f32 to vector<16xf32>
        %parallel_loop3A_1571 = arith.subf %parallel_loop3A_1570, %parallel_loop3A_1538 : vector<16xf32>
        %parallel_loop3A_1572 = arith.mulf %parallel_loop3A_1454, %parallel_loop3A_1571 : vector<16xf32>
        %parallel_loop3A_1573 = arith.constant 1.000000e+00 : f32
        %parallel_loop3A_1574 = vector.broadcast %parallel_loop3A_1573 : f32 to vector<16xf32>
        %parallel_loop3A_1575 = arith.subf %parallel_loop3A_1574, %parallel_loop3A_1539 : vector<16xf32>
        %parallel_loop3A_1576 = arith.mulf %parallel_loop3A_1458, %parallel_loop3A_1575 : vector<16xf32>
        %parallel_loop3A_1577 = arith.constant 1.000000e+00 : f32
        %parallel_loop3A_1578 = vector.broadcast %parallel_loop3A_1577 : f32 to vector<16xf32>
        %parallel_loop3A_1579 = arith.subf %parallel_loop3A_1578, %parallel_loop3A_1540 : vector<16xf32>
        %parallel_loop3A_1580 = arith.mulf %parallel_loop3A_1462, %parallel_loop3A_1579 : vector<16xf32>
        %parallel_loop3A_1581 = arith.addf %parallel_loop3A_1552, %parallel_loop3A_1556 : vector<16xf32>
        %parallel_loop3A_1582 = arith.addf %parallel_loop3A_1560, %parallel_loop3A_1564 : vector<16xf32>
        %parallel_loop3A_1583 = arith.addf %parallel_loop3A_1581, %parallel_loop3A_1582 : vector<16xf32>
        %parallel_loop3A_1584 = tpu.iota {dimensions = array<i32: 0>} : vector<16xi32>
        %parallel_loop3A_1585 = arith.constant 1 : i32
        %parallel_loop3A_1586 = vector.broadcast %parallel_loop3A_1585 : i32 to vector<16xi32>
        %parallel_loop3A_1587 = arith.xori %parallel_loop3A_1584, %parallel_loop3A_1586 : vector<16xi32>
        %parallel_loop3A_1588 = vector.shape_cast %parallel_loop3A_1587 : vector<16xi32> to vector<16x1xi32>
        %parallel_loop3A_1589 = vector.shape_cast %parallel_loop3A_1588 : vector<16x1xi32> to vector<16xi32>
        %parallel_loop3A_1590 = tpu.dynamic_gather %parallel_loop3A_1583[%parallel_loop3A_1589] in [0] : vector<16xf32>, vector<16xi32> -> vector<16xf32>
        %parallel_loop3A_1591 = arith.addf %parallel_loop3A_1583, %parallel_loop3A_1590 : vector<16xf32>
        %parallel_loop3A_1592 = arith.constant 2 : i32
        %parallel_loop3A_1593 = vector.broadcast %parallel_loop3A_1592 : i32 to vector<16xi32>
        %parallel_loop3A_1594 = arith.xori %parallel_loop3A_1584, %parallel_loop3A_1593 : vector<16xi32>
        %parallel_loop3A_1595 = vector.shape_cast %parallel_loop3A_1594 : vector<16xi32> to vector<16x1xi32>
        %parallel_loop3A_1596 = vector.shape_cast %parallel_loop3A_1595 : vector<16x1xi32> to vector<16xi32>
        %parallel_loop3A_1597 = tpu.dynamic_gather %parallel_loop3A_1591[%parallel_loop3A_1596] in [0] : vector<16xf32>, vector<16xi32> -> vector<16xf32>
        %parallel_loop3A_1598 = arith.addf %parallel_loop3A_1591, %parallel_loop3A_1597 : vector<16xf32>
        %parallel_loop3A_1599 = arith.constant 4 : i32
        %parallel_loop3A_1600 = vector.broadcast %parallel_loop3A_1599 : i32 to vector<16xi32>
        %parallel_loop3A_1601 = arith.xori %parallel_loop3A_1584, %parallel_loop3A_1600 : vector<16xi32>
        %parallel_loop3A_1602 = vector.shape_cast %parallel_loop3A_1601 : vector<16xi32> to vector<16x1xi32>
        %parallel_loop3A_1603 = vector.shape_cast %parallel_loop3A_1602 : vector<16x1xi32> to vector<16xi32>
        %parallel_loop3A_1604 = tpu.dynamic_gather %parallel_loop3A_1598[%parallel_loop3A_1603] in [0] : vector<16xf32>, vector<16xi32> -> vector<16xf32>
        %parallel_loop3A_1605 = arith.addf %parallel_loop3A_1598, %parallel_loop3A_1604 : vector<16xf32>
        %parallel_loop3A_1606 = arith.constant 8 : i32
        %parallel_loop3A_1607 = vector.broadcast %parallel_loop3A_1606 : i32 to vector<16xi32>
        %parallel_loop3A_1608 = arith.xori %parallel_loop3A_1584, %parallel_loop3A_1607 : vector<16xi32>
        %parallel_loop3A_1609 = vector.shape_cast %parallel_loop3A_1608 : vector<16xi32> to vector<16x1xi32>
        %parallel_loop3A_1610 = vector.shape_cast %parallel_loop3A_1609 : vector<16x1xi32> to vector<16xi32>
        %parallel_loop3A_1611 = tpu.dynamic_gather %parallel_loop3A_1605[%parallel_loop3A_1610] in [0] : vector<16xf32>, vector<16xi32> -> vector<16xf32>
        %parallel_loop3A_1612 = arith.addf %parallel_loop3A_1605, %parallel_loop3A_1611 : vector<16xf32>
        %parallel_loop3A_1613 = arith.constant 1.000000e+00 : f32
        %parallel_loop3A_1614 = vector.broadcast %parallel_loop3A_1613 : f32 to vector<16xf32>
        %parallel_loop3A_1615 = arith.divf %parallel_loop3A_1614, %parallel_loop3A_1612 : vector<16xf32>
        %parallel_loop3A_1616 = arith.addf %parallel_loop3A_1568, %parallel_loop3A_1572 : vector<16xf32>
        %parallel_loop3A_1617 = arith.addf %parallel_loop3A_1576, %parallel_loop3A_1580 : vector<16xf32>
        %parallel_loop3A_1618 = arith.addf %parallel_loop3A_1616, %parallel_loop3A_1617 : vector<16xf32>
        %parallel_loop3A_1619 = tpu.iota {dimensions = array<i32: 0>} : vector<16xi32>
        %parallel_loop3A_1620 = arith.constant 1 : i32
        %parallel_loop3A_1621 = vector.broadcast %parallel_loop3A_1620 : i32 to vector<16xi32>
        %parallel_loop3A_1622 = arith.xori %parallel_loop3A_1619, %parallel_loop3A_1621 : vector<16xi32>
        %parallel_loop3A_1623 = vector.shape_cast %parallel_loop3A_1622 : vector<16xi32> to vector<16x1xi32>
        %parallel_loop3A_1624 = vector.shape_cast %parallel_loop3A_1623 : vector<16x1xi32> to vector<16xi32>
        %parallel_loop3A_1625 = tpu.dynamic_gather %parallel_loop3A_1618[%parallel_loop3A_1624] in [0] : vector<16xf32>, vector<16xi32> -> vector<16xf32>
        %parallel_loop3A_1626 = arith.addf %parallel_loop3A_1618, %parallel_loop3A_1625 : vector<16xf32>
        %parallel_loop3A_1627 = arith.constant 2 : i32
        %parallel_loop3A_1628 = vector.broadcast %parallel_loop3A_1627 : i32 to vector<16xi32>
        %parallel_loop3A_1629 = arith.xori %parallel_loop3A_1619, %parallel_loop3A_1628 : vector<16xi32>
        %parallel_loop3A_1630 = vector.shape_cast %parallel_loop3A_1629 : vector<16xi32> to vector<16x1xi32>
        %parallel_loop3A_1631 = vector.shape_cast %parallel_loop3A_1630 : vector<16x1xi32> to vector<16xi32>
        %parallel_loop3A_1632 = tpu.dynamic_gather %parallel_loop3A_1626[%parallel_loop3A_1631] in [0] : vector<16xf32>, vector<16xi32> -> vector<16xf32>
        %parallel_loop3A_1633 = arith.addf %parallel_loop3A_1626, %parallel_loop3A_1632 : vector<16xf32>
        %parallel_loop3A_1634 = arith.constant 4 : i32
        %parallel_loop3A_1635 = vector.broadcast %parallel_loop3A_1634 : i32 to vector<16xi32>
        %parallel_loop3A_1636 = arith.xori %parallel_loop3A_1619, %parallel_loop3A_1635 : vector<16xi32>
        %parallel_loop3A_1637 = vector.shape_cast %parallel_loop3A_1636 : vector<16xi32> to vector<16x1xi32>
        %parallel_loop3A_1638 = vector.shape_cast %parallel_loop3A_1637 : vector<16x1xi32> to vector<16xi32>
        %parallel_loop3A_1639 = tpu.dynamic_gather %parallel_loop3A_1633[%parallel_loop3A_1638] in [0] : vector<16xf32>, vector<16xi32> -> vector<16xf32>
        %parallel_loop3A_1640 = arith.addf %parallel_loop3A_1633, %parallel_loop3A_1639 : vector<16xf32>
        %parallel_loop3A_1641 = arith.constant 8 : i32
        %parallel_loop3A_1642 = vector.broadcast %parallel_loop3A_1641 : i32 to vector<16xi32>
        %parallel_loop3A_1643 = arith.xori %parallel_loop3A_1619, %parallel_loop3A_1642 : vector<16xi32>
        %parallel_loop3A_1644 = vector.shape_cast %parallel_loop3A_1643 : vector<16xi32> to vector<16x1xi32>
        %parallel_loop3A_1645 = vector.shape_cast %parallel_loop3A_1644 : vector<16x1xi32> to vector<16xi32>
        %parallel_loop3A_1646 = tpu.dynamic_gather %parallel_loop3A_1640[%parallel_loop3A_1645] in [0] : vector<16xf32>, vector<16xi32> -> vector<16xf32>
        %parallel_loop3A_1647 = arith.addf %parallel_loop3A_1640, %parallel_loop3A_1646 : vector<16xf32>
        %parallel_loop3A_1648 = arith.constant 1.000000e+00 : f32
        %parallel_loop3A_1649 = vector.broadcast %parallel_loop3A_1648 : f32 to vector<16xf32>
        %parallel_loop3A_1650 = arith.divf %parallel_loop3A_1649, %parallel_loop3A_1647 : vector<16xf32>
        %parallel_loop3A_1651 = arith.mulf %parallel_loop3A_1552, %parallel_loop3A_1615 : vector<16xf32>
        %parallel_loop3A_1652 = arith.mulf %parallel_loop3A_1556, %parallel_loop3A_1615 : vector<16xf32>
        %parallel_loop3A_1653 = arith.mulf %parallel_loop3A_1560, %parallel_loop3A_1615 : vector<16xf32>
        %parallel_loop3A_1654 = arith.mulf %parallel_loop3A_1564, %parallel_loop3A_1615 : vector<16xf32>
        %parallel_loop3A_1655 = arith.mulf %parallel_loop3A_1568, %parallel_loop3A_1650 : vector<16xf32>
        %parallel_loop3A_1656 = arith.mulf %parallel_loop3A_1572, %parallel_loop3A_1650 : vector<16xf32>
        %parallel_loop3A_1657 = arith.mulf %parallel_loop3A_1576, %parallel_loop3A_1650 : vector<16xf32>
        %parallel_loop3A_1658 = arith.mulf %parallel_loop3A_1580, %parallel_loop3A_1650 : vector<16xf32>
        %parallel_loop3A_1659 = arith.addf %parallel_loop3A_1541, %parallel_loop3A_1651 : vector<16xf32>
        %parallel_loop3A_1660 = arith.addf %parallel_loop3A_1542, %parallel_loop3A_1652 : vector<16xf32>
        %parallel_loop3A_1661 = arith.addf %parallel_loop3A_1543, %parallel_loop3A_1653 : vector<16xf32>
        %parallel_loop3A_1662 = arith.addf %parallel_loop3A_1544, %parallel_loop3A_1654 : vector<16xf32>
        %parallel_loop3A_1663 = arith.addf %parallel_loop3A_1545, %parallel_loop3A_1655 : vector<16xf32>
        %parallel_loop3A_1664 = arith.addf %parallel_loop3A_1546, %parallel_loop3A_1656 : vector<16xf32>
        %parallel_loop3A_1665 = arith.addf %parallel_loop3A_1547, %parallel_loop3A_1657 : vector<16xf32>
        %parallel_loop3A_1666 = arith.addf %parallel_loop3A_1548, %parallel_loop3A_1658 : vector<16xf32>
        %parallel_loop3A_1667 = arith.constant 1.000000e+00 : f32
        %parallel_loop3A_1668 = vector.broadcast %parallel_loop3A_1667 : f32 to vector<16xf32>
        %parallel_loop3A_1669 = arith.subf %parallel_loop3A_1668, %parallel_loop3A_1651 : vector<16xf32>
        %parallel_loop3A_1670 = arith.mulf %parallel_loop3A_1552, %parallel_loop3A_1669 : vector<16xf32>
        %parallel_loop3A_1671 = arith.constant 1.000000e+00 : f32
        %parallel_loop3A_1672 = vector.broadcast %parallel_loop3A_1671 : f32 to vector<16xf32>
        %parallel_loop3A_1673 = arith.subf %parallel_loop3A_1672, %parallel_loop3A_1652 : vector<16xf32>
        %parallel_loop3A_1674 = arith.mulf %parallel_loop3A_1556, %parallel_loop3A_1673 : vector<16xf32>
        %parallel_loop3A_1675 = arith.constant 1.000000e+00 : f32
        %parallel_loop3A_1676 = vector.broadcast %parallel_loop3A_1675 : f32 to vector<16xf32>
        %parallel_loop3A_1677 = arith.subf %parallel_loop3A_1676, %parallel_loop3A_1653 : vector<16xf32>
        %parallel_loop3A_1678 = arith.mulf %parallel_loop3A_1560, %parallel_loop3A_1677 : vector<16xf32>
        %parallel_loop3A_1679 = arith.constant 1.000000e+00 : f32
        %parallel_loop3A_1680 = vector.broadcast %parallel_loop3A_1679 : f32 to vector<16xf32>
        %parallel_loop3A_1681 = arith.subf %parallel_loop3A_1680, %parallel_loop3A_1654 : vector<16xf32>
        %parallel_loop3A_1682 = arith.mulf %parallel_loop3A_1564, %parallel_loop3A_1681 : vector<16xf32>
        %parallel_loop3A_1683 = arith.constant 1.000000e+00 : f32
        %parallel_loop3A_1684 = vector.broadcast %parallel_loop3A_1683 : f32 to vector<16xf32>
        %parallel_loop3A_1685 = arith.subf %parallel_loop3A_1684, %parallel_loop3A_1655 : vector<16xf32>
        %parallel_loop3A_1686 = arith.mulf %parallel_loop3A_1568, %parallel_loop3A_1685 : vector<16xf32>
        %parallel_loop3A_1687 = arith.constant 1.000000e+00 : f32
        %parallel_loop3A_1688 = vector.broadcast %parallel_loop3A_1687 : f32 to vector<16xf32>
        %parallel_loop3A_1689 = arith.subf %parallel_loop3A_1688, %parallel_loop3A_1656 : vector<16xf32>
        %parallel_loop3A_1690 = arith.mulf %parallel_loop3A_1572, %parallel_loop3A_1689 : vector<16xf32>
        %parallel_loop3A_1691 = arith.constant 1.000000e+00 : f32
        %parallel_loop3A_1692 = vector.broadcast %parallel_loop3A_1691 : f32 to vector<16xf32>
        %parallel_loop3A_1693 = arith.subf %parallel_loop3A_1692, %parallel_loop3A_1657 : vector<16xf32>
        %parallel_loop3A_1694 = arith.mulf %parallel_loop3A_1576, %parallel_loop3A_1693 : vector<16xf32>
        %parallel_loop3A_1695 = arith.constant 1.000000e+00 : f32
        %parallel_loop3A_1696 = vector.broadcast %parallel_loop3A_1695 : f32 to vector<16xf32>
        %parallel_loop3A_1697 = arith.subf %parallel_loop3A_1696, %parallel_loop3A_1658 : vector<16xf32>
        %parallel_loop3A_1698 = arith.mulf %parallel_loop3A_1580, %parallel_loop3A_1697 : vector<16xf32>
        %parallel_loop3A_1699 = arith.addf %parallel_loop3A_1670, %parallel_loop3A_1674 : vector<16xf32>
        %parallel_loop3A_1700 = arith.addf %parallel_loop3A_1678, %parallel_loop3A_1682 : vector<16xf32>
        %parallel_loop3A_1701 = arith.addf %parallel_loop3A_1699, %parallel_loop3A_1700 : vector<16xf32>
        %parallel_loop3A_1702 = tpu.iota {dimensions = array<i32: 0>} : vector<16xi32>
        %parallel_loop3A_1703 = arith.constant 1 : i32
        %parallel_loop3A_1704 = vector.broadcast %parallel_loop3A_1703 : i32 to vector<16xi32>
        %parallel_loop3A_1705 = arith.xori %parallel_loop3A_1702, %parallel_loop3A_1704 : vector<16xi32>
        %parallel_loop3A_1706 = vector.shape_cast %parallel_loop3A_1705 : vector<16xi32> to vector<16x1xi32>
        %parallel_loop3A_1707 = vector.shape_cast %parallel_loop3A_1706 : vector<16x1xi32> to vector<16xi32>
        %parallel_loop3A_1708 = tpu.dynamic_gather %parallel_loop3A_1701[%parallel_loop3A_1707] in [0] : vector<16xf32>, vector<16xi32> -> vector<16xf32>
        %parallel_loop3A_1709 = arith.addf %parallel_loop3A_1701, %parallel_loop3A_1708 : vector<16xf32>
        %parallel_loop3A_1710 = arith.constant 2 : i32
        %parallel_loop3A_1711 = vector.broadcast %parallel_loop3A_1710 : i32 to vector<16xi32>
        %parallel_loop3A_1712 = arith.xori %parallel_loop3A_1702, %parallel_loop3A_1711 : vector<16xi32>
        %parallel_loop3A_1713 = vector.shape_cast %parallel_loop3A_1712 : vector<16xi32> to vector<16x1xi32>
        %parallel_loop3A_1714 = vector.shape_cast %parallel_loop3A_1713 : vector<16x1xi32> to vector<16xi32>
        %parallel_loop3A_1715 = tpu.dynamic_gather %parallel_loop3A_1709[%parallel_loop3A_1714] in [0] : vector<16xf32>, vector<16xi32> -> vector<16xf32>
        %parallel_loop3A_1716 = arith.addf %parallel_loop3A_1709, %parallel_loop3A_1715 : vector<16xf32>
        %parallel_loop3A_1717 = arith.constant 4 : i32
        %parallel_loop3A_1718 = vector.broadcast %parallel_loop3A_1717 : i32 to vector<16xi32>
        %parallel_loop3A_1719 = arith.xori %parallel_loop3A_1702, %parallel_loop3A_1718 : vector<16xi32>
        %parallel_loop3A_1720 = vector.shape_cast %parallel_loop3A_1719 : vector<16xi32> to vector<16x1xi32>
        %parallel_loop3A_1721 = vector.shape_cast %parallel_loop3A_1720 : vector<16x1xi32> to vector<16xi32>
        %parallel_loop3A_1722 = tpu.dynamic_gather %parallel_loop3A_1716[%parallel_loop3A_1721] in [0] : vector<16xf32>, vector<16xi32> -> vector<16xf32>
        %parallel_loop3A_1723 = arith.addf %parallel_loop3A_1716, %parallel_loop3A_1722 : vector<16xf32>
        %parallel_loop3A_1724 = arith.constant 8 : i32
        %parallel_loop3A_1725 = vector.broadcast %parallel_loop3A_1724 : i32 to vector<16xi32>
        %parallel_loop3A_1726 = arith.xori %parallel_loop3A_1702, %parallel_loop3A_1725 : vector<16xi32>
        %parallel_loop3A_1727 = vector.shape_cast %parallel_loop3A_1726 : vector<16xi32> to vector<16x1xi32>
        %parallel_loop3A_1728 = vector.shape_cast %parallel_loop3A_1727 : vector<16x1xi32> to vector<16xi32>
        %parallel_loop3A_1729 = tpu.dynamic_gather %parallel_loop3A_1723[%parallel_loop3A_1728] in [0] : vector<16xf32>, vector<16xi32> -> vector<16xf32>
        %parallel_loop3A_1730 = arith.addf %parallel_loop3A_1723, %parallel_loop3A_1729 : vector<16xf32>
        %parallel_loop3A_1731 = arith.constant 1.000000e+00 : f32
        %parallel_loop3A_1732 = vector.broadcast %parallel_loop3A_1731 : f32 to vector<16xf32>
        %parallel_loop3A_1733 = arith.divf %parallel_loop3A_1732, %parallel_loop3A_1730 : vector<16xf32>
        %parallel_loop3A_1734 = arith.addf %parallel_loop3A_1686, %parallel_loop3A_1690 : vector<16xf32>
        %parallel_loop3A_1735 = arith.addf %parallel_loop3A_1694, %parallel_loop3A_1698 : vector<16xf32>
        %parallel_loop3A_1736 = arith.addf %parallel_loop3A_1734, %parallel_loop3A_1735 : vector<16xf32>
        %parallel_loop3A_1737 = tpu.iota {dimensions = array<i32: 0>} : vector<16xi32>
        %parallel_loop3A_1738 = arith.constant 1 : i32
        %parallel_loop3A_1739 = vector.broadcast %parallel_loop3A_1738 : i32 to vector<16xi32>
        %parallel_loop3A_1740 = arith.xori %parallel_loop3A_1737, %parallel_loop3A_1739 : vector<16xi32>
        %parallel_loop3A_1741 = vector.shape_cast %parallel_loop3A_1740 : vector<16xi32> to vector<16x1xi32>
        %parallel_loop3A_1742 = vector.shape_cast %parallel_loop3A_1741 : vector<16x1xi32> to vector<16xi32>
        %parallel_loop3A_1743 = tpu.dynamic_gather %parallel_loop3A_1736[%parallel_loop3A_1742] in [0] : vector<16xf32>, vector<16xi32> -> vector<16xf32>
        %parallel_loop3A_1744 = arith.addf %parallel_loop3A_1736, %parallel_loop3A_1743 : vector<16xf32>
        %parallel_loop3A_1745 = arith.constant 2 : i32
        %parallel_loop3A_1746 = vector.broadcast %parallel_loop3A_1745 : i32 to vector<16xi32>
        %parallel_loop3A_1747 = arith.xori %parallel_loop3A_1737, %parallel_loop3A_1746 : vector<16xi32>
        %parallel_loop3A_1748 = vector.shape_cast %parallel_loop3A_1747 : vector<16xi32> to vector<16x1xi32>
        %parallel_loop3A_1749 = vector.shape_cast %parallel_loop3A_1748 : vector<16x1xi32> to vector<16xi32>
        %parallel_loop3A_1750 = tpu.dynamic_gather %parallel_loop3A_1744[%parallel_loop3A_1749] in [0] : vector<16xf32>, vector<16xi32> -> vector<16xf32>
        %parallel_loop3A_1751 = arith.addf %parallel_loop3A_1744, %parallel_loop3A_1750 : vector<16xf32>
        %parallel_loop3A_1752 = arith.constant 4 : i32
        %parallel_loop3A_1753 = vector.broadcast %parallel_loop3A_1752 : i32 to vector<16xi32>
        %parallel_loop3A_1754 = arith.xori %parallel_loop3A_1737, %parallel_loop3A_1753 : vector<16xi32>
        %parallel_loop3A_1755 = vector.shape_cast %parallel_loop3A_1754 : vector<16xi32> to vector<16x1xi32>
        %parallel_loop3A_1756 = vector.shape_cast %parallel_loop3A_1755 : vector<16x1xi32> to vector<16xi32>
        %parallel_loop3A_1757 = tpu.dynamic_gather %parallel_loop3A_1751[%parallel_loop3A_1756] in [0] : vector<16xf32>, vector<16xi32> -> vector<16xf32>
        %parallel_loop3A_1758 = arith.addf %parallel_loop3A_1751, %parallel_loop3A_1757 : vector<16xf32>
        %parallel_loop3A_1759 = arith.constant 8 : i32
        %parallel_loop3A_1760 = vector.broadcast %parallel_loop3A_1759 : i32 to vector<16xi32>
        %parallel_loop3A_1761 = arith.xori %parallel_loop3A_1737, %parallel_loop3A_1760 : vector<16xi32>
        %parallel_loop3A_1762 = vector.shape_cast %parallel_loop3A_1761 : vector<16xi32> to vector<16x1xi32>
        %parallel_loop3A_1763 = vector.shape_cast %parallel_loop3A_1762 : vector<16x1xi32> to vector<16xi32>
        %parallel_loop3A_1764 = tpu.dynamic_gather %parallel_loop3A_1758[%parallel_loop3A_1763] in [0] : vector<16xf32>, vector<16xi32> -> vector<16xf32>
        %parallel_loop3A_1765 = arith.addf %parallel_loop3A_1758, %parallel_loop3A_1764 : vector<16xf32>
        %parallel_loop3A_1766 = arith.constant 1.000000e+00 : f32
        %parallel_loop3A_1767 = vector.broadcast %parallel_loop3A_1766 : f32 to vector<16xf32>
        %parallel_loop3A_1768 = arith.divf %parallel_loop3A_1767, %parallel_loop3A_1765 : vector<16xf32>
        %parallel_loop3A_1769 = arith.mulf %parallel_loop3A_1670, %parallel_loop3A_1733 : vector<16xf32>
        %parallel_loop3A_1770 = arith.mulf %parallel_loop3A_1674, %parallel_loop3A_1733 : vector<16xf32>
        %parallel_loop3A_1771 = arith.mulf %parallel_loop3A_1678, %parallel_loop3A_1733 : vector<16xf32>
        %parallel_loop3A_1772 = arith.mulf %parallel_loop3A_1682, %parallel_loop3A_1733 : vector<16xf32>
        %parallel_loop3A_1773 = arith.mulf %parallel_loop3A_1686, %parallel_loop3A_1768 : vector<16xf32>
        %parallel_loop3A_1774 = arith.mulf %parallel_loop3A_1690, %parallel_loop3A_1768 : vector<16xf32>
        %parallel_loop3A_1775 = arith.mulf %parallel_loop3A_1694, %parallel_loop3A_1768 : vector<16xf32>
        %parallel_loop3A_1776 = arith.mulf %parallel_loop3A_1698, %parallel_loop3A_1768 : vector<16xf32>
        %parallel_loop3A_1777 = arith.addf %parallel_loop3A_1659, %parallel_loop3A_1769 : vector<16xf32>
        %parallel_loop3A_1778 = arith.addf %parallel_loop3A_1660, %parallel_loop3A_1770 : vector<16xf32>
        %parallel_loop3A_1779 = arith.addf %parallel_loop3A_1661, %parallel_loop3A_1771 : vector<16xf32>
        %parallel_loop3A_1780 = arith.addf %parallel_loop3A_1662, %parallel_loop3A_1772 : vector<16xf32>
        %parallel_loop3A_1781 = arith.addf %parallel_loop3A_1663, %parallel_loop3A_1773 : vector<16xf32>
        %parallel_loop3A_1782 = arith.addf %parallel_loop3A_1664, %parallel_loop3A_1774 : vector<16xf32>
        %parallel_loop3A_1783 = arith.addf %parallel_loop3A_1665, %parallel_loop3A_1775 : vector<16xf32>
        %parallel_loop3A_1784 = arith.addf %parallel_loop3A_1666, %parallel_loop3A_1776 : vector<16xf32>
        %parallel_loop3A_1785 = arith.constant 1.000000e+00 : f32
        %parallel_loop3A_1786 = vector.broadcast %parallel_loop3A_1785 : f32 to vector<16xf32>
        %parallel_loop3A_1787 = arith.subf %parallel_loop3A_1786, %parallel_loop3A_1769 : vector<16xf32>
        %parallel_loop3A_1788 = arith.mulf %parallel_loop3A_1670, %parallel_loop3A_1787 : vector<16xf32>
        %parallel_loop3A_1789 = arith.constant 1.000000e+00 : f32
        %parallel_loop3A_1790 = vector.broadcast %parallel_loop3A_1789 : f32 to vector<16xf32>
        %parallel_loop3A_1791 = arith.subf %parallel_loop3A_1790, %parallel_loop3A_1770 : vector<16xf32>
        %parallel_loop3A_1792 = arith.mulf %parallel_loop3A_1674, %parallel_loop3A_1791 : vector<16xf32>
        %parallel_loop3A_1793 = arith.constant 1.000000e+00 : f32
        %parallel_loop3A_1794 = vector.broadcast %parallel_loop3A_1793 : f32 to vector<16xf32>
        %parallel_loop3A_1795 = arith.subf %parallel_loop3A_1794, %parallel_loop3A_1771 : vector<16xf32>
        %parallel_loop3A_1796 = arith.mulf %parallel_loop3A_1678, %parallel_loop3A_1795 : vector<16xf32>
        %parallel_loop3A_1797 = arith.constant 1.000000e+00 : f32
        %parallel_loop3A_1798 = vector.broadcast %parallel_loop3A_1797 : f32 to vector<16xf32>
        %parallel_loop3A_1799 = arith.subf %parallel_loop3A_1798, %parallel_loop3A_1772 : vector<16xf32>
        %parallel_loop3A_1800 = arith.mulf %parallel_loop3A_1682, %parallel_loop3A_1799 : vector<16xf32>
        %parallel_loop3A_1801 = arith.constant 1.000000e+00 : f32
        %parallel_loop3A_1802 = vector.broadcast %parallel_loop3A_1801 : f32 to vector<16xf32>
        %parallel_loop3A_1803 = arith.subf %parallel_loop3A_1802, %parallel_loop3A_1773 : vector<16xf32>
        %parallel_loop3A_1804 = arith.mulf %parallel_loop3A_1686, %parallel_loop3A_1803 : vector<16xf32>
        %parallel_loop3A_1805 = arith.constant 1.000000e+00 : f32
        %parallel_loop3A_1806 = vector.broadcast %parallel_loop3A_1805 : f32 to vector<16xf32>
        %parallel_loop3A_1807 = arith.subf %parallel_loop3A_1806, %parallel_loop3A_1774 : vector<16xf32>
        %parallel_loop3A_1808 = arith.mulf %parallel_loop3A_1690, %parallel_loop3A_1807 : vector<16xf32>
        %parallel_loop3A_1809 = arith.constant 1.000000e+00 : f32
        %parallel_loop3A_1810 = vector.broadcast %parallel_loop3A_1809 : f32 to vector<16xf32>
        %parallel_loop3A_1811 = arith.subf %parallel_loop3A_1810, %parallel_loop3A_1775 : vector<16xf32>
        %parallel_loop3A_1812 = arith.mulf %parallel_loop3A_1694, %parallel_loop3A_1811 : vector<16xf32>
        %parallel_loop3A_1813 = arith.constant 1.000000e+00 : f32
        %parallel_loop3A_1814 = vector.broadcast %parallel_loop3A_1813 : f32 to vector<16xf32>
        %parallel_loop3A_1815 = arith.subf %parallel_loop3A_1814, %parallel_loop3A_1776 : vector<16xf32>
        %parallel_loop3A_1816 = arith.mulf %parallel_loop3A_1698, %parallel_loop3A_1815 : vector<16xf32>
        %parallel_loop3A_1817 = arith.addf %parallel_loop3A_1788, %parallel_loop3A_1792 : vector<16xf32>
        %parallel_loop3A_1818 = arith.addf %parallel_loop3A_1796, %parallel_loop3A_1800 : vector<16xf32>
        %parallel_loop3A_1819 = arith.addf %parallel_loop3A_1817, %parallel_loop3A_1818 : vector<16xf32>
        %parallel_loop3A_1820 = tpu.iota {dimensions = array<i32: 0>} : vector<16xi32>
        %parallel_loop3A_1821 = arith.constant 1 : i32
        %parallel_loop3A_1822 = vector.broadcast %parallel_loop3A_1821 : i32 to vector<16xi32>
        %parallel_loop3A_1823 = arith.xori %parallel_loop3A_1820, %parallel_loop3A_1822 : vector<16xi32>
        %parallel_loop3A_1824 = vector.shape_cast %parallel_loop3A_1823 : vector<16xi32> to vector<16x1xi32>
        %parallel_loop3A_1825 = vector.shape_cast %parallel_loop3A_1824 : vector<16x1xi32> to vector<16xi32>
        %parallel_loop3A_1826 = tpu.dynamic_gather %parallel_loop3A_1819[%parallel_loop3A_1825] in [0] : vector<16xf32>, vector<16xi32> -> vector<16xf32>
        %parallel_loop3A_1827 = arith.addf %parallel_loop3A_1819, %parallel_loop3A_1826 : vector<16xf32>
        %parallel_loop3A_1828 = arith.constant 2 : i32
        %parallel_loop3A_1829 = vector.broadcast %parallel_loop3A_1828 : i32 to vector<16xi32>
        %parallel_loop3A_1830 = arith.xori %parallel_loop3A_1820, %parallel_loop3A_1829 : vector<16xi32>
        %parallel_loop3A_1831 = vector.shape_cast %parallel_loop3A_1830 : vector<16xi32> to vector<16x1xi32>
        %parallel_loop3A_1832 = vector.shape_cast %parallel_loop3A_1831 : vector<16x1xi32> to vector<16xi32>
        %parallel_loop3A_1833 = tpu.dynamic_gather %parallel_loop3A_1827[%parallel_loop3A_1832] in [0] : vector<16xf32>, vector<16xi32> -> vector<16xf32>
        %parallel_loop3A_1834 = arith.addf %parallel_loop3A_1827, %parallel_loop3A_1833 : vector<16xf32>
        %parallel_loop3A_1835 = arith.constant 4 : i32
        %parallel_loop3A_1836 = vector.broadcast %parallel_loop3A_1835 : i32 to vector<16xi32>
        %parallel_loop3A_1837 = arith.xori %parallel_loop3A_1820, %parallel_loop3A_1836 : vector<16xi32>
        %parallel_loop3A_1838 = vector.shape_cast %parallel_loop3A_1837 : vector<16xi32> to vector<16x1xi32>
        %parallel_loop3A_1839 = vector.shape_cast %parallel_loop3A_1838 : vector<16x1xi32> to vector<16xi32>
        %parallel_loop3A_1840 = tpu.dynamic_gather %parallel_loop3A_1834[%parallel_loop3A_1839] in [0] : vector<16xf32>, vector<16xi32> -> vector<16xf32>
        %parallel_loop3A_1841 = arith.addf %parallel_loop3A_1834, %parallel_loop3A_1840 : vector<16xf32>
        %parallel_loop3A_1842 = arith.constant 8 : i32
        %parallel_loop3A_1843 = vector.broadcast %parallel_loop3A_1842 : i32 to vector<16xi32>
        %parallel_loop3A_1844 = arith.xori %parallel_loop3A_1820, %parallel_loop3A_1843 : vector<16xi32>
        %parallel_loop3A_1845 = vector.shape_cast %parallel_loop3A_1844 : vector<16xi32> to vector<16x1xi32>
        %parallel_loop3A_1846 = vector.shape_cast %parallel_loop3A_1845 : vector<16x1xi32> to vector<16xi32>
        %parallel_loop3A_1847 = tpu.dynamic_gather %parallel_loop3A_1841[%parallel_loop3A_1846] in [0] : vector<16xf32>, vector<16xi32> -> vector<16xf32>
        %parallel_loop3A_1848 = arith.addf %parallel_loop3A_1841, %parallel_loop3A_1847 : vector<16xf32>
        %parallel_loop3A_1849 = arith.constant 1.000000e+00 : f32
        %parallel_loop3A_1850 = vector.broadcast %parallel_loop3A_1849 : f32 to vector<16xf32>
        %parallel_loop3A_1851 = arith.divf %parallel_loop3A_1850, %parallel_loop3A_1848 : vector<16xf32>
        %parallel_loop3A_1852 = arith.addf %parallel_loop3A_1804, %parallel_loop3A_1808 : vector<16xf32>
        %parallel_loop3A_1853 = arith.addf %parallel_loop3A_1812, %parallel_loop3A_1816 : vector<16xf32>
        %parallel_loop3A_1854 = arith.addf %parallel_loop3A_1852, %parallel_loop3A_1853 : vector<16xf32>
        %parallel_loop3A_1855 = tpu.iota {dimensions = array<i32: 0>} : vector<16xi32>
        %parallel_loop3A_1856 = arith.constant 1 : i32
        %parallel_loop3A_1857 = vector.broadcast %parallel_loop3A_1856 : i32 to vector<16xi32>
        %parallel_loop3A_1858 = arith.xori %parallel_loop3A_1855, %parallel_loop3A_1857 : vector<16xi32>
        %parallel_loop3A_1859 = vector.shape_cast %parallel_loop3A_1858 : vector<16xi32> to vector<16x1xi32>
        %parallel_loop3A_1860 = vector.shape_cast %parallel_loop3A_1859 : vector<16x1xi32> to vector<16xi32>
        %parallel_loop3A_1861 = tpu.dynamic_gather %parallel_loop3A_1854[%parallel_loop3A_1860] in [0] : vector<16xf32>, vector<16xi32> -> vector<16xf32>
        %parallel_loop3A_1862 = arith.addf %parallel_loop3A_1854, %parallel_loop3A_1861 : vector<16xf32>
        %parallel_loop3A_1863 = arith.constant 2 : i32
        %parallel_loop3A_1864 = vector.broadcast %parallel_loop3A_1863 : i32 to vector<16xi32>
        %parallel_loop3A_1865 = arith.xori %parallel_loop3A_1855, %parallel_loop3A_1864 : vector<16xi32>
        %parallel_loop3A_1866 = vector.shape_cast %parallel_loop3A_1865 : vector<16xi32> to vector<16x1xi32>
        %parallel_loop3A_1867 = vector.shape_cast %parallel_loop3A_1866 : vector<16x1xi32> to vector<16xi32>
        %parallel_loop3A_1868 = tpu.dynamic_gather %parallel_loop3A_1862[%parallel_loop3A_1867] in [0] : vector<16xf32>, vector<16xi32> -> vector<16xf32>
        %parallel_loop3A_1869 = arith.addf %parallel_loop3A_1862, %parallel_loop3A_1868 : vector<16xf32>
        %parallel_loop3A_1870 = arith.constant 4 : i32
        %parallel_loop3A_1871 = vector.broadcast %parallel_loop3A_1870 : i32 to vector<16xi32>
        %parallel_loop3A_1872 = arith.xori %parallel_loop3A_1855, %parallel_loop3A_1871 : vector<16xi32>
        %parallel_loop3A_1873 = vector.shape_cast %parallel_loop3A_1872 : vector<16xi32> to vector<16x1xi32>
        %parallel_loop3A_1874 = vector.shape_cast %parallel_loop3A_1873 : vector<16x1xi32> to vector<16xi32>
        %parallel_loop3A_1875 = tpu.dynamic_gather %parallel_loop3A_1869[%parallel_loop3A_1874] in [0] : vector<16xf32>, vector<16xi32> -> vector<16xf32>
        %parallel_loop3A_1876 = arith.addf %parallel_loop3A_1869, %parallel_loop3A_1875 : vector<16xf32>
        %parallel_loop3A_1877 = arith.constant 8 : i32
        %parallel_loop3A_1878 = vector.broadcast %parallel_loop3A_1877 : i32 to vector<16xi32>
        %parallel_loop3A_1879 = arith.xori %parallel_loop3A_1855, %parallel_loop3A_1878 : vector<16xi32>
        %parallel_loop3A_1880 = vector.shape_cast %parallel_loop3A_1879 : vector<16xi32> to vector<16x1xi32>
        %parallel_loop3A_1881 = vector.shape_cast %parallel_loop3A_1880 : vector<16x1xi32> to vector<16xi32>
        %parallel_loop3A_1882 = tpu.dynamic_gather %parallel_loop3A_1876[%parallel_loop3A_1881] in [0] : vector<16xf32>, vector<16xi32> -> vector<16xf32>
        %parallel_loop3A_1883 = arith.addf %parallel_loop3A_1876, %parallel_loop3A_1882 : vector<16xf32>
        %parallel_loop3A_1884 = arith.constant 1.000000e+00 : f32
        %parallel_loop3A_1885 = vector.broadcast %parallel_loop3A_1884 : f32 to vector<16xf32>
        %parallel_loop3A_1886 = arith.divf %parallel_loop3A_1885, %parallel_loop3A_1883 : vector<16xf32>
        %parallel_loop3A_1887 = arith.mulf %parallel_loop3A_1788, %parallel_loop3A_1851 : vector<16xf32>
        %parallel_loop3A_1888 = arith.mulf %parallel_loop3A_1792, %parallel_loop3A_1851 : vector<16xf32>
        %parallel_loop3A_1889 = arith.mulf %parallel_loop3A_1796, %parallel_loop3A_1851 : vector<16xf32>
        %parallel_loop3A_1890 = arith.mulf %parallel_loop3A_1800, %parallel_loop3A_1851 : vector<16xf32>
        %parallel_loop3A_1891 = arith.mulf %parallel_loop3A_1804, %parallel_loop3A_1886 : vector<16xf32>
        %parallel_loop3A_1892 = arith.mulf %parallel_loop3A_1808, %parallel_loop3A_1886 : vector<16xf32>
        %parallel_loop3A_1893 = arith.mulf %parallel_loop3A_1812, %parallel_loop3A_1886 : vector<16xf32>
        %parallel_loop3A_1894 = arith.mulf %parallel_loop3A_1816, %parallel_loop3A_1886 : vector<16xf32>
        %parallel_loop3A_1895 = arith.addf %parallel_loop3A_1777, %parallel_loop3A_1887 : vector<16xf32>
        %parallel_loop3A_1896 = arith.addf %parallel_loop3A_1778, %parallel_loop3A_1888 : vector<16xf32>
        %parallel_loop3A_1897 = arith.addf %parallel_loop3A_1779, %parallel_loop3A_1889 : vector<16xf32>
        %parallel_loop3A_1898 = arith.addf %parallel_loop3A_1780, %parallel_loop3A_1890 : vector<16xf32>
        %parallel_loop3A_1899 = arith.addf %parallel_loop3A_1781, %parallel_loop3A_1891 : vector<16xf32>
        %parallel_loop3A_1900 = arith.addf %parallel_loop3A_1782, %parallel_loop3A_1892 : vector<16xf32>
        %parallel_loop3A_1901 = arith.addf %parallel_loop3A_1783, %parallel_loop3A_1893 : vector<16xf32>
        %parallel_loop3A_1902 = arith.addf %parallel_loop3A_1784, %parallel_loop3A_1894 : vector<16xf32>
        %parallel_loop3A_1903 = arith.constant 1.000000e+00 : f32
        %parallel_loop3A_1904 = vector.broadcast %parallel_loop3A_1903 : f32 to vector<16xf32>
        %parallel_loop3A_1905 = arith.subf %parallel_loop3A_1904, %parallel_loop3A_1887 : vector<16xf32>
        %parallel_loop3A_1906 = arith.mulf %parallel_loop3A_1788, %parallel_loop3A_1905 : vector<16xf32>
        %parallel_loop3A_1907 = arith.constant 1.000000e+00 : f32
        %parallel_loop3A_1908 = vector.broadcast %parallel_loop3A_1907 : f32 to vector<16xf32>
        %parallel_loop3A_1909 = arith.subf %parallel_loop3A_1908, %parallel_loop3A_1888 : vector<16xf32>
        %parallel_loop3A_1910 = arith.mulf %parallel_loop3A_1792, %parallel_loop3A_1909 : vector<16xf32>
        %parallel_loop3A_1911 = arith.constant 1.000000e+00 : f32
        %parallel_loop3A_1912 = vector.broadcast %parallel_loop3A_1911 : f32 to vector<16xf32>
        %parallel_loop3A_1913 = arith.subf %parallel_loop3A_1912, %parallel_loop3A_1889 : vector<16xf32>
        %parallel_loop3A_1914 = arith.mulf %parallel_loop3A_1796, %parallel_loop3A_1913 : vector<16xf32>
        %parallel_loop3A_1915 = arith.constant 1.000000e+00 : f32
        %parallel_loop3A_1916 = vector.broadcast %parallel_loop3A_1915 : f32 to vector<16xf32>
        %parallel_loop3A_1917 = arith.subf %parallel_loop3A_1916, %parallel_loop3A_1890 : vector<16xf32>
        %parallel_loop3A_1918 = arith.mulf %parallel_loop3A_1800, %parallel_loop3A_1917 : vector<16xf32>
        %parallel_loop3A_1919 = arith.constant 1.000000e+00 : f32
        %parallel_loop3A_1920 = vector.broadcast %parallel_loop3A_1919 : f32 to vector<16xf32>
        %parallel_loop3A_1921 = arith.subf %parallel_loop3A_1920, %parallel_loop3A_1891 : vector<16xf32>
        %parallel_loop3A_1922 = arith.mulf %parallel_loop3A_1804, %parallel_loop3A_1921 : vector<16xf32>
        %parallel_loop3A_1923 = arith.constant 1.000000e+00 : f32
        %parallel_loop3A_1924 = vector.broadcast %parallel_loop3A_1923 : f32 to vector<16xf32>
        %parallel_loop3A_1925 = arith.subf %parallel_loop3A_1924, %parallel_loop3A_1892 : vector<16xf32>
        %parallel_loop3A_1926 = arith.mulf %parallel_loop3A_1808, %parallel_loop3A_1925 : vector<16xf32>
        %parallel_loop3A_1927 = arith.constant 1.000000e+00 : f32
        %parallel_loop3A_1928 = vector.broadcast %parallel_loop3A_1927 : f32 to vector<16xf32>
        %parallel_loop3A_1929 = arith.subf %parallel_loop3A_1928, %parallel_loop3A_1893 : vector<16xf32>
        %parallel_loop3A_1930 = arith.mulf %parallel_loop3A_1812, %parallel_loop3A_1929 : vector<16xf32>
        %parallel_loop3A_1931 = arith.constant 1.000000e+00 : f32
        %parallel_loop3A_1932 = vector.broadcast %parallel_loop3A_1931 : f32 to vector<16xf32>
        %parallel_loop3A_1933 = arith.subf %parallel_loop3A_1932, %parallel_loop3A_1894 : vector<16xf32>
        %parallel_loop3A_1934 = arith.mulf %parallel_loop3A_1816, %parallel_loop3A_1933 : vector<16xf32>
        %parallel_loop3A_1935 = arith.index_cast %parallel_loop3A_14 : i32 to index
        %parallel_loop3A_1936 = arith.constant 0 : index
        %parallel_loop3A_1937 = tpu.vector_load %arg5[%parallel_loop3A_1935, %parallel_loop3A_1936] {strides = array<i32>} : memref<256x128xf32, #tpu.memory_space<vmem>>, vector<1x16xf32>,
        %parallel_loop3A_1938 = vector.shape_cast %parallel_loop3A_1937 : vector<1x16xf32> to vector<16xf32>
        %parallel_loop3A_1939 = vector.shape_cast %parallel_loop3A_1895 : vector<16xf32> to vector<1x16xf32>
        tpu.vector_store %arg5[%parallel_loop3A_1935, %parallel_loop3A_1936], %parallel_loop3A_1939 {strides = array<i32>} : memref<256x128xf32, #tpu.memory_space<vmem>>, vector<1x16xf32>,
        %parallel_loop3A_1940 = arith.index_cast %parallel_loop3A_14 : i32 to index
        %parallel_loop3A_1941 = arith.constant 16 : index
        %parallel_loop3A_1942 = tpu.vector_load %arg5[%parallel_loop3A_1940, %parallel_loop3A_1941] {strides = array<i32>} : memref<256x128xf32, #tpu.memory_space<vmem>>, vector<1x16xf32>,
        %parallel_loop3A_1943 = vector.shape_cast %parallel_loop3A_1942 : vector<1x16xf32> to vector<16xf32>
        %parallel_loop3A_1944 = vector.shape_cast %parallel_loop3A_1896 : vector<16xf32> to vector<1x16xf32>
        tpu.vector_store %arg5[%parallel_loop3A_1940, %parallel_loop3A_1941], %parallel_loop3A_1944 {strides = array<i32>} : memref<256x128xf32, #tpu.memory_space<vmem>>, vector<1x16xf32>,
        %parallel_loop3A_1945 = arith.index_cast %parallel_loop3A_14 : i32 to index
        %parallel_loop3A_1946 = arith.constant 32 : index
        %parallel_loop3A_1947 = tpu.vector_load %arg5[%parallel_loop3A_1945, %parallel_loop3A_1946] {strides = array<i32>} : memref<256x128xf32, #tpu.memory_space<vmem>>, vector<1x16xf32>,
        %parallel_loop3A_1948 = vector.shape_cast %parallel_loop3A_1947 : vector<1x16xf32> to vector<16xf32>
        %parallel_loop3A_1949 = vector.shape_cast %parallel_loop3A_1897 : vector<16xf32> to vector<1x16xf32>
        tpu.vector_store %arg5[%parallel_loop3A_1945, %parallel_loop3A_1946], %parallel_loop3A_1949 {strides = array<i32>} : memref<256x128xf32, #tpu.memory_space<vmem>>, vector<1x16xf32>,
        %parallel_loop3A_1950 = arith.index_cast %parallel_loop3A_14 : i32 to index
        %parallel_loop3A_1951 = arith.constant 48 : index
        %parallel_loop3A_1952 = tpu.vector_load %arg5[%parallel_loop3A_1950, %parallel_loop3A_1951] {strides = array<i32>} : memref<256x128xf32, #tpu.memory_space<vmem>>, vector<1x16xf32>,
        %parallel_loop3A_1953 = vector.shape_cast %parallel_loop3A_1952 : vector<1x16xf32> to vector<16xf32>
        %parallel_loop3A_1954 = vector.shape_cast %parallel_loop3A_1898 : vector<16xf32> to vector<1x16xf32>
        tpu.vector_store %arg5[%parallel_loop3A_1950, %parallel_loop3A_1951], %parallel_loop3A_1954 {strides = array<i32>} : memref<256x128xf32, #tpu.memory_space<vmem>>, vector<1x16xf32>,
        %parallel_loop3A_1955 = arith.index_cast %parallel_loop3A_14 : i32 to index
        %parallel_loop3A_1956 = arith.constant 64 : index
        %parallel_loop3A_1957 = tpu.vector_load %arg5[%parallel_loop3A_1955, %parallel_loop3A_1956] {strides = array<i32>} : memref<256x128xf32, #tpu.memory_space<vmem>>, vector<1x16xf32>,
        %parallel_loop3A_1958 = vector.shape_cast %parallel_loop3A_1957 : vector<1x16xf32> to vector<16xf32>
        %parallel_loop3A_1959 = vector.shape_cast %parallel_loop3A_1899 : vector<16xf32> to vector<1x16xf32>
        tpu.vector_store %arg5[%parallel_loop3A_1955, %parallel_loop3A_1956], %parallel_loop3A_1959 {strides = array<i32>} : memref<256x128xf32, #tpu.memory_space<vmem>>, vector<1x16xf32>,
        %parallel_loop3A_1960 = arith.index_cast %parallel_loop3A_14 : i32 to index
        %parallel_loop3A_1961 = arith.constant 80 : index
        %parallel_loop3A_1962 = tpu.vector_load %arg5[%parallel_loop3A_1960, %parallel_loop3A_1961] {strides = array<i32>} : memref<256x128xf32, #tpu.memory_space<vmem>>, vector<1x16xf32>,
        %parallel_loop3A_1963 = vector.shape_cast %parallel_loop3A_1962 : vector<1x16xf32> to vector<16xf32>
        %parallel_loop3A_1964 = vector.shape_cast %parallel_loop3A_1900 : vector<16xf32> to vector<1x16xf32>
        tpu.vector_store %arg5[%parallel_loop3A_1960, %parallel_loop3A_1961], %parallel_loop3A_1964 {strides = array<i32>} : memref<256x128xf32, #tpu.memory_space<vmem>>, vector<1x16xf32>,
        %parallel_loop3A_1965 = arith.index_cast %parallel_loop3A_14 : i32 to index
        %parallel_loop3A_1966 = arith.constant 96 : index
        %parallel_loop3A_1967 = tpu.vector_load %arg5[%parallel_loop3A_1965, %parallel_loop3A_1966] {strides = array<i32>} : memref<256x128xf32, #tpu.memory_space<vmem>>, vector<1x16xf32>,
        %parallel_loop3A_1968 = vector.shape_cast %parallel_loop3A_1967 : vector<1x16xf32> to vector<16xf32>
        %parallel_loop3A_1969 = vector.shape_cast %parallel_loop3A_1901 : vector<16xf32> to vector<1x16xf32>
        tpu.vector_store %arg5[%parallel_loop3A_1965, %parallel_loop3A_1966], %parallel_loop3A_1969 {strides = array<i32>} : memref<256x128xf32, #tpu.memory_space<vmem>>, vector<1x16xf32>,
        %parallel_loop3A_1970 = arith.index_cast %parallel_loop3A_14 : i32 to index
        %parallel_loop3A_1971 = arith.constant 112 : index
        %parallel_loop3A_1972 = tpu.vector_load %arg5[%parallel_loop3A_1970, %parallel_loop3A_1971] {strides = array<i32>} : memref<256x128xf32, #tpu.memory_space<vmem>>, vector<1x16xf32>,
        %parallel_loop3A_1973 = vector.shape_cast %parallel_loop3A_1972 : vector<1x16xf32> to vector<16xf32>
        %parallel_loop3A_1974 = vector.shape_cast %parallel_loop3A_1902 : vector<16xf32> to vector<1x16xf32>
        tpu.vector_store %arg5[%parallel_loop3A_1970, %parallel_loop3A_1971], %parallel_loop3A_1974 {strides = array<i32>} : memref<256x128xf32, #tpu.memory_space<vmem>>, vector<1x16xf32>,
      } {sc.loop_unroll_factor = 1 : i64, sc.parallel_access}
      "tpu.region"() ({
        %run_scoped3A = tpu.sem_alloc : memref<!tpu.dma_semaphore, #tpu.memory_space<semaphore_mem>>
        %dma_start3A = arith.constant 0 : i32
        %dma_start3A_14 = tpu.memref_slice %arg3[%add3A_11, %dma_start3A] : memref<24576x128xf32, #tpu.memory_space<hbm>> -> memref<256x128xf32, #tpu.memory_space<hbm>>
        %dma_start3A_15 = arith.constant 0 : i32
        %dma_start3A_16 = tpu.memref_slice %arg3[%add3A_11, %dma_start3A_15] : memref<24576x128xf32, #tpu.memory_space<hbm>> -> memref<256x128xf32, #tpu.memory_space<hbm>>
        tpu.enqueue_dma source(%arg5 : memref<256x128xf32, #tpu.memory_space<vmem>>) target(%dma_start3A_16 : memref<256x128xf32, #tpu.memory_space<hbm>>) target_semaphore(%run_scoped3A : memref<!tpu.dma_semaphore, #tpu.memory_space<semaphore_mem>>)
        %dma_wait3A = arith.constant 0 : i32
        %dma_wait3A_17 = tpu.memref_slice %arg3[%add3A_11, %dma_wait3A] : memref<24576x128xf32, #tpu.memory_space<hbm>> -> memref<256x128xf32, #tpu.memory_space<hbm>>
        %dma_wait3A_18 = arith.constant 0 : i32
        %dma_wait3A_19 = tpu.memref_slice %arg3[%add3A_11, %dma_wait3A_18] : memref<24576x128xf32, #tpu.memory_space<hbm>> -> memref<256x128xf32, #tpu.memory_space<hbm>>
        tpu.wait_dma2 semaphore(%run_scoped3A : memref<!tpu.dma_semaphore, #tpu.memory_space<semaphore_mem>>) src(%arg5 : memref<256x128xf32, #tpu.memory_space<vmem>>) dst(%dma_wait3A_19 : memref<256x128xf32, #tpu.memory_space<hbm>>)
        tpu.yield
      }) : () -> ()
    }
    %scan3A_7 = arith.constant 3 : i32
    return
  }
}

module attributes {stable_mosaic.version = 14 : i64} {
  func.func @_pre_body(%arg0: i32, %arg1: memref<64x512xf32, #tpu.memory_space<vmem>>, %arg2: memref<64x512xf32, #tpu.memory_space<vmem>>, %arg3: memref<64x512xf32, #tpu.memory_space<vmem>>, %arg4: memref<64x512xf32, #tpu.memory_space<vmem>>, %arg5: memref<512x128xf32, #tpu.memory_space<vmem>>) attributes {dimension_semantics = [#tpu.dimension_semantics<arbitrary>], iteration_bounds = array<i64: 48>, scalar_prefetch = 0 : i64, scratch_operands = 0 : i64, tpu.core_type = #tpu.core_type<tc>, window_params = [{transform_indices = @transform_0, window_bounds = array<i64: 64, 512>}, {transform_indices = @transform_1, window_bounds = array<i64: 64, 512>}, {transform_indices = @transform_2, window_bounds = array<i64: 64, 512>}, {transform_indices = @transform_3, window_bounds = array<i64: 64, 512>}, {transform_indices = @transform_4, window_bounds = array<i64: 512, 128>}]} {
    %get3A = arith.constant 0 : index
    %get3A_0 = arith.constant 0 : index
    %get3A_1 = vector.load %arg1[%get3A, %get3A_0] : memref<64x512xf32, #tpu.memory_space<vmem>>, vector<64x512xf32>
    %get3A_2 = arith.constant 0 : index
    %get3A_3 = arith.constant 0 : index
    %get3A_4 = vector.load %arg2[%get3A_2, %get3A_3] : memref<64x512xf32, #tpu.memory_space<vmem>>, vector<64x512xf32>
    %add3A = arith.addf %get3A_1, %get3A_4 : vector<64x512xf32>
    %transpose3A = tpu.transpose %add3A, [1, 0] : vector<64x512xf32> -> vector<512x64xf32>
    %swap3A = arith.constant 0 : index
    %swap3A_5 = arith.constant 0 : index
    %swap3A_6 = vector.load %arg5[%swap3A, %swap3A_5] : memref<512x128xf32, #tpu.memory_space<vmem>>, vector<512x64xf32>
    tpu.vector_store %arg5[%swap3A, %swap3A_5], %transpose3A {strides = array<i32>} : memref<512x128xf32, #tpu.memory_space<vmem>>, vector<512x64xf32>,
    %get3A_7 = arith.constant 0 : index
    %get3A_8 = arith.constant 0 : index
    %get3A_9 = vector.load %arg3[%get3A_7, %get3A_8] : memref<64x512xf32, #tpu.memory_space<vmem>>, vector<64x512xf32>
    %get3A_10 = arith.constant 0 : index
    %get3A_11 = arith.constant 0 : index
    %get3A_12 = vector.load %arg4[%get3A_10, %get3A_11] : memref<64x512xf32, #tpu.memory_space<vmem>>, vector<64x512xf32>
    %add3A_13 = arith.addf %get3A_9, %get3A_12 : vector<64x512xf32>
    %transpose3A_14 = tpu.transpose %add3A_13, [1, 0] : vector<64x512xf32> -> vector<512x64xf32>
    %swap3A_15 = arith.constant 0 : index
    %swap3A_16 = arith.constant 64 : index
    %swap3A_17 = vector.load %arg5[%swap3A_15, %swap3A_16] : memref<512x128xf32, #tpu.memory_space<vmem>>, vector<512x64xf32>
    tpu.vector_store %arg5[%swap3A_15, %swap3A_16], %transpose3A_14 {strides = array<i32>} : memref<512x128xf32, #tpu.memory_space<vmem>>, vector<512x64xf32>,
    return
  }
  func.func @transform_0(%arg0: i32) -> (i32, i32) {
    %c0_i32 = arith.constant 0 : i32
    %c0_i32_0 = arith.constant 0 : i32
    return %c0_i32, %arg0 : i32, i32
  }
  func.func @transform_1(%arg0: i32) -> (i32, i32) {
    %c0_i32 = arith.constant 0 : i32
    %c0_i32_0 = arith.constant 0 : i32
    return %c0_i32, %arg0 : i32, i32
  }
  func.func @transform_2(%arg0: i32) -> (i32, i32) {
    %add3A = arith.constant 48 : i32
    %add3A_0 = arith.addi %arg0, %add3A : i32
    %c0_i32 = arith.constant 0 : i32
    %c0_i32_1 = arith.constant 0 : i32
    return %c0_i32, %add3A_0 : i32, i32
  }
  func.func @transform_3(%arg0: i32) -> (i32, i32) {
    %add3A = arith.constant 48 : i32
    %add3A_0 = arith.addi %arg0, %add3A : i32
    %c0_i32 = arith.constant 0 : i32
    %c0_i32_1 = arith.constant 0 : i32
    return %c0_i32, %add3A_0 : i32, i32
  }
  func.func @transform_4(%arg0: i32) -> (i32, i32) {
    %c0_i32 = arith.constant 0 : i32
    %c0_i32_0 = arith.constant 0 : i32
    return %arg0, %c0_i32 : i32, i32
  }
}

module attributes {stable_mosaic.version = 14 : i64} {
  func.func @_tc_body(%arg0: i32, %arg1: memref<64x4096xf32, #tpu.memory_space<vmem>>, %arg2: memref<64x4096xf32, #tpu.memory_space<vmem>>, %arg3: memref<64x4096xf32, #tpu.memory_space<vmem>>) attributes {dimension_semantics = [#tpu.dimension_semantics<arbitrary>], iteration_bounds = array<i64: 52>, scalar_prefetch = 0 : i64, scratch_operands = 0 : i64, tpu.core_type = #tpu.core_type<tc>, window_params = [{transform_indices = @transform_0, window_bounds = array<i64: 64, 4096>}, {transform_indices = @transform_1, window_bounds = array<i64: 64, 4096>}, {transform_indices = @transform_2, window_bounds = array<i64: 64, 4096>}]} {
    %get3A = arith.constant 0 : index
    %get3A_0 = arith.constant 0 : index
    %get3A_1 = vector.load %arg1[%get3A, %get3A_0] : memref<64x4096xf32, #tpu.memory_space<vmem>>, vector<64x4096xf32>
    %get3A_2 = arith.constant 0 : index
    %get3A_3 = arith.constant 0 : index
    %get3A_4 = vector.load %arg2[%get3A_2, %get3A_3] : memref<64x4096xf32, #tpu.memory_space<vmem>>, vector<64x4096xf32>
    %add3A = arith.addf %get3A_1, %get3A_4 : vector<64x4096xf32>
    %exp3A = math.exp %add3A : vector<64x4096xf32>
    %broadcast_in_dim3A = arith.constant 0.000000e+00 : f32
    %broadcast_in_dim3A_5 = vector.broadcast %broadcast_in_dim3A : f32 to vector<64x4096xf32>
    %reduce_sum3A = arith.constant dense<0.000000e+00> : vector<4096xf32>
    %reduce_sum3A_6 = vector.multi_reduction <add>, %exp3A, %reduce_sum3A [0] : vector<64x4096xf32> to vector<4096xf32>
    %broadcast_in_dim3A_7 = vector.shape_cast %reduce_sum3A_6 : vector<4096xf32> to vector<1x4096xf32>
    %div3A = arith.constant 1.000000e+00 : f32
    %div3A_8 = vector.broadcast %div3A : f32 to vector<1x4096xf32>
    %div3A_9 = arith.divf %div3A_8, %broadcast_in_dim3A_7 : vector<1x4096xf32>
    %mul3A = vector.broadcast %div3A_9 : vector<1x4096xf32> to vector<64x4096xf32>
    %mul3A_10 = arith.mulf %exp3A, %mul3A : vector<64x4096xf32>
    %add3A_11 = arith.addf %broadcast_in_dim3A_5, %mul3A_10 : vector<64x4096xf32>
    %sub3A = arith.constant 1.000000e+00 : f32
    %sub3A_12 = vector.broadcast %sub3A : f32 to vector<64x4096xf32>
    %sub3A_13 = arith.subf %sub3A_12, %mul3A_10 : vector<64x4096xf32>
    %mul3A_14 = arith.mulf %exp3A, %sub3A_13 : vector<64x4096xf32>
    %reduce_sum3A_15 = arith.constant dense<0.000000e+00> : vector<4096xf32>
    %reduce_sum3A_16 = vector.multi_reduction <add>, %mul3A_14, %reduce_sum3A_15 [0] : vector<64x4096xf32> to vector<4096xf32>
    %broadcast_in_dim3A_17 = vector.shape_cast %reduce_sum3A_16 : vector<4096xf32> to vector<1x4096xf32>
    %div3A_18 = arith.constant 1.000000e+00 : f32
    %div3A_19 = vector.broadcast %div3A_18 : f32 to vector<1x4096xf32>
    %div3A_20 = arith.divf %div3A_19, %broadcast_in_dim3A_17 : vector<1x4096xf32>
    %mul3A_21 = vector.broadcast %div3A_20 : vector<1x4096xf32> to vector<64x4096xf32>
    %mul3A_22 = arith.mulf %mul3A_14, %mul3A_21 : vector<64x4096xf32>
    %add3A_23 = arith.addf %add3A_11, %mul3A_22 : vector<64x4096xf32>
    %sub3A_24 = arith.constant 1.000000e+00 : f32
    %sub3A_25 = vector.broadcast %sub3A_24 : f32 to vector<64x4096xf32>
    %sub3A_26 = arith.subf %sub3A_25, %mul3A_22 : vector<64x4096xf32>
    %mul3A_27 = arith.mulf %mul3A_14, %sub3A_26 : vector<64x4096xf32>
    %reduce_sum3A_28 = arith.constant dense<0.000000e+00> : vector<4096xf32>
    %reduce_sum3A_29 = vector.multi_reduction <add>, %mul3A_27, %reduce_sum3A_28 [0] : vector<64x4096xf32> to vector<4096xf32>
    %broadcast_in_dim3A_30 = vector.shape_cast %reduce_sum3A_29 : vector<4096xf32> to vector<1x4096xf32>
    %div3A_31 = arith.constant 1.000000e+00 : f32
    %div3A_32 = vector.broadcast %div3A_31 : f32 to vector<1x4096xf32>
    %div3A_33 = arith.divf %div3A_32, %broadcast_in_dim3A_30 : vector<1x4096xf32>
    %mul3A_34 = vector.broadcast %div3A_33 : vector<1x4096xf32> to vector<64x4096xf32>
    %mul3A_35 = arith.mulf %mul3A_27, %mul3A_34 : vector<64x4096xf32>
    %add3A_36 = arith.addf %add3A_23, %mul3A_35 : vector<64x4096xf32>
    %sub3A_37 = arith.constant 1.000000e+00 : f32
    %sub3A_38 = vector.broadcast %sub3A_37 : f32 to vector<64x4096xf32>
    %sub3A_39 = arith.subf %sub3A_38, %mul3A_35 : vector<64x4096xf32>
    %mul3A_40 = arith.mulf %mul3A_27, %sub3A_39 : vector<64x4096xf32>
    %reduce_sum3A_41 = arith.constant dense<0.000000e+00> : vector<4096xf32>
    %reduce_sum3A_42 = vector.multi_reduction <add>, %mul3A_40, %reduce_sum3A_41 [0] : vector<64x4096xf32> to vector<4096xf32>
    %broadcast_in_dim3A_43 = vector.shape_cast %reduce_sum3A_42 : vector<4096xf32> to vector<1x4096xf32>
    %div3A_44 = arith.constant 1.000000e+00 : f32
    %div3A_45 = vector.broadcast %div3A_44 : f32 to vector<1x4096xf32>
    %div3A_46 = arith.divf %div3A_45, %broadcast_in_dim3A_43 : vector<1x4096xf32>
    %mul3A_47 = vector.broadcast %div3A_46 : vector<1x4096xf32> to vector<64x4096xf32>
    %mul3A_48 = arith.mulf %mul3A_40, %mul3A_47 : vector<64x4096xf32>
    %add3A_49 = arith.addf %add3A_36, %mul3A_48 : vector<64x4096xf32>
    %sub3A_50 = arith.constant 1.000000e+00 : f32
    %sub3A_51 = vector.broadcast %sub3A_50 : f32 to vector<64x4096xf32>
    %sub3A_52 = arith.subf %sub3A_51, %mul3A_48 : vector<64x4096xf32>
    %mul3A_53 = arith.mulf %mul3A_40, %sub3A_52 : vector<64x4096xf32>
    %reduce_sum3A_54 = arith.constant dense<0.000000e+00> : vector<4096xf32>
    %reduce_sum3A_55 = vector.multi_reduction <add>, %mul3A_53, %reduce_sum3A_54 [0] : vector<64x4096xf32> to vector<4096xf32>
    %broadcast_in_dim3A_56 = vector.shape_cast %reduce_sum3A_55 : vector<4096xf32> to vector<1x4096xf32>
    %div3A_57 = arith.constant 1.000000e+00 : f32
    %div3A_58 = vector.broadcast %div3A_57 : f32 to vector<1x4096xf32>
    %div3A_59 = arith.divf %div3A_58, %broadcast_in_dim3A_56 : vector<1x4096xf32>
    %mul3A_60 = vector.broadcast %div3A_59 : vector<1x4096xf32> to vector<64x4096xf32>
    %mul3A_61 = arith.mulf %mul3A_53, %mul3A_60 : vector<64x4096xf32>
    %add3A_62 = arith.addf %add3A_49, %mul3A_61 : vector<64x4096xf32>
    %sub3A_63 = arith.constant 1.000000e+00 : f32
    %sub3A_64 = vector.broadcast %sub3A_63 : f32 to vector<64x4096xf32>
    %sub3A_65 = arith.subf %sub3A_64, %mul3A_61 : vector<64x4096xf32>
    %mul3A_66 = arith.mulf %mul3A_53, %sub3A_65 : vector<64x4096xf32>
    %reduce_sum3A_67 = arith.constant dense<0.000000e+00> : vector<4096xf32>
    %reduce_sum3A_68 = vector.multi_reduction <add>, %mul3A_66, %reduce_sum3A_67 [0] : vector<64x4096xf32> to vector<4096xf32>
    %broadcast_in_dim3A_69 = vector.shape_cast %reduce_sum3A_68 : vector<4096xf32> to vector<1x4096xf32>
    %div3A_70 = arith.constant 1.000000e+00 : f32
    %div3A_71 = vector.broadcast %div3A_70 : f32 to vector<1x4096xf32>
    %div3A_72 = arith.divf %div3A_71, %broadcast_in_dim3A_69 : vector<1x4096xf32>
    %mul3A_73 = vector.broadcast %div3A_72 : vector<1x4096xf32> to vector<64x4096xf32>
    %mul3A_74 = arith.mulf %mul3A_66, %mul3A_73 : vector<64x4096xf32>
    %add3A_75 = arith.addf %add3A_62, %mul3A_74 : vector<64x4096xf32>
    %sub3A_76 = arith.constant 1.000000e+00 : f32
    %sub3A_77 = vector.broadcast %sub3A_76 : f32 to vector<64x4096xf32>
    %sub3A_78 = arith.subf %sub3A_77, %mul3A_74 : vector<64x4096xf32>
    %mul3A_79 = arith.mulf %mul3A_66, %sub3A_78 : vector<64x4096xf32>
    %reduce_sum3A_80 = arith.constant dense<0.000000e+00> : vector<4096xf32>
    %reduce_sum3A_81 = vector.multi_reduction <add>, %mul3A_79, %reduce_sum3A_80 [0] : vector<64x4096xf32> to vector<4096xf32>
    %broadcast_in_dim3A_82 = vector.shape_cast %reduce_sum3A_81 : vector<4096xf32> to vector<1x4096xf32>
    %div3A_83 = arith.constant 1.000000e+00 : f32
    %div3A_84 = vector.broadcast %div3A_83 : f32 to vector<1x4096xf32>
    %div3A_85 = arith.divf %div3A_84, %broadcast_in_dim3A_82 : vector<1x4096xf32>
    %mul3A_86 = vector.broadcast %div3A_85 : vector<1x4096xf32> to vector<64x4096xf32>
    %mul3A_87 = arith.mulf %mul3A_79, %mul3A_86 : vector<64x4096xf32>
    %add3A_88 = arith.addf %add3A_75, %mul3A_87 : vector<64x4096xf32>
    %sub3A_89 = arith.constant 1.000000e+00 : f32
    %sub3A_90 = vector.broadcast %sub3A_89 : f32 to vector<64x4096xf32>
    %sub3A_91 = arith.subf %sub3A_90, %mul3A_87 : vector<64x4096xf32>
    %mul3A_92 = arith.mulf %mul3A_79, %sub3A_91 : vector<64x4096xf32>
    %reduce_sum3A_93 = arith.constant dense<0.000000e+00> : vector<4096xf32>
    %reduce_sum3A_94 = vector.multi_reduction <add>, %mul3A_92, %reduce_sum3A_93 [0] : vector<64x4096xf32> to vector<4096xf32>
    %broadcast_in_dim3A_95 = vector.shape_cast %reduce_sum3A_94 : vector<4096xf32> to vector<1x4096xf32>
    %div3A_96 = arith.constant 1.000000e+00 : f32
    %div3A_97 = vector.broadcast %div3A_96 : f32 to vector<1x4096xf32>
    %div3A_98 = arith.divf %div3A_97, %broadcast_in_dim3A_95 : vector<1x4096xf32>
    %mul3A_99 = vector.broadcast %div3A_98 : vector<1x4096xf32> to vector<64x4096xf32>
    %mul3A_100 = arith.mulf %mul3A_92, %mul3A_99 : vector<64x4096xf32>
    %add3A_101 = arith.addf %add3A_88, %mul3A_100 : vector<64x4096xf32>
    %sub3A_102 = arith.constant 1.000000e+00 : f32
    %sub3A_103 = vector.broadcast %sub3A_102 : f32 to vector<64x4096xf32>
    %sub3A_104 = arith.subf %sub3A_103, %mul3A_100 : vector<64x4096xf32>
    %mul3A_105 = arith.mulf %mul3A_92, %sub3A_104 : vector<64x4096xf32>
    %reduce_sum3A_106 = arith.constant dense<0.000000e+00> : vector<4096xf32>
    %reduce_sum3A_107 = vector.multi_reduction <add>, %mul3A_105, %reduce_sum3A_106 [0] : vector<64x4096xf32> to vector<4096xf32>
    %broadcast_in_dim3A_108 = vector.shape_cast %reduce_sum3A_107 : vector<4096xf32> to vector<1x4096xf32>
    %div3A_109 = arith.constant 1.000000e+00 : f32
    %div3A_110 = vector.broadcast %div3A_109 : f32 to vector<1x4096xf32>
    %div3A_111 = arith.divf %div3A_110, %broadcast_in_dim3A_108 : vector<1x4096xf32>
    %mul3A_112 = vector.broadcast %div3A_111 : vector<1x4096xf32> to vector<64x4096xf32>
    %mul3A_113 = arith.mulf %mul3A_105, %mul3A_112 : vector<64x4096xf32>
    %add3A_114 = arith.addf %add3A_101, %mul3A_113 : vector<64x4096xf32>
    %sub3A_115 = arith.constant 1.000000e+00 : f32
    %sub3A_116 = vector.broadcast %sub3A_115 : f32 to vector<64x4096xf32>
    %sub3A_117 = arith.subf %sub3A_116, %mul3A_113 : vector<64x4096xf32>
    %mul3A_118 = arith.mulf %mul3A_105, %sub3A_117 : vector<64x4096xf32>
    %reduce_sum3A_119 = arith.constant dense<0.000000e+00> : vector<4096xf32>
    %reduce_sum3A_120 = vector.multi_reduction <add>, %mul3A_118, %reduce_sum3A_119 [0] : vector<64x4096xf32> to vector<4096xf32>
    %broadcast_in_dim3A_121 = vector.shape_cast %reduce_sum3A_120 : vector<4096xf32> to vector<1x4096xf32>
    %div3A_122 = arith.constant 1.000000e+00 : f32
    %div3A_123 = vector.broadcast %div3A_122 : f32 to vector<1x4096xf32>
    %div3A_124 = arith.divf %div3A_123, %broadcast_in_dim3A_121 : vector<1x4096xf32>
    %mul3A_125 = vector.broadcast %div3A_124 : vector<1x4096xf32> to vector<64x4096xf32>
    %mul3A_126 = arith.mulf %mul3A_118, %mul3A_125 : vector<64x4096xf32>
    %add3A_127 = arith.addf %add3A_114, %mul3A_126 : vector<64x4096xf32>
    %sub3A_128 = arith.constant 1.000000e+00 : f32
    %sub3A_129 = vector.broadcast %sub3A_128 : f32 to vector<64x4096xf32>
    %sub3A_130 = arith.subf %sub3A_129, %mul3A_126 : vector<64x4096xf32>
    %mul3A_131 = arith.mulf %mul3A_118, %sub3A_130 : vector<64x4096xf32>
    %reduce_sum3A_132 = arith.constant dense<0.000000e+00> : vector<4096xf32>
    %reduce_sum3A_133 = vector.multi_reduction <add>, %mul3A_131, %reduce_sum3A_132 [0] : vector<64x4096xf32> to vector<4096xf32>
    %broadcast_in_dim3A_134 = vector.shape_cast %reduce_sum3A_133 : vector<4096xf32> to vector<1x4096xf32>
    %div3A_135 = arith.constant 1.000000e+00 : f32
    %div3A_136 = vector.broadcast %div3A_135 : f32 to vector<1x4096xf32>
    %div3A_137 = arith.divf %div3A_136, %broadcast_in_dim3A_134 : vector<1x4096xf32>
    %mul3A_138 = vector.broadcast %div3A_137 : vector<1x4096xf32> to vector<64x4096xf32>
    %mul3A_139 = arith.mulf %mul3A_131, %mul3A_138 : vector<64x4096xf32>
    %add3A_140 = arith.addf %add3A_127, %mul3A_139 : vector<64x4096xf32>
    %sub3A_141 = arith.constant 1.000000e+00 : f32
    %sub3A_142 = vector.broadcast %sub3A_141 : f32 to vector<64x4096xf32>
    %sub3A_143 = arith.subf %sub3A_142, %mul3A_139 : vector<64x4096xf32>
    %mul3A_144 = arith.mulf %mul3A_131, %sub3A_143 : vector<64x4096xf32>
    %reduce_sum3A_145 = arith.constant dense<0.000000e+00> : vector<4096xf32>
    %reduce_sum3A_146 = vector.multi_reduction <add>, %mul3A_144, %reduce_sum3A_145 [0] : vector<64x4096xf32> to vector<4096xf32>
    %broadcast_in_dim3A_147 = vector.shape_cast %reduce_sum3A_146 : vector<4096xf32> to vector<1x4096xf32>
    %div3A_148 = arith.constant 1.000000e+00 : f32
    %div3A_149 = vector.broadcast %div3A_148 : f32 to vector<1x4096xf32>
    %div3A_150 = arith.divf %div3A_149, %broadcast_in_dim3A_147 : vector<1x4096xf32>
    %mul3A_151 = vector.broadcast %div3A_150 : vector<1x4096xf32> to vector<64x4096xf32>
    %mul3A_152 = arith.mulf %mul3A_144, %mul3A_151 : vector<64x4096xf32>
    %add3A_153 = arith.addf %add3A_140, %mul3A_152 : vector<64x4096xf32>
    %sub3A_154 = arith.constant 1.000000e+00 : f32
    %sub3A_155 = vector.broadcast %sub3A_154 : f32 to vector<64x4096xf32>
    %sub3A_156 = arith.subf %sub3A_155, %mul3A_152 : vector<64x4096xf32>
    %mul3A_157 = arith.mulf %mul3A_144, %sub3A_156 : vector<64x4096xf32>
    %reduce_sum3A_158 = arith.constant dense<0.000000e+00> : vector<4096xf32>
    %reduce_sum3A_159 = vector.multi_reduction <add>, %mul3A_157, %reduce_sum3A_158 [0] : vector<64x4096xf32> to vector<4096xf32>
    %broadcast_in_dim3A_160 = vector.shape_cast %reduce_sum3A_159 : vector<4096xf32> to vector<1x4096xf32>
    %div3A_161 = arith.constant 1.000000e+00 : f32
    %div3A_162 = vector.broadcast %div3A_161 : f32 to vector<1x4096xf32>
    %div3A_163 = arith.divf %div3A_162, %broadcast_in_dim3A_160 : vector<1x4096xf32>
    %mul3A_164 = vector.broadcast %div3A_163 : vector<1x4096xf32> to vector<64x4096xf32>
    %mul3A_165 = arith.mulf %mul3A_157, %mul3A_164 : vector<64x4096xf32>
    %add3A_166 = arith.addf %add3A_153, %mul3A_165 : vector<64x4096xf32>
    %sub3A_167 = arith.constant 1.000000e+00 : f32
    %sub3A_168 = vector.broadcast %sub3A_167 : f32 to vector<64x4096xf32>
    %sub3A_169 = arith.subf %sub3A_168, %mul3A_165 : vector<64x4096xf32>
    %mul3A_170 = arith.mulf %mul3A_157, %sub3A_169 : vector<64x4096xf32>
    %reduce_sum3A_171 = arith.constant dense<0.000000e+00> : vector<4096xf32>
    %reduce_sum3A_172 = vector.multi_reduction <add>, %mul3A_170, %reduce_sum3A_171 [0] : vector<64x4096xf32> to vector<4096xf32>
    %broadcast_in_dim3A_173 = vector.shape_cast %reduce_sum3A_172 : vector<4096xf32> to vector<1x4096xf32>
    %div3A_174 = arith.constant 1.000000e+00 : f32
    %div3A_175 = vector.broadcast %div3A_174 : f32 to vector<1x4096xf32>
    %div3A_176 = arith.divf %div3A_175, %broadcast_in_dim3A_173 : vector<1x4096xf32>
    %mul3A_177 = vector.broadcast %div3A_176 : vector<1x4096xf32> to vector<64x4096xf32>
    %mul3A_178 = arith.mulf %mul3A_170, %mul3A_177 : vector<64x4096xf32>
    %add3A_179 = arith.addf %add3A_166, %mul3A_178 : vector<64x4096xf32>
    %sub3A_180 = arith.constant 1.000000e+00 : f32
    %sub3A_181 = vector.broadcast %sub3A_180 : f32 to vector<64x4096xf32>
    %sub3A_182 = arith.subf %sub3A_181, %mul3A_178 : vector<64x4096xf32>
    %mul3A_183 = arith.mulf %mul3A_170, %sub3A_182 : vector<64x4096xf32>
    %reduce_sum3A_184 = arith.constant dense<0.000000e+00> : vector<4096xf32>
    %reduce_sum3A_185 = vector.multi_reduction <add>, %mul3A_183, %reduce_sum3A_184 [0] : vector<64x4096xf32> to vector<4096xf32>
    %broadcast_in_dim3A_186 = vector.shape_cast %reduce_sum3A_185 : vector<4096xf32> to vector<1x4096xf32>
    %div3A_187 = arith.constant 1.000000e+00 : f32
    %div3A_188 = vector.broadcast %div3A_187 : f32 to vector<1x4096xf32>
    %div3A_189 = arith.divf %div3A_188, %broadcast_in_dim3A_186 : vector<1x4096xf32>
    %mul3A_190 = vector.broadcast %div3A_189 : vector<1x4096xf32> to vector<64x4096xf32>
    %mul3A_191 = arith.mulf %mul3A_183, %mul3A_190 : vector<64x4096xf32>
    %add3A_192 = arith.addf %add3A_179, %mul3A_191 : vector<64x4096xf32>
    %sub3A_193 = arith.constant 1.000000e+00 : f32
    %sub3A_194 = vector.broadcast %sub3A_193 : f32 to vector<64x4096xf32>
    %sub3A_195 = arith.subf %sub3A_194, %mul3A_191 : vector<64x4096xf32>
    %mul3A_196 = arith.mulf %mul3A_183, %sub3A_195 : vector<64x4096xf32>
    %reduce_sum3A_197 = arith.constant dense<0.000000e+00> : vector<4096xf32>
    %reduce_sum3A_198 = vector.multi_reduction <add>, %mul3A_196, %reduce_sum3A_197 [0] : vector<64x4096xf32> to vector<4096xf32>
    %broadcast_in_dim3A_199 = vector.shape_cast %reduce_sum3A_198 : vector<4096xf32> to vector<1x4096xf32>
    %div3A_200 = arith.constant 1.000000e+00 : f32
    %div3A_201 = vector.broadcast %div3A_200 : f32 to vector<1x4096xf32>
    %div3A_202 = arith.divf %div3A_201, %broadcast_in_dim3A_199 : vector<1x4096xf32>
    %mul3A_203 = vector.broadcast %div3A_202 : vector<1x4096xf32> to vector<64x4096xf32>
    %mul3A_204 = arith.mulf %mul3A_196, %mul3A_203 : vector<64x4096xf32>
    %add3A_205 = arith.addf %add3A_192, %mul3A_204 : vector<64x4096xf32>
    %swap3A = arith.constant 0 : index
    %swap3A_206 = arith.constant 0 : index
    %swap3A_207 = vector.load %arg3[%swap3A, %swap3A_206] : memref<64x4096xf32, #tpu.memory_space<vmem>>, vector<64x4096xf32>
    tpu.vector_store %arg3[%swap3A, %swap3A_206], %add3A_205 {strides = array<i32>} : memref<64x4096xf32, #tpu.memory_space<vmem>>, vector<64x4096xf32>,
    return
  }
  func.func @transform_0(%arg0: i32) -> (i32, i32) {
    %add3A = arith.constant 12 : i32
    %add3A_0 = arith.addi %arg0, %add3A : i32
    %c0_i32 = arith.constant 0 : i32
    %c0_i32_1 = arith.constant 0 : i32
    return %c0_i32, %add3A_0 : i32, i32
  }
  func.func @transform_1(%arg0: i32) -> (i32, i32) {
    %add3A = arith.constant 12 : i32
    %add3A_0 = arith.addi %arg0, %add3A : i32
    %c0_i32 = arith.constant 0 : i32
    %c0_i32_1 = arith.constant 0 : i32
    return %c0_i32, %add3A_0 : i32, i32
  }
  func.func @transform_2(%arg0: i32) -> (i32, i32) {
    %add3A = arith.constant 12 : i32
    %add3A_0 = arith.addi %arg0, %add3A : i32
    %c0_i32 = arith.constant 0 : i32
    %c0_i32_1 = arith.constant 0 : i32
    return %c0_i32, %add3A_0 : i32, i32
  }
}

</mosaic_0001>

<sc_bundles>
// kernel: _gtnm.5.cloned.1.call-start
scs
__scs_entry_jumppad:
0x0: {  	(pc) =	sbr.rel $0x88, $3  }
0x1: {  	(tag) =	ssettag $0x0;
	lr =	simm.s32 $0x1  }
0x2: {  	[smem:$0x3F9F] =	sst lr;
	_ =	strace $0xD0000000  }
0x3: {  	_ = 	snop  }
0x4: {  	_ = 	snop  }
0x5: {  	_ = 	snop  }
0x6: {  	_ = 	snop  }
0x7: {  	_ = 	snop  }
__scs_overlays_trampoline_lowered:
0x8: {  	[smem:$0x3FAE] =	sst s0  }
0x9: {  	[smem:$0x3FAF] =	sst s1  }
0xa: {  	[smem:$0x3FB0] =	sst s2  }
0xb: {  	[smem:$0x3FB1] =	sst s3  }
0xc: {  	[smem:$0x3FB2] =	sst s4  }
0xd: {  	[smem:$0x3FB3] =	sst s5  }
0xe: {  	[smem:$0x3FB4] =	sst s6  }
0xf: {  	[smem:$0x3FB5] =	sst s7  }
0x10: {  	[smem:$0x3FB6] =	sst s8  }
0x11: {  	[smem:$0x3FB7] =	sst s9;
	s0 =	simm.s32 @!p0 $0x0  }
0x12: {  	s1 =	sld [smem:$0x3F9D];
	s0 =	simm.s32 @p0 $0x1  }
0x13: {  	[smem:$0x3FB8] =	sst s0;
	s0 =	simm.s32 @!p1 $0x0  }
0x14: {  	s2 =	sld [smem:$0x3F9C];
	s0 =	simm.s32 @p1 $0x1  }
0x15: {  	[smem:$0x3FB9] =	sst s0;
	s0 =	simm.s32 @!p2 $0x0  }
0x16: {  	s3 =	sld [smem:$0x3FDB];
	s0 =	simm.s32 @p2 $0x1  }
0x17: {  	s4 =	simm.s32 $0x1BF5;
	[smem:$0x3FBB] =	sst s0  }
0x18: {  	s0 =	sld [smem:$0x3F9E];
	_ =	swait.ge [sflag:s4], $0x0  }
0x19: {  	s7 =	sld [smem:$0x3F9F]  }
0x1a: {  	s8 =	sadd.s32 $0xFFFFE003, lr  }
0x1b: {  	s9 =	sadd.s32 $0xFFFFFEF7, lr;
	s5 =	simm.s32 $0xFFFFFFFF;
	p2 =	slt.u32 s8, $0xFFFFF086  }
0x1c: {  	p1 =	slt.u32 s9, $0xF7A;
	s5 =	simm.s32 @!p2 $0x0  }
0x1d: {  	s5 =	simm.s32 @p1 $0x1;
	p0 =	seq.s32 s7, s2  }
0x1e: {  	s7 =	smul.u32 @!p0 $0xF7A, s2;
	p2 =	seq.s32 @!p0 s5, $0x0  }
0x1f: {  	s9 =	smul.u32 $0xF7A, s1;
	s8 =	simm.s32 @!p0 $0x1BF5;
	p2 =	por !p2, p0  }
0x20: {  	[sflag:s8] =	ssyncset.s32 @!p0 $0xFFFFF086;
	s6 =	sadd.s32 @!p0 s3, s7;
	s7 =	simm.s32 @!p0 $0x108  }
0x21: {  	s3 =	sadd.s32 s3, s9;
	s6 =	sadd.s32 @!p0 $0x88, s6;
	s7 =	simm.s32 @p2 $0x1082  }
0x22: {  	[simem:s7], [sflag:s8] =	dma.local @!p0 [hbm:s6], $0xF7A  }
0x23: {  	s9 =	sor.u32 $0xD0000000, s2;
	s6 =	simm.s32 $0x108;
	_ =	swait.ge @!p0 [sflag:s8], $0x0  }
0x24: {  	s3 =	sadd.s32 $0x88, s3;
	s6 =	simm.s32 @!p1 $0x1082;
	[sflag:s4] =	ssyncset.s32 $0xFFFFF086  }
0x25: {  	[simem:s6], [sflag:s4] =	dma.local [hbm:s3], $0xF7A  }
0x26: {  	[smem:$0x3F9F] =	sst s1;
	(tag) =	ssettag s2;
	_ =	strace s9  }
0x27: {  	s1 =	sld [smem:$0x3FAF]  }
0x28: {  	s2 =	sld [smem:$0x3FB0]  }
0x29: {  	s4 =	sld [smem:$0x3FB2]  }
0x2a: {  	p0 =	seq.s32 s5, $0x0;
	s5 =	sld [smem:$0x3FB3]  }
0x2b: {  	s6 =	sld [smem:$0x3FB4]  }
0x2c: {  	s7 =	sld [smem:$0x3FB5]  }
0x2d: {  	s3 =	simm.s32 $0x108;
	s8 =	sld [smem:$0x3FB6]  }
0x2e: {  	s3 =	simm.s32 @!p0 $0x1082;
	s9 =	sld [smem:$0x3FB7]  }
0x2f: {  	lr =	sadd.s32 s0, s3;
	s0 =	sld [smem:$0x3FAE]  }
0x30: {  	s3 =	sld [smem:$0x3FB1]  }
0x31: {  	[smem:$0x3FBA] =	sst s10  }
0x32: {  	s10 =	sld [smem:$0x3FB8];
	_ =	sdelay $0x3  }
0x33: {  	p0 =	seq.s32 s10, $0x1;
	s10 =	sld [smem:$0x3FBA];
	_ =	sdelay $0x3  }
0x34: {  	[smem:$0x3FBA] =	sst s10  }
0x35: {  	s10 =	sld [smem:$0x3FB9];
	_ =	sdelay $0x3  }
0x36: {  	p1 =	seq.s32 s10, $0x1;
	s10 =	sld [smem:$0x3FBA];
	_ =	sdelay $0x3  }
0x37: {  	[smem:$0x3FBA] =	sst s10  }
0x38: {  	s10 =	sld [smem:$0x3FBB]  }
0x39: {  	_ = 	snop;
	(pc) =	sbr.ind lr, $3  }
0x3a: {  	_ = 	snop  }
0x3b: {  	_ = 	snop  }
0x3c: {  	p2 =	seq.s32 s10, $0x1;
	s10 =	sld [smem:$0x3FBA]  }
0x3d: {  	_ =	shalt  }
0x3e: {  	_ =	shalt  }
0x3f: {  	_ =	shalt  }
0x40: {  	_ =	shalt  }
0x41: {  	_ =	shalt  }
0x42: {  	_ =	shalt  }
0x43: {  	_ =	shalt  }
0x44: {  	_ =	shalt  }
0x45: {  	_ =	shalt  }
0x46: {  	_ =	shalt  }
0x47: {  	_ =	shalt  }
0x48: {  	_ =	shalt  }
0x49: {  	_ =	shalt  }
0x4a: {  	_ =	shalt  }
0x4b: {  	_ =	shalt  }
0x4c: {  	_ =	shalt  }
0x4d: {  	_ =	shalt  }
0x4e: {  	_ =	shalt  }
0x4f: {  	_ =	shalt  }
0x50: {  	_ =	shalt  }
0x51: {  	_ =	shalt  }
0x52: {  	_ =	shalt  }
0x53: {  	_ =	shalt  }
0x54: {  	_ =	shalt  }
0x55: {  	_ =	shalt  }
0x56: {  	_ =	shalt  }
0x57: {  	_ =	shalt  }
0x58: {  	_ =	shalt  }
0x59: {  	_ =	shalt  }
0x5a: {  	_ =	shalt  }
0x5b: {  	_ =	shalt  }
0x5c: {  	_ =	shalt  }
0x5d: {  	_ =	shalt  }
0x5e: {  	_ =	shalt  }
0x5f: {  	_ =	shalt  }
0x60: {  	_ =	shalt  }
0x61: {  	_ =	shalt  }
0x62: {  	_ =	shalt  }
0x63: {  	_ =	shalt  }
0x64: {  	_ =	shalt  }
0x65: {  	_ =	shalt  }
0x66: {  	_ =	shalt  }
0x67: {  	_ =	shalt  }
0x68: {  	_ =	shalt  }
0x69: {  	_ =	shalt  }
0x6a: {  	_ =	shalt  }
0x6b: {  	_ =	shalt  }
0x6c: {  	_ =	shalt  }
0x6d: {  	_ =	shalt  }
0x6e: {  	_ =	shalt  }
0x6f: {  	_ =	shalt  }
0x70: {  	_ =	shalt  }
0x71: {  	_ =	shalt  }
0x72: {  	_ =	shalt  }
0x73: {  	_ =	shalt  }
0x74: {  	_ =	shalt  }
0x75: {  	_ =	shalt  }
0x76: {  	_ =	shalt  }
0x77: {  	_ =	shalt  }
0x78: {  	_ =	shalt  }
0x79: {  	_ =	shalt  }
0x7a: {  	_ =	shalt  }
0x7b: {  	_ =	shalt  }
0x7c: {  	_ =	shalt  }
0x7d: {  	_ =	shalt  }
0x7e: {  	_ =	shalt  }
0x7f: {  	_ =	shalt  }
0x80: {  	_ =	shalt  }
0x81: {  	_ =	shalt  }
0x82: {  	_ =	shalt  }
0x83: {  	_ =	shalt  }
0x84: {  	_ =	shalt  }
0x85: {  	_ =	shalt  }
0x86: {  	_ =	shalt  }
0x87: {  	_ =	shalt  }
.Lfunc_end0:
.L_simem_size_0:
called_computation_lowered:
.L_overlay_start_0:
0x88: {  	s2 =	sld [smem:$0x3FD9]  }
0x89: {  	s3 =	sld [smem:$0x3FFE];
	_ =	sdelay $0x1  }
0x8a: {  	s1 =	srdreg.scid  }
0x8b: {  	s0 =	sand.u32 $0x1, s1  }
0x8c: {  	s16 =	sshll.u32 s0, $0xA;
	s2 =	sadd.s32 s3, s2  }
0x8d: {  	s2 =	sadd.s32 s2, s16  }
0x8e: {  	[smem:$0x3FC6] =	sst s2  }
0x8f: {  	_ = 	snop  }
0x90: {  	(tm) =	ssettm $0x1  }
0x91: {  	s17 =	sld [smem:$0x3FFB];
	_ =	sdelay $0x3  }
0x92: {  	_ =	strace s17  }
0x93: {  	s2 =	sld [smem:$0x3FFC];
	_ =	sdelay $0x3  }
0x94: {  	_ =	strace s2  }
0x95: {  	s2 =	sld [smem:$0x3FFD];
	_ =	sdelay $0x3  }
0x96: {  	_ =	strace s2  }
0x97: {  	_ =	strace $0x8FFFFFFF  }
0x98: {  	s18 =	sld [smem:$0x3FDB];
	_ =	sdelay $0x1  }
0x99: {  	s19 =	simm.s32 $_scs_section_size  }
0x9a: {  	s4 =	simm.s32 $_size__tile_overlayer_lowered;
	s5 =	simm.s32 $_tile_overlayer_lowered  }
0x9b: {  	s22 =	simm.s32 $0x1BFF;
	s21 =	sshll.u32 s5, $0x1;
	s2 =	sadd.s32 s19, s18  }
0x9c: {  	s6 =	simm.s32 $0x0;
	s20 =	sshll.u32 s4, $0x1;
	s4 =	sadd.s32 s21, s2  }
0x9d: {  	[timem:s6], [sflag:s22] =	dma.local [hbm:s4], s20  }
0x9e: {  	_ =	swait.ge [sflag:s22], s20  }
0x9f: {  	s3 =	ssub.s32 $0x0, s20;
	[sflag:s22] =	ssyncset.done $0x0  }
0xa0: {  	[sflag:s22] =	ssyncadd.s32 s3;
	_ =	sdelay $0x1  }
0xa1: {  	s23 =	simm.s32 $0x1B8B  }
0xa2: {  	_ =	swait.ge [sflag:s23], $0x1  }
0xa3: {  	[sflag:s23] =	ssyncset.done $0x0  }
0xa4: {  	s25 =	simm.s32 $0x1B8E;
	s24 =	sld [smem:$0x3FFE];
	[sflag:s23] =	ssyncadd.s32 $0xFFFFFFFF  }
0xa5: {  	s26 =	simm.s32 $execute0_lowered;
	[smem:$0x3FD2] =	sst s25  }
0xa6: {  	s4 =	sshll.u32 s26, $0x1;
	_ =	strace $0x80000046;
	[dreg:$0x1] =	wrdreg $0xFFFFFFFF  }
0xa7: {  	s28 =	simm.s32 $_size_execute0_lowered;
	s2 =	sadd.s32 s2, s4;
	[dreg:$0x0] =	wrdreg $0x0  }
0xa8: {  	s4 =	sshll.u32 s28, $0x1;
	[dreg:$0x2] =	wrdreg s2  }
0xa9: {  	[dreg:$0x3] =	wrdreg s4  }
0xaa: {  	[dreg:$0x4] =	wrdreg $0xC0  }
0xab: {  	_ =	task [dreg:s6], $0x5FFFF  }
0xac: {  	[dreg:$0x1] =	wrdreg $0xFFFFFFFF  }
0xad: {  	[dreg:$0x0] =	wrdreg $0x60  }
0xae: {  	[dreg:$0x2] =	wrdreg s24  }
0xaf: {  	[dreg:$0x3] =	wrdreg $0x9  }
0xb0: {  	_ =	task.clear_ibuf [dreg:s6], $0x4FFFF;
	_ =	strace $0x90000046  }
0xb1: {  	s29 =	simm.s32 $0x9;
	_ =	strace $0x80000048  }
0xb2: {  	_ =	swait.ge [sflag:s29], $0x1  }
0xb3: {  	[sflag:s29] =	ssyncadd.s32 $0xFFFFFFFF  }
0xb4: {  	_ =	strace $0x90000048  }
0xb5: {  	_ =	sfence  }
0xb6: {  	s30 =	sld [smem:$0x0];
	_ =	sdelay $0x2  }
0xb7: {  	s31 =	sshll.u32 s1, $0xD;
	s1 =	sshrl.u32 s1, $0x2  }
0xb8: {  	s3 =	sand.u32 $0x4000, s31;
	s1 =	sadd.s32 s1, s30  }
0xb9: {  	s0 =	sor.u32 s3, s0;
	s1 =	sshll.u32 s1, $0x11  }
0xba: {  	s0 =	sor.u32 s1, s0  }
0xbb: {  	s0 =	sadd.s32 $0x8F2B, s0  }
0xbc: {  	[sflag:s0] =	ssyncadd.remote.s32 $0x1  }
0xbd: {  	_ =	sfence.sel $0xFFFF  }
0xbe: {  	[dreg:$0x0] =	wrdreg $0xFFFFFFFF;
	(pc) =	sbr.abs _section_cstart, $3  }
0xbf: {  	[dreg:$0x1] =	wrdreg $0xFFFFFFFF  }
0xc0: {  	_ =	task.clear_ibuf [dreg:s6], $0x2FFFF;
	_ =	strace $0x9FFFFFFF  }
0xc1: {  	(tm) =	ssettm $0x7FFFFFFF  }
tec
execute0_lowered:
.L_overlay_start_1:
0x0: {  	(tag) =	ssettag $0x1  }
0x1: {  	v0 =	vimm.s32 $0xEFCDAB89;
	v1 =	vimm.s32 $0x67452301  }
0x2: {  	v2 =	vimm.s32 $0xDCFE98BA;
	v3 =	vimm.s32 $0x54761032;
	v4 =	vimm.s32 $0xBA98FEDC  }
0x3: {  	v5 =	vimm.s32 $0x32107654;
	v6 =	vimm.s32 $0xFEDCBA98;
	v7 =	vimm.s32 $0x76543210  }
0x4: {  	v0 =	vunpack.c.l.s4.s8 v0;
	v4 =	vunpack.c.l.s4.s8 v4;
	v5 =	vunpack.c.l.s4.s8 v5  }
0x5: {  	v1 =	vunpack.c.l.s4.s8 v1;
	v2 =	vunpack.c.l.s4.s8 v2;
	v3 =	vunpack.c.l.s4.s8 v3  }
0x6: {  	v6 =	vunpack.c.l.s4.s8 v6;
	v4 =	vunpack.c.0.s8.s32 v4;
	v5 =	vunpack.c.0.s8.s32 v5  }
0x7: {  	v7 =	vunpack.c.l.s4.s8 v7;
	v0 =	vunpack.c.0.s8.s32 v0;
	v1 =	vunpack.c.0.s8.s32 v1  }
0x8: {  	s4 =	rddreg [dreg:$0x0];
	s2 =	srdreg.scid;
	v2 =	vunpack.c.0.s8.s32 v2;
	v3 =	vunpack.c.0.s8.s32 v3;
	v57 =	vcombine.low v5, v4  }
0x9: {  	s0 =	rddreg [dreg:$0x1];
	s1 =	simm.s32 $0x0;
	s9 =	simm.s32 $0x0;
	v56 =	vunpack.c.0.s8.s32 v6;
	v0 =	vcombine.low v1, v0  }
0xa: {  	s5 =	sand.u32 $0x1, s2;
	[smem:$0x7FF] =	sst s1;
	s2 =	stileid.u32;
	v58 =	vunpack.c.0.s8.s32 v7;
	v2 =	vcombine.low v3, v2;
	v41 =	vand.u32 $0xF, v57  }
0xb: {  	s3 =	sadd.s32 $0x800, s4;
	s6 =	ssub.s32 $0x2, s5;
	_ =	strace $0x80000047;
	v59 =	vand.u32 $0xF, v56;
	v44 =	vand.u32 $0xF, v0;
	[tilespmem:$0x1FFC0] =	vst v41  }
0xc: {  	s4 =	sadd.s32 $0x60800, s4;
	s8 =	sshll.u32 s2, $0x1;
	s7 =	sshrl.u32 s6, $0x1;
	v45 =	vcombine.low v59, v58;
	v63 =	vand.u32 $0xF, v2;
	[tilespmem:$0x1FFD0] =	vst v44  }
0xd: {  	s5 =	sor.u32 s5, s8;
	s8 =	simm.s32 $0x8000;
	s6 =	ssub.s32 s6, s7;
	[tilespmem:$0x1FFE0] =	vst v63  }
0xe: {  	s5 =	smul.u32 $0x18000, s5;
	s7 =	simm.s32 $0x1;
	s6 =	smax.u32 s6, $0x1;
	[tilespmem:$0x1FFF0] =	vst v45  }
.LBB2_1:
0xf: {  	s10 =	simm.s32 $0x0  }
.LBB2_2:
0x10: {  	s11 =	sshll.u32 s10, $0xF  }
0x11: {  	s11 =	sadd.s32 s5, s11  }
0x12: {  	s11 =	sshrl.u32 s11, $0x3  }
0x13: {  	s13 =	simm.s32 $0x0;
	s12 =	sadd.s32 s3, s11  }
0x14: {  	[tilespmem:s13], [sflag:$0x1] =	stream.linear.gather [hbm4b:s12+s13], $0x8000, $0x38;
	[tilespmem:$0x10000] =	vst v63  }
0x15: {  	_ =	swait.ge [sflag:s7], $0x8000  }
0x16: {  	[sflag:s7] =	ssyncset.done $0x0  }
0x17: {  	s12 =	simm.s32 $0x0;
	[sflag:s7] =	ssyncadd.s32 $0xFFFF8000  }
0x18: {  	v0 =	vld [tilespmem:s12+$0x40]  }
0x19: {  	v1 =	vld [tilespmem:s12+$0x50]  }
0x1a: {  	v2 =	vld [tilespmem:s12+$0x60]  }
0x1b: {  	v3 =	vld [tilespmem:s12+$0x70];
	_ =	sdelay $0x1  }
0x1c: {  	v0 =	vmul.f32 $1.442695020e+00, v0  }
0x1d: {  	v1 =	vmul.f32 $1.442695020e+00, v1  }
0x1e: {  	v2 =	vmul.f32 $1.442695020e+00, v2;
	(erf) = vpow2.f32 v0  }
0x1f: {  	v0 =	vmul.f32 $1.442695020e+00, v3;
	(erf) = vpow2.f32 v1  }
0x20: {  	(erf) = vpow2.f32 v2  }
0x21: {  	(erf) = vpow2.f32 v0;
	_ =	sdelay $0x5  }
0x22: {  	v0 =	vpop (erf)  }
0x23: {  	v1 =	vpop (erf)  }
0x24: {  	v2 =	vpop (erf)  }
0x25: {  	v3 =	vpop (erf)  }
0x26: {  	v4 =	vadd.f32 v1, v0;
	v5 =	vadd.f32 v3, v2;
	_ =	sdelay $0x1  }
0x27: {  	v4 =	vadd.f32 v5, v4;
	_ =	sdelay $0x1  }
0x28: {  	v5 =	vperm.xlane v4, v44;
	_ =	sdelay $0x1  }
0x29: {  	v4 =	vadd.f32 v5, v4;
	_ =	sdelay $0x1  }
0x2a: {  	v7 =	vld [tilespmem:s12+$0x10];
	v6 =	vperm.xlane v4, v63  }
0x2b: {  	v5 =	vld [tilespmem:s12+$0x0]  }
0x2c: {  	v8 =	vld [tilespmem:s12+$0x20];
	v4 =	vadd.f32 v6, v4;
	_ =	sdelay $0x1  }
0x2d: {  	v6 =	vld [tilespmem:s12+$0x30];
	v9 =	vperm.xlane v4, v41;
	_ =	sdelay $0x1  }
0x2e: {  	v5 =	vmul.f32 $1.442695020e+00, v5;
	v4 =	vadd.f32 v9, v4  }
0x2f: {  	v7 =	vmul.f32 $1.442695020e+00, v7;
	v8 =	vmul.f32 $1.442695020e+00, v8  }
0x30: {  	(erf) = vpow2.f32 v5;
	v5 =	vperm.xlane v4, v45  }
0x31: {  	(erf) = vpow2.f32 v7;
	v6 =	vmul.f32 $1.442695020e+00, v6  }
0x32: {  	(erf) = vpow2.f32 v8;
	v4 =	vadd.f32 v5, v4  }
0x33: {  	(erf) = vpow2.f32 v6  }
0x34: {  	(erf) = vrcp.f32 v4;
	_ =	sdelay $0x4  }
0x35: {  	v4 =	vpop (erf)  }
0x36: {  	v5 =	vpop (erf)  }
0x37: {  	v6 =	vpop (erf)  }
0x38: {  	v7 =	vpop (erf)  }
0x39: {  	v8 =	vadd.f32 v5, v4;
	v9 =	vadd.f32 v7, v6;
	v10 =	vpop (erf)  }
0x3a: {  	v35 =	vmul.f32 v10, v0;
	v33 =	vmul.f32 v10, v1  }
0x3b: {  	v8 =	vadd.f32 v9, v8;
	v38 =	vmul.f32 v10, v2;
	v13 =	vmul.f32 v10, v3  }
0x3c: {  	v9 =	vsub.f32 $1.000000000e+00, v35;
	v10 =	vsub.f32 $1.000000000e+00, v33  }
0x3d: {  	v11 =	vperm.xlane v8, v44;
	[tilespmem:$0x1F8B0] =	vst v13;
	v12 =	vsub.f32 $1.000000000e+00, v38;
	v13 =	vsub.f32 $1.000000000e+00, v13  }
0x3e: {  	v0 =	vmul.f32 v9, v0;
	v1 =	vmul.f32 v10, v1  }
0x3f: {  	v8 =	vadd.f32 v11, v8;
	v2 =	vmul.f32 v12, v2;
	v3 =	vmul.f32 v13, v3;
	_ =	sdelay $0x1  }
0x40: {  	v9 =	vperm.xlane v8, v63;
	v10 =	vadd.f32 v1, v0;
	v11 =	vadd.f32 v3, v2;
	_ =	sdelay $0x1  }
0x41: {  	v8 =	vadd.f32 v9, v8;
	v9 =	vadd.f32 v11, v10;
	_ =	sdelay $0x1  }
0x42: {  	v10 =	vperm.xlane v8, v41;
	v11 =	vperm.xlane v9, v44;
	_ =	sdelay $0x1  }
0x43: {  	v8 =	vadd.f32 v10, v8;
	v9 =	vadd.f32 v9, v11;
	_ =	sdelay $0x1  }
0x44: {  	v10 =	vperm.xlane v8, v45;
	v11 =	vperm.xlane v9, v63;
	_ =	sdelay $0x1  }
0x45: {  	v8 =	vadd.f32 v10, v8;
	v9 =	vadd.f32 v9, v11;
	_ =	sdelay $0x1  }
0x46: {  	(erf) = vrcp.f32 v8;
	v8 =	vperm.xlane v9, v41;
	_ =	sdelay $0x1  }
0x47: {  	v8 =	vadd.f32 v9, v8;
	_ =	sdelay $0x1  }
0x48: {  	v9 =	vperm.xlane v8, v45;
	_ =	sdelay $0x1  }
0x49: {  	v8 =	vadd.f32 v8, v9;
	_ =	sdelay $0x2  }
0x4a: {  	(erf) = vrcp.f32 v8  }
0x4b: {  	v8 =	vpop (erf)  }
0x4c: {  	v58 =	vmul.f32 v8, v4;
	v56 =	vmul.f32 v8, v5  }
0x4d: {  	v52 =	vmul.f32 v8, v6;
	v36 =	vmul.f32 v8, v7  }
0x4e: {  	v8 =	vsub.f32 $1.000000000e+00, v58;
	v9 =	vsub.f32 $1.000000000e+00, v56  }
0x4f: {  	v10 =	vsub.f32 $1.000000000e+00, v52;
	v11 =	vsub.f32 $1.000000000e+00, v36  }
0x50: {  	v4 =	vmul.f32 v8, v4;
	v8 =	vmul.f32 v9, v5  }
0x51: {  	v9 =	vmul.f32 v10, v6;
	v7 =	vmul.f32 v11, v7;
	_ =	sdelay $0x1  }
0x52: {  	v5 =	vadd.f32 v8, v4;
	v10 =	vadd.f32 v7, v9;
	v11 =	vpop (erf)  }
0x53: {  	v13 =	vmul.f32 v11, v0;
	v12 =	vmul.f32 v11, v1  }
0x54: {  	v50 =	vmul.f32 v11, v2;
	v6 =	vmul.f32 v11, v3;
	v5 =	vadd.f32 v10, v5  }
0x55: {  	[tilespmem:$0x1F3C0] =	vst v13;
	v10 =	vsub.f32 $1.000000000e+00, v13;
	v11 =	vsub.f32 $1.000000000e+00, v12  }
0x56: {  	[tilespmem:$0x1F3D0] =	vst v12;
	v13 =	vsub.f32 $1.000000000e+00, v50;
	v14 =	vsub.f32 $1.000000000e+00, v6;
	v12 =	vperm.xlane v5, v44  }
0x57: {  	v10 =	vmul.f32 v10, v0;
	v1 =	vmul.f32 v11, v1  }
0x58: {  	v2 =	vmul.f32 v13, v2;
	v3 =	vmul.f32 v14, v3;
	v0 =	vadd.f32 v5, v12;
	_ =	sdelay $0x1  }
0x59: {  	v11 =	vadd.f32 v1, v10;
	v12 =	vadd.f32 v3, v2;
	v5 =	vperm.xlane v0, v63;
	_ =	sdelay $0x1  }
0x5a: {  	v0 =	vadd.f32 v0, v5;
	v5 =	vadd.f32 v12, v11;
	_ =	sdelay $0x1  }
0x5b: {  	v11 =	vperm.xlane v0, v41;
	v12 =	vperm.xlane v5, v44;
	_ =	sdelay $0x1  }
0x5c: {  	v0 =	vadd.f32 v0, v11;
	v5 =	vadd.f32 v5, v12;
	_ =	sdelay $0x1  }
0x5d: {  	v11 =	vperm.xlane v0, v45;
	v12 =	vperm.xlane v5, v63;
	_ =	sdelay $0x1  }
0x5e: {  	v0 =	vadd.f32 v0, v11;
	v5 =	vadd.f32 v5, v12;
	_ =	sdelay $0x1  }
0x5f: {  	(erf) = vrcp.f32 v0;
	v0 =	vperm.xlane v5, v41;
	_ =	sdelay $0x1  }
0x60: {  	v0 =	vadd.f32 v5, v0;
	_ =	sdelay $0x1  }
0x61: {  	v5 =	vperm.xlane v0, v45;
	_ =	sdelay $0x1  }
0x62: {  	v0 =	vadd.f32 v0, v5;
	_ =	sdelay $0x1  }
0x63: {  	(erf) = vrcp.f32 v0  }
0x64: {  	v11 =	vpop (erf)  }
0x65: {  	v5 =	vmul.f32 v11, v4;
	v57 =	vmul.f32 v11, v8  }
0x66: {  	[tilespmem:$0x1F8C0] =	vst v6;
	v6 =	vmul.f32 v11, v9;
	v0 =	vmul.f32 v11, v7  }
0x67: {  	v11 =	vsub.f32 $1.000000000e+00, v5;
	v12 =	vsub.f32 $1.000000000e+00, v57  }
0x68: {  	v14 =	vsub.f32 $1.000000000e+00, v6;
	v15 =	vsub.f32 $1.000000000e+00, v0  }
0x69: {  	v4 =	vmul.f32 v11, v4;
	v8 =	vmul.f32 v12, v8  }
0x6a: {  	v9 =	vmul.f32 v14, v9;
	v7 =	vmul.f32 v15, v7;
	_ =	sdelay $0x1  }
0x6b: {  	v11 =	vadd.f32 v8, v4;
	v12 =	vadd.f32 v7, v9;
	v14 =	vpop (erf)  }
0x6c: {  	[tilespmem:$0x1F3E0] =	vst v6;
	v6 =	vmul.f32 v14, v10;
	v60 =	vmul.f32 v14, v1  }
0x6d: {  	[tilespmem:$0x1F3F0] =	vst v0;
	v11 =	vadd.f32 v12, v11;
	v55 =	vmul.f32 v14, v2;
	v0 =	vmul.f32 v14, v3  }
0x6e: {  	v12 =	vsub.f32 $1.000000000e+00, v6;
	v14 =	vsub.f32 $1.000000000e+00, v60  }
0x6f: {  	v15 =	vperm.xlane v11, v44;
	v17 =	vsub.f32 $1.000000000e+00, v55;
	v18 =	vsub.f32 $1.000000000e+00, v0  }
0x70: {  	v10 =	vmul.f32 v12, v10;
	v1 =	vmul.f32 v14, v1  }
0x71: {  	v11 =	vadd.f32 v11, v15;
	v2 =	vmul.f32 v17, v2;
	v3 =	vmul.f32 v18, v3;
	_ =	sdelay $0x1  }
0x72: {  	v12 =	vperm.xlane v11, v63;
	v14 =	vadd.f32 v1, v10;
	v15 =	vadd.f32 v3, v2;
	_ =	sdelay $0x1  }
0x73: {  	v11 =	vadd.f32 v11, v12;
	v12 =	vadd.f32 v15, v14;
	_ =	sdelay $0x1  }
0x74: {  	v14 =	vperm.xlane v11, v41;
	v15 =	vperm.xlane v12, v44;
	_ =	sdelay $0x1  }
0x75: {  	v11 =	vadd.f32 v11, v14;
	v12 =	vadd.f32 v12, v15;
	_ =	sdelay $0x1  }
0x76: {  	v14 =	vperm.xlane v11, v45;
	v15 =	vperm.xlane v12, v63;
	_ =	sdelay $0x1  }
0x77: {  	v11 =	vadd.f32 v11, v14;
	v12 =	vadd.f32 v12, v15;
	_ =	sdelay $0x1  }
0x78: {  	(erf) = vrcp.f32 v11;
	v11 =	vperm.xlane v12, v41;
	_ =	sdelay $0x1  }
0x79: {  	v11 =	vadd.f32 v12, v11;
	_ =	sdelay $0x1  }
0x7a: {  	v12 =	vperm.xlane v11, v45;
	_ =	sdelay $0x1  }
0x7b: {  	v11 =	vadd.f32 v11, v12;
	_ =	sdelay $0x2  }
0x7c: {  	(erf) = vrcp.f32 v11  }
0x7d: {  	v11 =	vpop (erf)  }
0x7e: {  	[tilespmem:$0x1F400] =	vst v6;
	v12 =	vmul.f32 v11, v4;
	v6 =	vmul.f32 v11, v8  }
0x7f: {  	[tilespmem:$0x1F8D0] =	vst v0;
	v62 =	vmul.f32 v11, v9;
	v0 =	vmul.f32 v11, v7  }
0x80: {  	[tilespmem:$0x1F410] =	vst v12;
	v11 =	vsub.f32 $1.000000000e+00, v12;
	v12 =	vsub.f32 $1.000000000e+00, v6  }
0x81: {  	v14 =	vsub.f32 $1.000000000e+00, v62;
	v15 =	vsub.f32 $1.000000000e+00, v0  }
0x82: {  	v4 =	vmul.f32 v11, v4;
	v11 =	vmul.f32 v12, v8  }
0x83: {  	v9 =	vmul.f32 v14, v9;
	v7 =	vmul.f32 v15, v7;
	_ =	sdelay $0x1  }
0x84: {  	v8 =	vadd.f32 v11, v4;
	v12 =	vadd.f32 v7, v9;
	v14 =	vpop (erf)  }
0x85: {  	[tilespmem:$0x1F420] =	vst v6;
	v13 =	vmul.f32 v14, v10;
	v61 =	vmul.f32 v14, v1  }
0x86: {  	[tilespmem:$0x1F430] =	vst v0;
	v6 =	vmul.f32 v14, v2;
	v0 =	vmul.f32 v14, v3;
	v8 =	vadd.f32 v12, v8  }
0x87: {  	v12 =	vsub.f32 $1.000000000e+00, v13;
	v14 =	vsub.f32 $1.000000000e+00, v61  }
0x88: {  	v17 =	vsub.f32 $1.000000000e+00, v6;
	v18 =	vsub.f32 $1.000000000e+00, v0;
	v15 =	vperm.xlane v8, v44  }
0x89: {  	v10 =	vmul.f32 v12, v10;
	v1 =	vmul.f32 v14, v1  }
0x8a: {  	v2 =	vmul.f32 v17, v2;
	v3 =	vmul.f32 v18, v3;
	v8 =	vadd.f32 v8, v15;
	_ =	sdelay $0x1  }
0x8b: {  	v14 =	vadd.f32 v1, v10;
	v15 =	vadd.f32 v3, v2;
	v12 =	vperm.xlane v8, v63;
	_ =	sdelay $0x1  }
0x8c: {  	v8 =	vadd.f32 v8, v12;
	v12 =	vadd.f32 v15, v14;
	_ =	sdelay $0x1  }
0x8d: {  	v14 =	vperm.xlane v8, v41;
	v15 =	vperm.xlane v12, v44;
	_ =	sdelay $0x1  }
0x8e: {  	v8 =	vadd.f32 v8, v14;
	v12 =	vadd.f32 v12, v15;
	_ =	sdelay $0x1  }
0x8f: {  	v14 =	vperm.xlane v8, v45;
	v15 =	vperm.xlane v12, v63;
	_ =	sdelay $0x1  }
0x90: {  	v8 =	vadd.f32 v8, v14;
	v12 =	vadd.f32 v12, v15;
	_ =	sdelay $0x1  }
0x91: {  	(erf) = vrcp.f32 v8;
	v8 =	vperm.xlane v12, v41;
	_ =	sdelay $0x1  }
0x92: {  	v8 =	vadd.f32 v12, v8;
	_ =	sdelay $0x1  }
0x93: {  	v12 =	vperm.xlane v8, v45;
	_ =	sdelay $0x1  }
0x94: {  	v8 =	vadd.f32 v8, v12;
	_ =	sdelay $0x1  }
0x95: {  	(erf) = vrcp.f32 v8  }
0x96: {  	[tilespmem:$0x1F480] =	vst v13;
	v12 =	vpop (erf)  }
0x97: {  	[tilespmem:$0x1F490] =	vst v6;
	v13 =	vmul.f32 v12, v4;
	v8 =	vmul.f32 v12, v11  }
0x98: {  	[tilespmem:$0x1F8F0] =	vst v0;
	v0 =	vmul.f32 v12, v9;
	v6 =	vmul.f32 v12, v7  }
0x99: {  	v12 =	vsub.f32 $1.000000000e+00, v13;
	v14 =	vsub.f32 $1.000000000e+00, v8  }
0x9a: {  	v15 =	vsub.f32 $1.000000000e+00, v0;
	v17 =	vsub.f32 $1.000000000e+00, v6  }
0x9b: {  	v4 =	vmul.f32 v12, v4;
	v11 =	vmul.f32 v14, v11  }
0x9c: {  	v14 =	vmul.f32 v15, v9;
	v7 =	vmul.f32 v17, v7  }
0x9d: {  	[tilespmem:$0x1F440] =	vst v13  }
0x9e: {  	[tilespmem:$0x1F450] =	vst v8;
	v9 =	vadd.f32 v11, v4;
	v12 =	vadd.f32 v7, v14;
	v15 =	vpop (erf)  }
0x9f: {  	[tilespmem:$0x1F460] =	vst v0;
	v8 =	vmul.f32 v15, v10;
	v13 =	vmul.f32 v15, v1  }
0xa0: {  	[tilespmem:$0x1F470] =	vst v6;
	v9 =	vadd.f32 v12, v9;
	v6 =	vmul.f32 v15, v2;
	v0 =	vmul.f32 v15, v3  }
0xa1: {  	v12 =	vsub.f32 $1.000000000e+00, v8;
	v15 =	vsub.f32 $1.000000000e+00, v13  }
0xa2: {  	v17 =	vperm.xlane v9, v44;
	v18 =	vsub.f32 $1.000000000e+00, v6;
	v19 =	vsub.f32 $1.000000000e+00, v0  }
0xa3: {  	v10 =	vmul.f32 v12, v10;
	v1 =	vmul.f32 v15, v1  }
0xa4: {  	v9 =	vadd.f32 v9, v17;
	v2 =	vmul.f32 v18, v2;
	v3 =	vmul.f32 v19, v3;
	_ =	sdelay $0x1  }
0xa5: {  	v12 =	vperm.xlane v9, v63;
	v15 =	vadd.f32 v1, v10;
	v17 =	vadd.f32 v3, v2;
	_ =	sdelay $0x1  }
0xa6: {  	v9 =	vadd.f32 v9, v12;
	v12 =	vadd.f32 v17, v15;
	_ =	sdelay $0x1  }
0xa7: {  	v15 =	vperm.xlane v9, v41;
	v17 =	vperm.xlane v12, v44;
	_ =	sdelay $0x1  }
0xa8: {  	v9 =	vadd.f32 v9, v15;
	v12 =	vadd.f32 v12, v17;
	_ =	sdelay $0x1  }
0xa9: {  	v15 =	vperm.xlane v9, v45;
	v17 =	vperm.xlane v12, v63;
	_ =	sdelay $0x1  }
0xaa: {  	v9 =	vadd.f32 v9, v15;
	v12 =	vadd.f32 v12, v17;
	_ =	sdelay $0x1  }
0xab: {  	(erf) = vrcp.f32 v9;
	v9 =	vperm.xlane v12, v41;
	_ =	sdelay $0x1  }
0xac: {  	v9 =	vadd.f32 v12, v9;
	_ =	sdelay $0x1  }
0xad: {  	v12 =	vperm.xlane v9, v45;
	_ =	sdelay $0x1  }
0xae: {  	v9 =	vadd.f32 v9, v12;
	_ =	sdelay $0x1  }
0xaf: {  	(erf) = vrcp.f32 v9  }
0xb0: {  	[tilespmem:$0x1F4A0] =	vst v8;
	v15 =	vpop (erf)  }
0xb1: {  	[tilespmem:$0x1F500] =	vst v6;
	v8 =	vmul.f32 v15, v4;
	v9 =	vmul.f32 v15, v11  }
0xb2: {  	[tilespmem:$0x1F910] =	vst v0;
	v6 =	vmul.f32 v15, v14;
	v0 =	vmul.f32 v15, v7  }
0xb3: {  	v15 =	vsub.f32 $1.000000000e+00, v8;
	v17 =	vsub.f32 $1.000000000e+00, v9  }
0xb4: {  	v18 =	vsub.f32 $1.000000000e+00, v6;
	v19 =	vsub.f32 $1.000000000e+00, v0  }
0xb5: {  	v4 =	vmul.f32 v15, v4;
	v11 =	vmul.f32 v17, v11  }
0xb6: {  	v14 =	vmul.f32 v18, v14;
	v7 =	vmul.f32 v19, v7  }
0xb7: {  	[tilespmem:$0x1F4C0] =	vst v8  }
0xb8: {  	[tilespmem:$0x1F4D0] =	vst v9;
	v15 =	vadd.f32 v11, v4;
	v17 =	vadd.f32 v7, v14;
	v18 =	vpop (erf)  }
0xb9: {  	[tilespmem:$0x1F4E0] =	vst v6;
	v9 =	vmul.f32 v18, v10;
	v6 =	vmul.f32 v18, v1  }
0xba: {  	[tilespmem:$0x1F4F0] =	vst v0;
	v15 =	vadd.f32 v17, v15;
	v8 =	vmul.f32 v18, v2;
	v0 =	vmul.f32 v18, v3  }
0xbb: {  	v17 =	vsub.f32 $1.000000000e+00, v9;
	v18 =	vsub.f32 $1.000000000e+00, v6  }
0xbc: {  	v19 =	vperm.xlane v15, v44;
	v20 =	vsub.f32 $1.000000000e+00, v8;
	v21 =	vsub.f32 $1.000000000e+00, v0  }
0xbd: {  	v10 =	vmul.f32 v17, v10;
	v1 =	vmul.f32 v18, v1  }
0xbe: {  	v2 =	vmul.f32 v20, v2;
	v3 =	vmul.f32 v21, v3  }
0xbf: {  	v15 =	vadd.f32 v15, v19  }
0xc0: {  	v17 =	vadd.f32 v1, v10;
	v18 =	vadd.f32 v3, v2;
	_ =	sdelay $0x1  }
0xc1: {  	v19 =	vperm.xlane v15, v63;
	v17 =	vadd.f32 v18, v17;
	_ =	sdelay $0x1  }
0xc2: {  	v15 =	vadd.f32 v15, v19;
	v18 =	vperm.xlane v17, v44;
	_ =	sdelay $0x1  }
0xc3: {  	v19 =	vperm.xlane v15, v41;
	v17 =	vadd.f32 v17, v18;
	_ =	sdelay $0x1  }
0xc4: {  	v15 =	vadd.f32 v15, v19;
	v18 =	vperm.xlane v17, v63;
	_ =	sdelay $0x1  }
0xc5: {  	v19 =	vperm.xlane v15, v45;
	v17 =	vadd.f32 v17, v18;
	_ =	sdelay $0x1  }
0xc6: {  	v15 =	vadd.f32 v15, v19;
	v18 =	vperm.xlane v17, v41;
	_ =	sdelay $0x1  }
0xc7: {  	(erf) = vrcp.f32 v15;
	v15 =	vadd.f32 v17, v18;
	_ =	sdelay $0x1  }
0xc8: {  	v17 =	vperm.xlane v15, v45;
	_ =	sdelay $0x1  }
0xc9: {  	v15 =	vadd.f32 v15, v17;
	_ =	sdelay $0x1  }
0xca: {  	(erf) = vrcp.f32 v15;
	_ =	sdelay $0x1  }
0xcb: {  	[tilespmem:$0x1F510] =	vst v9  }
0xcc: {  	[tilespmem:$0x1F520] =	vst v6;
	v15 =	vpop (erf)  }
0xcd: {  	[tilespmem:$0x1F530] =	vst v8;
	v9 =	vmul.f32 v15, v4;
	v6 =	vmul.f32 v15, v11  }
0xce: {  	[tilespmem:$0x1F920] =	vst v0;
	v8 =	vmul.f32 v15, v14;
	v0 =	vmul.f32 v15, v7  }
0xcf: {  	v15 =	vsub.f32 $1.000000000e+00, v9;
	v17 =	vsub.f32 $1.000000000e+00, v6  }
0xd0: {  	v18 =	vsub.f32 $1.000000000e+00, v8;
	v19 =	vsub.f32 $1.000000000e+00, v0  }
0xd1: {  	v4 =	vmul.f32 v15, v4;
	v15 =	vmul.f32 v17, v11  }
0xd2: {  	[tilespmem:$0x1F540] =	vst v9;
	v14 =	vmul.f32 v18, v14;
	v7 =	vmul.f32 v19, v7;
	v11 =	vpop (erf)  }
0xd3: {  	[tilespmem:$0x1F550] =	vst v6;
	v9 =	vmul.f32 v11, v10  }
0xd4: {  	[tilespmem:$0x1F560] =	vst v8;
	v17 =	vadd.f32 v15, v4;
	v18 =	vadd.f32 v7, v14;
	v8 =	vmul.f32 v11, v1  }
0xd5: {  	[tilespmem:$0x1F570] =	vst v0;
	v6 =	vmul.f32 v11, v2;
	v0 =	vmul.f32 v11, v3;
	v11 =	vsub.f32 $1.000000000e+00, v9  }
0xd6: {  	v17 =	vadd.f32 v18, v17;
	v18 =	vsub.f32 $1.000000000e+00, v8  }
0xd7: {  	v19 =	vmul.f32 v11, v10;
	v10 =	vsub.f32 $1.000000000e+00, v6;
	v11 =	vsub.f32 $1.000000000e+00, v0  }
0xd8: {  	v1 =	vmul.f32 v18, v1;
	v18 =	vperm.xlane v17, v44  }
0xd9: {  	v2 =	vmul.f32 v10, v2;
	v3 =	vmul.f32 v11, v3  }
0xda: {  	v10 =	vadd.f32 v17, v18  }
0xdb: {  	v11 =	vadd.f32 v1, v19;
	v17 =	vadd.f32 v3, v2  }
0xdc: {  	v18 =	vperm.xlane v10, v63  }
0xdd: {  	v11 =	vadd.f32 v17, v11  }
0xde: {  	v10 =	vadd.f32 v10, v18  }
0xdf: {  	v17 =	vperm.xlane v11, v44  }
0xe0: {  	v18 =	vperm.xlane v10, v41  }
0xe1: {  	v11 =	vadd.f32 v11, v17  }
0xe2: {  	v10 =	vadd.f32 v10, v18  }
0xe3: {  	v17 =	vperm.xlane v11, v63  }
0xe4: {  	v18 =	vperm.xlane v10, v45  }
0xe5: {  	v11 =	vadd.f32 v11, v17  }
0xe6: {  	v10 =	vadd.f32 v10, v18  }
0xe7: {  	v17 =	vperm.xlane v11, v41  }
0xe8: {  	(erf) = vrcp.f32 v10  }
0xe9: {  	v10 =	vadd.f32 v11, v17;
	_ =	sdelay $0x1  }
0xea: {  	v11 =	vperm.xlane v10, v45;
	_ =	sdelay $0x1  }
0xeb: {  	v10 =	vadd.f32 v10, v11;
	_ =	sdelay $0x1  }
0xec: {  	[tilespmem:$0x1F4B0] =	vst v13  }
0xed: {  	[tilespmem:$0x1F5C0] =	vst v9  }
0xee: {  	[tilespmem:$0x1F5D0] =	vst v8;
	(erf) = vrcp.f32 v10;
	v10 =	vpop (erf)  }
0xef: {  	[tilespmem:$0x1F5E0] =	vst v6;
	v8 =	vmul.f32 v10, v4  }
0xf0: {  	[tilespmem:$0x1F930] =	vst v0;
	v9 =	vmul.f32 v10, v15  }
0xf1: {  	v6 =	vmul.f32 v10, v14;
	[tilespmem:$0x1F580] =	vst v8  }
0xf2: {  	s13 =	simm.s32 $0x80;
	[tilespmem:$0x1F590] =	vst v9  }
0xf3: {  	v17 =	vld [tilespmem:s13+$0x40];
	[tilespmem:$0x1F5A0] =	vst v6  }
0xf4: {  	v18 =	vld [tilespmem:s13+$0x50]  }
0xf5: {  	v0 =	vmul.f32 v10, v7;
	v20 =	vsub.f32 $1.000000000e+00, v8  }
0xf6: {  	v21 =	vsub.f32 $1.000000000e+00, v9  }
0xf7: {  	v4 =	vmul.f32 v20, v4;
	v20 =	vsub.f32 $1.000000000e+00, v0  }
0xf8: {  	v22 =	vsub.f32 $1.000000000e+00, v6;
	[tilespmem:$0x1F5B0] =	vst v0;
	v15 =	vmul.f32 v21, v15  }
0xf9: {  	v21 =	vld [tilespmem:s13+$0x60];
	v20 =	vmul.f32 v20, v7;
	v7 =	vmul.f32 $1.442695020e+00, v18;
	v18 =	vpop (erf)  }
0xfa: {  	v14 =	vmul.f32 v22, v14;
	v0 =	vmul.f32 v18, v19  }
0xfb: {  	v17 =	vmul.f32 $1.442695020e+00, v17;
	v6 =	vmul.f32 v18, v1  }
0xfc: {  	v22 =	vadd.f32 v20, v14;
	v8 =	vmul.f32 v18, v2;
	[tilespmem:$0x1F5F0] =	vst v0  }
0xfd: {  	(erf) = vpow2.f32 v17;
	v23 =	vsub.f32 $1.000000000e+00, v0;
	v0 =	vmul.f32 v18, v3;
	v17 =	vld [tilespmem:s13+$0x70];
	[tilespmem:$0x1F600] =	vst v6  }
0xfe: {  	v21 =	vmul.f32 $1.442695020e+00, v21;
	(erf) = vpow2.f32 v7;
	v7 =	vadd.f32 v15, v4;
	[tilespmem:$0x1F610] =	vst v8  }
0xff: {  	v18 =	vsub.f32 $1.000000000e+00, v6;
	[tilespmem:$0x1F950] =	vst v0  }
0x100: {  	(erf) = vpow2.f32 v21;
	v7 =	vadd.f32 v22, v7;
	v22 =	vsub.f32 $1.000000000e+00, v8;
	v21 =	vld [tilespmem:s13+$0x0]  }
0x101: {  	v19 =	vmul.f32 v23, v19;
	v1 =	vmul.f32 v18, v1;
	v23 =	vsub.f32 $1.000000000e+00, v0;
	v18 =	vld [tilespmem:s13+$0x10]  }
0x102: {  	v24 =	vperm.xlane v7, v44;
	v2 =	vmul.f32 v22, v2  }
0x103: {  	v22 =	vld [tilespmem:s13+$0x20];
	v3 =	vmul.f32 v23, v3;
	v17 =	vmul.f32 $1.442695020e+00, v17  }
0x104: {  	v23 =	vadd.f32 v1, v19;
	v7 =	vadd.f32 v7, v24  }
0x105: {  	v24 =	vadd.f32 v3, v2;
	(erf) = vpow2.f32 v17;
	v17 =	vld [tilespmem:s13+$0x30];
	v21 =	vmul.f32 $1.442695020e+00, v21  }
0x106: {  	v18 =	vmul.f32 $1.442695020e+00, v18  }
0x107: {  	(erf) = vpow2.f32 v21;
	v21 =	vadd.f32 v24, v23;
	v23 =	vperm.xlane v7, v63  }
0x108: {  	(erf) = vpow2.f32 v18;
	v18 =	vmul.f32 $1.442695020e+00, v22;
	_ =	sdelay $0x1  }
0x109: {  	v7 =	vadd.f32 v7, v23;
	v22 =	vperm.xlane v21, v44;
	v17 =	vmul.f32 $1.442695020e+00, v17  }
0x10a: {  	(erf) = vpow2.f32 v18  }
0x10b: {  	v18 =	vpop (erf);
	(erf) = vpow2.f32 v17;
	v17 =	vadd.f32 v21, v22;
	v21 =	vperm.xlane v7, v41;
	_ =	sdelay $0x1  }
0x10c: {  	v22 =	vpop (erf)  }
0x10d: {  	v23 =	vpop (erf);
	v7 =	vadd.f32 v7, v21;
	v24 =	vperm.xlane v17, v63  }
0x10e: {  	v25 =	vadd.f32 v22, v18;
	v21 =	vpop (erf)  }
0x10f: {  	v17 =	vadd.f32 v17, v24;
	v24 =	vperm.xlane v7, v45;
	v26 =	vadd.f32 v21, v23;
	_ =	sdelay $0x1  }
0x110: {  	v25 =	vadd.f32 v26, v25  }
0x111: {  	v7 =	vadd.f32 v7, v24;
	v26 =	vperm.xlane v17, v41  }
0x112: {  	v24 =	vpop (erf);
	v28 =	vperm.xlane v25, v44  }
0x113: {  	(erf) = vrcp.f32 v7;
	v27 =	vpop (erf);
	v7 =	vadd.f32 v17, v26  }
0x114: {  	v17 =	vpop (erf);
	v25 =	vadd.f32 v28, v25  }
0x115: {  	v26 =	vpop (erf);
	v30 =	vperm.xlane v7, v45  }
0x116: {  	v28 =	vadd.f32 v27, v24;
	v29 =	vadd.f32 v26, v17;
	v31 =	vperm.xlane v25, v63  }
0x117: {  	v7 =	vadd.f32 v7, v30  }
0x118: {  	v28 =	vadd.f32 v29, v28;
	v25 =	vadd.f32 v31, v25  }
0x119: {  	(erf) = vrcp.f32 v7  }
0x11a: {  	v7 =	vperm.xlane v28, v44;
	v29 =	vperm.xlane v25, v41;
	_ =	sdelay $0x1  }
0x11b: {  	v7 =	vadd.f32 v7, v28;
	v25 =	vadd.f32 v29, v25;
	_ =	sdelay $0x1  }
0x11c: {  	v28 =	vpop (erf);
	v29 =	vperm.xlane v7, v63;
	v30 =	vperm.xlane v25, v45  }
0x11d: {  	v53 =	vmul.f32 v28, v4;
	v6 =	vmul.f32 v28, v15  }
0x11e: {  	v29 =	vadd.f32 v29, v7;
	v25 =	vadd.f32 v30, v25  }
0x11f: {  	v0 =	vmul.f32 v28, v14;
	v7 =	vsub.f32 $1.000000000e+00, v53;
	v30 =	vsub.f32 $1.000000000e+00, v6  }
0x120: {  	v8 =	vmul.f32 v28, v20;
	v31 =	vperm.xlane v29, v41  }
0x121: {  	v7 =	vmul.f32 v7, v4;
	v4 =	vmul.f32 v30, v15;
	v15 =	vsub.f32 $1.000000000e+00, v0  }
0x122: {  	(erf) = vrcp.f32 v25;
	v29 =	vadd.f32 v31, v29;
	v25 =	vpop (erf)  }
0x123: {  	[tilespmem:$0x1F630] =	vst v0;
	v15 =	vmul.f32 v15, v14;
	v14 =	vsub.f32 $1.000000000e+00, v8;
	v0 =	vmul.f32 v25, v19  }
0x124: {  	[tilespmem:$0x1F620] =	vst v6;
	v6 =	vmul.f32 v25, v1;
	v28 =	vperm.xlane v29, v45  }
0x125: {  	[tilespmem:$0x1F640] =	vst v8;
	v8 =	vmul.f32 v25, v2;
	v14 =	vmul.f32 v14, v20  }
0x126: {  	[tilespmem:$0x1F650] =	vst v0;
	v30 =	vsub.f32 $1.000000000e+00, v0;
	v0 =	vmul.f32 v25, v3;
	v25 =	vsub.f32 $1.000000000e+00, v6  }
0x127: {  	v20 =	vadd.f32 v28, v29;
	v29 =	vadd.f32 v14, v15  }
0x128: {  	v1 =	vmul.f32 v25, v1;
	v25 =	vsub.f32 $1.000000000e+00, v8;
	v28 =	vsub.f32 $1.000000000e+00, v0  }
0x129: {  	v19 =	vmul.f32 v30, v19;
	(erf) = vrcp.f32 v20;
	v20 =	vadd.f32 v4, v7  }
0x12a: {  	v2 =	vmul.f32 v25, v2;
	v3 =	vmul.f32 v28, v3  }
0x12b: {  	v20 =	vadd.f32 v29, v20  }
0x12c: {  	v25 =	vadd.f32 v1, v19;
	v29 =	vpop (erf);
	v28 =	vadd.f32 v3, v2  }
0x12d: {  	[tilespmem:$0x1F670] =	vst v8;
	v9 =	vmul.f32 v29, v18;
	v8 =	vmul.f32 v29, v22  }
0x12e: {  	[tilespmem:$0x1F660] =	vst v6;
	v6 =	vmul.f32 v29, v23;
	v25 =	vadd.f32 v28, v25;
	v28 =	vperm.xlane v20, v44  }
0x12f: {  	[tilespmem:$0x1F970] =	vst v0;
	v0 =	vmul.f32 v29, v21;
	v29 =	vsub.f32 $1.000000000e+00, v9;
	v30 =	vsub.f32 $1.000000000e+00, v8  }
0x130: {  	v31 =	vsub.f32 $1.000000000e+00, v6;
	v20 =	vadd.f32 v20, v28  }
0x131: {  	v28 =	vperm.xlane v25, v44;
	v18 =	vmul.f32 v29, v18;
	v29 =	vsub.f32 $1.000000000e+00, v0  }
0x132: {  	v22 =	vmul.f32 v30, v22;
	v23 =	vmul.f32 v31, v23  }
0x133: {  	v25 =	vadd.f32 v25, v28;
	v28 =	vperm.xlane v20, v63;
	v30 =	vpop (erf);
	v21 =	vmul.f32 v29, v21  }
0x134: {  	[tilespmem:$0x1FD90] =	vst v0;
	v29 =	vadd.f32 v22, v18;
	v0 =	vmul.f32 v30, v24  }
0x135: {  	v20 =	vadd.f32 v20, v28;
	v28 =	vperm.xlane v25, v63;
	v31 =	vadd.f32 v21, v23  }
0x136: {  	v32 =	vsub.f32 $1.000000000e+00, v0  }
0x137: {  	[tilespmem:$0x1F6C0] =	vst v0;
	v0 =	vmul.f32 v30, v27;
	v25 =	vadd.f32 v25, v28;
	v28 =	vadd.f32 v31, v29  }
0x138: {  	[tilespmem:$0x1F6A0] =	vst v8;
	v8 =	vmul.f32 v30, v17;
	v29 =	vperm.xlane v20, v41  }
0x139: {  	[tilespmem:$0x1F740] =	vst v6;
	v6 =	vmul.f32 v30, v26;
	v30 =	vsub.f32 $1.000000000e+00, v0;
	v31 =	vperm.xlane v28, v44  }
0x13a: {  	v20 =	vadd.f32 v20, v29;
	v29 =	vperm.xlane v25, v41  }
0x13b: {  	v27 =	vmul.f32 v30, v27;
	v30 =	vsub.f32 $1.000000000e+00, v8;
	v28 =	vadd.f32 v28, v31  }
0x13c: {  	v59 =	vsub.f32 $1.000000000e+00, v6;
	v25 =	vadd.f32 v25, v29;
	v29 =	vperm.xlane v20, v45  }
0x13d: {  	v17 =	vmul.f32 v30, v17;
	v30 =	vperm.xlane v28, v63  }
0x13e: {  	v24 =	vmul.f32 v32, v24;
	v26 =	vmul.f32 v59, v26  }
0x13f: {  	v20 =	vadd.f32 v20, v29;
	v29 =	vperm.xlane v25, v45;
	v28 =	vadd.f32 v28, v30  }
0x140: {  	v31 =	vadd.f32 v27, v24;
	v32 =	vadd.f32 v26, v17  }
0x141: {  	v25 =	vadd.f32 v25, v29;
	(erf) = vrcp.f32 v20;
	v20 =	vperm.xlane v28, v41  }
0x142: {  	v29 =	vadd.f32 v32, v31  }
0x143: {  	(erf) = vrcp.f32 v25;
	v20 =	vadd.f32 v28, v20  }
0x144: {  	v25 =	vperm.xlane v29, v44  }
0x145: {  	v28 =	vperm.xlane v20, v45  }
0x146: {  	v25 =	vadd.f32 v29, v25  }
0x147: {  	v20 =	vadd.f32 v20, v28  }
0x148: {  	v29 =	vperm.xlane v25, v63;
	_ =	sdelay $0x1  }
0x149: {  	v25 =	vadd.f32 v25, v29  }
0x14a: {  	[tilespmem:$0x1F680] =	vst v9;
	(erf) = vrcp.f32 v20;
	v20 =	vpop (erf)  }
0x14b: {  	[tilespmem:$0x1F700] =	vst v8;
	v28 =	vperm.xlane v25, v41;
	v29 =	vpop (erf)  }
0x14c: {  	[tilespmem:$0x1F720] =	vst v6;
	v9 =	vmul.f32 v29, v19;
	v6 =	vmul.f32 v29, v1  }
0x14d: {  	[tilespmem:$0x1F6E0] =	vst v0;
	v25 =	vadd.f32 v25, v28;
	v8 =	vmul.f32 v29, v2;
	v0 =	vmul.f32 v29, v3  }
0x14e: {  	v28 =	vsub.f32 $1.000000000e+00, v9;
	v29 =	vsub.f32 $1.000000000e+00, v6  }
0x14f: {  	v30 =	vperm.xlane v25, v45;
	v31 =	vsub.f32 $1.000000000e+00, v8;
	v37 =	vsub.f32 $1.000000000e+00, v0  }
0x150: {  	v19 =	vmul.f32 v28, v19;
	v1 =	vmul.f32 v29, v1  }
0x151: {  	v25 =	vadd.f32 v25, v30;
	v2 =	vmul.f32 v31, v2;
	v3 =	vmul.f32 v37, v3  }
0x152: {  	[tilespmem:$0x1F790] =	vst v9  }
0x153: {  	[tilespmem:$0x1F850] =	vst v6;
	(erf) = vrcp.f32 v25;
	v25 =	vadd.f32 v1, v19;
	v28 =	vadd.f32 v3, v2;
	v29 =	vpop (erf)  }
0x154: {  	[tilespmem:$0x1F860] =	vst v8;
	v9 =	vmul.f32 v29, v18;
	v8 =	vmul.f32 v29, v22  }
0x155: {  	[tilespmem:$0x1F980] =	vst v0;
	v6 =	vmul.f32 v29, v23;
	v0 =	vmul.f32 v29, v21;
	v25 =	vadd.f32 v28, v25  }
0x156: {  	v28 =	vsub.f32 $1.000000000e+00, v9;
	v29 =	vsub.f32 $1.000000000e+00, v8  }
0x157: {  	v31 =	vsub.f32 $1.000000000e+00, v6;
	v39 =	vsub.f32 $1.000000000e+00, v0;
	v30 =	vperm.xlane v25, v44  }
0x158: {  	v18 =	vmul.f32 v28, v18;
	v22 =	vmul.f32 v29, v22  }
0x159: {  	v23 =	vmul.f32 v31, v23;
	v21 =	vmul.f32 v39, v21;
	v25 =	vadd.f32 v25, v30;
	_ =	sdelay $0x1  }
0x15a: {  	v29 =	vadd.f32 v22, v18;
	v30 =	vadd.f32 v21, v23;
	v28 =	vperm.xlane v25, v63;
	_ =	sdelay $0x1  }
0x15b: {  	v31 =	vpop (erf);
	v25 =	vadd.f32 v25, v28;
	v28 =	vadd.f32 v30, v29  }
0x15c: {  	[tilespmem:$0x1FDA0] =	vst v0;
	v0 =	vmul.f32 v31, v24  }
0x15d: {  	v30 =	vperm.xlane v25, v41;
	v40 =	vperm.xlane v28, v44  }
0x15e: {  	[tilespmem:$0x1F6D0] =	vst v0;
	v29 =	vsub.f32 $1.000000000e+00, v0;
	v0 =	vmul.f32 v31, v27  }
0x15f: {  	[tilespmem:$0x1F6B0] =	vst v8;
	v8 =	vmul.f32 v31, v17;
	v25 =	vadd.f32 v25, v30;
	v28 =	vadd.f32 v28, v40  }
0x160: {  	[tilespmem:$0x1F750] =	vst v6;
	v6 =	vmul.f32 v31, v26;
	v24 =	vmul.f32 v29, v24;
	v29 =	vsub.f32 $1.000000000e+00, v0  }
0x161: {  	v30 =	vperm.xlane v25, v45;
	v31 =	vperm.xlane v28, v63  }
0x162: {  	v42 =	vsub.f32 $1.000000000e+00, v6;
	v27 =	vmul.f32 v29, v27;
	v29 =	vsub.f32 $1.000000000e+00, v8  }
0x163: {  	v59 =	vmul.f32 v20, v7;
	v25 =	vadd.f32 v25, v30;
	v28 =	vadd.f32 v28, v31  }
0x164: {  	v26 =	vmul.f32 v42, v26;
	v17 =	vmul.f32 v29, v17  }
0x165: {  	(erf) = vrcp.f32 v25;
	v29 =	vperm.xlane v28, v41  }
0x166: {  	[tilespmem:$0x1F710] =	vst v8;
	v30 =	vadd.f32 v27, v24;
	v34 =	vadd.f32 v26, v17  }
0x167: {  	[tilespmem:$0x1F6F0] =	vst v0;
	v0 =	vmul.f32 v20, v4;
	v25 =	vsub.f32 $1.000000000e+00, v59;
	v28 =	vadd.f32 v28, v29  }
0x168: {  	[tilespmem:$0x1F730] =	vst v6;
	v6 =	vmul.f32 v20, v14;
	v8 =	vmul.f32 v20, v15;
	v20 =	vadd.f32 v34, v30  }
0x169: {  	v7 =	vmul.f32 v25, v7;
	v25 =	vsub.f32 $1.000000000e+00, v0;
	v43 =	vperm.xlane v28, v45  }
0x16a: {  	[tilespmem:$0x1F690] =	vst v9;
	v30 =	vsub.f32 $1.000000000e+00, v6;
	v29 =	vsub.f32 $1.000000000e+00, v8  }
0x16b: {  	[tilespmem:$0x1F780] =	vst v6;
	v4 =	vmul.f32 v25, v4;
	v25 =	vperm.xlane v20, v44;
	v28 =	vadd.f32 v28, v43  }
0x16c: {  	[tilespmem:$0x1F760] =	vst v0;
	v14 =	vmul.f32 v30, v14;
	v15 =	vmul.f32 v29, v15  }
0x16d: {  	[tilespmem:$0x1F770] =	vst v8;
	v20 =	vadd.f32 v20, v25;
	(erf) = vrcp.f32 v28  }
0x16e: {  	v25 =	vadd.f32 v4, v7;
	v28 =	vadd.f32 v14, v15;
	v29 =	vpop (erf)  }
0x16f: {  	v8 =	vmul.f32 v29, v19  }
0x170: {  	v25 =	vadd.f32 v28, v25;
	v28 =	vperm.xlane v20, v63;
	v9 =	vmul.f32 v29, v1  }
0x171: {  	v6 =	vmul.f32 v29, v2;
	v0 =	vmul.f32 v29, v3;
	v29 =	vsub.f32 $1.000000000e+00, v8  }
0x172: {  	v20 =	vadd.f32 v20, v28;
	v28 =	vperm.xlane v25, v44  }
0x173: {  	v19 =	vmul.f32 v29, v19;
	v29 =	vsub.f32 $1.000000000e+00, v6  }
0x174: {  	v30 =	vsub.f32 $1.000000000e+00, v9;
	v25 =	vadd.f32 v25, v28;
	v28 =	vperm.xlane v20, v41  }
0x175: {  	v46 =	vsub.f32 $1.000000000e+00, v0  }
0x176: {  	v54 =	vmul.f32 v30, v1;
	v20 =	vadd.f32 v20, v28;
	v1 =	vperm.xlane v25, v63  }
0x177: {  	v3 =	vmul.f32 v46, v3;
	v2 =	vmul.f32 v29, v2;
	v29 =	vpop (erf)  }
0x178: {  	v1 =	vadd.f32 v25, v1;
	v25 =	vperm.xlane v20, v45;
	v46 =	vmul.f32 v29, v18;
	_ =	sdelay $0x1  }
0x179: {  	v51 =	vmul.f32 v29, v22;
	v20 =	vadd.f32 v20, v25;
	v39 =	vsub.f32 $1.000000000e+00, v46  }
0x17a: {  	v47 =	vadd.f32 v54, v19;
	v37 =	vadd.f32 v3, v2  }
0x17b: {  	(erf) = vrcp.f32 v20;
	v20 =	vmul.f32 v39, v18;
	v18 =	vsub.f32 $1.000000000e+00, v51  }
0x17c: {  	[tilespmem:$0x1F990] =	vst v0;
	v42 =	vmul.f32 v29, v23;
	v0 =	vmul.f32 v29, v21;
	v34 =	vadd.f32 v37, v47  }
0x17d: {  	v22 =	vmul.f32 v18, v22;
	v18 =	vperm.xlane v1, v41  }
0x17e: {  	v32 =	vsub.f32 $1.000000000e+00, v42;
	v43 =	vsub.f32 $1.000000000e+00, v0;
	v29 =	vperm.xlane v34, v44  }
0x17f: {  	v1 =	vadd.f32 v1, v18  }
0x180: {  	v23 =	vmul.f32 v32, v23;
	v21 =	vmul.f32 v43, v21;
	v29 =	vadd.f32 v34, v29  }
0x181: {  	v48 =	vperm.xlane v1, v45  }
0x182: {  	v37 =	vadd.f32 v21, v23;
	v18 =	vperm.xlane v29, v63  }
0x183: {  	v47 =	vadd.f32 v22, v20;
	v1 =	vadd.f32 v1, v48  }
0x184: {  	v18 =	vadd.f32 v29, v18  }
0x185: {  	v29 =	vadd.f32 v37, v47  }
0x186: {  	v49 =	vperm.xlane v18, v41  }
0x187: {  	v37 =	vperm.xlane v29, v44;
	(erf) = vrcp.f32 v1;
	v1 =	vpop (erf)  }
0x188: {  	[tilespmem:$0x1FDB0] =	vst v0;
	v0 =	vmul.f32 v1, v26  }
0x189: {  	v41 =	vadd.f32 v18, v49;
	v29 =	vadd.f32 v29, v37;
	v40 =	vmul.f32 v1, v24  }
0x18a: {  	[tilespmem:$0x1F7B0] =	vst v0;
	v37 =	vsub.f32 $1.000000000e+00, v0;
	v0 =	vld [tilespmem:$0x1FFC0]  }
0x18b: {  	v34 =	vperm.xlane v41, v45;
	v48 =	vperm.xlane v29, v63;
	v43 =	vsub.f32 $1.000000000e+00, v40;
	_ =	sdelay $0x1  }
0x18c: {  	v29 =	vadd.f32 v29, v48;
	v31 =	vmul.f32 v43, v24;
	v24 =	vadd.f32 v41, v34  }
0x18d: {  	[tilespmem:$0x1F890] =	vst v6;
	v47 =	vmul.f32 v1, v27;
	v6 =	vmul.f32 v1, v17  }
0x18e: {  	v1 =	vld [tilespmem:$0x1F3D0];
	(erf) = vrcp.f32 v24;
	v24 =	vperm.xlane v29, v0;
	_ =	sdelay $0x1  }
0x18f: {  	v49 =	vsub.f32 $1.000000000e+00, v47;
	_ =	sdelay $0x1  }
0x190: {  	[tilespmem:$0x1F880] =	vst v9;
	v32 =	vmul.f32 v49, v27;
	v27 =	vsub.f32 $1.000000000e+00, v6;
	v9 =	vadd.f32 v29, v24;
	v24 =	vpop (erf)  }
0x191: {  	v18 =	vadd.f32 v1, v33;
	v1 =	vmul.f32 v24, v4  }
0x192: {  	v11 =	vmul.f32 v37, v26;
	v17 =	vmul.f32 v27, v17  }
0x193: {  	v12 =	vmov v44;
	[tilespmem:$0x1F820] =	vst v1;
	v44 =	vsub.f32 $1.000000000e+00, v1;
	v1 =	vld [tilespmem:$0x1F3E0]  }
0x194: {  	v26 =	vadd.f32 v32, v31;
	v27 =	vadd.f32 v11, v17;
	_ =	sdelay $0x1  }
0x195: {  	v26 =	vadd.f32 v27, v26;
	v27 =	vperm.xlane v9, v45  }
0x196: {  	v30 =	vadd.f32 v5, v58  }
0x197: {  	v5 =	vmul.f32 v24, v15;
	v9 =	vadd.f32 v9, v27;
	v25 =	vadd.f32 v1, v52;
	v1 =	vld [tilespmem:$0x1F3F0]  }
0x198: {  	v27 =	vperm.xlane v26, v12  }
0x199: {  	[tilespmem:$0x1F830] =	vst v5;
	v43 =	vmul.f32 v44, v4;
	v4 =	vsub.f32 $1.000000000e+00, v5;
	v5 =	vmul.f32 v24, v14  }
0x19a: {  	v26 =	vadd.f32 v26, v27  }
0x19b: {  	(erf) = vrcp.f32 v9;
	v9 =	vpop (erf);
	v44 =	vmul.f32 v4, v15;
	v4 =	vsub.f32 $1.000000000e+00, v5  }
0x19c: {  	v0 =	vld [tilespmem:$0x1F3C0];
	v15 =	vperm.xlane v26, v63;
	v16 =	vadd.f32 v1, v36;
	v1 =	vmul.f32 v9, v3  }
0x19d: {  	[tilespmem:$0x1F7A0] =	vst v6;
	v6 =	vmul.f32 v24, v7  }
0x19e: {  	v37 =	vmul.f32 v4, v14;
	v4 =	vadd.f32 v26, v15;
	[tilespmem:$0x1F9B0] =	vst v1;
	v26 =	vsub.f32 $1.000000000e+00, v1;
	v1 =	vld [tilespmem:$0x1F400];
	_ =	sdelay $0x1  }
0x19f: {  	v29 =	vsub.f32 $1.000000000e+00, v6  }
0x1a0: {  	v0 =	vadd.f32 v0, v35  }
0x1a1: {  	v49 =	vmul.f32 v29, v7;
	v7 =	vmul.f32 v9, v19  }
0x1a2: {  	v13 =	vadd.f32 v1, v0;
	v0 =	vld [tilespmem:$0x1FFC0]  }
0x1a3: {  	[tilespmem:$0x1F840] =	vst v5;
	v5 =	vmul.f32 v9, v2;
	v27 =	vsub.f32 $1.000000000e+00, v7;
	_ =	sdelay $0x1  }
0x1a4: {  	[tilespmem:$0x1F870] =	vst v8;
	v58 =	vmul.f32 v27, v19;
	v19 =	vsub.f32 $1.000000000e+00, v5  }
0x1a5: {  	[tilespmem:$0x1F810] =	vst v6;
	v6 =	vmul.f32 v9, v54;
	v27 =	vadd.f32 v43, v49;
	v29 =	vadd.f32 v37, v44  }
0x1a6: {  	[tilespmem:$0x1F8A0] =	vst v7;
	v8 =	vmul.f32 v26, v3;
	v26 =	vperm.xlane v4, v0;
	v0 =	vpop (erf)  }
0x1a7: {  	[tilespmem:$0x1F8E0] =	vst v6;
	v9 =	vmul.f32 v19, v2;
	v19 =	vadd.f32 v29, v27;
	v2 =	vmul.f32 v0, v20  }
0x1a8: {  	[tilespmem:$0x1F900] =	vst v5;
	v14 =	vsub.f32 $1.000000000e+00, v6;
	v5 =	vmul.f32 v0, v23;
	v6 =	vmul.f32 v0, v21  }
0x1a9: {  	v7 =	vadd.f32 v4, v26;
	v4 =	vmul.f32 v0, v22;
	v0 =	vperm.xlane v19, v12;
	[tilespmem:$0x1F7E0] =	vst v2  }
0x1aa: {  	[tilespmem:$0x1FDD0] =	vst v6;
	v2 =	vsub.f32 $1.000000000e+00, v2;
	v6 =	vsub.f32 $1.000000000e+00, v6  }
0x1ab: {  	v15 =	vmul.f32 v14, v54;
	v0 =	vadd.f32 v19, v0  }
0x1ac: {  	v10 =	vmul.f32 v2, v20;
	v24 =	vmul.f32 v6, v21;
	v2 =	vld [tilespmem:$0x1FFC0]  }
0x1ad: {  	v6 =	vadd.f32 v60, v18;
	v18 =	vperm.xlane v7, v45;
	v19 =	vperm.xlane v0, v63  }
0x1ae: {  	v29 =	vadd.f32 v15, v58;
	v1 =	vadd.f32 v8, v9  }
0x1af: {  	v7 =	vadd.f32 v7, v18;
	v0 =	vadd.f32 v0, v19;
	_ =	sdelay $0x1  }
0x1b0: {  	v1 =	vadd.f32 v1, v29;
	(erf) = vrcp.f32 v7;
	v7 =	vperm.xlane v0, v2;
	v2 =	vld [tilespmem:$0x1F410];
	_ =	sdelay $0x1  }
0x1b1: {  	[tilespmem:$0x1F7F0] =	vst v4;
	v3 =	vsub.f32 $1.000000000e+00, v4;
	v4 =	vperm.xlane v1, v12;
	_ =	sdelay $0x1  }
0x1b2: {  	v1 =	vadd.f32 v1, v4  }
0x1b3: {  	v19 =	vadd.f32 v2, v30;
	v2 =	vld [tilespmem:$0x1FFC0]  }
0x1b4: {  	v20 =	vperm.xlane v1, v63;
	_ =	sdelay $0x1  }
0x1b5: {  	v1 =	vadd.f32 v1, v20;
	_ =	sdelay $0x1  }
0x1b6: {  	v20 =	vperm.xlane v1, v2;
	v2 =	vld [tilespmem:$0x1F420];
	_ =	sdelay $0x2  }
0x1b7: {  	v28 =	vadd.f32 v57, v56;
	[tilespmem:$0x1F800] =	vst v5;
	v5 =	vsub.f32 $1.000000000e+00, v5;
	_ =	sdelay $0x1  }
0x1b8: {  	v14 =	vmul.f32 v5, v23;
	v23 =	vadd.f32 v2, v28;
	v2 =	vld [tilespmem:$0x1F430]  }
0x1b9: {  	v26 =	vmul.f32 v3, v22;
	_ =	sdelay $0x1  }
0x1ba: {  	v22 =	vadd.f32 v24, v14;
	v21 =	vadd.f32 v26, v10;
	_ =	sdelay $0x1  }
0x1bb: {  	v18 =	vadd.f32 v22, v21;
	v16 =	vadd.f32 v2, v16;
	v2 =	vld [tilespmem:$0x1F440];
	_ =	sdelay $0x1  }
0x1bc: {  	v21 =	vperm.xlane v18, v12;
	_ =	sdelay $0x1  }
0x1bd: {  	v0 =	vadd.f32 v0, v7;
	v7 =	vadd.f32 v18, v21  }
0x1be: {  	v18 =	vadd.f32 v62, v25;
	v25 =	vadd.f32 v2, v19;
	v2 =	vld [tilespmem:$0x1F450];
	_ =	sdelay $0x4  }
0x1bf: {  	v1 =	vadd.f32 v1, v20;
	v20 =	vperm.xlane v0, v45;
	v28 =	vadd.f32 v2, v23;
	v2 =	vld [tilespmem:$0x1F460];
	_ =	sdelay $0x1  }
0x1c0: {  	v0 =	vadd.f32 v0, v20;
	_ =	sdelay $0x1  }
0x1c1: {  	(erf) = vrcp.f32 v0;
	v0 =	vld [tilespmem:$0x1F480]  }
0x1c2: {  	v18 =	vadd.f32 v2, v18;
	v2 =	vld [tilespmem:$0x1F470]  }
0x1c3: {  	v19 =	vperm.xlane v1, v45;
	_ =	sdelay $0x1  }
0x1c4: {  	v1 =	vadd.f32 v1, v19;
	_ =	sdelay $0x1  }
0x1c5: {  	v3 =	vadd.f32 v2, v16;
	v2 =	vadd.f32 v0, v13;
	v0 =	vld [tilespmem:$0x1FFC0]  }
0x1c6: {  	v21 =	vperm.xlane v7, v63  }
0x1c7: {  	(erf) = vrcp.f32 v1;
	v1 =	vpop (erf)  }
0x1c8: {  	v6 =	vadd.f32 v61, v6;
	v7 =	vadd.f32 v7, v21;
	v61 =	vmul.f32 v1, v31  }
0x1c9: {  	v62 =	vmul.f32 v1, v32;
	v4 =	vmul.f32 v1, v17  }
0x1ca: {  	v13 =	vperm.xlane v7, v0;
	v0 =	vmul.f32 v1, v11;
	v1 =	vsub.f32 $1.000000000e+00, v61;
	_ =	sdelay $0x1  }
0x1cb: {  	v31 =	vmul.f32 v1, v31;
	v1 =	vld [tilespmem:$0x1F4A0];
	_ =	sdelay $0x4  }
0x1cc: {  	v16 =	vadd.f32 v1, v2;
	v1 =	vld [tilespmem:$0x1F4B0];
	_ =	sdelay $0x4  }
0x1cd: {  	v19 =	vadd.f32 v1, v6;
	v1 =	vld [tilespmem:$0x1F4C0];
	_ =	sdelay $0x4  }
0x1ce: {  	v21 =	vadd.f32 v1, v25;
	v1 =	vld [tilespmem:$0x1F4D0];
	_ =	sdelay $0x3  }
0x1cf: {  	v34 =	vadd.f32 v50, v38  }
0x1d0: {  	v7 =	vadd.f32 v7, v13;
	v25 =	vadd.f32 v1, v28;
	v1 =	vld [tilespmem:$0x1F4E0]  }
0x1d1: {  	v13 =	vsub.f32 $1.000000000e+00, v62;
	v38 =	vsub.f32 $1.000000000e+00, v0  }
0x1d2: {  	v30 =	vsub.f32 $1.000000000e+00, v4  }
0x1d3: {  	v32 =	vmul.f32 v13, v32;
	v13 =	vmul.f32 v38, v11;
	v11 =	vpop (erf)  }
0x1d4: {  	v30 =	vmul.f32 v30, v17;
	v17 =	vpop (erf)  }
0x1d5: {  	v20 =	vadd.f32 v1, v18;
	v1 =	vmul.f32 v17, v9  }
0x1d6: {  	[tilespmem:$0x1F7C0] =	vst v4;
	v4 =	vld [tilespmem:$0x1F490]  }
0x1d7: {  	[tilespmem:$0x1FA90] =	vst v1;
	v1 =	vsub.f32 $1.000000000e+00, v1  }
0x1d8: {  	[tilespmem:$0x1F7D0] =	vst v0;
	v0 =	vperm.xlane v7, v45  }
0x1d9: {  	v22 =	vadd.f32 v55, v34;
	v9 =	vmul.f32 v1, v9;
	v1 =	vld [tilespmem:$0x1F500]  }
0x1da: {  	v0 =	vadd.f32 v7, v0  }
0x1db: {  	v22 =	vadd.f32 v4, v22  }
0x1dc: {  	v7 =	vadd.f32 v13, v30;
	(erf) = vrcp.f32 v0;
	v0 =	vadd.f32 v32, v31;
	_ =	sdelay $0x1  }
0x1dd: {  	v0 =	vadd.f32 v7, v0;
	v6 =	vadd.f32 v1, v22;
	v1 =	vld [tilespmem:$0x1F510]  }
0x1de: {  	v5 =	vmul.f32 v17, v58;
	v4 =	vmul.f32 v17, v8  }
0x1df: {  	v2 =	vmul.f32 v17, v15;
	v17 =	vperm.xlane v0, v12;
	_ =	sdelay $0x1  }
0x1e0: {  	v28 =	vsub.f32 $1.000000000e+00, v2;
	v0 =	vadd.f32 v0, v17  }
0x1e1: {  	[tilespmem:$0x1FA50] =	vst v2;
	v2 =	vsub.f32 $1.000000000e+00, v4;
	v41 =	vadd.f32 v1, v16;
	v1 =	vld [tilespmem:$0x1FFC0]  }
0x1e2: {  	v18 =	vsub.f32 $1.000000000e+00, v5;
	v16 =	vperm.xlane v0, v63  }
0x1e3: {  	v17 =	vmul.f32 v2, v8;
	v8 =	vpop (erf)  }
0x1e4: {  	v18 =	vmul.f32 v18, v58;
	v54 =	vmul.f32 v8, v10;
	v0 =	vadd.f32 v0, v16  }
0x1e5: {  	v58 =	vmul.f32 v8, v26;
	v60 =	vmul.f32 v8, v14  }
0x1e6: {  	[tilespmem:$0x1F940] =	vst v5;
	v5 =	vmul.f32 v8, v24;
	v8 =	vperm.xlane v0, v1;
	v1 =	vsub.f32 $1.000000000e+00, v54;
	_ =	sdelay $0x1  }
0x1e7: {  	v7 =	vmul.f32 v1, v10;
	v1 =	vld [tilespmem:$0x1F520];
	_ =	sdelay $0x2  }
0x1e8: {  	[tilespmem:$0x1FDF0] =	vst v5;
	v5 =	vsub.f32 $1.000000000e+00, v5;
	_ =	sdelay $0x1  }
0x1e9: {  	v16 =	vmul.f32 v5, v24;
	v5 =	vadd.f32 v1, v19;
	v1 =	vld [tilespmem:$0x1F530];
	_ =	sdelay $0x1  }
0x1ea: {  	v28 =	vmul.f32 v28, v15;
	_ =	sdelay $0x1  }
0x1eb: {  	[tilespmem:$0x1F9F0] =	vst v4;
	v4 =	vld [tilespmem:$0x1F4F0];
	v15 =	vadd.f32 v28, v18  }
0x1ec: {  	v22 =	vadd.f32 v17, v9;
	v6 =	vadd.f32 v1, v6;
	v1 =	vld [tilespmem:$0x1F540];
	_ =	sdelay $0x1  }
0x1ed: {  	v15 =	vadd.f32 v22, v15;
	_ =	sdelay $0x1  }
0x1ee: {  	v39 =	vadd.f32 v4, v3;
	v3 =	vperm.xlane v15, v12  }
0x1ef: {  	v19 =	vadd.f32 v1, v21;
	v1 =	vld [tilespmem:$0x1F550]  }
0x1f0: {  	v3 =	vadd.f32 v15, v3;
	_ =	sdelay $0x1  }
0x1f1: {  	v2 =	vsub.f32 $1.000000000e+00, v58;
	v10 =	vperm.xlane v3, v63  }
0x1f2: {  	v4 =	vsub.f32 $1.000000000e+00, v60;
	v0 =	vadd.f32 v0, v8  }
0x1f3: {  	v3 =	vadd.f32 v3, v10;
	v10 =	vadd.f32 v1, v25;
	v1 =	vld [tilespmem:$0x1F560]  }
0x1f4: {  	v8 =	vmul.f32 v2, v26;
	v26 =	vmul.f32 v4, v14  }
0x1f5: {  	v4 =	vperm.xlane v0, v45  }
0x1f6: {  	v14 =	vadd.f32 v8, v7;
	v15 =	vadd.f32 v16, v26  }
0x1f7: {  	v0 =	vadd.f32 v0, v4  }
0x1f8: {  	v4 =	vadd.f32 v15, v14;
	v14 =	vadd.f32 v1, v20;
	v1 =	vld [tilespmem:$0x1FFC0];
	_ =	sdelay $0x4  }
0x1f9: {  	v15 =	vperm.xlane v3, v1;
	v1 =	vld [tilespmem:$0x1F580];
	_ =	sdelay $0x4  }
0x1fa: {  	v25 =	vadd.f32 v1, v19;
	v1 =	vld [tilespmem:$0x1F590];
	_ =	sdelay $0x4  }
0x1fb: {  	v33 =	vadd.f32 v1, v10;
	v1 =	vld [tilespmem:$0x1F5A0];
	_ =	sdelay $0x1  }
0x1fc: {  	(erf) = vrcp.f32 v0;
	v0 =	vld [tilespmem:$0x1F570];
	_ =	sdelay $0x2  }
0x1fd: {  	v22 =	vadd.f32 v1, v14;
	v1 =	vld [tilespmem:$0x1F5B0]  }
0x1fe: {  	v20 =	vperm.xlane v4, v12  }
0x1ff: {  	v0 =	vadd.f32 v0, v39  }
0x200: {  	v4 =	vadd.f32 v4, v20;
	v3 =	vadd.f32 v3, v15  }
0x201: {  	v2 =	vld [tilespmem:$0x1FFC0]  }
0x202: {  	v15 =	vperm.xlane v4, v63;
	v23 =	vadd.f32 v1, v0;
	v0 =	vperm.xlane v3, v45;
	_ =	sdelay $0x1  }
0x203: {  	v3 =	vadd.f32 v3, v0;
	v0 =	vadd.f32 v4, v15;
	_ =	sdelay $0x1  }
0x204: {  	v55 =	vmul.f32 v11, v49;
	v15 =	vperm.xlane v0, v2;
	_ =	sdelay $0x1  }
0x205: {  	v19 =	vsub.f32 $1.000000000e+00, v55;
	v0 =	vadd.f32 v0, v15;
	_ =	sdelay $0x1  }
0x206: {  	v14 =	vmul.f32 v19, v49;
	v49 =	vperm.xlane v0, v45;
	_ =	sdelay $0x1  }
0x207: {  	v1 =	vld [tilespmem:$0x1F5C0];
	v0 =	vadd.f32 v0, v49  }
0x208: {  	v56 =	vmul.f32 v11, v43;
	(erf) = vrcp.f32 v3  }
0x209: {  	v52 =	vmul.f32 v11, v44;
	(erf) = vrcp.f32 v0;
	v0 =	vld [tilespmem:$0x1F5F0]  }
0x20a: {  	v21 =	vsub.f32 $1.000000000e+00, v56  }
0x20b: {  	v50 =	vmul.f32 v11, v37;
	v19 =	vpop (erf);
	v3 =	vsub.f32 $1.000000000e+00, v52  }
0x20c: {  	v20 =	vmul.f32 v21, v43;
	v2 =	vld [tilespmem:$0x1F5D0];
	v1 =	vadd.f32 v1, v41;
	v41 =	vmul.f32 v19, v31  }
0x20d: {  	v38 =	vmul.f32 v19, v32;
	v24 =	vmul.f32 v3, v44;
	v3 =	vsub.f32 $1.000000000e+00, v50  }
0x20e: {  	v44 =	vmul.f32 v19, v30;
	v43 =	vsub.f32 $1.000000000e+00, v41;
	v15 =	vadd.f32 v0, v1;
	v0 =	vld [tilespmem:$0x1F600]  }
0x20f: {  	v39 =	vmul.f32 v19, v13;
	v48 =	vsub.f32 $1.000000000e+00, v38  }
0x210: {  	v19 =	vmul.f32 v3, v37;
	v10 =	vmul.f32 v43, v31;
	v31 =	vsub.f32 $1.000000000e+00, v44  }
0x211: {  	v57 =	vsub.f32 $1.000000000e+00, v39;
	v5 =	vadd.f32 v2, v5;
	v2 =	vld [tilespmem:$0x1F5E0]  }
0x212: {  	v36 =	vmul.f32 v31, v30;
	v30 =	vadd.f32 v20, v14;
	v31 =	vadd.f32 v19, v24  }
0x213: {  	v32 =	vmul.f32 v48, v32;
	v13 =	vmul.f32 v57, v13;
	v48 =	vadd.f32 v0, v5;
	v0 =	vld [tilespmem:$0x1F610]  }
0x214: {  	v1 =	vadd.f32 v31, v30  }
0x215: {  	v43 =	vpop (erf);
	v30 =	vadd.f32 v32, v10;
	v31 =	vadd.f32 v13, v36  }
0x216: {  	v6 =	vadd.f32 v2, v6;
	v2 =	vmul.f32 v43, v18  }
0x217: {  	v5 =	vadd.f32 v31, v30  }
0x218: {  	v30 =	vsub.f32 $1.000000000e+00, v2;
	v11 =	vadd.f32 v0, v6;
	v0 =	vmul.f32 v43, v9;
	_ =	sdelay $0x1  }
0x219: {  	v18 =	vmul.f32 v30, v18;
	v30 =	vsub.f32 $1.000000000e+00, v0;
	_ =	sdelay $0x3  }
0x21a: {  	v9 =	vmul.f32 v30, v9;
	v30 =	vpop (erf)  }
0x21b: {  	v25 =	vadd.f32 v53, v25;
	v53 =	vmul.f32 v30, v7  }
0x21c: {  	v6 =	vperm.xlane v1, v12  }
0x21d: {  	[tilespmem:$0x1FAA0] =	vst v2;
	v2 =	vsub.f32 $1.000000000e+00, v53  }
0x21e: {  	v1 =	vadd.f32 v1, v6;
	v6 =	vperm.xlane v5, v12  }
0x21f: {  	v7 =	vmul.f32 v2, v7;
	v2 =	vld [tilespmem:$0x1FFC0]  }
0x220: {  	v5 =	vadd.f32 v5, v6;
	v6 =	vperm.xlane v1, v63  }
0x221: {  	v3 =	vmul.f32 v43, v28;
	v4 =	vmul.f32 v43, v17  }
0x222: {  	v1 =	vadd.f32 v1, v6  }
0x223: {  	v35 =	vsub.f32 $1.000000000e+00, v4;
	v31 =	vsub.f32 $1.000000000e+00, v3  }
0x224: {  	[tilespmem:$0x1FA20] =	vst v4;
	v4 =	vmul.f32 v30, v16;
	v2 =	vperm.xlane v1, v2  }
0x225: {  	v17 =	vmul.f32 v35, v17;
	v28 =	vmul.f32 v31, v28  }
0x226: {  	[tilespmem:$0x1FE00] =	vst v4;
	v4 =	vsub.f32 $1.000000000e+00, v4;
	v1 =	vadd.f32 v1, v2  }
0x227: {  	v31 =	vadd.f32 v28, v18;
	v35 =	vadd.f32 v17, v9  }
0x228: {  	v16 =	vmul.f32 v4, v16;
	v4 =	vperm.xlane v1, v45  }
0x229: {  	v31 =	vadd.f32 v35, v31  }
0x22a: {  	v1 =	vadd.f32 v1, v4  }
0x22b: {  	v2 =	vperm.xlane v31, v12  }
0x22c: {  	(erf) = vrcp.f32 v1;
	v1 =	vld [tilespmem:$0x1F650]  }
0x22d: {  	v2 =	vadd.f32 v31, v2;
	_ =	sdelay $0x1  }
0x22e: {  	[tilespmem:$0x1FAB0] =	vst v3;
	v3 =	vld [tilespmem:$0x1FFC0];
	v4 =	vperm.xlane v2, v63  }
0x22f: {  	v6 =	vperm.xlane v5, v63  }
0x230: {  	v2 =	vadd.f32 v2, v4;
	v4 =	vadd.f32 v1, v15;
	v1 =	vld [tilespmem:$0x1F660]  }
0x231: {  	[tilespmem:$0x1FAF0] =	vst v0;
	v0 =	vadd.f32 v5, v6;
	_ =	sdelay $0x1  }
0x232: {  	v49 =	vperm.xlane v0, v3  }
0x233: {  	v6 =	vld [tilespmem:$0x1F630]  }
0x234: {  	v0 =	vadd.f32 v0, v49;
	v49 =	vadd.f32 v1, v48;
	v1 =	vld [tilespmem:$0x1F670];
	_ =	sdelay $0x1  }
0x235: {  	v43 =	vmul.f32 v30, v26  }
0x236: {  	v34 =	vmul.f32 v30, v8  }
0x237: {  	v3 =	vsub.f32 $1.000000000e+00, v43;
	v22 =	vadd.f32 v6, v22;
	v6 =	vld [tilespmem:$0x1F640]  }
0x238: {  	v30 =	vsub.f32 $1.000000000e+00, v34;
	v48 =	vadd.f32 v1, v11;
	v1 =	vld [tilespmem:$0x1FFC0]  }
0x239: {  	v5 =	vmul.f32 v3, v26  }
0x23a: {  	v30 =	vmul.f32 v30, v8  }
0x23b: {  	v57 =	vadd.f32 v16, v5  }
0x23c: {  	v8 =	vperm.xlane v0, v45;
	v23 =	vadd.f32 v6, v23;
	v6 =	vld [tilespmem:$0x1F690];
	v31 =	vadd.f32 v30, v7  }
0x23d: {  	v15 =	vperm.xlane v2, v1;
	v1 =	vld [tilespmem:$0x1F680]  }
0x23e: {  	v0 =	vadd.f32 v0, v8;
	v8 =	vadd.f32 v57, v31;
	_ =	sdelay $0x1  }
0x23f: {  	(erf) = vrcp.f32 v0;
	v0 =	vperm.xlane v8, v12;
	_ =	sdelay $0x1  }
0x240: {  	v0 =	vadd.f32 v8, v0;
	v8 =	vadd.f32 v6, v1;
	v1 =	vld [tilespmem:$0x1F6A0]  }
0x241: {  	v6 =	vld [tilespmem:$0x1F6B0];
	_ =	sdelay $0x4  }
0x242: {  	v2 =	vadd.f32 v2, v15;
	v15 =	vadd.f32 v6, v1;
	v1 =	vld [tilespmem:$0x1F6C0]  }
0x243: {  	v6 =	vld [tilespmem:$0x1F6D0];
	_ =	sdelay $0x3  }
0x244: {  	v3 =	vld [tilespmem:$0x1F620]  }
0x245: {  	v26 =	vadd.f32 v59, v25;
	v25 =	vadd.f32 v6, v1;
	v1 =	vld [tilespmem:$0x1F6E0]  }
0x246: {  	v6 =	vld [tilespmem:$0x1F6F0];
	_ =	sdelay $0x4  }
0x247: {  	v3 =	vadd.f32 v3, v33;
	v33 =	vadd.f32 v6, v1;
	v1 =	vld [tilespmem:$0x1F700]  }
0x248: {  	v6 =	vld [tilespmem:$0x1F710];
	_ =	sdelay $0x3  }
0x249: {  	v11 =	vld [tilespmem:$0x1F730]  }
0x24a: {  	v6 =	vadd.f32 v6, v1;
	v1 =	vld [tilespmem:$0x1F720];
	_ =	sdelay $0x3  }
0x24b: {  	v21 =	vld [tilespmem:$0x1F750]  }
0x24c: {  	v11 =	vadd.f32 v11, v1;
	v1 =	vld [tilespmem:$0x1F740];
	_ =	sdelay $0x4  }
0x24d: {  	v37 =	vadd.f32 v21, v1;
	v1 =	vld [tilespmem:$0x1F760];
	_ =	sdelay $0x2  }
0x24e: {  	v31 =	vperm.xlane v0, v63;
	_ =	sdelay $0x1  }
0x24f: {  	v0 =	vadd.f32 v0, v31;
	v31 =	vadd.f32 v1, v3;
	v1 =	vld [tilespmem:$0x1F770];
	_ =	sdelay $0x4  }
0x250: {  	v27 =	vadd.f32 v1, v22;
	v1 =	vld [tilespmem:$0x1FFC0];
	_ =	sdelay $0x4  }
0x251: {  	v3 =	vperm.xlane v0, v1;
	v1 =	vld [tilespmem:$0x1F780];
	_ =	sdelay $0x4  }
0x252: {  	v59 =	vperm.xlane v2, v45;
	v23 =	vadd.f32 v1, v23;
	v1 =	vld [tilespmem:$0x1F790];
	_ =	sdelay $0x1  }
0x253: {  	v2 =	vadd.f32 v2, v59;
	v0 =	vadd.f32 v0, v3;
	_ =	sdelay $0x1  }
0x254: {  	v57 =	vpop (erf);
	(erf) = vrcp.f32 v2;
	v3 =	vperm.xlane v0, v45  }
0x255: {  	v59 =	vmul.f32 v57, v19;
	v29 =	vadd.f32 v1, v4;
	v4 =	vpop (erf)  }
0x256: {  	v21 =	vadd.f32 v46, v8;
	v0 =	vadd.f32 v0, v3;
	v46 =	vmul.f32 v4, v10  }
0x257: {  	v8 =	vadd.f32 v47, v33;
	v22 =	vadd.f32 v42, v37;
	v42 =	vmul.f32 v4, v32  }
0x258: {  	(erf) = vrcp.f32 v0;
	v33 =	vmul.f32 v4, v36;
	v2 =	vsub.f32 $1.000000000e+00, v46  }
0x259: {  	v1 =	vadd.f32 v40, v25;
	v40 =	vmul.f32 v4, v13;
	v25 =	vsub.f32 $1.000000000e+00, v42  }
0x25a: {  	v4 =	vsub.f32 $1.000000000e+00, v33;
	v2 =	vmul.f32 v2, v10;
	v10 =	vmul.f32 v57, v14  }
0x25b: {  	v0 =	vsub.f32 $1.000000000e+00, v40;
	v3 =	vmul.f32 v25, v32;
	v25 =	vmul.f32 v57, v20  }
0x25c: {  	v35 =	vmul.f32 v4, v36;
	v36 =	vmul.f32 v57, v24;
	v4 =	vsub.f32 $1.000000000e+00, v10  }
0x25d: {  	v15 =	vadd.f32 v51, v15;
	v51 =	vmul.f32 v0, v13;
	v13 =	vpop (erf);
	v0 =	vsub.f32 $1.000000000e+00, v25  }
0x25e: {  	v47 =	vmul.f32 v13, v18;
	v37 =	vmul.f32 v4, v14;
	v4 =	vsub.f32 $1.000000000e+00, v36  }
0x25f: {  	v57 =	vmul.f32 v13, v28;
	v0 =	vmul.f32 v0, v20;
	v14 =	vsub.f32 $1.000000000e+00, v59  }
0x260: {  	v20 =	vsub.f32 $1.000000000e+00, v47;
	v4 =	vmul.f32 v4, v24;
	v24 =	vmul.f32 v13, v9  }
0x261: {  	[tilespmem:$0x1FB10] =	vst v47;
	v47 =	vmul.f32 v14, v19;
	v19 =	vmul.f32 v13, v17;
	v13 =	vsub.f32 $1.000000000e+00, v57  }
0x262: {  	[tilespmem:$0x1FB20] =	vst v57;
	v57 =	vmul.f32 v20, v18;
	v14 =	vadd.f32 v3, v2;
	v18 =	vsub.f32 $1.000000000e+00, v24  }
0x263: {  	[tilespmem:$0x1FA60] =	vst v19;
	v28 =	vmul.f32 v13, v28;
	v13 =	vadd.f32 v51, v35;
	v19 =	vsub.f32 $1.000000000e+00, v19  }
0x264: {  	[tilespmem:$0x1FB30] =	vst v24;
	v24 =	vmul.f32 v18, v9;
	v9 =	vadd.f32 v0, v37  }
0x265: {  	v18 =	vadd.f32 v47, v4;
	v14 =	vadd.f32 v13, v14;
	v13 =	vmul.f32 v19, v17  }
0x266: {  	v20 =	vpop (erf);
	v17 =	vadd.f32 v28, v57  }
0x267: {  	[tilespmem:$0x1FB90] =	vst v28;
	v19 =	vmul.f32 v20, v7;
	v9 =	vadd.f32 v18, v9;
	v18 =	vadd.f32 v13, v24  }
0x268: {  	v28 =	vmul.f32 v20, v30;
	[tilespmem:$0x1FC10] =	vst v24  }
0x269: {  	[tilespmem:$0x1F9D0] =	vst v19;
	v19 =	vsub.f32 $1.000000000e+00, v19;
	v17 =	vadd.f32 v18, v17;
	v18 =	vperm.xlane v14, v12  }
0x26a: {  	v32 =	vmovc v12;
	[tilespmem:$0x1FA80] =	vst v13;
	v24 =	vmul.f32 v20, v5;
	v13 =	vmul.f32 v20, v16;
	v20 =	vsub.f32 $1.000000000e+00, v28  }
0x26b: {  	[tilespmem:$0x1FA00] =	vst v28;
	v14 =	vadd.f32 v14, v18;
	v18 =	vperm.xlane v9, v12;
	v28 =	vperm.xlane v17, v12;
	v12 =	vld [tilespmem:$0x1F7A0];
	_ =	sdelay $0x1  }
0x26c: {  	[tilespmem:$0x1FA30] =	vst v24;
	v7 =	vmul.f32 v19, v7;
	v19 =	vsub.f32 $1.000000000e+00, v24;
	v24 =	vsub.f32 $1.000000000e+00, v13;
	_ =	sdelay $0x1  }
0x26d: {  	[tilespmem:$0x1FE10] =	vst v13;
	v20 =	vmul.f32 v20, v30;
	v13 =	vld [tilespmem:$0x1FFC0];
	v30 =	vmul.f32 v24, v16;
	v16 =	vadd.f32 v17, v28  }
0x26e: {  	v17 =	vperm.xlane v14, v63;
	v6 =	vadd.f32 v12, v6;
	v12 =	vmul.f32 v19, v5;
	v5 =	vld [tilespmem:$0x1F7B0];
	_ =	sdelay $0x1  }
0x26f: {  	v14 =	vadd.f32 v14, v17;
	v17 =	vperm.xlane v16, v63;
	_ =	sdelay $0x1  }
0x270: {  	v16 =	vadd.f32 v16, v17;
	v17 =	vperm.xlane v14, v13;
	v13 =	vld [tilespmem:$0x1FFC0]  }
0x271: {  	v11 =	vadd.f32 v5, v11;
	v5 =	vadd.f32 v62, v8;
	v8 =	vld [tilespmem:$0x1F7C0];
	_ =	sdelay $0x1  }
0x272: {  	v9 =	vadd.f32 v9, v18  }
0x273: {  	v18 =	vadd.f32 v20, v7;
	v19 =	vadd.f32 v30, v12  }
0x274: {  	v14 =	vadd.f32 v14, v17;
	v17 =	vperm.xlane v16, v13;
	v13 =	vld [tilespmem:$0x1FFC0]  }
0x275: {  	v18 =	vadd.f32 v19, v18;
	v19 =	vperm.xlane v9, v63;
	v6 =	vadd.f32 v8, v6;
	v8 =	vld [tilespmem:$0x1F7D0];
	_ =	sdelay $0x1  }
0x276: {  	v9 =	vadd.f32 v9, v19;
	v19 =	vperm.xlane v18, v32;
	_ =	sdelay $0x1  }
0x277: {  	v18 =	vadd.f32 v18, v19;
	v19 =	vperm.xlane v9, v13;
	v13 =	vld [tilespmem:$0x1F7F0]  }
0x278: {  	v11 =	vadd.f32 v8, v11;
	v8 =	vld [tilespmem:$0x1F7E0];
	_ =	sdelay $0x2  }
0x279: {  	v9 =	vadd.f32 v9, v19;
	v19 =	vperm.xlane v18, v63  }
0x27a: {  	v15 =	vadd.f32 v13, v15;
	v13 =	vld [tilespmem:$0x1F800]  }
0x27b: {  	v18 =	vadd.f32 v18, v19;
	v19 =	vperm.xlane v9, v45;
	v8 =	vadd.f32 v8, v21;
	_ =	sdelay $0x1  }
0x27c: {  	v28 =	vadd.f32 v54, v8;
	v8 =	vadd.f32 v9, v19;
	v9 =	vld [tilespmem:$0x1FFC0];
	_ =	sdelay $0x1  }
0x27d: {  	v16 =	vadd.f32 v16, v17;
	v17 =	vperm.xlane v14, v45;
	v21 =	vadd.f32 v13, v22;
	v13 =	vld [tilespmem:$0x1F810];
	_ =	sdelay $0x1  }
0x27e: {  	v1 =	vadd.f32 v61, v1;
	v14 =	vadd.f32 v14, v17;
	v17 =	vperm.xlane v16, v45  }
0x27f: {  	v9 =	vperm.xlane v18, v9  }
0x280: {  	v41 =	vadd.f32 v41, v1;
	(erf) = vrcp.f32 v14;
	v14 =	vadd.f32 v16, v17  }
0x281: {  	v24 =	vadd.f32 v13, v26;
	v13 =	vld [tilespmem:$0x1F820];
	v1 =	vadd.f32 v18, v9  }
0x282: {  	(erf) = vrcp.f32 v14  }
0x283: {  	(erf) = vrcp.f32 v8;
	v9 =	vld [tilespmem:$0x1F850];
	v8 =	vperm.xlane v1, v45  }
0x284: {  	v14 =	vadd.f32 v38, v5;
	v5 =	vld [tilespmem:$0x1F840]  }
0x285: {  	v1 =	vadd.f32 v1, v8;
	v8 =	vld [tilespmem:$0x1F880]  }
0x286: {  	v26 =	vadd.f32 v13, v31;
	v13 =	vld [tilespmem:$0x1F830]  }
0x287: {  	v54 =	vadd.f32 v39, v11;
	v11 =	vld [tilespmem:$0x1F860]  }
0x288: {  	v9 =	vadd.f32 v9, v49;
	_ =	sdelay $0x1  }
0x289: {  	v26 =	vadd.f32 v56, v26;
	v56 =	vadd.f32 v8, v9;
	v8 =	vld [tilespmem:$0x1F890]  }
0x28a: {  	v5 =	vadd.f32 v5, v23;
	v22 =	vadd.f32 v13, v27  }
0x28b: {  	v11 =	vadd.f32 v11, v48;
	v18 =	vadd.f32 v44, v6  }
0x28c: {  	(erf) = vrcp.f32 v1;
	v1 =	vpop (erf);
	v49 =	vadd.f32 v52, v22;
	v52 =	vadd.f32 v50, v5;
	v5 =	vld [tilespmem:$0x1F870]  }
0x28d: {  	v6 =	vadd.f32 v60, v21;
	v16 =	vmul.f32 v1, v2;
	v48 =	vmul.f32 v1, v3  }
0x28e: {  	[tilespmem:$0x1FB70] =	vst v57;
	v57 =	vmul.f32 v1, v35;
	v50 =	vmul.f32 v1, v51;
	v1 =	vpop (erf);
	v11 =	vadd.f32 v8, v11;
	v8 =	vld [tilespmem:$0x1F8A0]  }
0x28f: {  	s14 =	simm.s32 $0x100;
	v31 =	vadd.f32 v58, v15;
	[tilespmem:$0x1FA70] =	vst v1;
	v44 =	vpop (erf);
	v1 =	vsub.f32 $1.000000000e+00, v16  }
0x290: {  	v27 =	vld [tilespmem:s14+$0x40];
	v21 =	vsub.f32 $1.000000000e+00, v48;
	v61 =	vsub.f32 $1.000000000e+00, v57;
	v9 =	vmul.f32 v44, v37  }
0x291: {  	v62 =	vsub.f32 $1.000000000e+00, v50;
	v15 =	vmul.f32 v1, v2;
	v5 =	vadd.f32 v5, v29  }
0x292: {  	[tilespmem:$0x1FAC0] =	vst v9;
	v2 =	vmul.f32 v21, v3;
	v1 =	vmul.f32 v61, v35  }
0x293: {  	v21 =	vmul.f32 v62, v51;
	v3 =	vld [tilespmem:s14+$0x50];
	v19 =	vadd.f32 v8, v5;
	v8 =	vadd.f32 v53, v28  }
0x294: {  	v23 =	vadd.f32 v55, v24;
	v51 =	vld [tilespmem:s14+$0x60];
	v5 =	vsub.f32 $1.000000000e+00, v9  }
0x295: {  	v29 =	vadd.f32 v21, v1;
	v27 =	vmul.f32 $1.442695020e+00, v27;
	[tilespmem:$0x1F9E0] =	vst v8;
	v8 =	vadd.f32 v34, v31  }
0x296: {  	v28 =	vadd.f32 v2, v15;
	v55 =	vmul.f32 v5, v37;
	v5 =	vadd.f32 v43, v6  }
0x297: {  	(erf) = vpow2.f32 v27;
	v53 =	vpop (erf);
	v31 =	vmul.f32 v44, v0;
	[tilespmem:$0x1FA10] =	vst v8  }
0x298: {  	v3 =	vmul.f32 $1.442695020e+00, v3;
	v27 =	vmul.f32 v53, v7;
	v28 =	vadd.f32 v29, v28;
	[tilespmem:$0x1FA40] =	vst v5  }
0x299: {  	v29 =	vmul.f32 $1.442695020e+00, v51;
	v6 =	vsub.f32 $1.000000000e+00, v31;
	v5 =	vmul.f32 v53, v20;
	v58 =	vld [tilespmem:s14+$0x70]  }
0x29a: {  	(erf) = vpow2.f32 v3;
	v43 =	vsub.f32 $1.000000000e+00, v27;
	v8 =	vmul.f32 v53, v12  }
0x29b: {  	(erf) = vpow2.f32 v29;
	[tilespmem:$0x1FAD0] =	vst v5;
	v38 =	vmul.f32 v6, v0;
	v0 =	vsub.f32 $1.000000000e+00, v5  }
0x29c: {  	v29 =	vmul.f32 v43, v7;
	v5 =	vmul.f32 v53, v30;
	v7 =	vsub.f32 $1.000000000e+00, v8;
	v3 =	vld [tilespmem:s14+$0x0]  }
0x29d: {  	[tilespmem:$0x1FAE0] =	vst v8;
	v20 =	vmul.f32 v0, v20;
	v0 =	vperm.xlane v28, v32  }
0x29e: {  	[tilespmem:$0x1FE20] =	vst v5;
	v51 =	vmul.f32 v7, v12;
	v7 =	vmul.f32 $1.442695020e+00, v58;
	v58 =	vsub.f32 $1.000000000e+00, v5  }
0x29f: {  	v39 =	vmul.f32 v44, v4;
	v61 =	vadd.f32 v46, v41;
	v46 =	vld [tilespmem:s14+$0x10]  }
0x2a0: {  	v12 =	vld [tilespmem:s14+$0x20];
	v28 =	vadd.f32 v28, v0;
	v0 =	vadd.f32 v42, v14;
	v42 =	vmul.f32 v58, v30  }
0x2a1: {  	v14 =	vsub.f32 $1.000000000e+00, v39;
	v60 =	vadd.f32 v20, v29;
	v3 =	vmul.f32 $1.442695020e+00, v3  }
0x2a2: {  	[tilespmem:$0x1F9A0] =	vst v0;
	(erf) = vpow2.f32 v7;
	v0 =	vadd.f32 v33, v18;
	v35 =	vadd.f32 v42, v51  }
0x2a3: {  	v7 =	vld [tilespmem:s14+$0x30];
	(erf) = vpow2.f32 v3;
	v3 =	vperm.xlane v28, v63  }
0x2a4: {  	v24 =	vmul.f32 v14, v4;
	v30 =	vmul.f32 $1.442695020e+00, v46;
	[tilespmem:$0x1F9C0] =	vst v0;
	v0 =	vld [tilespmem:$0x1FFC0];
	v4 =	vadd.f32 v35, v60  }
0x2a5: {  	v46 =	vmul.f32 v44, v47;
	v3 =	vadd.f32 v28, v3;
	v28 =	vmul.f32 $1.442695020e+00, v12  }
0x2a6: {  	(erf) = vpow2.f32 v30;
	v30 =	vperm.xlane v4, v32;
	_ =	sdelay $0x1  }
0x2a7: {  	(erf) = vpow2.f32 v28;
	v28 =	vsub.f32 $1.000000000e+00, v46;
	v4 =	vadd.f32 v4, v30  }
0x2a8: {  	v18 =	vperm.xlane v3, v0;
	v0 =	vld [tilespmem:$0x1FFC0]  }
0x2a9: {  	v44 =	vmul.f32 v28, v47;
	v28 =	vperm.xlane v4, v63;
	_ =	sdelay $0x1  }
0x2aa: {  	v4 =	vadd.f32 v4, v28  }
0x2ab: {  	v5 =	vld [tilespmem:$0x1F8C0]  }
0x2ac: {  	v33 =	vadd.f32 v25, v26;
	v25 =	vperm.xlane v4, v0;
	v0 =	vld [tilespmem:$0x1F8B0];
	_ =	sdelay $0x4  }
0x2ad: {  	v28 =	vadd.f32 v5, v0;
	v0 =	vld [tilespmem:$0x1F8D0];
	_ =	sdelay $0x4  }
0x2ae: {  	v53 =	vpop (erf);
	v14 =	vmul.f32 $1.442695020e+00, v7;
	v28 =	vadd.f32 v0, v28;
	v0 =	vld [tilespmem:$0x1F8E0]  }
0x2af: {  	v43 =	vadd.f32 v40, v54;
	v40 =	vpop (erf)  }
0x2b0: {  	v54 =	vpop (erf);
	(erf) = vpow2.f32 v14;
	v14 =	vadd.f32 v38, v55;
	v30 =	vadd.f32 v40, v53  }
0x2b1: {  	v3 =	vadd.f32 v3, v18;
	v58 =	vpop (erf);
	v18 =	vadd.f32 v44, v24  }
0x2b2: {  	v47 =	vadd.f32 v10, v23;
	v62 =	vadd.f32 v58, v54  }
0x2b3: {  	v10 =	vadd.f32 v18, v14;
	v18 =	vperm.xlane v3, v45;
	v14 =	vadd.f32 v0, v56;
	v0 =	vld [tilespmem:$0x1F8F0]  }
0x2b4: {  	v23 =	vadd.f32 v62, v30  }
0x2b5: {  	v3 =	vadd.f32 v3, v18;
	v18 =	vperm.xlane v10, v32  }
0x2b6: {  	v41 =	vadd.f32 v36, v49;
	v60 =	vpop (erf);
	v26 =	vperm.xlane v23, v32  }
0x2b7: {  	v36 =	vpop (erf);
	v10 =	vadd.f32 v10, v18;
	(erf) = vrcp.f32 v3;
	v3 =	vadd.f32 v4, v25  }
0x2b8: {  	v28 =	vadd.f32 v0, v28;
	v0 =	vld [tilespmem:$0x1FFC0]  }
0x2b9: {  	v18 =	vadd.f32 v26, v23;
	v26 =	vperm.xlane v10, v63;
	v30 =	vperm.xlane v3, v45;
	_ =	sdelay $0x1  }
0x2ba: {  	v10 =	vadd.f32 v10, v26;
	v26 =	vadd.f32 v3, v30  }
0x2bb: {  	v62 =	vpop (erf)  }
0x2bc: {  	v13 =	vpop (erf);
	(erf) = vrcp.f32 v26;
	v26 =	vperm.xlane v10, v0;
	v0 =	vld [tilespmem:$0x1F900];
	_ =	sdelay $0x3  }
0x2bd: {  	v23 =	vadd.f32 v36, v60;
	v25 =	vadd.f32 v13, v62  }
0x2be: {  	v49 =	vadd.f32 v0, v11;
	v0 =	vld [tilespmem:$0x1FFC0]  }
0x2bf: {  	v23 =	vadd.f32 v25, v23;
	v25 =	vperm.xlane v18, v63;
	_ =	sdelay $0x1  }
0x2c0: {  	v18 =	vadd.f32 v25, v18;
	v25 =	vperm.xlane v23, v32;
	_ =	sdelay $0x1  }
0x2c1: {  	v11 =	vadd.f32 v25, v23;
	v23 =	vperm.xlane v18, v0;
	v0 =	vld [tilespmem:$0x1F910];
	_ =	sdelay $0x4  }
0x2c2: {  	v25 =	vadd.f32 v0, v28;
	v0 =	vld [tilespmem:$0x1F920];
	_ =	sdelay $0x1  }
0x2c3: {  	v10 =	vadd.f32 v10, v26;
	_ =	sdelay $0x1  }
0x2c4: {  	v26 =	vpop (erf);
	v30 =	vperm.xlane v10, v45  }
0x2c5: {  	v18 =	vadd.f32 v23, v18;
	v25 =	vadd.f32 v0, v25;
	v0 =	vmul.f32 v26, v2  }
0x2c6: {  	v59 =	vadd.f32 v59, v52  }
0x2c7: {  	v10 =	vadd.f32 v10, v30;
	v52 =	vperm.xlane v18, v45;
	[tilespmem:$0x1FB50] =	vst v0;
	v30 =	vsub.f32 $1.000000000e+00, v0;
	v0 =	vld [tilespmem:$0x1FFC0]  }
0x2c8: {  	v23 =	vperm.xlane v11, v63  }
0x2c9: {  	v3 =	vmul.f32 v26, v15;
	v18 =	vadd.f32 v52, v18  }
0x2ca: {  	v23 =	vadd.f32 v23, v11  }
0x2cb: {  	[tilespmem:$0x1FB40] =	vst v3;
	v37 =	vsub.f32 $1.000000000e+00, v3;
	v3 =	vmul.f32 v26, v1  }
0x2cc: {  	(erf) = vrcp.f32 v10;
	v56 =	vperm.xlane v23, v0;
	v0 =	vld [tilespmem:$0x1F930]  }
0x2cd: {  	(erf) = vrcp.f32 v18;
	v18 =	vpop (erf);
	v22 =	vmul.f32 v30, v2;
	v2 =	vsub.f32 $1.000000000e+00, v3  }
0x2ce: {  	[tilespmem:$0x1FB60] =	vst v3;
	v5 =	vmul.f32 v18, v29;
	v3 =	vmul.f32 v26, v21;
	v10 =	vadd.f32 v56, v23  }
0x2cf: {  	v4 =	vmul.f32 v18, v20;
	v35 =	vmul.f32 v2, v1  }
0x2d0: {  	[tilespmem:$0x1FB80] =	vst v3;
	v1 =	vsub.f32 $1.000000000e+00, v3;
	v3 =	vmul.f32 v18, v51;
	v2 =	vperm.xlane v10, v45  }
0x2d1: {  	v23 =	vadd.f32 v0, v25;
	v0 =	vmul.f32 v18, v42;
	v18 =	vsub.f32 $1.000000000e+00, v5  }
0x2d2: {  	v21 =	vmul.f32 v1, v21  }
0x2d3: {  	v1 =	vadd.f32 v2, v10;
	[tilespmem:$0x1FE30] =	vst v0;
	v10 =	vmul.f32 v18, v29;
	v29 =	vsub.f32 $1.000000000e+00, v0;
	v0 =	vld [tilespmem:$0x1F940];
	_ =	sdelay $0x4  }
0x2d4: {  	v52 =	vadd.f32 v0, v19;
	v0 =	vld [tilespmem:$0x1F950];
	_ =	sdelay $0x1  }
0x2d5: {  	v18 =	vsub.f32 $1.000000000e+00, v3  }
0x2d6: {  	v34 =	vmul.f32 v37, v15;
	[tilespmem:$0x1FBB0] =	vst v5;
	v5 =	vpop (erf);
	v2 =	vsub.f32 $1.000000000e+00, v4;
	(erf) = vrcp.f32 v1  }
0x2d7: {  	v37 =	vpop (erf);
	v56 =	vmul.f32 v18, v51;
	v9 =	vmul.f32 v29, v42  }
0x2d8: {  	v8 =	vmul.f32 v2, v20;
	v20 =	vadd.f32 v0, v23;
	v0 =	vmul.f32 v37, v53  }
0x2d9: {  	[tilespmem:$0x1FBE0] =	vst v3;
	v29 =	vadd.f32 v9, v56  }
0x2da: {  	v3 =	vmul.f32 v37, v54;
	v23 =	vadd.f32 v8, v10;
	[tilespmem:$0x1FC30] =	vst v0;
	v0 =	vsub.f32 $1.000000000e+00, v0  }
0x2db: {  	[tilespmem:$0x1FBC0] =	vst v4;
	v4 =	vmul.f32 v37, v58;
	v18 =	vadd.f32 v22, v34;
	v19 =	vadd.f32 v21, v35  }
0x2dc: {  	v2 =	vmul.f32 v37, v40;
	[tilespmem:$0x1FC90] =	vst v3;
	v23 =	vadd.f32 v29, v23;
	v6 =	vmul.f32 v0, v53;
	v0 =	vld [tilespmem:$0x1F970]  }
0x2dd: {  	v3 =	vsub.f32 $1.000000000e+00, v3;
	[tilespmem:$0x1F960] =	vst v4;
	v51 =	vadd.f32 v19, v18  }
0x2de: {  	v4 =	vsub.f32 $1.000000000e+00, v4;
	[tilespmem:$0x1FC40] =	vst v2;
	v1 =	vsub.f32 $1.000000000e+00, v2;
	v2 =	vperm.xlane v23, v32  }
0x2df: {  	v15 =	vmul.f32 v3, v54;
	v37 =	vperm.xlane v51, v32  }
0x2e0: {  	v12 =	vmul.f32 v4, v58;
	v7 =	vmul.f32 v1, v40;
	v2 =	vadd.f32 v23, v2;
	v23 =	vpop (erf)  }
0x2e1: {  	v1 =	vld [tilespmem:$0x1F980];
	v42 =	vadd.f32 v51, v37;
	v51 =	vadd.f32 v0, v20;
	v0 =	vmul.f32 v23, v60  }
0x2e2: {  	v58 =	vadd.f32 v12, v15;
	v37 =	vadd.f32 v7, v6;
	v53 =	vperm.xlane v2, v63  }
0x2e3: {  	v3 =	vmul.f32 v23, v36;
	[tilespmem:$0x1FC50] =	vst v0;
	v0 =	vsub.f32 $1.000000000e+00, v0  }
0x2e4: {  	v29 =	vadd.f32 v58, v37;
	v2 =	vadd.f32 v2, v53  }
0x2e5: {  	[tilespmem:$0x1FC60] =	vst v3;
	v53 =	vsub.f32 $1.000000000e+00, v3;
	v3 =	vmul.f32 v23, v62;
	v58 =	vmul.f32 v0, v60;
	v0 =	vld [tilespmem:$0x1FFC0]  }
0x2e6: {  	v40 =	vperm.xlane v42, v63;
	v51 =	vadd.f32 v1, v51;
	v1 =	vld [tilespmem:$0x1FFC0]  }
0x2e7: {  	[tilespmem:$0x1FC70] =	vst v3;
	v53 =	vmul.f32 v53, v36;
	v36 =	vsub.f32 $1.000000000e+00, v3;
	v3 =	vld [tilespmem:$0x1F990]  }
0x2e8: {  	v42 =	vadd.f32 v42, v40;
	_ =	sdelay $0x1  }
0x2e9: {  	v0 =	vperm.xlane v42, v0  }
0x2ea: {  	v37 =	vperm.xlane v2, v1  }
0x2eb: {  	v18 =	vadd.f32 v3, v51;
	v3 =	vld [tilespmem:$0x1F9A0];
	v0 =	vadd.f32 v42, v0  }
0x2ec: {  	v40 =	vperm.xlane v29, v32;
	v2 =	vadd.f32 v2, v37  }
0x2ed: {  	v1 =	vmul.f32 v23, v13;
	v60 =	vperm.xlane v0, v45  }
0x2ee: {  	v29 =	vadd.f32 v29, v40;
	v42 =	vperm.xlane v2, v45  }
0x2ef: {  	v54 =	vsub.f32 $1.000000000e+00, v1;
	v0 =	vadd.f32 v0, v60  }
0x2f0: {  	v26 =	vmul.f32 v36, v62;
	v2 =	vadd.f32 v2, v42;
	v28 =	vadd.f32 v48, v3;
	v3 =	vld [tilespmem:$0x1F9B0]  }
0x2f1: {  	v4 =	vmul.f32 v54, v13;
	(erf) = vrcp.f32 v0  }
0x2f2: {  	[tilespmem:$0x1FC80] =	vst v1;
	v1 =	vperm.xlane v29, v63;
	(erf) = vrcp.f32 v2;
	v2 =	vld [tilespmem:$0x1FFC0]  }
0x2f3: {  	v13 =	vadd.f32 v4, v26;
	v0 =	vadd.f32 v53, v58  }
0x2f4: {  	v37 =	vadd.f32 v16, v61;
	v16 =	vld [tilespmem:$0x1F9E0];
	v1 =	vadd.f32 v29, v1  }
0x2f5: {  	v0 =	vadd.f32 v13, v0;
	v13 =	vadd.f32 v3, v18;
	v3 =	vld [tilespmem:$0x1F9D0];
	_ =	sdelay $0x1  }
0x2f6: {  	v2 =	vperm.xlane v1, v2;
	_ =	sdelay $0x1  }
0x2f7: {  	v1 =	vadd.f32 v1, v2;
	v2 =	vld [tilespmem:$0x1F9C0]  }
0x2f8: {  	v62 =	vadd.f32 v3, v16;
	v3 =	vld [tilespmem:$0x1F9F0];
	_ =	sdelay $0x3  }
0x2f9: {  	v16 =	vld [tilespmem:$0x1FA10];
	v18 =	vadd.f32 v57, v2;
	v2 =	vperm.xlane v0, v32  }
0x2fa: {  	v13 =	vadd.f32 v3, v13;
	v3 =	vld [tilespmem:$0x1FA00]  }
0x2fb: {  	v0 =	vadd.f32 v0, v2;
	v2 =	vld [tilespmem:$0x1FA20];
	_ =	sdelay $0x3  }
0x2fc: {  	v36 =	vadd.f32 v3, v16;
	v3 =	vld [tilespmem:$0x1FA30]  }
0x2fd: {  	v2 =	vadd.f32 v2, v13;
	v13 =	vld [tilespmem:$0x1FA40];
	_ =	sdelay $0x4  }
0x2fe: {  	v29 =	vperm.xlane v1, v45;
	v13 =	vadd.f32 v3, v13;
	v3 =	vld [tilespmem:$0x1FA50];
	_ =	sdelay $0x1  }
0x2ff: {  	v1 =	vadd.f32 v1, v29  }
0x300: {  	v23 =	vld [tilespmem:$0x1FA70]  }
0x301: {  	(erf) = vrcp.f32 v1;
	v1 =	vld [tilespmem:$0x1FA80]  }
0x302: {  	v14 =	vadd.f32 v3, v14;
	v3 =	vld [tilespmem:$0x1FA60];
	_ =	sdelay $0x2  }
0x303: {  	v16 =	vld [tilespmem:$0x1FA90];
	_ =	sdelay $0x1  }
0x304: {  	v1 =	vmul.f32 v23, v1;
	v2 =	vadd.f32 v3, v2;
	_ =	sdelay $0x1  }
0x305: {  	v1 =	vadd.f32 v1, v2  }
0x306: {  	v40 =	vmov v45;
	v45 =	vadd.f32 v16, v49;
	v16 =	vld [tilespmem:$0x1FAA0]  }
0x307: {  	[tilespmem:$0x1FF00] =	vst v1;
	v1 =	vld [tilespmem:$0x1FAB0];
	_ =	sdelay $0x4  }
0x308: {  	v57 =	vadd.f32 v16, v52;
	v16 =	vadd.f32 v1, v14;
	v1 =	vld [tilespmem:$0x1FAC0];
	_ =	sdelay $0x4  }
0x309: {  	v1 =	vadd.f32 v1, v47;
	_ =	sdelay $0x1  }
0x30a: {  	[tilespmem:$0x1FBF0] =	vst v1;
	v1 =	vld [tilespmem:$0x1FFC0]  }
0x30b: {  	v29 =	vperm.xlane v0, v63;
	_ =	sdelay $0x1  }
0x30c: {  	v0 =	vadd.f32 v0, v29;
	_ =	sdelay $0x1  }
0x30d: {  	v3 =	vpop (erf);
	v2 =	vperm.xlane v0, v1;
	v1 =	vadd.f32 v31, v33  }
0x30e: {  	v11 =	vmov v63;
	v63 =	vpop (erf)  }
0x30f: {  	[tilespmem:$0x1FC00] =	vst v1;
	v1 =	vmul.f32 v63, v9  }
0x310: {  	v19 =	vmul.f32 v63, v10  }
0x311: {  	v61 =	vadd.f32 v27, v62;
	v20 =	vmul.f32 v63, v8;
	[tilespmem:$0x1FE40] =	vst v1;
	v27 =	vsub.f32 $1.000000000e+00, v1;
	v1 =	vld [tilespmem:$0x1FAD0]  }
0x312: {  	v14 =	vsub.f32 $1.000000000e+00, v19;
	v0 =	vadd.f32 v0, v2  }
0x313: {  	[tilespmem:$0x1FCC0] =	vst v19;
	v19 =	vmul.f32 v63, v56;
	v2 =	vsub.f32 $1.000000000e+00, v20  }
0x314: {  	v31 =	vmul.f32 v14, v10;
	v10 =	vperm.xlane v0, v40  }
0x315: {  	v54 =	vadd.f32 v50, v43;
	[tilespmem:$0x1FD20] =	vst v19;
	v14 =	vsub.f32 $1.000000000e+00, v19;
	v19 =	vmul.f32 v2, v8;
	v8 =	vpop (erf)  }
0x316: {  	v50 =	vmul.f32 v8, v6;
	v0 =	vadd.f32 v0, v10;
	v1 =	vadd.f32 v1, v36  }
0x317: {  	v52 =	vmul.f32 v14, v56  }
0x318: {  	v60 =	vmul.f32 v27, v9;
	(erf) = vrcp.f32 v0;
	v0 =	vsub.f32 $1.000000000e+00, v50;
	[tilespmem:$0x1FBD0] =	vst v1;
	v1 =	vld [tilespmem:$0x1FAE0]  }
0x319: {  	v51 =	vmul.f32 v5, v55;
	v49 =	vmul.f32 v8, v7  }
0x31a: {  	v9 =	vadd.f32 v19, v31;
	v14 =	vadd.f32 v60, v52;
	v62 =	vmul.f32 v0, v6;
	v0 =	vld [tilespmem:$0x1FAF0]  }
0x31b: {  	v27 =	vsub.f32 $1.000000000e+00, v49  }
0x31c: {  	v29 =	vmul.f32 v5, v24;
	v2 =	vsub.f32 $1.000000000e+00, v51;
	v9 =	vadd.f32 v14, v9  }
0x31d: {  	v10 =	vmul.f32 v27, v7;
	v42 =	vadd.f32 v1, v13;
	v1 =	vadd.f32 v39, v41  }
0x31e: {  	v17 =	vmovc v32;
	v27 =	vmul.f32 v5, v38;
	v39 =	vadd.f32 v46, v59;
	v41 =	vmul.f32 v8, v15  }
0x31f: {  	v59 =	vadd.f32 v0, v45;
	v0 =	vperm.xlane v9, v17;
	[tilespmem:$0x1FC20] =	vst v1;
	v1 =	vmul.f32 v8, v12  }
0x320: {  	v45 =	vmul.f32 v5, v44;
	v5 =	vsub.f32 $1.000000000e+00, v27;
	v6 =	vsub.f32 $1.000000000e+00, v41  }
0x321: {  	v47 =	vmul.f32 v2, v55;
	v8 =	vadd.f32 v9, v0;
	v7 =	vsub.f32 $1.000000000e+00, v1  }
0x322: {  	v43 =	vmul.f32 v5, v38;
	v5 =	vsub.f32 $1.000000000e+00, v45;
	v0 =	vld [tilespmem:$0x1FFC0];
	v63 =	vmul.f32 v6, v15  }
0x323: {  	v6 =	vsub.f32 $1.000000000e+00, v29;
	v2 =	vmul.f32 v7, v12;
	v7 =	vperm.xlane v8, v11  }
0x324: {  	v46 =	vmul.f32 v5, v44;
	v12 =	vpop (erf)  }
0x325: {  	v48 =	vmul.f32 v6, v24;
	v14 =	vmul.f32 v12, v58;
	v15 =	vadd.f32 v8, v7  }
0x326: {  	v6 =	vadd.f32 v10, v62;
	v25 =	vmul.f32 v12, v53;
	v36 =	vmul.f32 v12, v4  }
0x327: {  	v9 =	vadd.f32 v2, v63;
	v33 =	vadd.f32 v46, v48;
	v44 =	vperm.xlane v15, v0;
	v0 =	vld [tilespmem:$0x1FB10]  }
0x328: {  	v30 =	vmul.f32 v12, v26;
	v24 =	vsub.f32 $1.000000000e+00, v14;
	v38 =	vsub.f32 $1.000000000e+00, v25  }
0x329: {  	v32 =	vsub.f32 $1.000000000e+00, v36;
	v6 =	vadd.f32 v9, v6  }
0x32a: {  	v9 =	vadd.f32 v43, v47;
	v58 =	vmul.f32 v24, v58;
	v24 =	vsub.f32 $1.000000000e+00, v30  }
0x32b: {  	v38 =	vmul.f32 v38, v53;
	v8 =	vmul.f32 v32, v4;
	v15 =	vadd.f32 v15, v44  }
0x32c: {  	v56 =	vperm.xlane v6, v17;
	v24 =	vmul.f32 v24, v26;
	v53 =	vadd.f32 v0, v57;
	v0 =	vld [tilespmem:$0x1FB20]  }
0x32d: {  	v9 =	vadd.f32 v33, v9;
	v32 =	vadd.f32 v38, v58  }
0x32e: {  	v4 =	vadd.f32 v6, v56;
	v6 =	vperm.xlane v15, v40;
	v55 =	vadd.f32 v8, v24  }
0x32f: {  	v44 =	vmul.f32 v3, v35  }
0x330: {  	v33 =	vperm.xlane v9, v17;
	v6 =	vadd.f32 v15, v6;
	v15 =	vadd.f32 v55, v32  }
0x331: {  	[tilespmem:$0x1FB00] =	vst v1;
	v1 =	vld [tilespmem:$0x1FFC0];
	v55 =	vmul.f32 v3, v22;
	v5 =	vadd.f32 v0, v16;
	v16 =	vperm.xlane v4, v11  }
0x332: {  	v56 =	vmul.f32 v3, v34;
	v9 =	vadd.f32 v9, v33;
	v33 =	vmul.f32 v3, v21  }
0x333: {  	v3 =	vsub.f32 $1.000000000e+00, v55;
	v0 =	vadd.f32 v4, v16;
	v4 =	vperm.xlane v15, v17;
	_ =	sdelay $0x1  }
0x334: {  	[tilespmem:$0x1FD00] =	vst v20;
	v20 =	vmul.f32 v3, v22;
	v3 =	vadd.f32 v15, v4;
	v4 =	vld [tilespmem:$0x1FB40]  }
0x335: {  	v1 =	vperm.xlane v0, v1;
	_ =	sdelay $0x1  }
0x336: {  	v0 =	vadd.f32 v0, v1;
	v1 =	vld [tilespmem:$0x1FB30];
	_ =	sdelay $0x1  }
0x337: {  	v26 =	vadd.f32 v4, v37;
	v4 =	vld [tilespmem:$0x1FFC0]  }
0x338: {  	v15 =	vperm.xlane v9, v11;
	_ =	sdelay $0x1  }
0x339: {  	v32 =	vadd.f32 v1, v59;
	v1 =	vadd.f32 v9, v15;
	v9 =	vperm.xlane v3, v11;
	_ =	sdelay $0x1  }
0x33a: {  	(erf) = vrcp.f32 v6;
	v3 =	vadd.f32 v3, v9;
	v9 =	vperm.xlane v1, v4;
	v4 =	vld [tilespmem:$0x1FB50]  }
0x33b: {  	v6 =	vsub.f32 $1.000000000e+00, v56;
	_ =	sdelay $0x1  }
0x33c: {  	v57 =	vmul.f32 v6, v34;
	v34 =	vsub.f32 $1.000000000e+00, v33  }
0x33d: {  	v16 =	vsub.f32 $1.000000000e+00, v44  }
0x33e: {  	v22 =	vmul.f32 v34, v21;
	v59 =	vperm.xlane v0, v40;
	v34 =	vadd.f32 v4, v28;
	v4 =	vld [tilespmem:$0x1FFC0]  }
0x33f: {  	v16 =	vmul.f32 v16, v35;
	_ =	sdelay $0x1  }
0x340: {  	v21 =	vadd.f32 v22, v16;
	v15 =	vadd.f32 v20, v57  }
0x341: {  	v0 =	vadd.f32 v0, v59;
	v59 =	vpop (erf)  }
0x342: {  	v21 =	vadd.f32 v21, v15;
	v15 =	vperm.xlane v3, v4;
	v4 =	vmul.f32 v59, v31;
	_ =	sdelay $0x1  }
0x343: {  	[tilespmem:$0x1FD50] =	vst v4;
	v28 =	vsub.f32 $1.000000000e+00, v4;
	v4 =	vld [tilespmem:$0x1FB60];
	_ =	sdelay $0x2  }
0x344: {  	v1 =	vadd.f32 v1, v9  }
0x345: {  	v3 =	vadd.f32 v3, v15  }
0x346: {  	v4 =	vadd.f32 v4, v18;
	v18 =	vperm.xlane v1, v40  }
0x347: {  	v9 =	vmul.f32 v28, v31;
	v28 =	vperm.xlane v3, v40  }
0x348: {  	v1 =	vadd.f32 v1, v18  }
0x349: {  	(erf) = vrcp.f32 v0;
	v3 =	vadd.f32 v3, v28  }
0x34a: {  	(erf) = vrcp.f32 v1  }
0x34b: {  	(erf) = vrcp.f32 v3;
	v3 =	vld [tilespmem:$0x1FB70]  }
0x34c: {  	v0 =	vperm.xlane v21, v17;
	v6 =	vmul.f32 v59, v19;
	_ =	sdelay $0x1  }
0x34d: {  	v0 =	vadd.f32 v21, v0;
	[tilespmem:$0x1FD60] =	vst v6;
	v21 =	vsub.f32 $1.000000000e+00, v6;
	v6 =	vmul.f32 v59, v52;
	_ =	sdelay $0x1  }
0x34e: {  	v1 =	vsub.f32 $1.000000000e+00, v6;
	v3 =	vmul.f32 v23, v3;
	_ =	sdelay $0x1  }
0x34f: {  	v35 =	vmul.f32 v1, v52;
	v1 =	vadd.f32 v3, v53;
	_ =	sdelay $0x1  }
0x350: {  	[tilespmem:$0x1FF10] =	vst v1;
	v1 =	vld [tilespmem:$0x1FB90];
	_ =	sdelay $0x1  }
0x351: {  	[tilespmem:$0x1FCB0] =	vst v4;
	v4 =	vmul.f32 v59, v60;
	_ =	sdelay $0x1  }
0x352: {  	[tilespmem:$0x1FE50] =	vst v4;
	v28 =	vsub.f32 $1.000000000e+00, v4;
	v4 =	vld [tilespmem:$0x1FB80]  }
0x353: {  	v3 =	vmul.f32 v23, v1;
	v1 =	vld [tilespmem:$0x1FFC0]  }
0x354: {  	v7 =	vmul.f32 v21, v19;
	v21 =	vperm.xlane v0, v11;
	_ =	sdelay $0x1  }
0x355: {  	v0 =	vadd.f32 v0, v21  }
0x356: {  	v31 =	vadd.f32 v4, v54;
	v4 =	vmul.f32 v28, v60  }
0x357: {  	v21 =	vperm.xlane v0, v1  }
0x358: {  	v28 =	vadd.f32 v7, v9;
	v60 =	vpop (erf);
	v37 =	vadd.f32 v4, v35  }
0x359: {  	v52 =	vmul.f32 v60, v62;
	v1 =	vadd.f32 v3, v5;
	v0 =	vadd.f32 v0, v21  }
0x35a: {  	v54 =	vmul.f32 v60, v10;
	v53 =	vmul.f32 v60, v63;
	v3 =	vadd.f32 v37, v28  }
0x35b: {  	[tilespmem:$0x1FF40] =	vst v1;
	v1 =	vmul.f32 v60, v2;
	v21 =	vsub.f32 $1.000000000e+00, v52;
	v5 =	vperm.xlane v0, v40  }
0x35c: {  	v28 =	vsub.f32 $1.000000000e+00, v54;
	v37 =	vsub.f32 $1.000000000e+00, v53  }
0x35d: {  	v0 =	vadd.f32 v0, v5;
	v5 =	vmul.f32 v21, v62;
	v62 =	vsub.f32 $1.000000000e+00, v1  }
0x35e: {  	v59 =	vperm.xlane v3, v17;
	v10 =	vmul.f32 v28, v10  }
0x35f: {  	[tilespmem:$0x1FD70] =	vst v6;
	v12 =	vmul.f32 v37, v63;
	v6 =	vmul.f32 v62, v2  }
0x360: {  	v28 =	vadd.f32 v3, v59  }
0x361: {  	v3 =	vadd.f32 v10, v5;
	v2 =	vadd.f32 v6, v12  }
0x362: {  	v18 =	vld [tilespmem:$0x1FBD0]  }
0x363: {  	v2 =	vadd.f32 v2, v3;
	v3 =	vld [tilespmem:$0x1FBC0]  }
0x364: {  	[tilespmem:$0x1FBA0] =	vst v1;
	v1 =	vld [tilespmem:$0x1FBB0];
	_ =	sdelay $0x2  }
0x365: {  	v21 =	vpop (erf)  }
0x366: {  	v37 =	vpop (erf);
	v3 =	vadd.f32 v3, v18  }
0x367: {  	v59 =	vmul.f32 v37, v58;
	v1 =	vadd.f32 v1, v61  }
0x368: {  	[tilespmem:$0x1FD10] =	vst v3;
	v3 =	vld [tilespmem:$0x1FBF0]  }
0x369: {  	[tilespmem:$0x1FCD0] =	vst v1;
	v1 =	vsub.f32 $1.000000000e+00, v59;
	_ =	sdelay $0x1  }
0x36a: {  	v15 =	vmul.f32 v1, v58;
	v1 =	vld [tilespmem:$0x1FFC0]  }
0x36b: {  	(erf) = vrcp.f32 v0;
	v0 =	vperm.xlane v28, v11  }
0x36c: {  	v3 =	vadd.f32 v51, v3  }
0x36d: {  	v60 =	vmul.f32 v37, v38;
	v62 =	vmul.f32 v37, v8;
	v0 =	vadd.f32 v28, v0  }
0x36e: {  	[tilespmem:$0x1FF20] =	vst v3;
	v3 =	vld [tilespmem:$0x1FC00]  }
0x36f: {  	v28 =	vsub.f32 $1.000000000e+00, v60;
	v58 =	vperm.xlane v0, v1;
	v1 =	vsub.f32 $1.000000000e+00, v62  }
0x370: {  	v61 =	vmul.f32 v37, v24  }
0x371: {  	v37 =	vmul.f32 v28, v38;
	v38 =	vmul.f32 v1, v8;
	v1 =	vld [tilespmem:$0x1FBE0];
	_ =	sdelay $0x1  }
0x372: {  	v3 =	vadd.f32 v27, v3;
	_ =	sdelay $0x1  }
0x373: {  	[tilespmem:$0x1FF60] =	vst v3;
	v3 =	vld [tilespmem:$0x1FC10]  }
0x374: {  	v28 =	vperm.xlane v2, v17;
	v0 =	vadd.f32 v0, v58;
	v1 =	vadd.f32 v1, v42;
	_ =	sdelay $0x1  }
0x375: {  	[tilespmem:$0x1FD30] =	vst v1;
	v1 =	vadd.f32 v2, v28;
	v28 =	vperm.xlane v0, v40;
	_ =	sdelay $0x1  }
0x376: {  	v0 =	vadd.f32 v0, v28;
	v28 =	vmul.f32 v23, v3;
	v3 =	vld [tilespmem:$0x1FC20];
	_ =	sdelay $0x3  }
0x377: {  	v63 =	vsub.f32 $1.000000000e+00, v61  }
0x378: {  	v3 =	vadd.f32 v29, v3  }
0x379: {  	v24 =	vmul.f32 v63, v24  }
0x37a: {  	[tilespmem:$0x1FF80] =	vst v3;
	v3 =	vadd.f32 v45, v39  }
0x37b: {  	v63 =	vadd.f32 v38, v24;
	v2 =	vadd.f32 v37, v15  }
0x37c: {  	[tilespmem:$0x1FFA0] =	vst v3;
	v3 =	vadd.f32 v28, v32  }
0x37d: {  	v2 =	vadd.f32 v63, v2  }
0x37e: {  	v19 =	vperm.xlane v1, v11;
	[tilespmem:$0x1FF50] =	vst v3;
	v3 =	vld [tilespmem:$0x1FFC0]  }
0x37f: {  	(erf) = vrcp.f32 v0;
	v0 =	vperm.xlane v2, v17;
	_ =	sdelay $0x1  }
0x380: {  	v1 =	vadd.f32 v1, v19;
	v0 =	vadd.f32 v2, v0;
	v2 =	vld [tilespmem:$0x1FC40];
	_ =	sdelay $0x1  }
0x381: {  	v19 =	vperm.xlane v1, v3;
	v3 =	vld [tilespmem:$0x1FC30];
	_ =	sdelay $0x2  }
0x382: {  	v39 =	vadd.f32 v49, v2;
	v2 =	vpop (erf)  }
0x383: {  	v51 =	vadd.f32 v56, v26;
	v56 =	vmul.f32 v2, v57  }
0x384: {  	v1 =	vadd.f32 v1, v19;
	v19 =	vperm.xlane v0, v11;
	v28 =	vadd.f32 v50, v3;
	v3 =	vld [tilespmem:$0x1FC50];
	_ =	sdelay $0x1  }
0x385: {  	v19 =	vadd.f32 v0, v19;
	v0 =	vsub.f32 $1.000000000e+00, v56;
	_ =	sdelay $0x1  }
0x386: {  	v18 =	vmul.f32 v0, v57;
	v0 =	vld [tilespmem:$0x1FFC0]  }
0x387: {  	v45 =	vadd.f32 v14, v3;
	v3 =	vld [tilespmem:$0x1FC60];
	_ =	sdelay $0x2  }
0x388: {  	v14 =	vperm.xlane v1, v40  }
0x389: {  	v49 =	vmul.f32 v2, v20;
	v23 =	vperm.xlane v19, v0;
	v0 =	vld [tilespmem:$0x1FC80]  }
0x38a: {  	v63 =	vmul.f32 v2, v16;
	v1 =	vadd.f32 v1, v14;
	v42 =	vadd.f32 v25, v3;
	v3 =	vld [tilespmem:$0x1FC70]  }
0x38b: {  	v14 =	vsub.f32 $1.000000000e+00, v49  }
0x38c: {  	v8 =	vpop (erf);
	v2 =	vmul.f32 v2, v22;
	(erf) = vrcp.f32 v1;
	v1 =	vsub.f32 $1.000000000e+00, v63  }
0x38d: {  	v13 =	vmul.f32 v8, v7;
	v50 =	vmul.f32 v14, v20  }
0x38e: {  	v14 =	vadd.f32 v19, v23;
	v26 =	vadd.f32 v36, v0;
	v57 =	vmul.f32 v1, v16  }
0x38f: {  	v1 =	vsub.f32 $1.000000000e+00, v2;
	v25 =	vadd.f32 v30, v3;
	v30 =	vmul.f32 v8, v9  }
0x390: {  	[tilespmem:$0x1FCF0] =	vst v2;
	v0 =	vmul.f32 v8, v4;
	v3 =	vmul.f32 v8, v35;
	v8 =	vsub.f32 $1.000000000e+00, v13  }
0x391: {  	[tilespmem:$0x1FD80] =	vst v13;
	v32 =	vperm.xlane v14, v40;
	v2 =	vsub.f32 $1.000000000e+00, v30  }
0x392: {  	v19 =	vmul.f32 v1, v22;
	[tilespmem:$0x1FDE0] =	vst v3;
	v13 =	vmul.f32 v8, v7;
	v8 =	vsub.f32 $1.000000000e+00, v3;
	v3 =	vld [tilespmem:$0x1FC90]  }
0x393: {  	v36 =	vadd.f32 v50, v18;
	v16 =	vmul.f32 v2, v9;
	v2 =	vadd.f32 v14, v32  }
0x394: {  	[tilespmem:$0x1FE60] =	vst v0;
	v1 =	vmul.f32 v21, v47;
	v14 =	vsub.f32 $1.000000000e+00, v0;
	v0 =	vadd.f32 v19, v57  }
0x395: {  	v35 =	vmul.f32 v8, v35  }
0x396: {  	v8 =	vsub.f32 $1.000000000e+00, v1;
	v7 =	vmul.f32 v14, v4;
	v0 =	vadd.f32 v0, v36  }
0x397: {  	(erf) = vrcp.f32 v2;
	v2 =	vadd.f32 v13, v16;
	v32 =	vadd.f32 v41, v3;
	v41 =	vpop (erf)  }
0x398: {  	[tilespmem:$0x1FF30] =	vst v1;
	v22 =	vmul.f32 v8, v47;
	v1 =	vadd.f32 v7, v35;
	v14 =	vmul.f32 v41, v5  }
0x399: {  	v23 =	vadd.f32 v55, v34;
	v47 =	vmul.f32 v41, v10;
	v55 =	vmul.f32 v41, v12  }
0x39a: {  	v1 =	vadd.f32 v1, v2;
	v2 =	vperm.xlane v0, v17;
	v8 =	vsub.f32 $1.000000000e+00, v14  }
0x39b: {  	v3 =	vmul.f32 v41, v6;
	v58 =	vsub.f32 $1.000000000e+00, v47  }
0x39c: {  	v34 =	vsub.f32 $1.000000000e+00, v55;
	v0 =	vadd.f32 v0, v2;
	v9 =	vmul.f32 v8, v5  }
0x39d: {  	v5 =	vperm.xlane v1, v17;
	v58 =	vmul.f32 v58, v10;
	v8 =	vsub.f32 $1.000000000e+00, v3  }
0x39e: {  	v2 =	vmul.f32 v21, v43;
	v12 =	vmul.f32 v34, v12  }
0x39f: {  	[tilespmem:$0x1FCA0] =	vst v3;
	v5 =	vadd.f32 v1, v5;
	v1 =	vperm.xlane v0, v11;
	v34 =	vmul.f32 v8, v6  }
0x3a0: {  	v3 =	vld [tilespmem:$0x1FCB0];
	[tilespmem:$0x1FF70] =	vst v2;
	v36 =	vsub.f32 $1.000000000e+00, v2;
	v2 =	vadd.f32 v58, v9  }
0x3a1: {  	v0 =	vadd.f32 v0, v1;
	v1 =	vadd.f32 v34, v12  }
0x3a2: {  	v10 =	vld [tilespmem:$0x1FFC0]  }
0x3a3: {  	v8 =	vperm.xlane v5, v11;
	v1 =	vadd.f32 v1, v2;
	v2 =	vld [tilespmem:$0x1FFC0];
	_ =	sdelay $0x1  }
0x3a4: {  	v20 =	vadd.f32 v44, v3;
	v44 =	vpop (erf);
	v5 =	vadd.f32 v5, v8  }
0x3a5: {  	v29 =	vmul.f32 v36, v43;
	v4 =	vmul.f32 v44, v15  }
0x3a6: {  	v8 =	vmul.f32 v44, v37;
	v27 =	vperm.xlane v5, v10  }
0x3a7: {  	v6 =	vmul.f32 v44, v24;
	v36 =	vsub.f32 $1.000000000e+00, v4;
	v2 =	vperm.xlane v0, v2  }
0x3a8: {  	v44 =	vmul.f32 v44, v38;
	v3 =	vsub.f32 $1.000000000e+00, v8;
	v5 =	vadd.f32 v5, v27  }
0x3a9: {  	v27 =	vsub.f32 $1.000000000e+00, v6;
	v2 =	vadd.f32 v0, v2;
	v0 =	vperm.xlane v1, v17  }
0x3aa: {  	v41 =	vadd.f32 v33, v31;
	v10 =	vmul.f32 v36, v15;
	v3 =	vmul.f32 v3, v37  }
0x3ab: {  	v31 =	vmul.f32 v27, v24;
	v1 =	vadd.f32 v1, v0;
	v36 =	vperm.xlane v2, v40  }
0x3ac: {  	v24 =	vperm.xlane v5, v40;
	v27 =	vsub.f32 $1.000000000e+00, v44;
	v0 =	vmul.f32 v21, v46  }
0x3ad: {  	v15 =	vmul.f32 v21, v48;
	v2 =	vadd.f32 v2, v36;
	v37 =	vperm.xlane v1, v11  }
0x3ae: {  	v5 =	vadd.f32 v5, v24;
	v21 =	vmul.f32 v27, v38;
	[tilespmem:$0x1FFB0] =	vst v0;
	v27 =	vsub.f32 $1.000000000e+00, v0;
	v0 =	vld [tilespmem:$0x1FFC0]  }
0x3af: {  	(erf) = vrcp.f32 v2;
	v2 =	vadd.f32 v1, v37;
	v1 =	vld [tilespmem:$0x1FCC0]  }
0x3b0: {  	[tilespmem:$0x1FF90] =	vst v15;
	(erf) = vrcp.f32 v5;
	v5 =	vsub.f32 $1.000000000e+00, v15;
	v15 =	vld [tilespmem:$0x1FCD0];
	_ =	sdelay $0x3  }
0x3b1: {  	v43 =	vadd.f32 v3, v10;
	v38 =	vadd.f32 v21, v31;
	v0 =	vperm.xlane v2, v0  }
0x3b2: {  	v24 =	vmul.f32 v27, v46;
	v1 =	vadd.f32 v1, v15;
	v15 =	vmul.f32 v5, v48  }
0x3b3: {  	v0 =	vadd.f32 v2, v0;
	v2 =	vadd.f32 v29, v22  }
0x3b4: {  	[tilespmem:$0x1FE80] =	vst v29;
	v5 =	vadd.f32 v38, v43;
	v29 =	vadd.f32 v24, v15  }
0x3b5: {  	[tilespmem:$0x1FE70] =	vst v22;
	v22 =	vperm.xlane v0, v40  }
0x3b6: {  	v2 =	vadd.f32 v29, v2;
	v29 =	vperm.xlane v5, v17  }
0x3b7: {  	v0 =	vadd.f32 v0, v22  }
0x3b8: {  	v5 =	vadd.f32 v5, v29;
	v29 =	vperm.xlane v2, v17  }
0x3b9: {  	v39 =	vadd.f32 v54, v39;
	v22 =	vadd.f32 v60, v42  }
0x3ba: {  	v38 =	vadd.f32 v52, v28;
	v28 =	vadd.f32 v59, v45  }
0x3bb: {  	v26 =	vadd.f32 v62, v26;
	(erf) = vrcp.f32 v0;
	v8 =	vadd.f32 v8, v22;
	v22 =	vld [tilespmem:$0x1FFC0];
	v0 =	vpop (erf)  }
0x3bc: {  	v28 =	vadd.f32 v4, v28;
	v2 =	vadd.f32 v2, v29;
	v4 =	vperm.xlane v5, v11;
	v29 =	vpop (erf)  }
0x3bd: {  	v46 =	vadd.f32 v53, v32;
	v33 =	vmul.f32 v29, v16;
	v37 =	vmul.f32 v29, v13  }
0x3be: {  	[tilespmem:$0x1FEA0] =	vst v15;
	v4 =	vadd.f32 v5, v4;
	v15 =	vmul.f32 v29, v35;
	v32 =	vmul.f32 v29, v7  }
0x3bf: {  	v5 =	vsub.f32 $1.000000000e+00, v33;
	v29 =	vsub.f32 $1.000000000e+00, v37  }
0x3c0: {  	v48 =	vperm.xlane v4, v22;
	v59 =	vsub.f32 $1.000000000e+00, v15;
	v60 =	vsub.f32 $1.000000000e+00, v32  }
0x3c1: {  	v25 =	vadd.f32 v61, v25;
	v16 =	vmul.f32 v5, v16;
	v36 =	vmul.f32 v29, v13  }
0x3c2: {  	v4 =	vadd.f32 v4, v48;
	v29 =	vmul.f32 v59, v35;
	v7 =	vmul.f32 v60, v7  }
0x3c3: {  	v25 =	vadd.f32 v6, v25;
	v26 =	vadd.f32 v44, v26  }
0x3c4: {  	v5 =	vperm.xlane v4, v40;
	v6 =	vadd.f32 v36, v16;
	v35 =	vadd.f32 v7, v29  }
0x3c5: {  	v46 =	vadd.f32 v55, v46;
	v44 =	vmul.f32 v0, v18;
	v54 =	vmul.f32 v0, v50;
	v61 =	vpop (erf)  }
0x3c6: {  	v42 =	vmul.f32 v61, v9;
	v4 =	vadd.f32 v4, v5;
	v5 =	vadd.f32 v35, v6  }
0x3c7: {  	[tilespmem:$0x1FEE0] =	vst v15;
	v15 =	vmul.f32 v61, v12;
	v6 =	vsub.f32 $1.000000000e+00, v44;
	v35 =	vmul.f32 v61, v58  }
0x3c8: {  	v13 =	vadd.f32 v14, v38;
	(erf) = vrcp.f32 v4;
	v4 =	vperm.xlane v5, v17  }
0x3c9: {  	v22 =	vmul.f32 v61, v34;
	v38 =	vadd.f32 v56, v51;
	v52 =	vmul.f32 v6, v18  }
0x3ca: {  	v6 =	vsub.f32 $1.000000000e+00, v35;
	v4 =	vadd.f32 v5, v4;
	v5 =	vperm.xlane v2, v11  }
0x3cb: {  	v55 =	vmul.f32 v0, v57;
	v62 =	vsub.f32 $1.000000000e+00, v42;
	v43 =	vsub.f32 $1.000000000e+00, v22  }
0x3cc: {  	v51 =	vmul.f32 v6, v58;
	v6 =	vsub.f32 $1.000000000e+00, v15;
	v2 =	vadd.f32 v2, v5;
	v5 =	vld [tilespmem:$0x1FFC0]  }
0x3cd: {  	v39 =	vadd.f32 v47, v39;
	v9 =	vmul.f32 v62, v9;
	v45 =	vperm.xlane v4, v11  }
0x3ce: {  	v48 =	vsub.f32 $1.000000000e+00, v55;
	v34 =	vmul.f32 v43, v34;
	v27 =	vmul.f32 v6, v12  }
0x3cf: {  	v6 =	vadd.f32 v4, v45;
	v4 =	vsub.f32 $1.000000000e+00, v54  }
0x3d0: {  	v0 =	vmul.f32 v0, v19;
	v53 =	vadd.f32 v51, v9;
	v60 =	vadd.f32 v34, v27  }
0x3d1: {  	v20 =	vadd.f32 v63, v20;
	v43 =	vpop (erf);
	v61 =	vperm.xlane v6, v5;
	v5 =	vmul.f32 v4, v50  }
0x3d2: {  	[tilespmem:$0x1FCE0] =	vst v22;
	v22 =	vld [tilespmem:$0x1FFC0];
	v53 =	vadd.f32 v60, v53;
	v4 =	vmul.f32 v48, v57;
	v57 =	vmul.f32 v43, v10  }
0x3d3: {  	v14 =	vadd.f32 v49, v23;
	v18 =	vmul.f32 v43, v3;
	v56 =	vadd.f32 v6, v61  }
0x3d4: {  	v59 =	vmul.f32 v43, v31;
	v45 =	vperm.xlane v53, v17;
	v47 =	vsub.f32 $1.000000000e+00, v57  }
0x3d5: {  	v50 =	vmul.f32 v43, v21;
	v43 =	vsub.f32 $1.000000000e+00, v18;
	v58 =	vperm.xlane v56, v40  }
0x3d6: {  	v12 =	vmul.f32 v47, v10;
	v47 =	vadd.f32 v53, v45;
	v53 =	vsub.f32 $1.000000000e+00, v59  }
0x3d7: {  	v63 =	vperm.xlane v2, v22;
	v22 =	vld [tilespmem:$0x1FFC0];
	v49 =	vadd.f32 v56, v58;
	v56 =	vsub.f32 $1.000000000e+00, v50  }
0x3d8: {  	v3 =	vmul.f32 v43, v3;
	v45 =	vperm.xlane v47, v11  }
0x3d9: {  	v62 =	vsub.f32 $1.000000000e+00, v0;
	v31 =	vmul.f32 v53, v31;
	v21 =	vmul.f32 v56, v21  }
0x3da: {  	v47 =	vadd.f32 v47, v45;
	(erf) = vrcp.f32 v49  }
0x3db: {  	v6 =	vmul.f32 v62, v19;
	v45 =	vadd.f32 v3, v12;
	v56 =	vadd.f32 v21, v31  }
0x3dc: {  	v2 =	vadd.f32 v2, v63;
	v48 =	vadd.f32 v5, v52;
	v60 =	vperm.xlane v47, v22  }
0x3dd: {  	v43 =	vadd.f32 v6, v4;
	v61 =	vadd.f32 v56, v45  }
0x3de: {  	v56 =	vadd.f32 v57, v28;
	v28 =	vadd.f32 v47, v60  }
0x3df: {  	v48 =	vadd.f32 v43, v48;
	v45 =	vperm.xlane v2, v40  }
0x3e0: {  	v18 =	vadd.f32 v18, v8;
	v8 =	vperm.xlane v28, v40  }
0x3e1: {  	v62 =	vperm.xlane v48, v17;
	v2 =	vadd.f32 v2, v45  }
0x3e2: {  	v26 =	vadd.f32 v50, v26;
	v8 =	vadd.f32 v28, v8  }
0x3e3: {  	v63 =	vadd.f32 v48, v62;
	v43 =	vperm.xlane v61, v17;
	(erf) = vrcp.f32 v2;
	v50 =	vpop (erf)  }
0x3e4: {  	v15 =	vadd.f32 v15, v46;
	(erf) = vrcp.f32 v8;
	v46 =	vmul.f32 v50, v16;
	v8 =	vld [tilespmem:$0x1FFC0]  }
0x3e5: {  	v13 =	vadd.f32 v42, v13;
	v49 =	vperm.xlane v63, v11;
	v42 =	vadd.f32 v61, v43  }
0x3e6: {  	v35 =	vadd.f32 v35, v39;
	v22 =	vld [tilespmem:$0x1FFC0];
	v53 =	vmul.f32 v50, v29;
	v57 =	vsub.f32 $1.000000000e+00, v46  }
0x3e7: {  	v28 =	vadd.f32 v63, v49;
	v2 =	vperm.xlane v42, v11;
	v48 =	vmul.f32 v50, v7  }
0x3e8: {  	v25 =	vadd.f32 v59, v25;
	v39 =	vmul.f32 v57, v16;
	v16 =	vsub.f32 $1.000000000e+00, v53  }
0x3e9: {  	v2 =	vadd.f32 v42, v2;
	v59 =	vsub.f32 $1.000000000e+00, v48;
	v8 =	vperm.xlane v28, v8  }
0x3ea: {  	v43 =	vmov v11;
	v11 =	vld [tilespmem:$0x1FD10];
	v19 =	vmul.f32 v16, v29  }
0x3eb: {  	v29 =	vmul.f32 v59, v7;
	v7 =	vld [tilespmem:$0x1FD00];
	v8 =	vadd.f32 v28, v8;
	v28 =	vperm.xlane v2, v22;
	_ =	sdelay $0x1  }
0x3ec: {  	v47 =	vmul.f32 v50, v36;
	v2 =	vadd.f32 v2, v28  }
0x3ed: {  	v28 =	vperm.xlane v8, v40  }
0x3ee: {  	v58 =	vsub.f32 $1.000000000e+00, v47;
	v22 =	vld [tilespmem:$0x1FD30];
	v16 =	vperm.xlane v2, v40  }
0x3ef: {  	v7 =	vadd.f32 v7, v11;
	v11 =	vld [tilespmem:$0x1FD20]  }
0x3f0: {  	[tilespmem:$0x1FEC0] =	vst v24;
	v24 =	vmov v17;
	v17 =	vmul.f32 v58, v36;
	v8 =	vadd.f32 v8, v28  }
0x3f1: {  	v38 =	vadd.f32 v44, v38;
	v2 =	vadd.f32 v2, v16;
	v28 =	vpop (erf)  }
0x3f2: {  	v42 =	vadd.f32 v17, v39;
	v49 =	vadd.f32 v29, v19;
	(erf) = vrcp.f32 v8;
	v16 =	vpop (erf)  }
0x3f3: {  	v44 =	vadd.f32 v55, v20;
	(erf) = vrcp.f32 v2;
	v2 =	vmul.f32 v16, v9  }
0x3f4: {  	v8 =	vadd.f32 v49, v42;
	v60 =	vadd.f32 v11, v22;
	v20 =	vmul.f32 v16, v51;
	v11 =	vld [tilespmem:$0x1FD50]  }
0x3f5: {  	v49 =	vmul.f32 v16, v27;
	v22 =	vmul.f32 v16, v34;
	v16 =	vsub.f32 $1.000000000e+00, v2;
	_ =	sdelay $0x1  }
0x3f6: {  	v10 =	vld [tilespmem:$0x1FCF0];
	v9 =	vmul.f32 v16, v9;
	v16 =	vsub.f32 $1.000000000e+00, v49;
	_ =	sdelay $0x1  }
0x3f7: {  	v1 =	vadd.f32 v11, v1;
	v11 =	vmul.f32 v16, v27;
	v16 =	vld [tilespmem:$0x1FD60];
	_ =	sdelay $0x1  }
0x3f8: {  	v42 =	vperm.xlane v8, v24  }
0x3f9: {  	v10 =	vadd.f32 v10, v41;
	v61 =	vsub.f32 $1.000000000e+00, v20  }
0x3fa: {  	v8 =	vadd.f32 v8, v42;
	[tilespmem:$0x1FD40] =	vst v22;
	v62 =	vsub.f32 $1.000000000e+00, v22;
	v22 =	vld [tilespmem:$0x1FFC0]  }
0x3fb: {  	v42 =	vmul.f32 v61, v51;
	v51 =	vadd.f32 v16, v7;
	v16 =	vld [tilespmem:$0x1FD70]  }
0x3fc: {  	v10 =	vadd.f32 v0, v10;
	v0 =	vperm.xlane v8, v43  }
0x3fd: {  	v34 =	vmul.f32 v62, v34  }
0x3fe: {  	v14 =	vadd.f32 v54, v14;
	v0 =	vadd.f32 v8, v0  }
0x3ff: {  	v8 =	vadd.f32 v42, v9;
	v54 =	vadd.f32 v34, v11;
	v7 =	vpop (erf)  }
0x400: {  	v63 =	vperm.xlane v0, v22;
	v36 =	vadd.f32 v16, v60;
	v16 =	vadd.f32 v30, v1;
	v1 =	vpop (erf)  }
0x401: {  	v8 =	vadd.f32 v54, v8;
	v50 =	vmul.f32 v1, v12;
	v54 =	vmul.f32 v1, v3  }
0x402: {  	v0 =	vadd.f32 v0, v63;
	v45 =	vmul.f32 v1, v31;
	v55 =	vmul.f32 v1, v21  }
0x403: {  	v58 =	vperm.xlane v8, v24;
	v1 =	vsub.f32 $1.000000000e+00, v50;
	v57 =	vsub.f32 $1.000000000e+00, v54  }
0x404: {  	v41 =	vperm.xlane v0, v40;
	v59 =	vsub.f32 $1.000000000e+00, v45;
	v60 =	vsub.f32 $1.000000000e+00, v55  }
0x405: {  	v12 =	vmul.f32 v1, v12;
	v57 =	vmul.f32 v57, v3;
	v3 =	vadd.f32 v8, v58  }
0x406: {  	v0 =	vadd.f32 v0, v41;
	v31 =	vmul.f32 v59, v31;
	v62 =	vmul.f32 v60, v21;
	v1 =	vld [tilespmem:$0x1FFC0]  }
0x407: {  	v21 =	vadd.f32 v2, v13;
	v8 =	vperm.xlane v3, v43  }
0x408: {  	(erf) = vrcp.f32 v0;
	v0 =	vadd.f32 v57, v12;
	v13 =	vadd.f32 v62, v31  }
0x409: {  	v3 =	vadd.f32 v3, v8  }
0x40a: {  	v0 =	vadd.f32 v13, v0  }
0x40b: {  	v8 =	vperm.xlane v3, v1  }
0x40c: {  	v27 =	vadd.f32 v49, v15;
	v49 =	vmul.f32 v7, v4;
	v59 =	vperm.xlane v0, v24  }
0x40d: {  	v3 =	vadd.f32 v3, v8  }
0x40e: {  	v61 =	vmul.f32 v7, v6;
	v8 =	vsub.f32 $1.000000000e+00, v49;
	v0 =	vadd.f32 v0, v59  }
0x40f: {  	v54 =	vadd.f32 v54, v18;
	v13 =	vmul.f32 v7, v52  }
0x410: {  	v8 =	vmul.f32 v8, v4;
	v4 =	vsub.f32 $1.000000000e+00, v61;
	v18 =	vperm.xlane v0, v43  }
0x411: {  	v22 =	vadd.f32 v20, v35;
	v35 =	vmul.f32 v7, v5;
	v15 =	vsub.f32 $1.000000000e+00, v13  }
0x412: {  	v60 =	vadd.f32 v0, v18;
	v0 =	vld [tilespmem:$0x1FFC0]  }
0x413: {  	v20 =	vsub.f32 $1.000000000e+00, v35;
	v7 =	vmul.f32 v15, v52;
	v15 =	vperm.xlane v3, v40  }
0x414: {  	v6 =	vmul.f32 v4, v6;
	v4 =	vpop (erf)  }
0x415: {  	v5 =	vmul.f32 v20, v5;
	v3 =	vadd.f32 v3, v15;
	v15 =	vmul.f32 v4, v17  }
0x416: {  	v26 =	vadd.f32 v55, v26;
	v1 =	vld [tilespmem:$0x1FD80];
	v18 =	vmul.f32 v4, v39;
	v55 =	vmul.f32 v4, v29  }
0x417: {  	v63 =	vperm.xlane v60, v0;
	v0 =	vmul.f32 v4, v19;
	v4 =	vsub.f32 $1.000000000e+00, v15  }
0x418: {  	v25 =	vadd.f32 v45, v25;
	v20 =	vadd.f32 v13, v38;
	(erf) = vrcp.f32 v3  }
0x419: {  	v3 =	vadd.f32 v5, v7;
	v59 =	vmul.f32 v4, v17;
	v4 =	vsub.f32 $1.000000000e+00, v0  }
0x41a: {  	v52 =	vld [tilespmem:$0x1FDA0];
	v13 =	vadd.f32 v6, v8;
	v45 =	vadd.f32 v60, v63  }
0x41b: {  	v60 =	vmul.f32 v4, v19;
	v4 =	vadd.f32 v61, v10;
	v10 =	vadd.f32 v1, v51;
	v1 =	vld [tilespmem:$0x1FD90]  }
0x41c: {  	v17 =	vsub.f32 $1.000000000e+00, v55  }
0x41d: {  	v13 =	vadd.f32 v13, v3  }
0x41e: {  	v41 =	vsub.f32 $1.000000000e+00, v18;
	v19 =	vmul.f32 v17, v29  }
0x41f: {  	v3 =	vadd.f32 v35, v14;
	v14 =	vperm.xlane v13, v24  }
0x420: {  	v58 =	vmul.f32 v41, v39;
	v29 =	vadd.f32 v19, v60;
	v35 =	vadd.f32 v52, v1;
	v1 =	vld [tilespmem:$0x1FDB0]  }
0x421: {  	v13 =	vadd.f32 v13, v14  }
0x422: {  	v17 =	vadd.f32 v59, v58  }
0x423: {  	v23 =	vperm.xlane v13, v43  }
0x424: {  	v17 =	vadd.f32 v29, v17;
	v29 =	vpop (erf)  }
0x425: {  	v13 =	vadd.f32 v13, v23;
	v23 =	vadd.f32 v1, v35;
	v1 =	vmul.f32 v29, v34;
	_ =	sdelay $0x1  }
0x426: {  	v38 =	vadd.f32 v49, v44;
	[tilespmem:$0x1FDC0] =	vst v1;
	v49 =	vsub.f32 $1.000000000e+00, v1;
	v1 =	vld [tilespmem:$0x1FDD0];
	_ =	sdelay $0x4  }
0x427: {  	v56 =	vadd.f32 v50, v56;
	v50 =	vperm.xlane v45, v40;
	v23 =	vadd.f32 v1, v23;
	v1 =	vld [tilespmem:$0x1FDE0];
	_ =	sdelay $0x1  }
0x428: {  	v14 =	vadd.f32 v45, v50;
	_ =	sdelay $0x1  }
0x429: {  	(erf) = vrcp.f32 v14;
	v14 =	vmul.f32 v29, v9  }
0x42a: {  	v36 =	vadd.f32 v1, v36;
	v1 =	vld [tilespmem:$0x1FDF0]  }
0x42b: {  	v2 =	vmul.f32 v29, v11;
	v35 =	vmul.f32 v29, v42;
	v29 =	vsub.f32 $1.000000000e+00, v14;
	_ =	sdelay $0x1  }
0x42c: {  	v9 =	vmul.f32 v29, v9;
	v29 =	vsub.f32 $1.000000000e+00, v2;
	_ =	sdelay $0x1  }
0x42d: {  	v29 =	vmul.f32 v29, v11;
	v11 =	vadd.f32 v1, v23;
	v1 =	vld [tilespmem:$0x1FFC0];
	_ =	sdelay $0x4  }
0x42e: {  	v23 =	vperm.xlane v13, v1;
	v1 =	vld [tilespmem:$0x1FE00];
	_ =	sdelay $0x1  }
0x42f: {  	v61 =	vperm.xlane v17, v24;
	_ =	sdelay $0x1  }
0x430: {  	v17 =	vadd.f32 v17, v61  }
0x431: {  	v11 =	vadd.f32 v1, v11;
	v1 =	vld [tilespmem:$0x1FFC0]  }
0x432: {  	v50 =	vperm.xlane v17, v43  }
0x433: {  	v63 =	vsub.f32 $1.000000000e+00, v35  }
0x434: {  	v17 =	vadd.f32 v17, v50  }
0x435: {  	v39 =	vmul.f32 v63, v42;
	v34 =	vmul.f32 v49, v34  }
0x436: {  	v52 =	vperm.xlane v17, v1;
	v1 =	vld [tilespmem:$0x1FE10]  }
0x437: {  	v51 =	vadd.f32 v39, v9;
	v45 =	vadd.f32 v34, v29  }
0x438: {  	v50 =	vld [tilespmem:$0x1FE20];
	v13 =	vadd.f32 v13, v23;
	v23 =	vpop (erf)  }
0x439: {  	v42 =	vadd.f32 v45, v51;
	v45 =	vmul.f32 v23, v12;
	_ =	sdelay $0x1  }
0x43a: {  	v49 =	vsub.f32 $1.000000000e+00, v45;
	v11 =	vadd.f32 v1, v11  }
0x43b: {  	v61 =	vmul.f32 v23, v57;
	v63 =	vmul.f32 v23, v31  }
0x43c: {  	v11 =	vadd.f32 v50, v11;
	v50 =	vmul.f32 v49, v12;
	v12 =	vmul.f32 v23, v62;
	v23 =	vld [tilespmem:$0x1FE30];
	_ =	sdelay $0x4  }
0x43d: {  	v11 =	vadd.f32 v23, v11;
	v23 =	vsub.f32 $1.000000000e+00, v12;
	_ =	sdelay $0x1  }
0x43e: {  	v41 =	vsub.f32 $1.000000000e+00, v63;
	v17 =	vadd.f32 v17, v52;
	v52 =	vmul.f32 v23, v62;
	v23 =	vld [tilespmem:$0x1FE40]  }
0x43f: {  	v33 =	vadd.f32 v33, v16;
	v16 =	vperm.xlane v13, v40;
	v51 =	vsub.f32 $1.000000000e+00, v61  }
0x440: {  	v44 =	vmul.f32 v41, v31;
	v31 =	vperm.xlane v17, v40  }
0x441: {  	v13 =	vadd.f32 v13, v16;
	v51 =	vmul.f32 v51, v57  }
0x442: {  	v1 =	vperm.xlane v42, v24;
	v17 =	vadd.f32 v17, v31;
	v31 =	vadd.f32 v52, v44  }
0x443: {  	v11 =	vadd.f32 v23, v11;
	v23 =	vadd.f32 v51, v50  }
0x444: {  	v1 =	vadd.f32 v42, v1;
	(erf) = vrcp.f32 v17  }
0x445: {  	(erf) = vrcp.f32 v13;
	v13 =	vadd.f32 v31, v23;
	v23 =	vld [tilespmem:$0x1FFC0]  }
0x446: {  	v42 =	vperm.xlane v1, v43;
	_ =	sdelay $0x1  }
0x447: {  	v16 =	vld [tilespmem:$0x1FE50];
	v1 =	vadd.f32 v1, v42;
	_ =	sdelay $0x1  }
0x448: {  	v31 =	vperm.xlane v1, v23;
	v23 =	vadd.f32 v63, v25;
	v25 =	vld [tilespmem:$0x1FE60];
	_ =	sdelay $0x2  }
0x449: {  	v11 =	vadd.f32 v16, v11;
	_ =	sdelay $0x1  }
0x44a: {  	v25 =	vadd.f32 v25, v11  }
0x44b: {  	v11 =	vadd.f32 v12, v26;
	v12 =	vadd.f32 v14, v21;
	v21 =	vperm.xlane v13, v24;
	_ =	sdelay $0x1  }
0x44c: {  	v13 =	vadd.f32 v13, v21;
	v21 =	vld [tilespmem:$0x1FE80];
	_ =	sdelay $0x4  }
0x44d: {  	v21 =	vmul.f32 v28, v21;
	_ =	sdelay $0x1  }
0x44e: {  	[tilespmem:$0x1FE90] =	vst v21;
	v21 =	vld [tilespmem:$0x1FEA0];
	_ =	sdelay $0x1  }
0x44f: {  	v1 =	vadd.f32 v1, v31;
	_ =	sdelay $0x1  }
0x450: {  	v14 =	vadd.f32 v32, v25;
	v25 =	vperm.xlane v1, v40  }
0x451: {  	v21 =	vmul.f32 v28, v21  }
0x452: {  	v42 =	vadd.f32 v35, v22;
	v22 =	vld [tilespmem:$0x1FE70];
	v1 =	vadd.f32 v1, v25  }
0x453: {  	[tilespmem:$0x1FEB0] =	vst v21;
	v21 =	vld [tilespmem:$0x1FEC0];
	_ =	sdelay $0x1  }
0x454: {  	v10 =	vadd.f32 v37, v10;
	v35 =	vpop (erf)  }
0x455: {  	v19 =	vmul.f32 v35, v19;
	v16 =	vadd.f32 v61, v54;
	(erf) = vrcp.f32 v1;
	v1 =	vpop (erf)  }
0x456: {  	v63 =	vadd.f32 v46, v33;
	v32 =	vmul.f32 v28, v22;
	v25 =	vmul.f32 v1, v7  }
0x457: {  	v22 =	vadd.f32 v2, v27;
	v26 =	vmul.f32 v1, v5;
	v21 =	vmul.f32 v28, v21  }
0x458: {  	v41 =	vld [tilespmem:$0x1FFC0];
	v31 =	vsub.f32 $1.000000000e+00, v25;
	v28 =	vmul.f32 v1, v8;
	v1 =	vmul.f32 v1, v6  }
0x459: {  	s15 =	simm.s32 $0x180;
	v14 =	vadd.f32 v48, v14;
	v61 =	vsub.f32 $1.000000000e+00, v26;
	[tilespmem:$0x1FED0] =	vst v21;
	v21 =	vperm.xlane v13, v43  }
0x45a: {  	v48 =	vmul.f32 v31, v7;
	v62 =	vsub.f32 $1.000000000e+00, v28;
	v7 =	vsub.f32 $1.000000000e+00, v1;
	v57 =	vld [tilespmem:s15+$0x40]  }
0x45b: {  	v14 =	vadd.f32 v55, v14;
	v27 =	vld [tilespmem:s15+$0x50];
	v13 =	vadd.f32 v13, v21;
	v21 =	vmul.f32 v61, v5  }
0x45c: {  	v46 =	vmul.f32 v62, v8;
	v61 =	vadd.f32 v47, v10;
	v47 =	vmul.f32 v7, v6  }
0x45d: {  	v14 =	vadd.f32 v19, v14;
	v62 =	vadd.f32 v25, v20;
	v30 =	vperm.xlane v13, v41  }
0x45e: {  	v7 =	vpop (erf);
	v20 =	vadd.f32 v21, v48;
	v25 =	vadd.f32 v47, v46  }
0x45f: {  	v19 =	vld [tilespmem:s15+$0x60];
	v31 =	vmul.f32 v7, v34;
	v13 =	vadd.f32 v13, v30;
	v5 =	vmul.f32 $1.442695020e+00, v57  }
0x460: {  	v8 =	vmul.f32 $1.442695020e+00, v27;
	v20 =	vadd.f32 v25, v20  }
0x461: {  	v25 =	vsub.f32 $1.000000000e+00, v31;
	v10 =	vperm.xlane v13, v40;
	(erf) = vpow2.f32 v5  }
0x462: {  	v17 =	vadd.f32 v45, v56;
	v2 =	vld [tilespmem:$0x1FEE0];
	(erf) = vpow2.f32 v8;
	v8 =	vmul.f32 v7, v9  }
0x463: {  	v56 =	vmul.f32 v25, v34;
	v25 =	vadd.f32 v28, v38;
	v28 =	vadd.f32 v1, v4;
	v1 =	vld [tilespmem:$0x1FF00]  }
0x464: {  	v6 =	vmul.f32 $1.442695020e+00, v19;
	v19 =	vadd.f32 v26, v3;
	v3 =	vld [tilespmem:s15+$0x70];
	v27 =	vmul.f32 v7, v29  }
0x465: {  	v5 =	vadd.f32 v13, v10;
	v13 =	vld [tilespmem:s15+$0x0];
	v26 =	vsub.f32 $1.000000000e+00, v8  }
0x466: {  	v10 =	vmul.f32 v7, v39;
	v7 =	vld [tilespmem:s15+$0x10];
	(erf) = vpow2.f32 v6;
	v6 =	vsub.f32 $1.000000000e+00, v27  }
0x467: {  	v57 =	vmul.f32 v26, v9;
	v9 =	vld [tilespmem:s15+$0x20];
	[tilespmem:$0x1FEF0] =	vst v31  }
0x468: {  	v55 =	vmul.f32 v6, v29;
	v6 =	vld [tilespmem:s15+$0x30];
	[tilespmem:s12+$0x8070] =	vst v1  }
0x469: {  	v3 =	vmul.f32 $1.442695020e+00, v3;
	v4 =	vld [tilespmem:$0x1FF10]  }
0x46a: {  	v45 =	vadd.f32 v2, v36;
	v2 =	vmul.f32 $1.442695020e+00, v13  }
0x46b: {  	(erf) = vpow2.f32 v3;
	v3 =	vmul.f32 $1.442695020e+00, v7  }
0x46c: {  	(erf) = vpow2.f32 v2  }
0x46d: {  	(erf) = vpow2.f32 v3;
	v3 =	vmul.f32 $1.442695020e+00, v9  }
0x46e: {  	v6 =	vmul.f32 $1.442695020e+00, v6;
	[tilespmem:s12+$0x8040] =	vst v4  }
0x46f: {  	(erf) = vpow2.f32 v3;
	v4 =	vld [tilespmem:$0x1FF20]  }
0x470: {  	(erf) = vpow2.f32 v6;
	v6 =	vld [tilespmem:$0x1FF30];
	_ =	sdelay $0x4  }
0x471: {  	v40 =	vadd.f32 v6, v4;
	v4 =	vld [tilespmem:$0x1FF40];
	_ =	sdelay $0x4  }
0x472: {  	[tilespmem:s12+$0x8050] =	vst v4  }
0x473: {  	v4 =	vld [tilespmem:$0x1FF50];
	_ =	sdelay $0x4  }
0x474: {  	v30 =	vsub.f32 $1.000000000e+00, v10;
	[tilespmem:s12+$0x8060] =	vst v4  }
0x475: {  	v38 =	vadd.f32 v53, v45;
	v31 =	vmul.f32 v35, v58;
	v53 =	vpop (erf);
	v4 =	vld [tilespmem:$0x1FF60]  }
0x476: {  	v54 =	vmul.f32 v30, v39;
	v58 =	vpop (erf);
	(erf) = vrcp.f32 v5;
	v5 =	vld [tilespmem:$0x1FF70];
	_ =	sdelay $0x1  }
0x477: {  	v7 =	vadd.f32 v56, v55;
	v2 =	vadd.f32 v54, v57;
	_ =	sdelay $0x1  }
0x478: {  	v2 =	vadd.f32 v7, v2;
	v7 =	vperm.xlane v20, v24  }
0x479: {  	v26 =	vadd.f32 v10, v42;
	v42 =	vadd.f32 v5, v4;
	v4 =	vld [tilespmem:$0x1FF80]  }
0x47a: {  	v1 =	vadd.f32 v20, v7;
	v3 =	vperm.xlane v2, v24;
	v5 =	vld [tilespmem:$0x1FF90];
	_ =	sdelay $0x1  }
0x47b: {  	v2 =	vadd.f32 v2, v3;
	v3 =	vperm.xlane v1, v43  }
0x47c: {  	[tilespmem:s13+$0x8070] =	vst v14  }
0x47d: {  	v1 =	vadd.f32 v1, v3;
	v3 =	vld [tilespmem:$0x1FFA0]  }
0x47e: {  	v7 =	vadd.f32 v5, v4;
	v4 =	vld [tilespmem:$0x1FFB0];
	_ =	sdelay $0x3  }
0x47f: {  	v34 =	vmul.f32 v35, v59;
	v27 =	vadd.f32 v27, v22;
	v29 =	vmul.f32 v35, v60;
	v59 =	vpop (erf)  }
0x480: {  	s16 =	simm.s32 $0x800;
	v30 =	vadd.f32 v8, v12;
	v35 =	vpop (erf);
	v8 =	vadd.f32 v4, v3;
	v3 =	vperm.xlane v2, v43  }
.LBB2_3:
0x481: {  	_ =	sdelay $0x1  }
0x482: {  	v10 =	vadd.f32 v15, v61;
	v61 =	vld [tilespmem:$0x1FFD0]  }
0x483: {  	v4 =	vadd.f32 v58, v53;
	v5 =	vadd.f32 v35, v59;
	v14 =	vld [tilespmem:$0x1FE90]  }
0x484: {  	v2 =	vadd.f32 v2, v3;
	v13 =	vadd.f32 v32, v40;
	v32 =	vld [tilespmem:$0x1FFF0]  }
0x485: {  	v39 =	vpop (erf);
	v3 =	vperm.xlane v1, v41;
	v9 =	vadd.f32 v5, v4  }
0x486: {  	v6 =	vadd.f32 v18, v63;
	v33 =	vpop (erf);
	v12 =	vperm.xlane v2, v41  }
0x487: {  	v49 =	vld [tilespmem:$0x1FFE0];
	v15 =	vadd.f32 v0, v38;
	v1 =	vadd.f32 v1, v3;
	v3 =	vperm.xlane v9, v61;
	v4 =	vpop (erf)  }
0x488: {  	v0 =	vadd.f32 v33, v39;
	v2 =	vadd.f32 v2, v12;
	v5 =	vpop (erf)  }
0x489: {  	v14 =	vadd.f32 v14, v42;
	v3 =	vadd.f32 v3, v9;
	v9 =	vpop (erf);
	v12 =	vperm.xlane v1, v32  }
0x48a: {  	[tilespmem:s12+$0x8000] =	vst v13;
	v18 =	vadd.f32 v5, v4;
	v13 =	vmul.f32 v9, v50;
	v20 =	vperm.xlane v2, v32  }
0x48b: {  	[tilespmem:s12+$0x8010] =	vst v14;
	v14 =	vmul.f32 v9, v51;
	v22 =	vmul.f32 v9, v44  }
0x48c: {  	v0 =	vadd.f32 v18, v0;
	v1 =	vadd.f32 v1, v12;
	v12 =	vperm.xlane v3, v49  }
0x48d: {  	v9 =	vmul.f32 v9, v52;
	v2 =	vadd.f32 v2, v20;
	v24 =	vsub.f32 $1.000000000e+00, v22  }
0x48e: {  	v20 =	vsub.f32 $1.000000000e+00, v14;
	v18 =	vperm.xlane v0, v61;
	v3 =	vadd.f32 v12, v3  }
0x48f: {  	v12 =	vsub.f32 $1.000000000e+00, v13;
	(erf) = vrcp.f32 v2;
	v38 =	vmul.f32 v24, v44  }
0x490: {  	v0 =	vadd.f32 v18, v0;
	v18 =	vsub.f32 $1.000000000e+00, v9;
	v2 =	vperm.xlane v3, v41  }
0x491: {  	v42 =	vmul.f32 v12, v50;
	v41 =	vmul.f32 v20, v51  }
0x492: {  	v12 =	vperm.xlane v0, v49;
	v18 =	vmul.f32 v18, v52;
	v2 =	vadd.f32 v2, v3  }
0x493: {  	(erf) = vrcp.f32 v1;
	v3 =	vadd.f32 v41, v42  }
0x494: {  	v0 =	vadd.f32 v12, v0;
	v12 =	vadd.f32 v18, v38;
	v1 =	vperm.xlane v2, v32  }
0x495: {  	v16 =	vadd.f32 v14, v16  }
0x496: {  	v14 =	vadd.f32 v1, v2;
	v2 =	vadd.f32 v12, v3;
	v3 =	vld [tilespmem:$0x1FEB0];
	_ =	sdelay $0x1  }
0x497: {  	v43 =	vadd.f32 v13, v17;
	v13 =	vld [tilespmem:$0x1FFC0];
	_ =	sdelay $0x2  }
0x498: {  	v3 =	vadd.f32 v3, v7;
	v7 =	vld [tilespmem:$0x1FED0];
	_ =	sdelay $0x1  }
0x499: {  	v13 =	vperm.xlane v0, v13;
	(erf) = vrcp.f32 v14;
	_ =	sdelay $0x1  }
0x49a: {  	v20 =	vadd.f32 v9, v11;
	v0 =	vadd.f32 v13, v0;
	v1 =	vpop (erf)  }
0x49b: {  	v13 =	vmul.f32 v1, v54;
	v7 =	vadd.f32 v7, v8;
	v8 =	vmul.f32 v1, v57  }
0x49c: {  	v14 =	vadd.f32 v34, v10;
	v12 =	vmul.f32 v1, v56;
	[tilespmem:s12+$0x8020] =	vst v3;
	v3 =	vmul.f32 v1, v55  }
0x49d: {  	v10 =	vsub.f32 $1.000000000e+00, v13;
	v9 =	vsub.f32 $1.000000000e+00, v8  }
0x49e: {  	[tilespmem:$0x1F2D0] =	vst v12;
	v12 =	vsub.f32 $1.000000000e+00, v12;
	v11 =	vsub.f32 $1.000000000e+00, v3  }
0x49f: {  	v6 =	vadd.f32 v31, v6;
	v36 =	vmul.f32 v10, v54;
	[tilespmem:s12+$0x8030] =	vst v7;
	v7 =	vperm.xlane v0, v32  }
0x4a0: {  	v60 =	vadd.f32 v22, v23;
	v40 =	vmul.f32 v12, v56;
	v1 =	vpop (erf);
	v37 =	vmul.f32 v11, v55;
	s12 =	smov.u32 s13  }
0x4a1: {  	[tilespmem:s12+$0x8040] =	vst v6;
	v6 =	vperm.xlane v2, v61;
	v0 =	vadd.f32 v7, v0;
	v22 =	vmul.f32 v9, v57;
	v9 =	vpop (erf)  }
0x4a2: {  	v7 =	vadd.f32 v8, v30;
	v8 =	vadd.f32 v40, v37;
	v11 =	vmul.f32 v9, v35  }
0x4a3: {  	v2 =	vadd.f32 v2, v6;
	v6 =	vadd.f32 v36, v22  }
0x4a4: {  	(erf) = vrcp.f32 v0;
	[tilespmem:$0x1F2A0] =	vst v11;
	v23 =	vsub.f32 $1.000000000e+00, v11;
	v11 =	vld [tilespmem:$0x1FFC0]  }
0x4a5: {  	v0 =	vperm.xlane v2, v49;
	v52 =	vmul.f32 v9, v53;
	v6 =	vadd.f32 v8, v6  }
0x4a6: {  	v51 =	vmul.f32 v9, v58;
	v17 =	vmul.f32 v9, v59  }
0x4a7: {  	v0 =	vadd.f32 v2, v0;
	v2 =	vsub.f32 $1.000000000e+00, v52;
	v9 =	vperm.xlane v6, v61  }
0x4a8: {  	v8 =	vsub.f32 $1.000000000e+00, v51  }
0x4a9: {  	v57 =	vperm.xlane v0, v11;
	v11 =	vmul.f32 v2, v53;
	v2 =	vadd.f32 v6, v9  }
0x4aa: {  	v10 =	vsub.f32 $1.000000000e+00, v17  }
0x4ab: {  	v12 =	vmul.f32 v8, v58;
	v6 =	vperm.xlane v2, v49  }
0x4ac: {  	v13 =	vadd.f32 v13, v26;
	v9 =	vmul.f32 v10, v59;
	v10 =	vmul.f32 v23, v35  }
0x4ad: {  	v24 =	vmul.f32 v1, v21;
	v34 =	vadd.f32 v0, v57;
	v0 =	vpop (erf);
	v2 =	vadd.f32 v2, v6;
	v6 =	vld [tilespmem:$0x1FFC0]  }
0x4ae: {  	v8 =	vadd.f32 v12, v11;
	v59 =	vadd.f32 v10, v9;
	v57 =	vmul.f32 v0, v39  }
0x4af: {  	v3 =	vadd.f32 v3, v27;
	v50 =	vmul.f32 v0, v33;
	v44 =	vmul.f32 v0, v4  }
0x4b0: {  	v23 =	vmul.f32 v0, v5;
	v53 =	vadd.f32 v59, v8;
	v0 =	vsub.f32 $1.000000000e+00, v57  }
0x4b1: {  	[tilespmem:s12+$0x8050] =	vst v14;
	v14 =	vmul.f32 v1, v48;
	v8 =	vsub.f32 $1.000000000e+00, v50;
	v54 =	vsub.f32 $1.000000000e+00, v44  }
0x4b2: {  	v63 =	vsub.f32 $1.000000000e+00, v23;
	v45 =	vperm.xlane v53, v61;
	v55 =	vperm.xlane v2, v6  }
0x4b3: {  	v19 =	vadd.f32 v24, v19;
	v8 =	vmul.f32 v8, v33;
	v6 =	vmul.f32 v0, v39  }
0x4b4: {  	v0 =	vmul.f32 v54, v4;
	v4 =	vmul.f32 v63, v5;
	v2 =	vadd.f32 v2, v55  }
0x4b5: {  	v30 =	vmul.f32 v1, v46;
	v33 =	vperm.xlane v34, v32;
	v5 =	vadd.f32 v53, v45  }
0x4b6: {  	[tilespmem:$0x1F220] =	vst v13;
	v13 =	vld [tilespmem:$0x1FFC0];
	v39 =	vadd.f32 v8, v6;
	v45 =	vadd.f32 v4, v0;
	v53 =	vperm.xlane v2, v32  }
0x4b7: {  	v31 =	vsub.f32 $1.000000000e+00, v14;
	v33 =	vadd.f32 v34, v33;
	v56 =	vperm.xlane v5, v49  }
0x4b8: {  	v1 =	vmul.f32 v1, v47;
	v39 =	vadd.f32 v45, v39;
	v2 =	vadd.f32 v2, v53  }
0x4b9: {  	v35 =	vsub.f32 $1.000000000e+00, v24;
	(erf) = vrcp.f32 v33;
	v5 =	vadd.f32 v5, v56  }
0x4ba: {  	v63 =	vsub.f32 $1.000000000e+00, v30;
	(erf) = vrcp.f32 v2;
	v2 =	vperm.xlane v39, v61  }
0x4bb: {  	v34 =	vmul.f32 v31, v48;
	v31 =	vsub.f32 $1.000000000e+00, v1;
	v13 =	vperm.xlane v5, v13  }
0x4bc: {  	v26 =	vmul.f32 v35, v21;
	v33 =	vmul.f32 v63, v46;
	v2 =	vadd.f32 v39, v2  }
0x4bd: {  	[tilespmem:$0x1F240] =	vst v3;
	v31 =	vmul.f32 v31, v47;
	v5 =	vadd.f32 v5, v13;
	v13 =	vadd.f32 v14, v62  }
0x4be: {  	[tilespmem:$0x1F360] =	vst v19;
	v19 =	vadd.f32 v30, v25;
	v14 =	vperm.xlane v2, v49  }
0x4bf: {  	v3 =	vadd.f32 v26, v34;
	[tilespmem:$0x1F340] =	vst v13;
	v13 =	vadd.f32 v31, v33  }
0x4c0: {  	v21 =	vperm.xlane v5, v32;
	v2 =	vadd.f32 v2, v14;
	v14 =	vadd.f32 v29, v15;
	v15 =	vld [tilespmem:$0x1FFC0]  }
0x4c1: {  	v1 =	vadd.f32 v1, v28  }
0x4c2: {  	[tilespmem:$0x1F380] =	vst v19;
	v3 =	vadd.f32 v13, v3;
	v19 =	vadd.f32 v5, v21  }
0x4c3: {  	v13 =	vpop (erf)  }
0x4c4: {  	[tilespmem:$0x1F3A0] =	vst v1;
	v1 =	vperm.xlane v3, v61;
	(erf) = vrcp.f32 v19;
	v5 =	vpop (erf)  }
0x4c5: {  	v19 =	vmul.f32 v5, v36;
	v15 =	vperm.xlane v2, v15  }
0x4c6: {  	v3 =	vadd.f32 v3, v1;
	v29 =	vmul.f32 v5, v22;
	v21 =	vmul.f32 v5, v37  }
0x4c7: {  	[tilespmem:s12+$0x8060] =	vst v14;
	v14 =	vsub.f32 $1.000000000e+00, v19;
	v1 =	vadd.f32 v2, v15;
	v15 =	vmul.f32 v5, v40  }
0x4c8: {  	[tilespmem:$0x1F250] =	vst v21;
	v21 =	vsub.f32 $1.000000000e+00, v21;
	v2 =	vmul.f32 v13, v42  }
0x4c9: {  	v5 =	vsub.f32 $1.000000000e+00, v29;
	v24 =	vmul.f32 v14, v36;
	v25 =	vsub.f32 $1.000000000e+00, v15  }
0x4ca: {  	[tilespmem:$0x1F230] =	vst v19;
	v36 =	vmul.f32 v21, v37;
	v19 =	vperm.xlane v1, v32  }
0x4cb: {  	v27 =	vsub.f32 $1.000000000e+00, v2;
	v22 =	vmul.f32 v5, v22;
	v37 =	vmul.f32 v25, v40  }
0x4cc: {  	v30 =	vadd.f32 v2, v43;
	v5 =	vadd.f32 v1, v19  }
0x4cd: {  	v2 =	vadd.f32 v24, v22;
	v19 =	vadd.f32 v37, v36;
	_ =	sdelay $0x1  }
0x4ce: {  	v14 =	vmul.f32 v13, v41;
	v21 =	vpop (erf);
	(erf) = vrcp.f32 v5;
	v2 =	vadd.f32 v19, v2  }
0x4cf: {  	v1 =	vmul.f32 v13, v38;
	v39 =	vmul.f32 v21, v11  }
0x4d0: {  	[tilespmem:$0x1F2E0] =	vst v15;
	v15 =	vmul.f32 v21, v10;
	v45 =	vperm.xlane v2, v61  }
0x4d1: {  	v62 =	vmul.f32 v21, v12;
	v5 =	vmul.f32 v13, v18;
	v13 =	vsub.f32 $1.000000000e+00, v14  }
0x4d2: {  	v46 =	vmul.f32 v21, v9;
	v35 =	vsub.f32 $1.000000000e+00, v15;
	v2 =	vadd.f32 v2, v45  }
0x4d3: {  	v56 =	vmul.f32 v27, v42;
	v28 =	vsub.f32 $1.000000000e+00, v1;
	[tilespmem:$0x1F2B0] =	vst v15;
	v21 =	vsub.f32 $1.000000000e+00, v62;
	v15 =	vld [tilespmem:$0x1FFC0]  }
0x4d4: {  	v63 =	vsub.f32 $1.000000000e+00, v46;
	v55 =	vmul.f32 v35, v10;
	v10 =	vperm.xlane v2, v49  }
0x4d5: {  	v25 =	vadd.f32 v39, v52;
	v19 =	vsub.f32 $1.000000000e+00, v39;
	v54 =	vmul.f32 v21, v12  }
0x4d6: {  	v9 =	vmul.f32 v63, v9;
	v27 =	vmul.f32 v13, v41;
	v2 =	vadd.f32 v2, v10  }
0x4d7: {  	v47 =	vadd.f32 v62, v51;
	v42 =	vmul.f32 v28, v38;
	v53 =	vmul.f32 v19, v11;
	v13 =	vpop (erf)  }
0x4d8: {  	v43 =	vsub.f32 $1.000000000e+00, v5;
	v38 =	vmul.f32 v13, v8;
	v59 =	vperm.xlane v2, v15  }
0x4d9: {  	v12 =	vadd.f32 v55, v9;
	v11 =	vadd.f32 v54, v53  }
0x4da: {  	v28 =	vmul.f32 v13, v6;
	v19 =	vsub.f32 $1.000000000e+00, v38;
	v2 =	vadd.f32 v2, v59  }
0x4db: {  	v11 =	vadd.f32 v12, v11;
	v10 =	vmul.f32 v13, v0;
	v13 =	vmul.f32 v13, v4  }
0x4dc: {  	v12 =	vsub.f32 $1.000000000e+00, v28;
	v21 =	vmul.f32 v19, v8;
	v8 =	vperm.xlane v2, v32  }
0x4dd: {  	v35 =	vperm.xlane v11, v61;
	v62 =	vsub.f32 $1.000000000e+00, v10;
	v63 =	vsub.f32 $1.000000000e+00, v13  }
0x4de: {  	v6 =	vmul.f32 v12, v6;
	v2 =	vadd.f32 v2, v8;
	v8 =	vperm.xlane v3, v49  }
0x4df: {  	v12 =	vmul.f32 v62, v0;
	v19 =	vmul.f32 v63, v4;
	v0 =	vadd.f32 v11, v35  }
0x4e0: {  	v43 =	vmul.f32 v43, v18;
	(erf) = vrcp.f32 v2;
	v2 =	vadd.f32 v3, v8;
	v8 =	vld [tilespmem:$0x1FFC0]  }
0x4e1: {  	v4 =	vadd.f32 v21, v6;
	v11 =	vadd.f32 v19, v12;
	v18 =	vperm.xlane v0, v49  }
0x4e2: {  	v51 =	vadd.f32 v27, v56;
	v52 =	vadd.f32 v43, v42  }
0x4e3: {  	v4 =	vadd.f32 v11, v4;
	v0 =	vadd.f32 v0, v18;
	_ =	sdelay $0x1  }
0x4e4: {  	v15 =	vld [tilespmem:$0x1FFC0];
	v11 =	vadd.f32 v52, v51;
	v3 =	vperm.xlane v4, v61;
	v8 =	vperm.xlane v0, v8;
	_ =	sdelay $0x1  }
0x4e5: {  	v18 =	vperm.xlane v11, v61;
	v3 =	vadd.f32 v4, v3;
	v0 =	vadd.f32 v0, v8  }
0x4e6: {  	v51 =	vadd.f32 v10, v44  }
0x4e7: {  	v4 =	vadd.f32 v11, v18;
	v8 =	vperm.xlane v3, v49;
	v10 =	vperm.xlane v0, v32  }
0x4e8: {  	v58 =	vperm.xlane v2, v15  }
0x4e9: {  	v11 =	vperm.xlane v4, v49;
	v3 =	vadd.f32 v3, v8;
	v8 =	vld [tilespmem:$0x1FFC0];
	v10 =	vadd.f32 v0, v10;
	v0 =	vpop (erf)  }
0x4ea: {  	v2 =	vadd.f32 v2, v58;
	v44 =	vmul.f32 v0, v22  }
0x4eb: {  	v4 =	vadd.f32 v4, v11;
	v11 =	vmul.f32 v0, v24;
	v15 =	vmul.f32 v0, v36  }
0x4ec: {  	v57 =	vadd.f32 v28, v57;
	(erf) = vrcp.f32 v10;
	v10 =	vmul.f32 v0, v37;
	v0 =	vld [tilespmem:$0x1FFC0]  }
0x4ed: {  	v28 =	vadd.f32 v38, v50;
	v50 =	vadd.f32 v13, v23;
	v13 =	vperm.xlane v2, v32  }
0x4ee: {  	v8 =	vperm.xlane v3, v8  }
0x4ef: {  	v2 =	vadd.f32 v2, v13;
	v13 =	vadd.f32 v46, v17  }
0x4f0: {  	v46 =	vadd.f32 v14, v16;
	v3 =	vadd.f32 v3, v8  }
0x4f1: {  	[tilespmem:$0x1F270] =	vst v11;
	v11 =	vsub.f32 $1.000000000e+00, v11;
	v23 =	vsub.f32 $1.000000000e+00, v15;
	v0 =	vperm.xlane v4, v0  }
0x4f2: {  	v59 =	vsub.f32 $1.000000000e+00, v10;
	v8 =	vsub.f32 $1.000000000e+00, v44;
	v14 =	vperm.xlane v3, v32  }
0x4f3: {  	[tilespmem:$0x1F280] =	vst v15;
	v11 =	vmul.f32 v11, v24;
	v40 =	vmul.f32 v23, v36;
	v4 =	vadd.f32 v4, v0  }
0x4f4: {  	[tilespmem:$0x1F2F0] =	vst v10;
	v15 =	vmul.f32 v59, v37;
	v10 =	vmul.f32 v8, v22;
	v3 =	vadd.f32 v3, v14  }
0x4f5: {  	v48 =	vadd.f32 v1, v60;
	(erf) = vrcp.f32 v2;
	v1 =	vperm.xlane v4, v32  }
0x4f6: {  	v2 =	vadd.f32 v11, v10;
	(erf) = vrcp.f32 v3;
	v3 =	vadd.f32 v15, v40;
	v8 =	vpop (erf)  }
0x4f7: {  	v0 =	vadd.f32 v5, v20;
	v14 =	vmul.f32 v8, v53;
	v1 =	vadd.f32 v4, v1  }
0x4f8: {  	v20 =	vmul.f32 v8, v54;
	v2 =	vadd.f32 v3, v2;
	v4 =	vadd.f32 v29, v7  }
0x4f9: {  	[tilespmem:$0x1F210] =	vst v0;
	v0 =	vmul.f32 v8, v55;
	v3 =	vmul.f32 v8, v9  }
0x4fa: {  	v5 =	vsub.f32 $1.000000000e+00, v20;
	[tilespmem:$0x1F260] =	vst v4;
	v4 =	vsub.f32 $1.000000000e+00, v14;
	v7 =	vperm.xlane v2, v61  }
0x4fb: {  	v22 =	vsub.f32 $1.000000000e+00, v0;
	v8 =	vsub.f32 $1.000000000e+00, v3;
	(erf) = vrcp.f32 v1  }
0x4fc: {  	v16 =	vmul.f32 v4, v53;
	v4 =	vmul.f32 v5, v54;
	v1 =	vadd.f32 v2, v7  }
0x4fd: {  	[tilespmem:$0x1F2C0] =	vst v0;
	v52 =	vadd.f32 v14, v25;
	v0 =	vld [tilespmem:$0x1FFC0];
	v8 =	vmul.f32 v8, v9;
	v9 =	vmul.f32 v22, v55  }
0x4fe: {  	v55 =	vadd.f32 v20, v47;
	v54 =	vadd.f32 v3, v13;
	v3 =	vpop (erf);
	v2 =	vperm.xlane v1, v49  }
0x4ff: {  	v5 =	vmul.f32 v3, v34;
	v7 =	vadd.f32 v4, v16;
	v13 =	vadd.f32 v9, v8;
	v14 =	vpop (erf)  }
0x500: {  	v22 =	vmul.f32 v14, v6;
	v37 =	vmul.f32 v14, v21;
	v2 =	vadd.f32 v1, v2  }
0x501: {  	v18 =	vmul.f32 v14, v12;
	v63 =	vmul.f32 v14, v19;
	v13 =	vadd.f32 v13, v7  }
0x502: {  	v7 =	vsub.f32 $1.000000000e+00, v22;
	v1 =	vsub.f32 $1.000000000e+00, v37;
	v20 =	vperm.xlane v2, v0  }
0x503: {  	v24 =	vsub.f32 $1.000000000e+00, v18;
	v62 =	vsub.f32 $1.000000000e+00, v63;
	v35 =	vperm.xlane v13, v61  }
0x504: {  	v23 =	vmul.f32 v7, v6;
	v25 =	vmul.f32 v1, v21  }
0x505: {  	v14 =	vpop (erf);
	v21 =	vmul.f32 v24, v12;
	v36 =	vmul.f32 v62, v19;
	v12 =	vadd.f32 v13, v35  }
0x506: {  	v45 =	vmovc v61;
	v0 =	vld [tilespmem:$0x1FFC0];
	v2 =	vadd.f32 v2, v20;
	v62 =	vmul.f32 v14, v56;
	v61 =	vmul.f32 v14, v27  }
0x507: {  	v60 =	vmul.f32 v14, v42;
	v24 =	vperm.xlane v12, v49  }
0x508: {  	v13 =	vadd.f32 v25, v23;
	v19 =	vperm.xlane v2, v32;
	v20 =	vadd.f32 v36, v21  }
0x509: {  	v35 =	vmul.f32 v14, v43;
	v14 =	vsub.f32 $1.000000000e+00, v62;
	v12 =	vadd.f32 v12, v24  }
0x50a: {  	v1 =	vmul.f32 v3, v26;
	v2 =	vadd.f32 v2, v19;
	v13 =	vadd.f32 v20, v13  }
0x50b: {  	v19 =	vsub.f32 $1.000000000e+00, v61;
	v24 =	vsub.f32 $1.000000000e+00, v60;
	v20 =	vperm.xlane v12, v0  }
0x50c: {  	v59 =	vmul.f32 v14, v56;
	v14 =	vsub.f32 $1.000000000e+00, v35;
	(erf) = vrcp.f32 v2  }
0x50d: {  	v2 =	vperm.xlane v13, v45;
	v0 =	vmul.f32 v3, v33;
	v12 =	vadd.f32 v12, v20  }
0x50e: {  	[tilespmem:$0x1F350] =	vst v5;
	v20 =	vsub.f32 $1.000000000e+00, v5;
	v5 =	vmul.f32 v3, v31;
	v3 =	vsub.f32 $1.000000000e+00, v1  }
0x50f: {  	v56 =	vmul.f32 v19, v27;
	v58 =	vmul.f32 v24, v42;
	v2 =	vadd.f32 v13, v2  }
0x510: {  	v53 =	vmul.f32 v14, v43;
	[tilespmem:$0x1F390] =	vst v0;
	v42 =	vmul.f32 v3, v26;
	v3 =	vsub.f32 $1.000000000e+00, v0;
	v0 =	vld [tilespmem:$0x1FFC0]  }
0x511: {  	v14 =	vperm.xlane v2, v49;
	v19 =	vperm.xlane v12, v32  }
0x512: {  	v13 =	vadd.f32 v56, v59;
	v24 =	vadd.f32 v53, v58  }
0x513: {  	[tilespmem:$0x1F370] =	vst v1;
	v2 =	vadd.f32 v2, v14;
	v1 =	vadd.f32 v12, v19  }
0x514: {  	v38 =	vmul.f32 v20, v34;
	v13 =	vadd.f32 v24, v13;
	v34 =	vsub.f32 $1.000000000e+00, v5  }
0x515: {  	v26 =	vadd.f32 v22, v57;
	(erf) = vrcp.f32 v1;
	v14 =	vperm.xlane v2, v0;
	v12 =	vpop (erf)  }
0x516: {  	v17 =	vadd.f32 v42, v38;
	v34 =	vmul.f32 v34, v31;
	v47 =	vmul.f32 v12, v10  }
0x517: {  	v43 =	vmul.f32 v12, v11;
	v0 =	vmul.f32 v12, v40;
	v2 =	vadd.f32 v2, v14  }
0x518: {  	v1 =	vmul.f32 v12, v15;
	v12 =	vperm.xlane v13, v45;
	v14 =	vsub.f32 $1.000000000e+00, v47  }
0x519: {  	[tilespmem:$0x1F290] =	vst v0;
	v20 =	vsub.f32 $1.000000000e+00, v43;
	v0 =	vsub.f32 $1.000000000e+00, v0;
	v24 =	vperm.xlane v2, v32  }
0x51a: {  	[tilespmem:$0x1F300] =	vst v1;
	v1 =	vsub.f32 $1.000000000e+00, v1;
	v12 =	vadd.f32 v13, v12;
	v19 =	vmul.f32 v14, v10  }
0x51b: {  	v11 =	vmul.f32 v20, v11;
	v20 =	vmul.f32 v0, v40;
	v2 =	vadd.f32 v2, v24  }
0x51c: {  	v13 =	vadd.f32 v37, v28;
	v0 =	vld [tilespmem:$0x1FFC0];
	v24 =	vmul.f32 v1, v15;
	v1 =	vperm.xlane v12, v49  }
0x51d: {  	v40 =	vmul.f32 v3, v33;
	(erf) = vrcp.f32 v2;
	v2 =	vadd.f32 v11, v19  }
0x51e: {  	v3 =	vadd.f32 v24, v20;
	v10 =	vpop (erf);
	v1 =	vadd.f32 v12, v1  }
0x51f: {  	v12 =	vadd.f32 v34, v40;
	v14 =	vmul.f32 v10, v16;
	v15 =	vmul.f32 v10, v4  }
0x520: {  	v7 =	vmul.f32 v10, v8;
	v41 =	vmul.f32 v10, v9;
	v2 =	vadd.f32 v3, v2  }
0x521: {  	v39 =	vperm.xlane v1, v0;
	v10 =	vsub.f32 $1.000000000e+00, v14;
	v22 =	vsub.f32 $1.000000000e+00, v15  }
0x522: {  	v33 =	vsub.f32 $1.000000000e+00, v7;
	v37 =	vsub.f32 $1.000000000e+00, v41;
	v31 =	vperm.xlane v2, v45  }
0x523: {  	v10 =	vmul.f32 v10, v16;
	v22 =	vmul.f32 v22, v4  }
0x524: {  	v6 =	vadd.f32 v12, v17;
	v8 =	vmul.f32 v33, v8;
	v9 =	vmul.f32 v37, v9  }
0x525: {  	[tilespmem:$0x1F3B0] =	vst v5;
	v5 =	vadd.f32 v1, v39;
	v2 =	vadd.f32 v2, v31  }
0x526: {  	v0 =	vld [tilespmem:$0x1FFC0];
	v12 =	vadd.f32 v22, v10;
	v17 =	vadd.f32 v9, v8  }
0x527: {  	v18 =	vadd.f32 v18, v51;
	v33 =	vperm.xlane v5, v32;
	v16 =	vperm.xlane v2, v49;
	v31 =	vpop (erf)  }
0x528: {  	v17 =	vadd.f32 v17, v12;
	v37 =	vmul.f32 v31, v23;
	v51 =	vmul.f32 v31, v25  }
0x529: {  	v2 =	vadd.f32 v2, v16;
	v16 =	vmul.f32 v31, v21;
	v31 =	vmul.f32 v31, v36  }
0x52a: {  	v4 =	vperm.xlane v17, v45;
	v12 =	vsub.f32 $1.000000000e+00, v37;
	v39 =	vsub.f32 $1.000000000e+00, v51  }
0x52b: {  	v0 =	vperm.xlane v2, v0;
	v1 =	vsub.f32 $1.000000000e+00, v16;
	v3 =	vsub.f32 $1.000000000e+00, v31  }
0x52c: {  	v12 =	vmul.f32 v12, v23;
	v23 =	vmul.f32 v39, v25  }
0x52d: {  	v57 =	vmul.f32 v1, v21;
	v36 =	vmul.f32 v3, v36;
	v1 =	vadd.f32 v17, v4  }
0x52e: {  	v0 =	vadd.f32 v2, v0;
	v3 =	vadd.f32 v5, v33  }
0x52f: {  	v2 =	vadd.f32 v23, v12;
	v5 =	vadd.f32 v36, v57;
	v17 =	vperm.xlane v1, v49;
	_ =	sdelay $0x1  }
0x530: {  	(erf) = vrcp.f32 v3;
	v3 =	vadd.f32 v5, v2;
	v5 =	vadd.f32 v1, v17;
	v1 =	vld [tilespmem:$0x1FFC0]  }
0x531: {  	v4 =	vperm.xlane v0, v32;
	_ =	sdelay $0x1  }
0x532: {  	v21 =	vperm.xlane v6, v45;
	v0 =	vadd.f32 v0, v4  }
0x533: {  	v28 =	vadd.f32 v51, v13  }
0x534: {  	(erf) = vrcp.f32 v0;
	v0 =	vadd.f32 v6, v21;
	v13 =	vperm.xlane v5, v1  }
0x535: {  	v30 =	vadd.f32 v62, v30;
	v6 =	vperm.xlane v3, v45  }
0x536: {  	v15 =	vadd.f32 v15, v55;
	v17 =	vperm.xlane v0, v49;
	v5 =	vadd.f32 v5, v13  }
0x537: {  	v27 =	vadd.f32 v37, v26;
	v6 =	vadd.f32 v3, v6  }
0x538: {  	v16 =	vadd.f32 v16, v18;
	v4 =	vadd.f32 v0, v17;
	v0 =	vld [tilespmem:$0x1FFC0];
	v13 =	vperm.xlane v5, v32  }
0x539: {  	v18 =	vadd.f32 v14, v52;
	v14 =	vadd.f32 v7, v54;
	v7 =	vperm.xlane v6, v49  }
0x53a: {  	v25 =	vadd.f32 v63, v50;
	v17 =	vpop (erf);
	v1 =	vadd.f32 v5, v13  }
0x53b: {  	v7 =	vadd.f32 v6, v7;
	v54 =	vmul.f32 v17, v59;
	v6 =	vmul.f32 v17, v56  }
0x53c: {  	v29 =	vadd.f32 v31, v25;
	v55 =	vmul.f32 v17, v58;
	(erf) = vrcp.f32 v1  }
0x53d: {  	v13 =	vadd.f32 v61, v46;
	v21 =	vperm.xlane v7, v0;
	v61 =	vadd.f32 v60, v48;
	v5 =	vpop (erf)  }
0x53e: {  	v25 =	vsub.f32 $1.000000000e+00, v54;
	v46 =	vmul.f32 v5, v19;
	v0 =	vmul.f32 v5, v11  }
0x53f: {  	v39 =	vmul.f32 v5, v24;
	v7 =	vadd.f32 v7, v21;
	v1 =	vmul.f32 v5, v20  }
0x540: {  	v50 =	vmul.f32 v25, v59;
	v5 =	vsub.f32 $1.000000000e+00, v46;
	v26 =	vsub.f32 $1.000000000e+00, v0  }
0x541: {  	v62 =	vsub.f32 $1.000000000e+00, v39;
	v33 =	vperm.xlane v7, v32;
	v60 =	vsub.f32 $1.000000000e+00, v1  }
0x542: {  	v63 =	vsub.f32 $1.000000000e+00, v6;
	v21 =	vmul.f32 v5, v19;
	v19 =	vmul.f32 v26, v11  }
0x543: {  	v24 =	vmul.f32 v62, v24;
	v5 =	vadd.f32 v7, v33;
	v20 =	vmul.f32 v60, v20  }
0x544: {  	v52 =	vmul.f32 v63, v56;
	v11 =	vmul.f32 v17, v53;
	v7 =	vsub.f32 $1.000000000e+00, v55  }
0x545: {  	(erf) = vrcp.f32 v5;
	v5 =	vadd.f32 v19, v21;
	v17 =	vadd.f32 v24, v20;
	v25 =	vpop (erf)  }
0x546: {  	v51 =	vmul.f32 v7, v58;
	v26 =	vmul.f32 v25, v10  }
0x547: {  	[tilespmem:$0x1F310] =	vst v0;
	v0 =	vld [tilespmem:$0x1FFC0];
	v5 =	vadd.f32 v17, v5;
	v58 =	vmul.f32 v25, v22;
	v17 =	vmul.f32 v25, v8  }
0x548: {  	v7 =	vsub.f32 $1.000000000e+00, v11;
	v48 =	vmul.f32 v25, v9;
	v37 =	vsub.f32 $1.000000000e+00, v26  }
0x549: {  	v60 =	vperm.xlane v5, v45;
	v59 =	vsub.f32 $1.000000000e+00, v58;
	v62 =	vsub.f32 $1.000000000e+00, v17  }
0x54a: {  	v56 =	vmul.f32 v7, v53;
	v33 =	vsub.f32 $1.000000000e+00, v48;
	v10 =	vmul.f32 v37, v10  }
0x54b: {  	v5 =	vadd.f32 v5, v60;
	v37 =	vmul.f32 v59, v22;
	v8 =	vmul.f32 v62, v8  }
0x54c: {  	v9 =	vmul.f32 v33, v9;
	v62 =	vperm.xlane v4, v0;
	v0 =	vld [tilespmem:$0x1FFC0]  }
0x54d: {  	v53 =	vadd.f32 v26, v18;
	v22 =	vadd.f32 v58, v15;
	v15 =	vperm.xlane v5, v49  }
0x54e: {  	v18 =	vadd.f32 v37, v10;
	v26 =	vadd.f32 v9, v8  }
0x54f: {  	v25 =	vadd.f32 v52, v50;
	v33 =	vpop (erf);
	v5 =	vadd.f32 v5, v15  }
0x550: {  	v2 =	vmul.f32 v33, v12;
	v58 =	vmul.f32 v33, v36;
	v18 =	vadd.f32 v26, v18  }
0x551: {  	v7 =	vadd.f32 v56, v51;
	v3 =	vmul.f32 v33, v23;
	v63 =	vperm.xlane v5, v0  }
0x552: {  	[tilespmem:$0x1F320] =	vst v1;
	v26 =	vsub.f32 $1.000000000e+00, v2;
	v0 =	vsub.f32 $1.000000000e+00, v58;
	v1 =	vperm.xlane v18, v45  }
0x553: {  	v15 =	vmul.f32 v33, v57;
	v60 =	vsub.f32 $1.000000000e+00, v3;
	v5 =	vadd.f32 v5, v63  }
0x554: {  	v26 =	vmul.f32 v26, v12;
	v12 =	vmul.f32 v0, v36;
	v0 =	vadd.f32 v18, v1  }
0x555: {  	v60 =	vmul.f32 v60, v23;
	v23 =	vperm.xlane v5, v32  }
0x556: {  	v7 =	vadd.f32 v7, v25;
	v25 =	vperm.xlane v0, v49  }
0x557: {  	v5 =	vadd.f32 v5, v23;
	v23 =	vadd.f32 v15, v16;
	v16 =	vld [tilespmem:$0x1F220]  }
0x558: {  	v0 =	vadd.f32 v0, v25;
	v25 =	vadd.f32 v17, v14;
	v17 =	vld [tilespmem:$0x1F230];
	_ =	sdelay $0x1  }
0x559: {  	v33 =	vsub.f32 $1.000000000e+00, v15;
	_ =	sdelay $0x1  }
0x55a: {  	v63 =	vmul.f32 v33, v57;
	v57 =	vadd.f32 v2, v27;
	v27 =	vld [tilespmem:$0x1F250]  }
0x55b: {  	v16 =	vadd.f32 v17, v16;
	v17 =	vld [tilespmem:$0x1F240]  }
0x55c: {  	v1 =	vadd.f32 v3, v28;
	v3 =	vperm.xlane v7, v45  }
0x55d: {  	v18 =	vadd.f32 v60, v26;
	v2 =	vadd.f32 v12, v63  }
0x55e: {  	v3 =	vadd.f32 v7, v3  }
0x55f: {  	v2 =	vadd.f32 v2, v18  }
0x560: {  	v14 =	vperm.xlane v3, v49;
	v17 =	vadd.f32 v27, v17;
	v27 =	vld [tilespmem:$0x1FFC0]  }
0x561: {  	v7 =	vld [tilespmem:$0x1FFC0];
	(erf) = vrcp.f32 v5;
	v5 =	vperm.xlane v2, v45;
	_ =	sdelay $0x1  }
0x562: {  	v3 =	vadd.f32 v3, v14;
	v2 =	vadd.f32 v2, v5;
	_ =	sdelay $0x1  }
0x563: {  	v14 =	vperm.xlane v2, v49;
	v27 =	vperm.xlane v3, v27  }
0x564: {  	v4 =	vadd.f32 v4, v62;
	v7 =	vperm.xlane v0, v7  }
0x565: {  	v2 =	vadd.f32 v2, v14;
	v14 =	vadd.f32 v3, v27;
	v3 =	vld [tilespmem:$0x1FFC0]  }
0x566: {  	v0 =	vadd.f32 v0, v7;
	v7 =	vperm.xlane v4, v32;
	_ =	sdelay $0x1  }
0x567: {  	v4 =	vadd.f32 v4, v7;
	_ =	sdelay $0x1  }
0x568: {  	v5 =	vld [tilespmem:$0x1F210];
	(erf) = vrcp.f32 v4;
	v4 =	vperm.xlane v2, v3;
	_ =	sdelay $0x1  }
0x569: {  	v15 =	vperm.xlane v0, v32;
	v2 =	vadd.f32 v2, v4  }
0x56a: {  	v4 =	vperm.xlane v14, v32  }
0x56b: {  	v18 =	vadd.f32 v58, v29;
	v0 =	vadd.f32 v0, v15;
	v27 =	vperm.xlane v2, v32  }
0x56c: {  	v5 =	vadd.f32 v35, v5;
	v4 =	vadd.f32 v14, v4  }
0x56d: {  	v15 =	vadd.f32 v6, v13;
	v6 =	vpop (erf);
	(erf) = vrcp.f32 v0;
	v2 =	vadd.f32 v2, v27  }
0x56e: {  	v7 =	vadd.f32 v54, v30;
	v54 =	vmul.f32 v6, v21;
	(erf) = vrcp.f32 v4  }
0x56f: {  	v35 =	vadd.f32 v11, v5;
	v3 =	vmul.f32 v6, v19;
	(erf) = vrcp.f32 v2;
	v2 =	vld [tilespmem:$0x1F270]  }
0x570: {  	v0 =	vadd.f32 v55, v61;
	v33 =	vmul.f32 v6, v20;
	v55 =	vmul.f32 v6, v24  }
0x571: {  	v6 =	vsub.f32 $1.000000000e+00, v54;
	v13 =	vsub.f32 $1.000000000e+00, v3  }
0x572: {  	v5 =	vld [tilespmem:$0x1F260];
	v28 =	vsub.f32 $1.000000000e+00, v33;
	v29 =	vsub.f32 $1.000000000e+00, v55  }
0x573: {  	v36 =	vmul.f32 v6, v21;
	v21 =	vmul.f32 v13, v19  }
0x574: {  	v14 =	vmul.f32 v28, v20;
	v13 =	vmul.f32 v29, v24;
	v2 =	vadd.f32 v2, v16;
	v16 =	vld [tilespmem:$0x1F280]  }
0x575: {  	v20 =	vpop (erf)  }
0x576: {  	v11 =	vpop (erf);
	v4 =	vadd.f32 v21, v36;
	v6 =	vadd.f32 v13, v14  }
0x577: {  	v5 =	vadd.f32 v44, v5;
	v19 =	vmul.f32 v11, v10;
	v24 =	vmul.f32 v11, v37  }
0x578: {  	v44 =	vmul.f32 v11, v9;
	v4 =	vadd.f32 v6, v4;
	v6 =	vmul.f32 v11, v8  }
0x579: {  	v27 =	vsub.f32 $1.000000000e+00, v24;
	v16 =	vadd.f32 v16, v17;
	v17 =	vmul.f32 v20, v38  }
0x57a: {  	v30 =	vsub.f32 $1.000000000e+00, v44;
	v29 =	vsub.f32 $1.000000000e+00, v6  }
0x57b: {  	v11 =	vmul.f32 v20, v42;
	[tilespmem:$0x1F330] =	vst v17;
	v17 =	vadd.f32 v47, v5;
	v5 =	vsub.f32 $1.000000000e+00, v19  }
0x57c: {  	v9 =	vmul.f32 v30, v9;
	v8 =	vmul.f32 v29, v8  }
0x57d: {  	[tilespmem:$0x1FE90] =	vst v11;
	v11 =	vmul.f32 v5, v10;
	v10 =	vmul.f32 v27, v37  }
0x57e: {  	v28 =	vperm.xlane v4, v45;
	v31 =	vadd.f32 v6, v25;
	v47 =	vadd.f32 v24, v22  }
0x57f: {  	v22 =	vadd.f32 v9, v8;
	v6 =	vadd.f32 v10, v11  }
0x580: {  	v4 =	vadd.f32 v4, v28  }
0x581: {  	v22 =	vadd.f32 v22, v6;
	v6 =	vld [tilespmem:$0x1FFC0]  }
0x582: {  	v38 =	vadd.f32 v19, v53;
	v19 =	vpop (erf);
	v5 =	vperm.xlane v4, v49  }
0x583: {  	v24 =	vpop (erf)  }
0x584: {  	v27 =	vmul.f32 v24, v26;
	v28 =	vmul.f32 v24, v60;
	v29 =	vadd.f32 v4, v5  }
0x585: {  	v30 =	vmul.f32 v24, v63;
	v24 =	vmul.f32 v24, v12  }
0x586: {  	v4 =	vsub.f32 $1.000000000e+00, v27;
	v6 =	vperm.xlane v29, v6  }
0x587: {  	v62 =	vsub.f32 $1.000000000e+00, v30;
	v58 =	vsub.f32 $1.000000000e+00, v24;
	v59 =	vperm.xlane v22, v45  }
0x588: {  	v4 =	vmul.f32 v4, v26;
	v26 =	vadd.f32 v29, v6  }
0x589: {  	v6 =	vmul.f32 v62, v63;
	v63 =	vmul.f32 v58, v12;
	v12 =	vadd.f32 v22, v59  }
0x58a: {  	v5 =	vsub.f32 $1.000000000e+00, v28  }
0x58b: {  	v37 =	vperm.xlane v26, v32;
	v53 =	vperm.xlane v12, v49  }
0x58c: {  	v5 =	vmul.f32 v5, v60  }
0x58d: {  	v26 =	vadd.f32 v26, v37;
	v37 =	vadd.f32 v12, v53;
	v12 =	vmul.f32 v20, v40  }
0x58e: {  	v22 =	vadd.f32 v5, v4;
	v42 =	vadd.f32 v63, v6  }
0x58f: {  	[tilespmem:$0x1FEB0] =	vst v12;
	v12 =	vld [tilespmem:$0x1FFC0]  }
0x590: {  	v61 =	vmul.f32 v19, v56;
	v22 =	vadd.f32 v42, v22;
	_ =	sdelay $0x1  }
0x591: {  	v62 =	vsub.f32 $1.000000000e+00, v61;
	(erf) = vrcp.f32 v26;
	v26 =	vperm.xlane v22, v45  }
0x592: {  	v25 =	vmul.f32 v19, v50  }
0x593: {  	v56 =	vmul.f32 v62, v56;
	v26 =	vadd.f32 v22, v26;
	v53 =	vperm.xlane v37, v12  }
0x594: {  	v62 =	vadd.f32 v25, v7;
	v7 =	vld [tilespmem:$0x1FFC0];
	v20 =	vmul.f32 v20, v34;
	v12 =	vadd.f32 v27, v57  }
0x595: {  	v27 =	vadd.f32 v37, v53;
	v37 =	vadd.f32 v30, v23;
	v23 =	vperm.xlane v26, v49;
	_ =	sdelay $0x1  }
0x596: {  	[tilespmem:$0x1FED0] =	vst v20;
	v20 =	vadd.f32 v26, v23  }
0x597: {  	v29 =	vmul.f32 v19, v52;
	v58 =	vmul.f32 v19, v51;
	v19 =	vsub.f32 $1.000000000e+00, v25  }
0x598: {  	v22 =	vadd.f32 v28, v1;
	v28 =	vperm.xlane v27, v32;
	v7 =	vperm.xlane v20, v7  }
0x599: {  	v59 =	vmul.f32 v19, v50;
	v19 =	vadd.f32 v24, v18;
	v24 =	vadd.f32 v29, v15;
	v23 =	vpop (erf)  }
0x59a: {  	v26 =	vadd.f32 v27, v28;
	v15 =	vmul.f32 v23, v21;
	v25 =	vadd.f32 v20, v7  }
0x59b: {  	v40 =	vsub.f32 $1.000000000e+00, v29  }
0x59c: {  	(erf) = vrcp.f32 v26;
	v26 =	vsub.f32 $1.000000000e+00, v15;
	v27 =	vperm.xlane v25, v32;
	_ =	sdelay $0x1  }
0x59d: {  	v60 =	vmul.f32 v40, v52;
	v40 =	vmul.f32 v26, v21;
	v21 =	vadd.f32 v25, v27;
	v25 =	vld [tilespmem:$0x1F290];
	_ =	sdelay $0x3  }
0x59e: {  	v42 =	vsub.f32 $1.000000000e+00, v58;
	v26 =	vld [tilespmem:$0x1FB00]  }
0x59f: {  	v25 =	vadd.f32 v25, v16;
	v16 =	vld [tilespmem:$0x1F960]  }
0x5a0: {  	v57 =	vmul.f32 v42, v51;
	_ =	sdelay $0x1  }
0x5a1: {  	v1 =	vadd.f32 v60, v59;
	v18 =	vadd.f32 v56, v57;
	_ =	sdelay $0x1  }
0x5a2: {  	v1 =	vadd.f32 v18, v1;
	v16 =	vadd.f32 v26, v16;
	v26 =	vld [tilespmem:$0x1F2A0];
	_ =	sdelay $0x1  }
0x5a3: {  	v20 =	vmul.f32 v23, v13;
	v7 =	vperm.xlane v1, v45  }
0x5a4: {  	v34 =	vadd.f32 v58, v0;
	v18 =	vmul.f32 v23, v36  }
0x5a5: {  	v0 =	vmul.f32 v23, v14;
	v29 =	vsub.f32 $1.000000000e+00, v20;
	v30 =	vadd.f32 v1, v7  }
0x5a6: {  	v23 =	vsub.f32 $1.000000000e+00, v18;
	v27 =	vmov v26;
	v26 =	vld [tilespmem:$0x1F2B0]  }
0x5a7: {  	v28 =	vsub.f32 $1.000000000e+00, v0;
	v1 =	vmul.f32 v29, v13;
	v13 =	vperm.xlane v30, v49  }
0x5a8: {  	v7 =	vmul.f32 v23, v36  }
0x5a9: {  	v42 =	vmul.f32 v28, v14;
	v13 =	vadd.f32 v30, v13;
	v30 =	vadd.f32 v46, v17;
	v17 =	vld [tilespmem:$0x1FBA0]  }
0x5aa: {  	[tilespmem:$0x1F960] =	vst v27;
	v27 =	vld [tilespmem:$0x1F2C0]  }
0x5ab: {  	v14 =	vadd.f32 v40, v7;
	(erf) = vrcp.f32 v21;
	v28 =	vadd.f32 v1, v42;
	v21 =	vmovc v26;
	v26 =	vld [tilespmem:$0x1FFC0];
	_ =	sdelay $0x1  }
0x5ac: {  	v14 =	vadd.f32 v28, v14;
	v23 =	vpop (erf)  }
0x5ad: {  	v58 =	vadd.f32 v61, v35;
	v35 =	vmul.f32 v23, v10;
	v36 =	vmul.f32 v23, v8  }
0x5ae: {  	v16 =	vadd.f32 v17, v16;
	v17 =	vperm.xlane v14, v45;
	[tilespmem:$0x1FB00] =	vst v21;
	v21 =	vmul.f32 v23, v11  }
0x5af: {  	v23 =	vmul.f32 v23, v9;
	v29 =	vperm.xlane v13, v26;
	v26 =	vmov v27  }
0x5b0: {  	v27 =	vsub.f32 $1.000000000e+00, v35;
	[tilespmem:$0x1FBA0] =	vst v26;
	v26 =	vsub.f32 $1.000000000e+00, v21  }
0x5b1: {  	v14 =	vadd.f32 v14, v17;
	v17 =	vsub.f32 $1.000000000e+00, v23  }
0x5b2: {  	v27 =	vmul.f32 v27, v10;
	v10 =	vld [tilespmem:$0x1FCA0];
	v26 =	vmul.f32 v26, v11;
	v11 =	vsub.f32 $1.000000000e+00, v36  }
0x5b3: {  	v28 =	vmov v41  }
0x5b4: {  	[tilespmem:$0x1FCA0] =	vst v28;
	v28 =	vmul.f32 v11, v8;
	v8 =	vmul.f32 v17, v9;
	v17 =	vld [tilespmem:$0x1FCE0];
	_ =	sdelay $0x2  }
0x5b5: {  	v53 =	vld [tilespmem:$0x1FFC0];
	v10 =	vadd.f32 v10, v16  }
0x5b6: {  	v52 =	vld [tilespmem:$0x1FD40];
	v51 =	vperm.xlane v14, v49;
	v11 =	vadd.f32 v13, v29;
	v29 =	vadd.f32 v8, v28  }
0x5b7: {  	v10 =	vadd.f32 v17, v10;
	v17 =	vadd.f32 v27, v26  }
0x5b8: {  	v14 =	vadd.f32 v14, v51;
	v9 =	vpop (erf);
	v16 =	vmov v48  }
0x5b9: {  	[tilespmem:$0x1FCE0] =	vst v16;
	v16 =	vmul.f32 v9, v5;
	v17 =	vadd.f32 v29, v17;
	v29 =	vld [tilespmem:$0x1FDC0]  }
0x5ba: {  	v2 =	vadd.f32 v43, v2;
	v61 =	vperm.xlane v14, v53;
	v13 =	vmul.f32 v9, v4  }
0x5bb: {  	v53 =	vld [tilespmem:$0x1FEF0];
	v41 =	vmul.f32 v9, v6;
	v10 =	vadd.f32 v52, v10;
	v52 =	vmovc v23;
	v23 =	vsub.f32 $1.000000000e+00, v16  }
0x5bc: {  	v51 =	vmovc v44;
	v14 =	vadd.f32 v14, v61;
	v9 =	vmul.f32 v9, v63;
	v44 =	vsub.f32 $1.000000000e+00, v13  }
0x5bd: {  	[tilespmem:$0x1FD40] =	vst v51;
	v43 =	vsub.f32 $1.000000000e+00, v41;
	v46 =	vperm.xlane v17, v45;
	v51 =	vmul.f32 v23, v5;
	v5 =	vld [tilespmem:$0x1F2D0]  }
0x5be: {  	v61 =	vperm.xlane v14, v32;
	v48 =	vsub.f32 $1.000000000e+00, v9;
	v10 =	vadd.f32 v29, v10  }
0x5bf: {  	v50 =	vmul.f32 v44, v4;
	v44 =	vmul.f32 v43, v6;
	v4 =	vadd.f32 v17, v46;
	v17 =	vld [tilespmem:$0x1F2E0]  }
0x5c0: {  	v6 =	vadd.f32 v14, v61;
	[tilespmem:$0x1FDC0] =	vst v52;
	v52 =	vmul.f32 v48, v63;
	v10 =	vadd.f32 v53, v10  }
0x5c1: {  	v29 =	vperm.xlane v11, v32  }
0x5c2: {  	(erf) = vrcp.f32 v6;
	v6 =	vadd.f32 v52, v44;
	v5 =	vadd.f32 v5, v10  }
0x5c3: {  	v11 =	vadd.f32 v11, v29;
	v10 =	vadd.f32 v51, v50  }
0x5c4: {  	v5 =	vadd.f32 v17, v5;
	v17 =	vadd.f32 v13, v12;
	v12 =	vld [tilespmem:$0x1F2F0]  }
0x5c5: {  	v6 =	vadd.f32 v6, v10;
	v10 =	vld [tilespmem:$0x1FFC0]  }
0x5c6: {  	v14 =	vperm.xlane v4, v49;
	(erf) = vrcp.f32 v11;
	v11 =	vld [tilespmem:$0x1F300];
	_ =	sdelay $0x1  }
0x5c7: {  	v4 =	vadd.f32 v4, v14  }
0x5c8: {  	v5 =	vadd.f32 v12, v5  }
0x5c9: {  	v10 =	vperm.xlane v4, v10  }
0x5ca: {  	v5 =	vadd.f32 v11, v5  }
0x5cb: {  	v11 =	vadd.f32 v9, v19;
	v9 =	vperm.xlane v6, v45;
	v4 =	vadd.f32 v4, v10;
	_ =	sdelay $0x1  }
0x5cc: {  	v23 =	vadd.f32 v41, v37;
	v41 =	vld [tilespmem:$0x1FFC0];
	v6 =	vadd.f32 v6, v9;
	v9 =	vperm.xlane v4, v32  }
0x5cd: {  	v19 =	vld [tilespmem:$0x1F320]  }
0x5ce: {  	v10 =	vadd.f32 v21, v38;
	v21 =	vadd.f32 v4, v9;
	v9 =	vld [tilespmem:$0x1F310]  }
0x5cf: {  	v16 =	vadd.f32 v16, v22;
	v14 =	vperm.xlane v6, v49  }
0x5d0: {  	v63 =	vadd.f32 v54, v30;
	v5 =	vadd.f32 v39, v5  }
0x5d1: {  	v13 =	vadd.f32 v36, v31;
	v6 =	vadd.f32 v6, v14  }
0x5d2: {  	s13 =	smov.u32 s14;
	s14 =	smov.u32 s15;
	s15 =	sshra.s32 s16, $0x2;
	v5 =	vadd.f32 v55, v5;
	v22 =	vadd.f32 v19, v25  }
0x5d3: {  	v14 =	vld [tilespmem:s15+$0x40];
	v2 =	vadd.f32 v9, v2;
	v9 =	vpop (erf);
	(erf) = vrcp.f32 v21;
	v21 =	vperm.xlane v6, v41  }
0x5d4: {  	v5 =	vadd.f32 v20, v5;
	v1 =	vmul.f32 v9, v1;
	v4 =	vpop (erf);
	v31 =	vmul.f32 v9, v7  }
0x5d5: {  	v19 =	vmul.f32 v4, v59;
	v20 =	vmul.f32 v4, v60;
	v61 =	vadd.f32 v3, v2  }
0x5d6: {  	v25 =	vmul.f32 v4, v57;
	v2 =	vld [tilespmem:s15+$0x60];
	v6 =	vadd.f32 v6, v21;
	v1 =	vadd.f32 v1, v5  }
0x5d7: {  	v3 =	vmul.f32 v4, v56;
	v5 =	vld [tilespmem:s15+$0x50];
	v4 =	vsub.f32 $1.000000000e+00, v19;
	v29 =	vsub.f32 $1.000000000e+00, v20  }
0x5d8: {  	v30 =	vsub.f32 $1.000000000e+00, v25;
	v62 =	vadd.f32 v19, v62;
	v19 =	vmul.f32 $1.442695020e+00, v14  }
0x5d9: {  	v48 =	vmul.f32 v4, v59;
	v21 =	vmul.f32 v29, v60  }
0x5da: {  	v4 =	vsub.f32 $1.000000000e+00, v3;
	v59 =	vperm.xlane v6, v32;
	v46 =	vmul.f32 v30, v57  }
0x5db: {  	v12 =	vadd.f32 v35, v47;
	(erf) = vpow2.f32 v19;
	v2 =	vmul.f32 $1.442695020e+00, v2  }
0x5dc: {  	v19 =	vadd.f32 v20, v24;
	v47 =	vmul.f32 v4, v56;
	v5 =	vmul.f32 $1.442695020e+00, v5;
	v14 =	vpop (erf)  }
0x5dd: {  	[tilespmem:s13+$0x8070] =	vst v1;
	v6 =	vadd.f32 v6, v59;
	v59 =	vmul.f32 v14, v26;
	v60 =	vmul.f32 v14, v27  }
0x5de: {  	v1 =	vld [tilespmem:s15+$0x70];
	v4 =	vadd.f32 v21, v48;
	v20 =	vmul.f32 v14, v28;
	v24 =	vmul.f32 v14, v8  }
0x5df: {  	v7 =	vld [tilespmem:s15+$0x0];
	(erf) = vpow2.f32 v5;
	v5 =	vsub.f32 $1.000000000e+00, v59;
	v14 =	vsub.f32 $1.000000000e+00, v60  }
0x5e0: {  	(erf) = vpow2.f32 v2;
	v2 =	vsub.f32 $1.000000000e+00, v20;
	[tilespmem:$0x1FEF0] =	vst v24;
	v24 =	vsub.f32 $1.000000000e+00, v24  }
0x5e1: {  	v30 =	vadd.f32 v47, v46;
	v57 =	vmul.f32 v5, v26;
	v54 =	vmul.f32 v14, v27  }
0x5e2: {  	v55 =	vmul.f32 v2, v28;
	v56 =	vmul.f32 v24, v8  }
0x5e3: {  	v1 =	vmul.f32 $1.442695020e+00, v1;
	v4 =	vadd.f32 v30, v4  }
0x5e4: {  	v2 =	vmul.f32 $1.442695020e+00, v7;
	v5 =	vadd.f32 v54, v57;
	v7 =	vadd.f32 v56, v55  }
0x5e5: {  	(erf) = vpow2.f32 v1  }
0x5e6: {  	v53 =	vpop (erf);
	(erf) = vpow2.f32 v2;
	v2 =	vadd.f32 v7, v5;
	v5 =	vperm.xlane v4, v45  }
0x5e7: {  	v28 =	vadd.f32 v3, v58;
	v3 =	vld [tilespmem:$0x1F340]  }
0x5e8: {  	v4 =	vadd.f32 v4, v5;
	v5 =	vld [tilespmem:$0x1F350];
	_ =	sdelay $0x3  }
0x5e9: {  	v29 =	vld [tilespmem:s15+$0x10]  }
0x5ea: {  	v25 =	vadd.f32 v25, v34;
	v34 =	vmul.f32 v9, v40;
	v40 =	vadd.f32 v5, v3;
	v3 =	vld [tilespmem:$0x1F360]  }
0x5eb: {  	v5 =	vld [tilespmem:$0x1F370];
	_ =	sdelay $0x3  }
0x5ec: {  	v1 =	vmul.f32 $1.442695020e+00, v29  }
0x5ed: {  	v29 =	vmul.f32 v9, v42;
	v42 =	vadd.f32 v5, v3;
	v3 =	vld [tilespmem:$0x1F380]  }
0x5ee: {  	(erf) = vpow2.f32 v1;
	v1 =	vperm.xlane v2, v45;
	v5 =	vld [tilespmem:$0x1F390]  }
0x5ef: {  	v36 =	vld [tilespmem:s15+$0x20]  }
0x5f0: {  	v43 =	vld [tilespmem:s15+$0x30];
	v2 =	vadd.f32 v2, v1;
	v1 =	vperm.xlane v4, v49;
	_ =	sdelay $0x1  }
0x5f1: {  	v1 =	vadd.f32 v4, v1;
	v4 =	vld [tilespmem:$0x1F3A0]  }
0x5f2: {  	p0 =	sne.s32 s16, $0x1FE00;
	v7 =	vadd.f32 v5, v3;
	v5 =	vld [tilespmem:$0x1F3B0]  }
.Ltmp0:
0x5f3: {  	v8 =	vmul.f32 $1.442695020e+00, v36;
	(pc) =	sbr.rel @p0 .LBB2_3-.Ltmp0, $4  }
0x5f4: {  	v30 =	vadd.f32 v59, v10;
	v10 =	vmul.f32 $1.442695020e+00, v43  }
0x5f5: {  	v38 =	vadd.f32 v33, v22;
	(erf) = vpow2.f32 v8;
	v58 =	vpop (erf)  }
0x5f6: {  	v26 =	vadd.f32 v60, v12;
	v27 =	vadd.f32 v20, v13;
	(erf) = vpow2.f32 v10;
	v59 =	vpop (erf)  }
0x5f7: {  	s16 =	sadd.s32 $0x200, s16;
	v32 =	vld [tilespmem:$0x1F330];
	(erf) = vrcp.f32 v6;
	v35 =	vpop (erf);
	v3 =	vperm.xlane v2, v49;
	v8 =	vadd.f32 v5, v4  }
0x5f8: {  	v33 =	vld [tilespmem:$0x1FFD0]  }
0x5f9: {  	v4 =	vadd.f32 v58, v53;
	v5 =	vadd.f32 v35, v59;
	_ =	sdelay $0x1  }
0x5fa: {  	v4 =	vadd.f32 v5, v4  }
0x5fb: {  	v60 =	vld [tilespmem:$0x1FFE0];
	v2 =	vadd.f32 v2, v3  }
0x5fc: {  	v13 =	vld [tilespmem:$0x1FFF0];
	v36 =	vperm.xlane v4, v33  }
0x5fd: {  	v37 =	vperm.xlane v2, v41  }
0x5fe: {  	v9 =	vpop (erf);
	v3 =	vadd.f32 v36, v4  }
0x5ff: {  	v10 =	vpop (erf);
	v2 =	vadd.f32 v2, v37  }
0x600: {  	v12 =	vpop (erf);
	v4 =	vperm.xlane v3, v60  }
0x601: {  	v43 =	vadd.f32 v10, v9;
	v5 =	vperm.xlane v2, v13;
	v45 =	vpop (erf)  }
0x602: {  	v6 =	vadd.f32 v45, v12;
	v3 =	vadd.f32 v4, v3  }
0x603: {  	v39 =	vperm.xlane v1, v41;
	v2 =	vadd.f32 v2, v5  }
0x604: {  	v49 =	vadd.f32 v6, v43;
	v14 =	vperm.xlane v3, v41  }
0x605: {  	v1 =	vadd.f32 v1, v39;
	(erf) = vrcp.f32 v2  }
0x606: {  	v24 =	vpop (erf);
	v6 =	vperm.xlane v49, v33;
	v3 =	vadd.f32 v14, v3  }
0x607: {  	v20 =	vmul.f32 v24, v50;
	v4 =	vperm.xlane v1, v13  }
0x608: {  	v2 =	vadd.f32 v6, v49;
	v14 =	vperm.xlane v3, v13  }
0x609: {  	v22 =	vmul.f32 v24, v51;
	v37 =	vsub.f32 $1.000000000e+00, v20;
	v1 =	vadd.f32 v1, v4  }
0x60a: {  	v36 =	vmul.f32 v24, v44;
	v43 =	vperm.xlane v2, v60;
	v3 =	vadd.f32 v14, v3  }
0x60b: {  	v39 =	vsub.f32 $1.000000000e+00, v22;
	v5 =	vmul.f32 v37, v50;
	(erf) = vrcp.f32 v1  }
0x60c: {  	v6 =	vsub.f32 $1.000000000e+00, v36;
	v1 =	vadd.f32 v43, v2;
	(erf) = vrcp.f32 v3  }
0x60d: {  	v4 =	vmul.f32 v39, v51;
	v49 =	vmul.f32 v24, v52  }
0x60e: {  	v6 =	vmul.f32 v6, v44;
	v2 =	vpop (erf);
	v24 =	vperm.xlane v1, v41  }
0x60f: {  	[tilespmem:$0x1E6A0] =	vst v20;
	v50 =	vsub.f32 $1.000000000e+00, v49;
	v51 =	vmul.f32 v2, v57;
	v41 =	vmul.f32 v2, v54  }
0x610: {  	[tilespmem:$0x1E6C0] =	vst v36;
	v36 =	vmul.f32 v2, v55;
	v1 =	vadd.f32 v24, v1;
	v24 =	vmul.f32 v2, v56  }
0x611: {  	[tilespmem:$0x1E6D0] =	vst v49;
	v44 =	vmul.f32 v50, v52;
	v49 =	vsub.f32 $1.000000000e+00, v51;
	v50 =	vsub.f32 $1.000000000e+00, v41  }
0x612: {  	v52 =	vsub.f32 $1.000000000e+00, v36;
	[tilespmem:$0x1EB50] =	vst v24;
	v24 =	vsub.f32 $1.000000000e+00, v24  }
0x613: {  	[tilespmem:$0x1E6B0] =	vst v22;
	v3 =	vmul.f32 v49, v57;
	v2 =	vmul.f32 v50, v54  }
0x614: {  	[tilespmem:$0x1E700] =	vst v36;
	v36 =	vpop (erf);
	v20 =	vmul.f32 v52, v55;
	v22 =	vmul.f32 v24, v56  }
0x615: {  	v39 =	vpop (erf)  }
0x616: {  	[tilespmem:$0x1E6E0] =	vst v51;
	v56 =	vadd.f32 v2, v3;
	v52 =	vadd.f32 v22, v20;
	v55 =	vmul.f32 v39, v53  }
0x617: {  	[tilespmem:$0x1E6F0] =	vst v41;
	v51 =	vadd.f32 v4, v5;
	v37 =	vperm.xlane v1, v13;
	v54 =	vadd.f32 v44, v6  }
0x618: {  	v57 =	vmul.f32 v39, v58;
	[tilespmem:$0x1E760] =	vst v55;
	v41 =	vsub.f32 $1.000000000e+00, v55;
	v55 =	vadd.f32 v52, v56  }
0x619: {  	v1 =	vadd.f32 v37, v1;
	v49 =	vmul.f32 v39, v59;
	v43 =	vmul.f32 v39, v35  }
0x61a: {  	v14 =	vadd.f32 v54, v51;
	v54 =	vsub.f32 $1.000000000e+00, v57;
	v52 =	vperm.xlane v55, v33  }
0x61b: {  	(erf) = vrcp.f32 v1;
	[tilespmem:$0x1E780] =	vst v57;
	v56 =	vsub.f32 $1.000000000e+00, v49;
	v57 =	vsub.f32 $1.000000000e+00, v43  }
0x61c: {  	v37 =	vmul.f32 v54, v58;
	v58 =	vperm.xlane v14, v33;
	v1 =	vadd.f32 v55, v52  }
0x61d: {  	v24 =	vmul.f32 v41, v53;
	v39 =	vmul.f32 v56, v59;
	v52 =	vld [tilespmem:$0x1FFC0]  }
0x61e: {  	v35 =	vmul.f32 v57, v35;
	v14 =	vadd.f32 v14, v58;
	v56 =	vperm.xlane v1, v60  }
0x61f: {  	v53 =	vadd.f32 v37, v24;
	v58 =	vld [tilespmem:$0x1FFC0]  }
0x620: {  	v54 =	vadd.f32 v35, v39;
	v55 =	vperm.xlane v14, v60;
	v1 =	vadd.f32 v1, v56;
	_ =	sdelay $0x1  }
0x621: {  	[tilespmem:$0x1E820] =	vst v49;
	v41 =	vadd.f32 v54, v53;
	v14 =	vadd.f32 v14, v55;
	v49 =	vperm.xlane v1, v52;
	_ =	sdelay $0x1  }
0x622: {  	v57 =	vperm.xlane v41, v33;
	v50 =	vperm.xlane v14, v58;
	v1 =	vadd.f32 v1, v49;
	_ =	sdelay $0x1  }
0x623: {  	v41 =	vadd.f32 v41, v57;
	v14 =	vadd.f32 v14, v50;
	v57 =	vperm.xlane v1, v13;
	_ =	sdelay $0x1  }
0x624: {  	[tilespmem:$0x1EEE0] =	vst v43;
	v43 =	vpop (erf);
	v55 =	vperm.xlane v14, v13;
	v1 =	vadd.f32 v1, v57;
	v57 =	vld [tilespmem:$0x1FFC0]  }
0x625: {  	v59 =	vmul.f32 v43, v9;
	v54 =	vperm.xlane v41, v60  }
0x626: {  	v56 =	vmul.f32 v43, v10;
	v14 =	vadd.f32 v14, v55  }
0x627: {  	[tilespmem:$0x1E7A0] =	vst v59;
	v53 =	vsub.f32 $1.000000000e+00, v59;
	v59 =	vmul.f32 v43, v45;
	v41 =	vadd.f32 v41, v54  }
0x628: {  	[tilespmem:$0x1E7C0] =	vst v56;
	v58 =	vmul.f32 v43, v12;
	(erf) = vrcp.f32 v14  }
0x629: {  	v56 =	vsub.f32 $1.000000000e+00, v56;
	[tilespmem:$0x1E800] =	vst v59;
	(erf) = vrcp.f32 v1;
	v49 =	vperm.xlane v41, v57  }
0x62a: {  	v59 =	vsub.f32 $1.000000000e+00, v59;
	[tilespmem:$0x1E7E0] =	vst v58;
	v58 =	vsub.f32 $1.000000000e+00, v58  }
0x62b: {  	v9 =	vmul.f32 v53, v9;
	v10 =	vmul.f32 v56, v10;
	v51 =	vadd.f32 v41, v49  }
0x62c: {  	v12 =	vmul.f32 v58, v12;
	v54 =	vmul.f32 v59, v45  }
0x62d: {  	v57 =	vperm.xlane v51, v13  }
0x62e: {  	v58 =	vadd.f32 v10, v9;
	v59 =	vadd.f32 v54, v12  }
0x62f: {  	v1 =	vadd.f32 v51, v57  }
0x630: {  	v41 =	vadd.f32 v59, v58  }
0x631: {  	v49 =	vpop (erf);
	(erf) = vrcp.f32 v1  }
0x632: {  	v43 =	vperm.xlane v41, v33;
	v45 =	vpop (erf)  }
0x633: {  	v55 =	vmul.f32 v45, v3  }
0x634: {  	v1 =	vadd.f32 v41, v43  }
0x635: {  	v56 =	vmul.f32 v45, v2;
	v58 =	vmul.f32 v45, v20;
	[tilespmem:$0x1E870] =	vst v55;
	v51 =	vsub.f32 $1.000000000e+00, v55;
	v55 =	vld [tilespmem:$0x1FFC0]  }
0x636: {  	v59 =	vmul.f32 v45, v22;
	v57 =	vperm.xlane v1, v60  }
0x637: {  	v43 =	vsub.f32 $1.000000000e+00, v56;
	v52 =	vsub.f32 $1.000000000e+00, v58  }
0x638: {  	v53 =	vsub.f32 $1.000000000e+00, v59;
	v1 =	vadd.f32 v1, v57;
	v14 =	vmul.f32 v51, v3  }
0x639: {  	v50 =	vmul.f32 v43, v2;
	v20 =	vmul.f32 v52, v20  }
0x63a: {  	[tilespmem:$0x1EA10] =	vst v56;
	v22 =	vmul.f32 v53, v22;
	v3 =	vperm.xlane v1, v55;
	v56 =	vpop (erf)  }
0x63b: {  	[tilespmem:$0x1EA20] =	vst v58;
	v2 =	vadd.f32 v50, v14;
	v57 =	vmul.f32 v56, v24  }
0x63c: {  	[tilespmem:$0x1EB90] =	vst v59;
	v1 =	vadd.f32 v1, v3;
	v3 =	vadd.f32 v22, v20;
	v58 =	vmul.f32 v56, v37  }
0x63d: {  	v52 =	vmul.f32 v56, v39;
	[tilespmem:$0x1E770] =	vst v57  }
0x63e: {  	v59 =	vmul.f32 v56, v35;
	v2 =	vadd.f32 v3, v2;
	[tilespmem:$0x1E790] =	vst v58  }
0x63f: {  	[tilespmem:$0x1E830] =	vst v52;
	v56 =	vsub.f32 $1.000000000e+00, v57;
	v57 =	vsub.f32 $1.000000000e+00, v58;
	v58 =	vperm.xlane v1, v13  }
0x640: {  	[tilespmem:$0x1EEF0] =	vst v59;
	v52 =	vsub.f32 $1.000000000e+00, v52;
	v59 =	vsub.f32 $1.000000000e+00, v59;
	v3 =	vperm.xlane v2, v33  }
0x641: {  	v24 =	vmul.f32 v56, v24;
	v37 =	vmul.f32 v57, v37  }
0x642: {  	v51 =	vmul.f32 v52, v39;
	v52 =	vmul.f32 v59, v35  }
0x643: {  	v53 =	vmul.f32 v36, v21;
	v1 =	vadd.f32 v1, v58;
	v2 =	vadd.f32 v2, v3  }
0x644: {  	v45 =	vmul.f32 v36, v48;
	v43 =	vadd.f32 v37, v24;
	v35 =	vadd.f32 v52, v51  }
0x645: {  	[tilespmem:$0x1E720] =	vst v53;
	v55 =	vmul.f32 v36, v46;
	v58 =	vsub.f32 $1.000000000e+00, v53;
	v53 =	vld [tilespmem:$0x1FFC0];
	(erf) = vrcp.f32 v1  }
0x646: {  	v3 =	vsub.f32 $1.000000000e+00, v45;
	v57 =	vperm.xlane v2, v60;
	v1 =	vadd.f32 v35, v43  }
0x647: {  	[tilespmem:$0x1E730] =	vst v55;
	v56 =	vmul.f32 v36, v47;
	v59 =	vsub.f32 $1.000000000e+00, v55;
	v55 =	vmul.f32 v49, v5  }
0x648: {  	[tilespmem:$0x1E710] =	vst v45;
	v41 =	vmul.f32 v3, v48;
	v2 =	vadd.f32 v2, v57;
	v45 =	vperm.xlane v1, v33  }
0x649: {  	v48 =	vsub.f32 $1.000000000e+00, v56;
	v43 =	vmul.f32 v58, v21;
	v58 =	vmul.f32 v49, v6  }
0x64a: {  	[tilespmem:$0x1E750] =	vst v55;
	v57 =	vmul.f32 v49, v4;
	v3 =	vperm.xlane v2, v53;
	v1 =	vadd.f32 v1, v45  }
0x64b: {  	v35 =	vmul.f32 v59, v46;
	v59 =	vsub.f32 $1.000000000e+00, v55;
	[tilespmem:$0x1E850] =	vst v58;
	v55 =	vsub.f32 $1.000000000e+00, v58;
	v58 =	vld [tilespmem:$0x1FFC0]  }
0x64c: {  	[tilespmem:$0x1E740] =	vst v56;
	v45 =	vadd.f32 v2, v3;
	v3 =	vsub.f32 $1.000000000e+00, v57;
	v56 =	vperm.xlane v1, v60  }
0x64d: {  	v39 =	vmul.f32 v48, v47;
	v2 =	vmul.f32 v59, v5  }
0x64e: {  	v46 =	vpop (erf);
	v4 =	vmul.f32 v3, v4;
	v1 =	vadd.f32 v1, v56;
	v56 =	vperm.xlane v45, v13  }
0x64f: {  	v3 =	vmul.f32 v55, v6;
	v53 =	vmul.f32 v46, v9  }
0x650: {  	v36 =	vmul.f32 v46, v10;
	v48 =	vperm.xlane v1, v58;
	v59 =	vadd.f32 v45, v56  }
0x651: {  	[tilespmem:$0x1E840] =	vst v57;
	v55 =	vmul.f32 v46, v12;
	v46 =	vmul.f32 v46, v54;
	v57 =	vsub.f32 $1.000000000e+00, v53  }
0x652: {  	[tilespmem:$0x1E7B0] =	vst v53;
	v53 =	vadd.f32 v39, v35;
	v1 =	vadd.f32 v1, v48;
	(erf) = vrcp.f32 v59  }
0x653: {  	v56 =	vsub.f32 $1.000000000e+00, v36;
	v5 =	vmul.f32 v57, v9;
	v48 =	vadd.f32 v43, v41  }
0x654: {  	v57 =	vmul.f32 v49, v44;
	v59 =	vsub.f32 $1.000000000e+00, v55;
	v58 =	vperm.xlane v1, v13  }
0x655: {  	v10 =	vmul.f32 v56, v10;
	v6 =	vadd.f32 v53, v48;
	v48 =	vsub.f32 $1.000000000e+00, v46  }
0x656: {  	[tilespmem:$0x1E7D0] =	vst v36;
	v53 =	vsub.f32 $1.000000000e+00, v57;
	v12 =	vmul.f32 v59, v12;
	v1 =	vadd.f32 v1, v58  }
0x657: {  	[tilespmem:$0x1E7F0] =	vst v55;
	v49 =	vperm.xlane v6, v33;
	v21 =	vmul.f32 v48, v54  }
0x658: {  	v9 =	vmul.f32 v53, v44;
	v54 =	vadd.f32 v10, v5;
	(erf) = vrcp.f32 v1  }
0x659: {  	v6 =	vadd.f32 v6, v49;
	v36 =	vadd.f32 v21, v12  }
0x65a: {  	v55 =	vadd.f32 v4, v2;
	v56 =	vadd.f32 v9, v3  }
0x65b: {  	[tilespmem:$0x1E860] =	vst v57;
	v1 =	vadd.f32 v36, v54;
	v57 =	vperm.xlane v6, v60;
	v45 =	vpop (erf)  }
0x65c: {  	v36 =	vadd.f32 v56, v55;
	v59 =	vmul.f32 v45, v14  }
0x65d: {  	v58 =	vperm.xlane v1, v33;
	v6 =	vadd.f32 v6, v57  }
0x65e: {  	v56 =	vperm.xlane v36, v33;
	v57 =	vmul.f32 v45, v50;
	[tilespmem:$0x1EA70] =	vst v59;
	v59 =	vsub.f32 $1.000000000e+00, v59  }
0x65f: {  	v54 =	vmul.f32 v45, v22;
	v1 =	vadd.f32 v1, v58;
	v58 =	vmul.f32 v45, v20  }
0x660: {  	[tilespmem:$0x1EA80] =	vst v57;
	v36 =	vadd.f32 v36, v56;
	v55 =	vsub.f32 $1.000000000e+00, v57;
	v14 =	vmul.f32 v59, v14  }
0x661: {  	[tilespmem:$0x1EA90] =	vst v58;
	v56 =	vperm.xlane v1, v60;
	v57 =	vsub.f32 $1.000000000e+00, v58;
	v58 =	vsub.f32 $1.000000000e+00, v54;
	v47 =	vpop (erf)  }
0x662: {  	v48 =	vmul.f32 v55, v50;
	v50 =	vld [tilespmem:$0x1FFC0];
	v59 =	vmul.f32 v47, v24  }
0x663: {  	v20 =	vmul.f32 v57, v20;
	v22 =	vmul.f32 v58, v22  }
0x664: {  	[tilespmem:$0x1E810] =	vst v46;
	v55 =	vld [tilespmem:$0x1FFC0];
	v1 =	vadd.f32 v1, v56;
	v53 =	vmul.f32 v47, v37;
	v46 =	vadd.f32 v48, v14  }
0x665: {  	[tilespmem:$0x1EBC0] =	vst v54;
	v54 =	vsub.f32 $1.000000000e+00, v59;
	v56 =	vadd.f32 v22, v20  }
0x666: {  	v58 =	vmul.f32 v47, v51;
	[tilespmem:$0x1E880] =	vst v59;
	v57 =	vsub.f32 $1.000000000e+00, v53;
	v59 =	vmul.f32 v47, v52  }
0x667: {  	v45 =	vperm.xlane v6, v50;
	v24 =	vmul.f32 v54, v24;
	v44 =	vadd.f32 v56, v46  }
0x668: {  	v37 =	vmul.f32 v57, v37;
	v54 =	vperm.xlane v36, v60;
	v56 =	vsub.f32 $1.000000000e+00, v58  }
0x669: {  	v57 =	vsub.f32 $1.000000000e+00, v59;
	v6 =	vadd.f32 v6, v45;
	v45 =	vperm.xlane v1, v55  }
0x66a: {  	v36 =	vadd.f32 v36, v54;
	v54 =	vld [tilespmem:$0x1FFC0]  }
0x66b: {  	v51 =	vmul.f32 v56, v51;
	v49 =	vmul.f32 v57, v52;
	v1 =	vadd.f32 v1, v45  }
0x66c: {  	[tilespmem:$0x1E8A0] =	vst v58;
	v55 =	vperm.xlane v6, v13  }
0x66d: {  	[tilespmem:$0x1EF20] =	vst v59;
	v59 =	vperm.xlane v44, v33;
	v56 =	vadd.f32 v49, v51;
	v58 =	vperm.xlane v1, v13  }
0x66e: {  	v6 =	vadd.f32 v6, v55;
	v55 =	vadd.f32 v37, v24  }
0x66f: {  	v44 =	vadd.f32 v44, v59;
	v1 =	vadd.f32 v1, v58;
	v45 =	vperm.xlane v36, v54  }
0x670: {  	v46 =	vld [tilespmem:$0x1FFC0];
	(erf) = vrcp.f32 v6;
	v57 =	vadd.f32 v56, v55  }
0x671: {  	v58 =	vperm.xlane v44, v60;
	v36 =	vadd.f32 v36, v45;
	(erf) = vrcp.f32 v1  }
0x672: {  	v59 =	vperm.xlane v57, v33  }
0x673: {  	v6 =	vadd.f32 v44, v58;
	v45 =	vperm.xlane v36, v13  }
0x674: {  	v44 =	vadd.f32 v57, v59  }
0x675: {  	v58 =	vld [tilespmem:$0x1FFC0];
	v1 =	vperm.xlane v6, v46;
	v36 =	vadd.f32 v36, v45  }
0x676: {  	v47 =	vperm.xlane v44, v60  }
0x677: {  	v6 =	vadd.f32 v6, v1;
	(erf) = vrcp.f32 v36  }
0x678: {  	v36 =	vadd.f32 v44, v47  }
0x679: {  	v55 =	vperm.xlane v6, v13;
	v1 =	vpop (erf)  }
0x67a: {  	v45 =	vperm.xlane v36, v58;
	v50 =	vpop (erf)  }
0x67b: {  	v6 =	vadd.f32 v6, v55;
	v46 =	vmul.f32 v50, v5;
	v56 =	vmul.f32 v50, v10  }
0x67c: {  	[tilespmem:$0x1E890] =	vst v53;
	v57 =	vmul.f32 v50, v12;
	v59 =	vmul.f32 v50, v21;
	v55 =	vadd.f32 v36, v45  }
0x67d: {  	(erf) = vrcp.f32 v6;
	[tilespmem:$0x1E8C0] =	vst v56;
	v53 =	vsub.f32 $1.000000000e+00, v46;
	v54 =	vsub.f32 $1.000000000e+00, v56  }
0x67e: {  	[tilespmem:$0x1E8D0] =	vst v57;
	v56 =	vsub.f32 $1.000000000e+00, v57;
	v57 =	vsub.f32 $1.000000000e+00, v59;
	v45 =	vperm.xlane v55, v13  }
0x67f: {  	v5 =	vmul.f32 v53, v5;
	v10 =	vmul.f32 v54, v10  }
0x680: {  	v12 =	vmul.f32 v56, v12;
	v21 =	vmul.f32 v57, v21;
	v58 =	vpop (erf)  }
0x681: {  	[tilespmem:$0x1E8E0] =	vst v59;
	v6 =	vadd.f32 v55, v45;
	v59 =	vmul.f32 v58, v2  }
0x682: {  	v52 =	vadd.f32 v10, v5;
	v53 =	vmul.f32 v58, v4;
	v54 =	vadd.f32 v21, v12  }
0x683: {  	[tilespmem:$0x1E8B0] =	vst v46;
	v55 =	vmul.f32 v58, v3;
	v46 =	vsub.f32 $1.000000000e+00, v59  }
0x684: {  	(erf) = vrcp.f32 v6;
	v56 =	vsub.f32 $1.000000000e+00, v53;
	v45 =	vadd.f32 v54, v52  }
0x685: {  	v58 =	vmul.f32 v58, v9;
	v57 =	vsub.f32 $1.000000000e+00, v55;
	v46 =	vmul.f32 v46, v2  }
0x686: {  	[tilespmem:$0x1E960] =	vst v59;
	v36 =	vpop (erf);
	v47 =	vmul.f32 v56, v4;
	v59 =	vperm.xlane v45, v33  }
0x687: {  	[tilespmem:$0x1E970] =	vst v53;
	v44 =	vmul.f32 v57, v3;
	v4 =	vsub.f32 $1.000000000e+00, v58;
	v56 =	vmul.f32 v36, v14  }
0x688: {  	[tilespmem:$0x1EA00] =	vst v58;
	v57 =	vmul.f32 v36, v48;
	v58 =	vmul.f32 v36, v20;
	v2 =	vadd.f32 v45, v59  }
0x689: {  	[tilespmem:$0x1E980] =	vst v55;
	v59 =	vmul.f32 v36, v22;
	v45 =	vmul.f32 v4, v9;
	v53 =	vsub.f32 $1.000000000e+00, v56  }
0x68a: {  	[tilespmem:$0x1EAA0] =	vst v56;
	v54 =	vsub.f32 $1.000000000e+00, v57;
	v56 =	vsub.f32 $1.000000000e+00, v58;
	v55 =	vperm.xlane v2, v60  }
0x68b: {  	[tilespmem:$0x1EB70] =	vst v57;
	v57 =	vadd.f32 v47, v46;
	v36 =	vsub.f32 $1.000000000e+00, v59;
	v3 =	vmul.f32 v53, v14  }
0x68c: {  	[tilespmem:$0x1EB80] =	vst v58;
	v4 =	vmul.f32 v54, v48;
	v58 =	vadd.f32 v45, v44;
	v2 =	vadd.f32 v2, v55;
	v55 =	vld [tilespmem:$0x1FFC0]  }
0x68d: {  	v6 =	vmul.f32 v56, v20;
	v14 =	vpop (erf);
	v9 =	vmul.f32 v36, v22  }
0x68e: {  	[tilespmem:$0x1EBE0] =	vst v59;
	v59 =	vmul.f32 v14, v24;
	v20 =	vadd.f32 v58, v57  }
0x68f: {  	v52 =	vadd.f32 v4, v3;
	v53 =	vadd.f32 v9, v6  }
0x690: {  	v57 =	vmul.f32 v14, v37;
	v54 =	vsub.f32 $1.000000000e+00, v59;
	v56 =	vperm.xlane v20, v33  }
0x691: {  	[tilespmem:$0x1E930] =	vst v59;
	v59 =	vmul.f32 v14, v51;
	v36 =	vadd.f32 v53, v52;
	v48 =	vperm.xlane v2, v55  }
0x692: {  	[tilespmem:$0x1E940] =	vst v57;
	v57 =	vsub.f32 $1.000000000e+00, v57;
	v22 =	vmul.f32 v54, v24;
	v52 =	vmul.f32 v14, v49  }
0x693: {  	[tilespmem:$0x1E950] =	vst v59;
	v59 =	vsub.f32 $1.000000000e+00, v59;
	v58 =	vperm.xlane v36, v33;
	v2 =	vadd.f32 v2, v48  }
0x694: {  	v20 =	vadd.f32 v20, v56;
	v24 =	vmul.f32 v57, v37;
	[tilespmem:$0x1EF60] =	vst v52;
	v52 =	vsub.f32 $1.000000000e+00, v52  }
0x695: {  	v55 =	vld [tilespmem:$0x1FFC0];
	v37 =	vmul.f32 v59, v51;
	v14 =	vadd.f32 v36, v58;
	v56 =	vperm.xlane v2, v13  }
0x696: {  	v57 =	vld [tilespmem:$0x1FFC0];
	v58 =	vperm.xlane v20, v60;
	v48 =	vmul.f32 v52, v49  }
0x697: {  	v53 =	vperm.xlane v14, v60;
	v2 =	vadd.f32 v2, v56  }
0x698: {  	v20 =	vadd.f32 v20, v58;
	v49 =	vadd.f32 v48, v37  }
0x699: {  	v56 =	vadd.f32 v24, v22;
	v54 =	vadd.f32 v14, v53;
	(erf) = vrcp.f32 v2  }
0x69a: {  	v14 =	vperm.xlane v20, v55  }
0x69b: {  	v58 =	vadd.f32 v49, v56;
	v50 =	vperm.xlane v54, v57  }
0x69c: {  	v14 =	vadd.f32 v20, v14  }
0x69d: {  	v49 =	vperm.xlane v58, v33;
	v2 =	vadd.f32 v54, v50  }
0x69e: {  	v59 =	vperm.xlane v14, v13  }
0x69f: {  	v20 =	vadd.f32 v58, v49;
	v50 =	vperm.xlane v2, v13  }
0x6a0: {  	v51 =	vld [tilespmem:$0x1FFC0];
	v14 =	vadd.f32 v14, v59  }
0x6a1: {  	v52 =	vperm.xlane v20, v60;
	v2 =	vadd.f32 v2, v50  }
0x6a2: {  	(erf) = vrcp.f32 v14;
	v53 =	vpop (erf)  }
0x6a3: {  	v14 =	vadd.f32 v20, v52;
	(erf) = vrcp.f32 v2;
	v54 =	vmul.f32 v53, v5  }
0x6a4: {  	v55 =	vmul.f32 v53, v10;
	v56 =	vmul.f32 v53, v12  }
0x6a5: {  	v57 =	vmul.f32 v53, v21;
	v36 =	vperm.xlane v14, v51;
	v58 =	vsub.f32 $1.000000000e+00, v54  }
0x6a6: {  	v59 =	vsub.f32 $1.000000000e+00, v55;
	v49 =	vsub.f32 $1.000000000e+00, v56  }
0x6a7: {  	v50 =	vsub.f32 $1.000000000e+00, v57;
	v52 =	vadd.f32 v14, v36;
	v5 =	vmul.f32 v58, v5  }
0x6a8: {  	v10 =	vmul.f32 v59, v10;
	v12 =	vmul.f32 v49, v12  }
0x6a9: {  	[tilespmem:$0x1E8F0] =	vst v54;
	v21 =	vmul.f32 v50, v21;
	v14 =	vperm.xlane v52, v13  }
0x6aa: {  	v53 =	vmul.f32 v1, v41;
	[tilespmem:$0x1E900] =	vst v55;
	v54 =	vmul.f32 v1, v43  }
0x6ab: {  	[tilespmem:$0x1E910] =	vst v56;
	v20 =	vadd.f32 v10, v5;
	v55 =	vadd.f32 v21, v12  }
0x6ac: {  	[tilespmem:$0x1E920] =	vst v57;
	v56 =	vsub.f32 $1.000000000e+00, v53;
	v57 =	vsub.f32 $1.000000000e+00, v54  }
0x6ad: {  	v2 =	vadd.f32 v52, v14;
	v20 =	vadd.f32 v55, v20;
	v14 =	vpop (erf)  }
0x6ae: {  	v49 =	vmul.f32 v56, v41;
	v50 =	vmul.f32 v57, v43;
	v59 =	vpop (erf)  }
0x6af: {  	v58 =	vperm.xlane v20, v33;
	v56 =	vmul.f32 v59, v3  }
0x6b0: {  	[tilespmem:$0x1ED50] =	vst v54;
	(erf) = vrcp.f32 v2;
	v57 =	vmul.f32 v59, v4  }
0x6b1: {  	[tilespmem:$0x1EBA0] =	vst v56;
	v2 =	vadd.f32 v20, v58;
	v58 =	vmul.f32 v59, v6  }
0x6b2: {  	[tilespmem:$0x1EC80] =	vst v57;
	v59 =	vmul.f32 v59, v9  }
0x6b3: {  	v54 =	vmul.f32 v1, v35;
	v55 =	vsub.f32 $1.000000000e+00, v56;
	v56 =	vsub.f32 $1.000000000e+00, v57;
	[tilespmem:$0x1EC90] =	vst v58  }
0x6b4: {  	v57 =	vmul.f32 v1, v39;
	[tilespmem:$0x1EC10] =	vst v59;
	v58 =	vsub.f32 $1.000000000e+00, v58;
	v59 =	vsub.f32 $1.000000000e+00, v59  }
0x6b5: {  	v20 =	vmul.f32 v55, v3;
	v4 =	vmul.f32 v56, v4  }
0x6b6: {  	v6 =	vmul.f32 v58, v6;
	v9 =	vmul.f32 v59, v9  }
0x6b7: {  	v36 =	vsub.f32 $1.000000000e+00, v54  }
0x6b8: {  	v55 =	vadd.f32 v4, v20;
	v56 =	vadd.f32 v9, v6  }
0x6b9: {  	v51 =	vmul.f32 v36, v35;
	[tilespmem:$0x1ED70] =	vst v57;
	v41 =	vsub.f32 $1.000000000e+00, v57;
	v43 =	vperm.xlane v2, v60;
	v57 =	vpop (erf)  }
0x6ba: {  	[tilespmem:$0x1ED40] =	vst v53;
	v58 =	vmul.f32 v57, v22;
	v59 =	vmul.f32 v57, v24;
	v1 =	vadd.f32 v56, v55;
	v56 =	vld [tilespmem:$0x1FFC0]  }
0x6bb: {  	[tilespmem:$0x1ED60] =	vst v54;
	v52 =	vmul.f32 v41, v39;
	v53 =	vmul.f32 v57, v37  }
0x6bc: {  	[tilespmem:$0x1E990] =	vst v58;
	v55 =	vmul.f32 v57, v48;
	v57 =	vsub.f32 $1.000000000e+00, v58;
	v58 =	vsub.f32 $1.000000000e+00, v59  }
0x6bd: {  	v2 =	vadd.f32 v2, v43;
	[tilespmem:$0x1E9A0] =	vst v59;
	v54 =	vsub.f32 $1.000000000e+00, v53;
	v59 =	vperm.xlane v1, v33  }
0x6be: {  	v43 =	vsub.f32 $1.000000000e+00, v55;
	v22 =	vmul.f32 v57, v22;
	v24 =	vmul.f32 v58, v24  }
0x6bf: {  	v35 =	vmul.f32 v54, v37;
	v3 =	vperm.xlane v2, v56  }
0x6c0: {  	[tilespmem:$0x1EF80] =	vst v55;
	v55 =	vadd.f32 v50, v49;
	v1 =	vadd.f32 v1, v59;
	v36 =	vmul.f32 v43, v48  }
0x6c1: {  	[tilespmem:$0x1EE10] =	vst v52;
	v56 =	vadd.f32 v52, v51;
	v52 =	vld [tilespmem:$0x1FFC0];
	v2 =	vadd.f32 v2, v3  }
0x6c2: {  	v59 =	vadd.f32 v24, v22;
	v58 =	vperm.xlane v1, v60;
	v48 =	vadd.f32 v36, v35  }
0x6c3: {  	v3 =	vadd.f32 v56, v55;
	v57 =	vperm.xlane v2, v13  }
0x6c4: {  	[tilespmem:$0x1EDB0] =	vst v50;
	v1 =	vadd.f32 v1, v58;
	v50 =	vadd.f32 v48, v59  }
0x6c5: {  	[tilespmem:$0x1EE00] =	vst v51;
	v51 =	vperm.xlane v3, v33;
	v2 =	vadd.f32 v2, v57  }
0x6c6: {  	[tilespmem:$0x1E9F0] =	vst v53;
	v39 =	vperm.xlane v1, v52;
	v53 =	vperm.xlane v50, v33  }
0x6c7: {  	(erf) = vrcp.f32 v2;
	v2 =	vadd.f32 v3, v51  }
0x6c8: {  	v52 =	vld [tilespmem:$0x1FFC0];
	v1 =	vadd.f32 v1, v39;
	v37 =	vadd.f32 v50, v53  }
0x6c9: {  	v53 =	vld [tilespmem:$0x1FFC0];
	v3 =	vperm.xlane v2, v60  }
0x6ca: {  	v57 =	vperm.xlane v1, v13;
	v58 =	vperm.xlane v37, v60  }
0x6cb: {  	v54 =	vmul.f32 v14, v46;
	v59 =	vadd.f32 v2, v3  }
0x6cc: {  	v55 =	vmul.f32 v14, v47;
	v1 =	vadd.f32 v1, v57;
	v37 =	vadd.f32 v37, v58  }
0x6cd: {  	v56 =	vsub.f32 $1.000000000e+00, v54;
	v50 =	vmul.f32 v14, v45;
	v39 =	vperm.xlane v59, v52  }
0x6ce: {  	v41 =	vsub.f32 $1.000000000e+00, v55;
	(erf) = vrcp.f32 v1;
	v1 =	vperm.xlane v37, v53  }
0x6cf: {  	v2 =	vmul.f32 v56, v46;
	v46 =	vmul.f32 v14, v44;
	v39 =	vadd.f32 v59, v39  }
0x6d0: {  	v3 =	vmul.f32 v41, v47;
	v41 =	vsub.f32 $1.000000000e+00, v50;
	v37 =	vadd.f32 v37, v1  }
0x6d1: {  	[tilespmem:$0x1EA30] =	vst v54;
	v51 =	vsub.f32 $1.000000000e+00, v46;
	v57 =	vperm.xlane v39, v13  }
0x6d2: {  	[tilespmem:$0x1EA60] =	vst v50;
	v50 =	vadd.f32 v3, v2;
	v1 =	vmul.f32 v41, v45;
	v54 =	vpop (erf);
	v59 =	vperm.xlane v37, v13  }
0x6d3: {  	[tilespmem:$0x1EA40] =	vst v55;
	v14 =	vmul.f32 v51, v44;
	v55 =	vmul.f32 v54, v5;
	v39 =	vadd.f32 v39, v57  }
0x6d4: {  	v56 =	vmul.f32 v54, v10;
	v47 =	vmul.f32 v54, v12;
	v37 =	vadd.f32 v37, v59  }
0x6d5: {  	v43 =	vmul.f32 v54, v21;
	v44 =	vsub.f32 $1.000000000e+00, v55;
	(erf) = vrcp.f32 v39  }
0x6d6: {  	v58 =	vsub.f32 $1.000000000e+00, v56;
	v48 =	vsub.f32 $1.000000000e+00, v47;
	(erf) = vrcp.f32 v37  }
0x6d7: {  	[tilespmem:$0x1ED90] =	vst v49;
	v51 =	vadd.f32 v1, v14;
	v49 =	vsub.f32 $1.000000000e+00, v43;
	v5 =	vmul.f32 v44, v5  }
0x6d8: {  	v10 =	vmul.f32 v58, v10;
	v12 =	vmul.f32 v48, v12;
	v52 =	vpop (erf)  }
0x6d9: {  	v21 =	vmul.f32 v49, v21;
	v37 =	vadd.f32 v51, v50;
	v53 =	vmul.f32 v52, v20  }
0x6da: {  	v57 =	vmul.f32 v52, v4;
	v58 =	vmul.f32 v52, v6;
	v54 =	vadd.f32 v10, v5  }
0x6db: {  	[tilespmem:$0x1E9B0] =	vst v55;
	v59 =	vmul.f32 v52, v9;
	v55 =	vadd.f32 v21, v12;
	v45 =	vsub.f32 $1.000000000e+00, v53  }
0x6dc: {  	[tilespmem:$0x1E9C0] =	vst v56;
	v56 =	vperm.xlane v37, v33;
	v49 =	vsub.f32 $1.000000000e+00, v57;
	v50 =	vsub.f32 $1.000000000e+00, v58  }
0x6dd: {  	v51 =	vsub.f32 $1.000000000e+00, v59;
	v41 =	vadd.f32 v55, v54;
	v20 =	vmul.f32 v45, v20  }
0x6de: {  	[tilespmem:$0x1ECA0] =	vst v53;
	v37 =	vadd.f32 v37, v56;
	v39 =	vmul.f32 v49, v4;
	v6 =	vmul.f32 v50, v6;
	v53 =	vpop (erf)  }
0x6df: {  	[tilespmem:$0x1E9E0] =	vst v43;
	v9 =	vmul.f32 v51, v9;
	v43 =	vperm.xlane v41, v33;
	v54 =	vpop (erf)  }
0x6e0: {  	[tilespmem:$0x1ED30] =	vst v58;
	v52 =	vperm.xlane v37, v60;
	v58 =	vadd.f32 v39, v20;
	v55 =	vmul.f32 v54, v22  }
0x6e1: {  	[tilespmem:$0x1EA50] =	vst v46;
	v45 =	vadd.f32 v9, v6;
	v41 =	vadd.f32 v41, v43  }
0x6e2: {  	v4 =	vadd.f32 v37, v52;
	v56 =	vmul.f32 v54, v24;
	[tilespmem:$0x1EAB0] =	vst v55;
	v46 =	vsub.f32 $1.000000000e+00, v55;
	v55 =	vld [tilespmem:$0x1FFC0]  }
0x6e3: {  	[tilespmem:$0x1EDA0] =	vst v53;
	v52 =	vmul.f32 v54, v35;
	v53 =	vmul.f32 v54, v36;
	v54 =	vadd.f32 v45, v58;
	v58 =	vld [tilespmem:$0x1FFC0]  }
0x6e4: {  	[tilespmem:$0x1ECB0] =	vst v57;
	v57 =	vperm.xlane v41, v60  }
0x6e5: {  	[tilespmem:$0x1EC30] =	vst v59;
	v59 =	vsub.f32 $1.000000000e+00, v56  }
0x6e6: {  	v37 =	vadd.f32 v41, v57;
	[tilespmem:$0x1EAC0] =	vst v56;
	v56 =	vsub.f32 $1.000000000e+00, v52;
	v22 =	vmul.f32 v46, v22  }
0x6e7: {  	v57 =	vsub.f32 $1.000000000e+00, v53;
	v24 =	vmul.f32 v59, v24;
	v43 =	vperm.xlane v4, v55  }
0x6e8: {  	v59 =	vperm.xlane v54, v33;
	v46 =	vperm.xlane v37, v58  }
0x6e9: {  	v35 =	vmul.f32 v56, v35;
	v36 =	vmul.f32 v57, v36;
	v4 =	vadd.f32 v4, v43  }
0x6ea: {  	v41 =	vadd.f32 v54, v59;
	v37 =	vadd.f32 v37, v46  }
0x6eb: {  	v51 =	vld [tilespmem:$0x1FFC0];
	v48 =	vadd.f32 v24, v22;
	v45 =	vadd.f32 v36, v35;
	v43 =	vperm.xlane v4, v13  }
0x6ec: {  	[tilespmem:$0x1E9D0] =	vst v47;
	v47 =	vperm.xlane v41, v60;
	v46 =	vperm.xlane v37, v13  }
0x6ed: {  	v49 =	vadd.f32 v45, v48;
	v4 =	vadd.f32 v4, v43  }
0x6ee: {  	v41 =	vadd.f32 v41, v47;
	v37 =	vadd.f32 v37, v46  }
0x6ef: {  	v50 =	vperm.xlane v49, v33;
	(erf) = vrcp.f32 v4  }
0x6f0: {  	(erf) = vrcp.f32 v37;
	v37 =	vperm.xlane v41, v51  }
0x6f1: {  	v4 =	vadd.f32 v49, v50  }
0x6f2: {  	v54 =	vld [tilespmem:$0x1FFC0];
	v37 =	vadd.f32 v41, v37  }
0x6f3: {  	[tilespmem:$0x1EAD0] =	vst v52;
	v52 =	vperm.xlane v4, v60  }
0x6f4: {  	[tilespmem:$0x1EF90] =	vst v53;
	v53 =	vperm.xlane v37, v13  }
0x6f5: {  	v4 =	vadd.f32 v4, v52  }
0x6f6: {  	v37 =	vadd.f32 v37, v53  }
0x6f7: {  	v41 =	vperm.xlane v4, v54;
	_ =	sdelay $0x1  }
0x6f8: {  	v4 =	vadd.f32 v4, v41;
	(erf) = vrcp.f32 v37  }
0x6f9: {  	v37 =	vpop (erf)  }
0x6fa: {  	v57 =	vperm.xlane v4, v13;
	v50 =	vmul.f32 v37, v2  }
0x6fb: {  	v55 =	vpop (erf);
	v53 =	vmul.f32 v37, v3;
	v54 =	vmul.f32 v37, v14  }
0x6fc: {  	v4 =	vadd.f32 v4, v57;
	v56 =	vmul.f32 v55, v5;
	v58 =	vmul.f32 v55, v10  }
0x6fd: {  	v59 =	vmul.f32 v55, v12;
	v48 =	vmul.f32 v55, v21  }
0x6fe: {  	(erf) = vrcp.f32 v4;
	v55 =	vsub.f32 $1.000000000e+00, v50;
	v57 =	vsub.f32 $1.000000000e+00, v53  }
0x6ff: {  	v37 =	vmul.f32 v37, v1;
	v44 =	vsub.f32 $1.000000000e+00, v56;
	v49 =	vsub.f32 $1.000000000e+00, v58  }
0x700: {  	[tilespmem:$0x1EAE0] =	vst v56;
	v51 =	vsub.f32 $1.000000000e+00, v59;
	v2 =	vmul.f32 v55, v2;
	v4 =	vmul.f32 v57, v3  }
0x701: {  	[tilespmem:$0x1EAF0] =	vst v58;
	v5 =	vmul.f32 v44, v5;
	v10 =	vmul.f32 v49, v10;
	v56 =	vpop (erf)  }
0x702: {  	[tilespmem:$0x1EB00] =	vst v59;
	v52 =	vsub.f32 $1.000000000e+00, v48;
	v12 =	vmul.f32 v51, v12;
	v58 =	vmul.f32 v56, v20  }
0x703: {  	[tilespmem:$0x1EB10] =	vst v48;
	v59 =	vsub.f32 $1.000000000e+00, v54;
	v48 =	vmul.f32 v56, v39;
	v49 =	vmul.f32 v56, v6  }
0x704: {  	[tilespmem:$0x1EB20] =	vst v50;
	v21 =	vmul.f32 v52, v21;
	v43 =	vmul.f32 v56, v9;
	v50 =	vsub.f32 $1.000000000e+00, v58  }
0x705: {  	[tilespmem:$0x1EB30] =	vst v53;
	v3 =	vmul.f32 v59, v14;
	v51 =	vsub.f32 $1.000000000e+00, v48;
	v53 =	vsub.f32 $1.000000000e+00, v49  }
0x706: {  	v52 =	vadd.f32 v10, v5;
	v55 =	vsub.f32 $1.000000000e+00, v43;
	v44 =	vmul.f32 v50, v20  }
0x707: {  	[tilespmem:$0x1EB40] =	vst v54;
	v54 =	vadd.f32 v21, v12;
	v45 =	vmul.f32 v51, v39;
	v41 =	vmul.f32 v53, v6;
	v56 =	vpop (erf)  }
0x708: {  	v59 =	vsub.f32 $1.000000000e+00, v37;
	[tilespmem:$0x1ED80] =	vst v58;
	v57 =	vmul.f32 v55, v9;
	v58 =	vmul.f32 v56, v22  }
0x709: {  	v14 =	vadd.f32 v54, v52;
	v52 =	vmul.f32 v56, v24;
	v53 =	vmul.f32 v56, v35  }
0x70a: {  	[tilespmem:$0x1EC60] =	vst v43;
	v54 =	vmul.f32 v56, v36;
	v55 =	vadd.f32 v45, v44;
	v20 =	vadd.f32 v57, v41  }
0x70b: {  	v1 =	vmul.f32 v59, v1;
	[tilespmem:$0x1EC70] =	vst v57;
	v39 =	vsub.f32 $1.000000000e+00, v58;
	v57 =	vsub.f32 $1.000000000e+00, v52  }
0x70c: {  	v56 =	vperm.xlane v14, v33;
	[tilespmem:$0x1EC20] =	vst v58;
	v58 =	vsub.f32 $1.000000000e+00, v53;
	v43 =	vsub.f32 $1.000000000e+00, v54  }
0x70d: {  	v59 =	vadd.f32 v4, v2;
	v22 =	vmul.f32 v39, v22;
	v24 =	vmul.f32 v57, v24  }
0x70e: {  	v6 =	vadd.f32 v20, v55;
	v9 =	vmul.f32 v58, v35;
	v20 =	vmul.f32 v43, v36  }
0x70f: {  	[tilespmem:$0x1EE40] =	vst v44;
	v14 =	vadd.f32 v14, v56;
	v43 =	vadd.f32 v1, v3  }
0x710: {  	[tilespmem:$0x1EE50] =	vst v45;
	v44 =	vadd.f32 v24, v22;
	v45 =	vadd.f32 v20, v9  }
0x711: {  	v51 =	vld [tilespmem:$0x1FFC0];
	v35 =	vadd.f32 v43, v59  }
0x712: {  	[tilespmem:$0x1EDC0] =	vst v48;
	v47 =	vperm.xlane v14, v60;
	v48 =	vperm.xlane v6, v33;
	v46 =	vadd.f32 v45, v44  }
0x713: {  	[tilespmem:$0x1EDD0] =	vst v49;
	v49 =	vperm.xlane v35, v33  }
0x714: {  	v14 =	vadd.f32 v14, v47;
	v6 =	vadd.f32 v6, v48;
	v50 =	vperm.xlane v46, v33  }
0x715: {  	[tilespmem:$0x1EFC0] =	vst v54;
	v54 =	vld [tilespmem:$0x1FFC0];
	v35 =	vadd.f32 v35, v49  }
0x716: {  	[tilespmem:$0x1EB60] =	vst v37;
	v55 =	vld [tilespmem:$0x1FFC0];
	v37 =	vperm.xlane v14, v51;
	v39 =	vperm.xlane v6, v60;
	v36 =	vadd.f32 v46, v50  }
0x717: {  	[tilespmem:$0x1EEA0] =	vst v41;
	v56 =	vld [tilespmem:$0x1FFC0];
	v41 =	vperm.xlane v35, v60  }
0x718: {  	[tilespmem:$0x1EC40] =	vst v52;
	v14 =	vadd.f32 v14, v37;
	v6 =	vadd.f32 v6, v39;
	v52 =	vperm.xlane v36, v60  }
0x719: {  	v35 =	vadd.f32 v35, v41  }
0x71a: {  	[tilespmem:$0x1EC50] =	vst v53;
	v53 =	vperm.xlane v14, v13;
	v39 =	vperm.xlane v6, v54;
	v36 =	vadd.f32 v36, v52  }
0x71b: {  	v41 =	vperm.xlane v35, v55  }
0x71c: {  	v14 =	vadd.f32 v14, v53;
	v6 =	vadd.f32 v6, v39;
	v37 =	vperm.xlane v36, v56  }
0x71d: {  	v35 =	vadd.f32 v35, v41  }
0x71e: {  	(erf) = vrcp.f32 v14;
	v58 =	vperm.xlane v6, v13;
	v57 =	vadd.f32 v36, v37  }
0x71f: {  	v59 =	vperm.xlane v35, v13  }
0x720: {  	v6 =	vadd.f32 v6, v58;
	v41 =	vperm.xlane v57, v13  }
0x721: {  	v35 =	vadd.f32 v35, v59  }
0x722: {  	(erf) = vrcp.f32 v6;
	v43 =	vadd.f32 v57, v41  }
0x723: {  	(erf) = vrcp.f32 v35  }
0x724: {  	(erf) = vrcp.f32 v43;
	_ =	sdelay $0x2  }
0x725: {  	v44 =	vpop (erf)  }
0x726: {  	v45 =	vmul.f32 v44, v5;
	v46 =	vmul.f32 v44, v10  }
0x727: {  	v47 =	vmul.f32 v44, v12;
	v48 =	vmul.f32 v44, v21  }
0x728: {  	v49 =	vsub.f32 $1.000000000e+00, v45;
	v50 =	vsub.f32 $1.000000000e+00, v46  }
0x729: {  	v35 =	vsub.f32 $1.000000000e+00, v47;
	v51 =	vsub.f32 $1.000000000e+00, v48;
	v58 =	vpop (erf)  }
0x72a: {  	v5 =	vmul.f32 v49, v5;
	v6 =	vmul.f32 v50, v10;
	v10 =	vpop (erf)  }
0x72b: {  	v12 =	vmul.f32 v35, v12;
	v21 =	vmul.f32 v51, v21;
	v52 =	vpop (erf)  }
0x72c: {  	v54 =	vadd.f32 v6, v5;
	v53 =	vmul.f32 v52, v22;
	v55 =	vmul.f32 v52, v24  }
0x72d: {  	v36 =	vadd.f32 v21, v12;
	v56 =	vmul.f32 v52, v9;
	v57 =	vmul.f32 v52, v20  }
0x72e: {  	v59 =	vsub.f32 $1.000000000e+00, v53;
	v44 =	vsub.f32 $1.000000000e+00, v55  }
0x72f: {  	[tilespmem:$0x1EBB0] =	vst v45;
	v45 =	vsub.f32 $1.000000000e+00, v56;
	v37 =	vsub.f32 $1.000000000e+00, v57  }
0x730: {  	v35 =	vadd.f32 v36, v54;
	v14 =	vmul.f32 v59, v22;
	v24 =	vmul.f32 v44, v24  }
0x731: {  	v9 =	vmul.f32 v45, v9;
	v20 =	vmul.f32 v37, v20  }
0x732: {  	[tilespmem:$0x1EBD0] =	vst v46;
	v46 =	vperm.xlane v35, v33  }
0x733: {  	[tilespmem:$0x1EC00] =	vst v48;
	v48 =	vadd.f32 v24, v14;
	v49 =	vadd.f32 v20, v9  }
0x734: {  	[tilespmem:$0x1EBF0] =	vst v47;
	v47 =	vadd.f32 v35, v46  }
0x735: {  	v52 =	vld [tilespmem:$0x1FFC0];
	v35 =	vadd.f32 v49, v48  }
0x736: {  	v50 =	vperm.xlane v47, v60  }
0x737: {  	v51 =	vperm.xlane v35, v33  }
0x738: {  	v22 =	vadd.f32 v47, v50  }
0x739: {  	v35 =	vadd.f32 v35, v51  }
0x73a: {  	[tilespmem:$0x1ECF0] =	vst v55;
	v55 =	vld [tilespmem:$0x1FFC0];
	v36 =	vperm.xlane v22, v52  }
0x73b: {  	[tilespmem:$0x1ECE0] =	vst v53;
	v53 =	vperm.xlane v35, v60  }
0x73c: {  	v22 =	vadd.f32 v22, v36  }
0x73d: {  	v35 =	vadd.f32 v35, v53  }
0x73e: {  	v54 =	vperm.xlane v22, v13  }
0x73f: {  	v36 =	vperm.xlane v35, v55  }
0x740: {  	v22 =	vadd.f32 v22, v54  }
0x741: {  	[tilespmem:$0x1ED00] =	vst v56;
	v56 =	vadd.f32 v35, v36  }
0x742: {  	(erf) = vrcp.f32 v22  }
0x743: {  	v35 =	vperm.xlane v56, v13;
	_ =	sdelay $0x1  }
0x744: {  	v22 =	vadd.f32 v56, v35;
	_ =	sdelay $0x1  }
0x745: {  	[tilespmem:$0x1EFE0] =	vst v57;
	v57 =	vmul.f32 v10, v2;
	(erf) = vrcp.f32 v22;
	_ =	sdelay $0x1  }
0x746: {  	v46 =	vmul.f32 v10, v1;
	v44 =	vmul.f32 v10, v3;
	v47 =	vsub.f32 $1.000000000e+00, v57  }
0x747: {  	v59 =	vmul.f32 v10, v4  }
0x748: {  	v50 =	vsub.f32 $1.000000000e+00, v44;
	v2 =	vmul.f32 v47, v2;
	v52 =	vsub.f32 $1.000000000e+00, v46;
	v45 =	vpop (erf)  }
0x749: {  	v49 =	vsub.f32 $1.000000000e+00, v59;
	v48 =	vmul.f32 v45, v5;
	v51 =	vmul.f32 v45, v6  }
0x74a: {  	v3 =	vmul.f32 v50, v3;
	v1 =	vmul.f32 v52, v1  }
0x74b: {  	v35 =	vmul.f32 v49, v4;
	v37 =	vsub.f32 $1.000000000e+00, v48;
	v53 =	vsub.f32 $1.000000000e+00, v51  }
0x74c: {  	[tilespmem:$0x1ECC0] =	vst v57;
	v47 =	vadd.f32 v1, v3;
	v54 =	vmul.f32 v45, v12;
	v22 =	vmul.f32 v45, v21  }
0x74d: {  	[tilespmem:$0x1ECD0] =	vst v59;
	v56 =	vadd.f32 v35, v2;
	v10 =	vmul.f32 v37, v5;
	v36 =	vmul.f32 v53, v6;
	v55 =	vpop (erf)  }
0x74e: {  	[tilespmem:$0x1EE30] =	vst v22;
	v22 =	vsub.f32 $1.000000000e+00, v22;
	v57 =	vmul.f32 v55, v14;
	v59 =	vmul.f32 v55, v24  }
0x74f: {  	[tilespmem:$0x1ED20] =	vst v46;
	v6 =	vsub.f32 $1.000000000e+00, v54;
	v45 =	vmul.f32 v55, v9;
	v46 =	vmul.f32 v55, v20  }
0x750: {  	[tilespmem:$0x1EDE0] =	vst v48;
	v21 =	vmul.f32 v22, v21;
	v48 =	vsub.f32 $1.000000000e+00, v57;
	v49 =	vsub.f32 $1.000000000e+00, v59  }
0x751: {  	v12 =	vmul.f32 v6, v12;
	v50 =	vsub.f32 $1.000000000e+00, v45;
	v39 =	vsub.f32 $1.000000000e+00, v46  }
0x752: {  	v6 =	vmul.f32 v48, v14;
	v14 =	vmul.f32 v49, v24  }
0x753: {  	v4 =	vadd.f32 v47, v56;
	v5 =	vmul.f32 v50, v9;
	v9 =	vmul.f32 v39, v20  }
0x754: {  	[tilespmem:$0x1EDF0] =	vst v51;
	v51 =	vadd.f32 v36, v10;
	v52 =	vadd.f32 v21, v12  }
0x755: {  	v24 =	vadd.f32 v14, v6;
	v53 =	vadd.f32 v9, v5  }
0x756: {  	v20 =	vadd.f32 v52, v51  }
0x757: {  	[tilespmem:$0x1EE20] =	vst v54;
	v55 =	vperm.xlane v4, v33;
	v54 =	vadd.f32 v53, v24  }
0x758: {  	v56 =	vperm.xlane v20, v33  }
0x759: {  	[tilespmem:$0x1EE60] =	vst v57;
	v4 =	vadd.f32 v4, v55;
	v57 =	vperm.xlane v54, v33  }
0x75a: {  	v39 =	vld [tilespmem:$0x1FFC0];
	v20 =	vadd.f32 v20, v56  }
0x75b: {  	v41 =	vld [tilespmem:$0x1FFC0];
	[tilespmem:$0x1EE70] =	vst v59;
	v59 =	vperm.xlane v4, v60;
	v22 =	vadd.f32 v54, v57  }
0x75c: {  	[tilespmem:$0x1EE80] =	vst v45;
	v45 =	vld [tilespmem:$0x1FFC0];
	v37 =	vperm.xlane v20, v60  }
0x75d: {  	[tilespmem:$0x1ED10] =	vst v44;
	v44 =	vmov v33;
	v4 =	vadd.f32 v4, v59;
	v33 =	vperm.xlane v22, v60  }
0x75e: {  	v20 =	vadd.f32 v20, v37  }
0x75f: {  	v24 =	vperm.xlane v4, v39;
	v22 =	vadd.f32 v22, v33  }
0x760: {  	v37 =	vperm.xlane v20, v41  }
0x761: {  	v4 =	vadd.f32 v4, v24;
	v24 =	vperm.xlane v22, v45  }
0x762: {  	v20 =	vadd.f32 v20, v37  }
0x763: {  	[tilespmem:$0x1F010] =	vst v46;
	v46 =	vperm.xlane v4, v13;
	v22 =	vadd.f32 v22, v24  }
0x764: {  	v37 =	vperm.xlane v20, v13  }
0x765: {  	v4 =	vadd.f32 v4, v46;
	v47 =	vperm.xlane v22, v13  }
0x766: {  	v20 =	vadd.f32 v20, v37  }
0x767: {  	(erf) = vrcp.f32 v4;
	v48 =	vadd.f32 v22, v47  }
0x768: {  	(erf) = vrcp.f32 v20  }
0x769: {  	(erf) = vrcp.f32 v48;
	_ =	sdelay $0x6  }
0x76a: {  	v49 =	vpop (erf)  }
0x76b: {  	v22 =	vpop (erf)  }
0x76c: {  	v4 =	vpop (erf)  }
0x76d: {  	v50 =	vmul.f32 v4, v6;
	v51 =	vmul.f32 v4, v14  }
0x76e: {  	v52 =	vmul.f32 v4, v5;
	v53 =	vmul.f32 v4, v9  }
0x76f: {  	v54 =	vsub.f32 $1.000000000e+00, v50;
	v24 =	vsub.f32 $1.000000000e+00, v51  }
0x770: {  	v55 =	vsub.f32 $1.000000000e+00, v52;
	v56 =	vsub.f32 $1.000000000e+00, v53  }
0x771: {  	v41 =	vmul.f32 v54, v6;
	v14 =	vmul.f32 v24, v14  }
0x772: {  	v24 =	vmul.f32 v55, v5;
	v37 =	vmul.f32 v56, v9;
	_ =	sdelay $0x1  }
0x773: {  	v4 =	vadd.f32 v14, v41;
	v5 =	vadd.f32 v37, v24;
	_ =	sdelay $0x1  }
0x774: {  	v4 =	vadd.f32 v5, v4;
	_ =	sdelay $0x1  }
0x775: {  	v5 =	vperm.xlane v4, v44;
	_ =	sdelay $0x1  }
0x776: {  	v4 =	vadd.f32 v4, v5  }
0x777: {  	v57 =	vld [tilespmem:$0x1FFC0]  }
0x778: {  	v5 =	vperm.xlane v4, v60;
	_ =	sdelay $0x1  }
0x779: {  	v4 =	vadd.f32 v4, v5;
	_ =	sdelay $0x1  }
0x77a: {  	v5 =	vperm.xlane v4, v57;
	_ =	sdelay $0x1  }
0x77b: {  	v4 =	vadd.f32 v4, v5  }
0x77c: {  	v45 =	vmov v13  }
0x77d: {  	v5 =	vperm.xlane v4, v45;
	_ =	sdelay $0x1  }
0x77e: {  	v4 =	vadd.f32 v4, v5  }
0x77f: {  	v59 =	vmul.f32 v49, v2;
	v39 =	vmul.f32 v49, v3  }
0x780: {  	v47 =	vmul.f32 v22, v10;
	(erf) = vrcp.f32 v4  }
0x781: {  	v46 =	vmul.f32 v49, v1;
	v13 =	vsub.f32 $1.000000000e+00, v59;
	[tilespmem:$0x1EF50] =	vst v50;
	v9 =	vmul.f32 v49, v35  }
0x782: {  	v48 =	vmul.f32 v22, v36;
	[tilespmem:$0x1EFF0] =	vst v51;
	v50 =	vsub.f32 $1.000000000e+00, v47;
	v49 =	vmul.f32 v22, v12  }
0x783: {  	[tilespmem:$0x1EEB0] =	vst v9;
	v33 =	vsub.f32 $1.000000000e+00, v9;
	v9 =	vsub.f32 $1.000000000e+00, v46  }
0x784: {  	[tilespmem:$0x1F000] =	vst v52;
	v51 =	vsub.f32 $1.000000000e+00, v48;
	v22 =	vmul.f32 v22, v21;
	v52 =	vsub.f32 $1.000000000e+00, v49  }
0x785: {  	v9 =	vmul.f32 v9, v1;
	v4 =	vmul.f32 v13, v2;
	v2 =	vsub.f32 $1.000000000e+00, v39  }
0x786: {  	[tilespmem:$0x1F020] =	vst v53;
	v53 =	vsub.f32 $1.000000000e+00, v22;
	v1 =	vmul.f32 v50, v10;
	v5 =	vmul.f32 v33, v35  }
0x787: {  	[tilespmem:$0x1EE90] =	vst v59;
	v6 =	vmul.f32 v2, v3;
	v2 =	vmul.f32 v51, v36  }
0x788: {  	[tilespmem:$0x1EEC0] =	vst v39;
	v10 =	vmul.f32 v53, v21;
	v3 =	vmul.f32 v52, v12;
	v55 =	vadd.f32 v5, v4  }
0x789: {  	[tilespmem:$0x1EED0] =	vst v46;
	v57 =	vadd.f32 v9, v6;
	v59 =	vadd.f32 v2, v1;
	v54 =	vpop (erf)  }
0x78a: {  	[tilespmem:$0x1EF00] =	vst v47;
	v47 =	vadd.f32 v10, v3;
	v56 =	vmul.f32 v54, v41;
	v46 =	vmul.f32 v54, v14  }
0x78b: {  	[tilespmem:$0x1EF30] =	vst v49;
	v13 =	vadd.f32 v57, v55;
	v49 =	vmul.f32 v54, v24;
	v39 =	vmul.f32 v54, v37  }
0x78c: {  	[tilespmem:$0x1EF10] =	vst v48;
	v48 =	vsub.f32 $1.000000000e+00, v56;
	v50 =	vsub.f32 $1.000000000e+00, v46  }
0x78d: {  	v54 =	vperm.xlane v13, v44;
	v52 =	vsub.f32 $1.000000000e+00, v49;
	v53 =	vsub.f32 $1.000000000e+00, v39  }
0x78e: {  	[tilespmem:$0x1EF40] =	vst v22;
	v51 =	vadd.f32 v47, v59;
	v22 =	vmul.f32 v48, v41;
	v12 =	vmul.f32 v50, v14  }
0x78f: {  	v14 =	vmul.f32 v52, v24;
	v24 =	vmul.f32 v53, v37  }
0x790: {  	v55 =	vperm.xlane v51, v44;
	v13 =	vadd.f32 v13, v54  }
0x791: {  	[tilespmem:$0x1F030] =	vst v56;
	v56 =	vadd.f32 v12, v22;
	v57 =	vadd.f32 v24, v14  }
0x792: {  	v20 =	vadd.f32 v51, v55;
	v41 =	vld [tilespmem:$0x1FFC0]  }
0x793: {  	[tilespmem:$0x1F050] =	vst v46;
	v46 =	vld [tilespmem:$0x1FFC0];
	v59 =	vperm.xlane v13, v60;
	v35 =	vadd.f32 v57, v56  }
0x794: {  	v21 =	vperm.xlane v20, v60  }
0x795: {  	v13 =	vadd.f32 v13, v59;
	v33 =	vperm.xlane v35, v44  }
0x796: {  	v20 =	vadd.f32 v20, v21  }
0x797: {  	v37 =	vperm.xlane v13, v41;
	v35 =	vadd.f32 v35, v33  }
0x798: {  	[tilespmem:$0x1F060] =	vst v49;
	v49 =	vld [tilespmem:$0x1FFC0];
	v36 =	vperm.xlane v20, v46  }
0x799: {  	v13 =	vadd.f32 v13, v37;
	v47 =	vperm.xlane v35, v60  }
0x79a: {  	v20 =	vadd.f32 v20, v36  }
0x79b: {  	v37 =	vperm.xlane v13, v45;
	v35 =	vadd.f32 v35, v47  }
0x79c: {  	v48 =	vperm.xlane v20, v45  }
0x79d: {  	v13 =	vadd.f32 v13, v37;
	v36 =	vperm.xlane v35, v49  }
0x79e: {  	v20 =	vadd.f32 v20, v48  }
0x79f: {  	(erf) = vrcp.f32 v13;
	v50 =	vadd.f32 v35, v36  }
0x7a0: {  	(erf) = vrcp.f32 v20  }
0x7a1: {  	v51 =	vperm.xlane v50, v45;
	_ =	sdelay $0x1  }
0x7a2: {  	v13 =	vadd.f32 v50, v51;
	_ =	sdelay $0x1  }
0x7a3: {  	(erf) = vrcp.f32 v13;
	_ =	sdelay $0x2  }
0x7a4: {  	v13 =	vpop (erf)  }
0x7a5: {  	v52 =	vpop (erf)  }
0x7a6: {  	v53 =	vmul.f32 v52, v1;
	v54 =	vmul.f32 v52, v2;
	_ =	sdelay $0x1  }
0x7a7: {  	v55 =	vsub.f32 $1.000000000e+00, v53;
	v56 =	vsub.f32 $1.000000000e+00, v54  }
0x7a8: {  	v57 =	vmul.f32 v52, v3;
	v59 =	vmul.f32 v52, v10  }
0x7a9: {  	v1 =	vmul.f32 v55, v1;
	v2 =	vmul.f32 v56, v2;
	v46 =	vpop (erf)  }
0x7aa: {  	v47 =	vsub.f32 $1.000000000e+00, v57;
	v48 =	vmul.f32 v46, v22;
	v49 =	vmul.f32 v46, v12  }
0x7ab: {  	[tilespmem:$0x1EF70] =	vst v53;
	v52 =	vsub.f32 $1.000000000e+00, v59;
	v50 =	vmul.f32 v46, v14;
	v51 =	vmul.f32 v46, v24  }
0x7ac: {  	[tilespmem:$0x1EFA0] =	vst v54;
	v3 =	vmul.f32 v47, v3;
	v53 =	vsub.f32 $1.000000000e+00, v48;
	v54 =	vsub.f32 $1.000000000e+00, v49  }
0x7ad: {  	v10 =	vmul.f32 v52, v10;
	v55 =	vsub.f32 $1.000000000e+00, v50;
	v37 =	vsub.f32 $1.000000000e+00, v51  }
0x7ae: {  	v22 =	vmul.f32 v53, v22;
	v12 =	vmul.f32 v54, v12  }
0x7af: {  	[tilespmem:$0x1EFB0] =	vst v57;
	v14 =	vmul.f32 v55, v14;
	v56 =	vmul.f32 v37, v24  }
0x7b0: {  	[tilespmem:$0x1EFD0] =	vst v59;
	v57 =	vadd.f32 v2, v1;
	v59 =	vadd.f32 v10, v3  }
0x7b1: {  	v36 =	vadd.f32 v12, v22;
	v37 =	vadd.f32 v56, v14  }
0x7b2: {  	v24 =	vadd.f32 v59, v57  }
0x7b3: {  	v21 =	vadd.f32 v37, v36  }
0x7b4: {  	v33 =	vperm.xlane v24, v44  }
0x7b5: {  	v37 =	vperm.xlane v21, v44  }
0x7b6: {  	v24 =	vadd.f32 v24, v33  }
0x7b7: {  	v41 =	vld [tilespmem:$0x1FFC0];
	v35 =	vadd.f32 v21, v37  }
0x7b8: {  	v46 =	vld [tilespmem:$0x1FFC0];
	v36 =	vperm.xlane v24, v60  }
0x7b9: {  	v37 =	vperm.xlane v35, v60  }
0x7ba: {  	v24 =	vadd.f32 v24, v36  }
0x7bb: {  	v35 =	vadd.f32 v35, v37  }
0x7bc: {  	v36 =	vperm.xlane v24, v41  }
0x7bd: {  	v37 =	vperm.xlane v35, v46  }
0x7be: {  	v24 =	vadd.f32 v24, v36  }
0x7bf: {  	v35 =	vadd.f32 v35, v37  }
0x7c0: {  	v36 =	vperm.xlane v24, v45  }
0x7c1: {  	v37 =	vperm.xlane v35, v45  }
0x7c2: {  	v24 =	vadd.f32 v24, v36  }
0x7c3: {  	v35 =	vadd.f32 v35, v37  }
0x7c4: {  	(erf) = vrcp.f32 v24  }
0x7c5: {  	(erf) = vrcp.f32 v35;
	_ =	sdelay $0x7  }
0x7c6: {  	v24 =	vpop (erf)  }
0x7c7: {  	[tilespmem:$0x1F070] =	vst v48;
	v35 =	vpop (erf)  }
0x7c8: {  	[tilespmem:$0x1F0D0] =	vst v49;
	v47 =	vmul.f32 v35, v22;
	v48 =	vmul.f32 v35, v12  }
0x7c9: {  	[tilespmem:$0x1F100] =	vst v50;
	v49 =	vmul.f32 v35, v14;
	v50 =	vmul.f32 v35, v56  }
0x7ca: {  	[tilespmem:$0x1F080] =	vst v51;
	v51 =	vsub.f32 $1.000000000e+00, v47;
	v52 =	vsub.f32 $1.000000000e+00, v48  }
0x7cb: {  	[tilespmem:$0x1F040] =	vst v39;
	v53 =	vsub.f32 $1.000000000e+00, v49;
	v39 =	vsub.f32 $1.000000000e+00, v50  }
0x7cc: {  	v22 =	vmul.f32 v51, v22;
	v12 =	vmul.f32 v52, v12  }
0x7cd: {  	v14 =	vmul.f32 v53, v14;
	v20 =	vmul.f32 v39, v56;
	_ =	sdelay $0x1  }
0x7ce: {  	v35 =	vadd.f32 v12, v22;
	v54 =	vadd.f32 v20, v14;
	_ =	sdelay $0x1  }
0x7cf: {  	v35 =	vadd.f32 v54, v35;
	_ =	sdelay $0x1  }
0x7d0: {  	v36 =	vperm.xlane v35, v44;
	_ =	sdelay $0x1  }
0x7d1: {  	v35 =	vadd.f32 v35, v36  }
0x7d2: {  	v55 =	vld [tilespmem:$0x1FFC0]  }
0x7d3: {  	v36 =	vperm.xlane v35, v60;
	_ =	sdelay $0x1  }
0x7d4: {  	v35 =	vadd.f32 v35, v36;
	_ =	sdelay $0x1  }
0x7d5: {  	v36 =	vperm.xlane v35, v55;
	_ =	sdelay $0x1  }
0x7d6: {  	v35 =	vadd.f32 v35, v36;
	_ =	sdelay $0x1  }
0x7d7: {  	v36 =	vperm.xlane v35, v45;
	_ =	sdelay $0x1  }
0x7d8: {  	v57 =	vmul.f32 v13, v5;
	v56 =	vmul.f32 v13, v4;
	v35 =	vadd.f32 v35, v36;
	_ =	sdelay $0x1  }
0x7d9: {  	[tilespmem:$0x1F1A0] =	vst v57;
	v59 =	vsub.f32 $1.000000000e+00, v56;
	(erf) = vrcp.f32 v35  }
0x7da: {  	v21 =	vsub.f32 $1.000000000e+00, v57;
	v57 =	vmul.f32 v24, v3;
	[tilespmem:$0x1F190] =	vst v56;
	v56 =	vmul.f32 v24, v1  }
0x7db: {  	v33 =	vmul.f32 v59, v4;
	v55 =	vmul.f32 v24, v2  }
0x7dc: {  	v46 =	vsub.f32 $1.000000000e+00, v57;
	v36 =	vmul.f32 v13, v9;
	v35 =	vmul.f32 v13, v6  }
0x7dd: {  	v59 =	vmul.f32 v24, v10;
	v37 =	vsub.f32 $1.000000000e+00, v56;
	v41 =	vsub.f32 $1.000000000e+00, v55  }
0x7de: {  	v21 =	vmul.f32 v21, v5;
	v5 =	vsub.f32 $1.000000000e+00, v36;
	v4 =	vsub.f32 $1.000000000e+00, v35  }
0x7df: {  	[tilespmem:$0x1F120] =	vst v47;
	v1 =	vmul.f32 v37, v1;
	v47 =	vsub.f32 $1.000000000e+00, v59;
	v2 =	vmul.f32 v41, v2  }
0x7e0: {  	[tilespmem:$0x1F140] =	vst v48;
	v9 =	vmul.f32 v5, v9;
	v39 =	vmul.f32 v4, v6  }
0x7e1: {  	v3 =	vmul.f32 v46, v3;
	[tilespmem:$0x1F150] =	vst v49;
	v49 =	vadd.f32 v21, v33;
	v5 =	vmul.f32 v47, v10  }
0x7e2: {  	v54 =	vadd.f32 v2, v1;
	[tilespmem:$0x1F200] =	vst v9;
	v9 =	vadd.f32 v9, v39;
	v48 =	vpop (erf)  }
0x7e3: {  	[tilespmem:$0x1F0A0] =	vst v50;
	v10 =	vadd.f32 v5, v3;
	v50 =	vmul.f32 v48, v22;
	v51 =	vmul.f32 v48, v12  }
0x7e4: {  	v6 =	vadd.f32 v9, v49;
	v52 =	vmul.f32 v48, v14;
	v53 =	vmul.f32 v48, v20  }
0x7e5: {  	v13 =	vsub.f32 $1.000000000e+00, v50;
	v24 =	vsub.f32 $1.000000000e+00, v51  }
0x7e6: {  	v47 =	vperm.xlane v6, v44;
	v41 =	vsub.f32 $1.000000000e+00, v52;
	v46 =	vsub.f32 $1.000000000e+00, v53  }
0x7e7: {  	v4 =	vadd.f32 v10, v54;
	v9 =	vmul.f32 v13, v22;
	v12 =	vmul.f32 v24, v12  }
0x7e8: {  	v10 =	vmul.f32 v41, v14;
	v13 =	vmul.f32 v46, v20  }
0x7e9: {  	v48 =	vperm.xlane v4, v44;
	v6 =	vadd.f32 v6, v47  }
0x7ea: {  	[tilespmem:$0x1F160] =	vst v50;
	v22 =	vadd.f32 v12, v9;
	v49 =	vadd.f32 v13, v10  }
0x7eb: {  	[tilespmem:$0x1F0E0] =	vst v53;
	v4 =	vadd.f32 v4, v48;
	v53 =	vld [tilespmem:$0x1FFC0]  }
0x7ec: {  	v54 =	vld [tilespmem:$0x1FFC0];
	[tilespmem:$0x1F170] =	vst v51;
	v51 =	vperm.xlane v6, v60;
	v50 =	vadd.f32 v49, v22  }
0x7ed: {  	[tilespmem:$0x1F180] =	vst v52;
	v52 =	vperm.xlane v4, v60  }
0x7ee: {  	v6 =	vadd.f32 v6, v51;
	v24 =	vperm.xlane v50, v44  }
0x7ef: {  	v4 =	vadd.f32 v4, v52  }
0x7f0: {  	v20 =	vperm.xlane v6, v53;
	v14 =	vadd.f32 v50, v24  }
0x7f1: {  	[tilespmem:$0x1F1E0] =	vst v21;
	v21 =	vld [tilespmem:$0x1FFC0];
	v22 =	vperm.xlane v4, v54  }
0x7f2: {  	v6 =	vadd.f32 v6, v20;
	v24 =	vperm.xlane v14, v60  }
0x7f3: {  	v4 =	vadd.f32 v4, v22  }
0x7f4: {  	v20 =	vperm.xlane v6, v45;
	v14 =	vadd.f32 v14, v24  }
0x7f5: {  	v22 =	vperm.xlane v4, v45  }
0x7f6: {  	v6 =	vadd.f32 v6, v20;
	v24 =	vperm.xlane v14, v21  }
0x7f7: {  	v4 =	vadd.f32 v4, v22  }
0x7f8: {  	(erf) = vrcp.f32 v6;
	v14 =	vadd.f32 v14, v24  }
0x7f9: {  	(erf) = vrcp.f32 v4  }
0x7fa: {  	v24 =	vperm.xlane v14, v45;
	_ =	sdelay $0x1  }
0x7fb: {  	v4 =	vadd.f32 v14, v24;
	_ =	sdelay $0x1  }
0x7fc: {  	(erf) = vrcp.f32 v4;
	_ =	sdelay $0x2  }
0x7fd: {  	[tilespmem:$0x1F1B0] =	vst v35;
	v35 =	vpop (erf)  }
0x7fe: {  	[tilespmem:$0x1F1C0] =	vst v33;
	v33 =	vpop (erf)  }
0x7ff: {  	[tilespmem:$0x1F1F0] =	vst v39;
	v46 =	vmul.f32 v33, v1;
	v39 =	vmul.f32 v33, v3;
	_ =	sdelay $0x1  }
0x800: {  	[tilespmem:$0x1F1D0] =	vst v36;
	v47 =	vmul.f32 v33, v2;
	v49 =	vsub.f32 $1.000000000e+00, v46;
	v36 =	vsub.f32 $1.000000000e+00, v39  }
0x801: {  	v0 =	vadd.f32 v0, v38;
	v38 =	vadd.f32 v32, v40;
	v43 =	vmovc v60;
	v41 =	vmul.f32 v33, v5  }
0x802: {  	v50 =	vsub.f32 $1.000000000e+00, v47;
	v1 =	vmul.f32 v49, v1;
	v3 =	vmul.f32 v36, v3;
	v60 =	vpop (erf)  }
0x803: {  	v37 =	vsub.f32 $1.000000000e+00, v41;
	v53 =	vmul.f32 v60, v9;
	v51 =	vmul.f32 v60, v12  }
0x804: {  	v40 =	vld [tilespmem:$0x1FE90];
	v36 =	vadd.f32 v15, v61;
	v52 =	vmul.f32 v60, v10;
	v48 =	vmul.f32 v60, v13  }
0x805: {  	[tilespmem:$0x1F090] =	vst v38;
	v38 =	vld [tilespmem:$0x1E720];
	v2 =	vmul.f32 v50, v2;
	v21 =	vsub.f32 $1.000000000e+00, v53;
	v22 =	vsub.f32 $1.000000000e+00, v51  }
0x806: {  	v4 =	vmul.f32 v37, v5;
	v37 =	vld [tilespmem:$0x1FFC0];
	v24 =	vsub.f32 $1.000000000e+00, v52;
	v33 =	vsub.f32 $1.000000000e+00, v48  }
0x807: {  	v61 =	vld [tilespmem:$0x1E6B0];
	v20 =	vadd.f32 v2, v1;
	v49 =	vmul.f32 v21, v9;
	v50 =	vmul.f32 v22, v12  }
0x808: {  	v15 =	vld [tilespmem:$0x1E790];
	v54 =	vmul.f32 v24, v10;
	v60 =	vmul.f32 v33, v13;
	v21 =	vadd.f32 v4, v3  }
0x809: {  	v32 =	vadd.f32 v34, v36;
	v34 =	vld [tilespmem:$0x1E6F0];
	v14 =	vadd.f32 v50, v49  }
0x80a: {  	v6 =	vadd.f32 v60, v54;
	v22 =	vadd.f32 v21, v20;
	v20 =	vld [tilespmem:$0x1FEB0]  }
0x80b: {  	v36 =	vld [tilespmem:$0x1E700]  }
0x80c: {  	v21 =	vld [tilespmem:$0x1FED0];
	v5 =	vadd.f32 v6, v14  }
0x80d: {  	[tilespmem:$0x1F130] =	vst v32;
	v32 =	vld [tilespmem:$0x1E830];
	v10 =	vperm.xlane v22, v44  }
0x80e: {  	v33 =	vld [tilespmem:$0x1FFC0];
	v24 =	vperm.xlane v5, v44  }
0x80f: {  	v12 =	vld [tilespmem:$0x1E770];
	v6 =	vadd.f32 v22, v10;
	v7 =	vadd.f32 v20, v7  }
0x810: {  	v14 =	vld [tilespmem:$0x1E780];
	v5 =	vadd.f32 v5, v24  }
0x811: {  	v10 =	vperm.xlane v6, v43;
	v24 =	vadd.f32 v61, v16;
	v16 =	vld [tilespmem:$0x1E6C0];
	[tilespmem:$0x1F0C0] =	vst v7;
	v7 =	vadd.f32 v21, v8  }
0x812: {  	v61 =	vld [tilespmem:$0x1E750];
	v9 =	vperm.xlane v5, v43  }
0x813: {  	v6 =	vadd.f32 v6, v10;
	[tilespmem:$0x1F0F0] =	vst v7;
	v7 =	vadd.f32 v34, v26;
	v26 =	vld [tilespmem:$0x1E7D0]  }
0x814: {  	v34 =	vld [tilespmem:$0x1E850];
	v5 =	vadd.f32 v5, v9  }
0x815: {  	v9 =	vadd.f32 v18, v63;
	v13 =	vperm.xlane v6, v37;
	v37 =	vld [tilespmem:$0x1E710]  }
0x816: {  	v23 =	vadd.f32 v16, v23;
	v16 =	vld [tilespmem:$0x1E7A0];
	v10 =	vperm.xlane v5, v33  }
0x817: {  	v31 =	vadd.f32 v31, v9;
	v33 =	vld [tilespmem:$0x1E6E0]  }
0x818: {  	v5 =	vadd.f32 v5, v10;
	v10 =	vadd.f32 v40, v42;
	v42 =	vld [tilespmem:$0x1E6A0]  }
0x819: {  	v6 =	vadd.f32 v6, v13;
	v40 =	vld [tilespmem:$0x1E730]  }
0x81a: {  	[tilespmem:$0x1F110] =	vst v31;
	v31 =	vld [tilespmem:$0x1E820]  }
0x81b: {  	v18 =	vperm.xlane v6, v45;
	v20 =	vadd.f32 v37, v62;
	v62 =	vld [tilespmem:$0x1E760]  }
0x81c: {  	v37 =	vld [tilespmem:$0x1E870];
	v63 =	vperm.xlane v5, v45  }
0x81d: {  	v6 =	vadd.f32 v6, v18;
	v18 =	vld [tilespmem:$0x1E7C0]  }
0x81e: {  	v5 =	vadd.f32 v5, v63;
	v63 =	vadd.f32 v29, v0;
	v29 =	vld [tilespmem:$0x1E800]  }
0x81f: {  	v22 =	vadd.f32 v42, v17;
	v17 =	vld [tilespmem:$0x1E6D0]  }
0x820: {  	v42 =	vld [tilespmem:$0x1E740]  }
0x821: {  	(erf) = vrcp.f32 v5;
	v5 =	vadd.f32 v33, v30;
	v30 =	vld [tilespmem:$0x1E810]  }
0x822: {  	v33 =	vld [tilespmem:$0x1E840]  }
0x823: {  	(erf) = vrcp.f32 v6;
	v6 =	vadd.f32 v36, v27;
	v27 =	vld [tilespmem:$0x1E7E0]  }
0x824: {  	v5 =	vadd.f32 v37, v5;
	v37 =	vld [tilespmem:$0x1E960]  }
0x825: {  	v11 =	vadd.f32 v17, v11;
	v17 =	vld [tilespmem:$0x1E7B0]  }
0x826: {  	v19 =	vadd.f32 v38, v19;
	v13 =	vadd.f32 v42, v28;
	v28 =	vld [tilespmem:$0x1E7F0]  }
0x827: {  	v9 =	vadd.f32 v15, v14;
	v21 =	vadd.f32 v40, v25;
	v40 =	vld [tilespmem:$0x1E880]  }
0x828: {  	v0 =	vadd.f32 v12, v62;
	v22 =	vadd.f32 v61, v22;
	v36 =	vld [tilespmem:$0x1E860]  }
0x829: {  	v26 =	vadd.f32 v26, v18;
	v42 =	vld [tilespmem:$0x1E890];
	v24 =	vadd.f32 v33, v24  }
0x82a: {  	[tilespmem:$0x1F0B0] =	vst v10;
	v10 =	vld [tilespmem:$0x1E8D0];
	v22 =	vadd.f32 v37, v22;
	v25 =	vadd.f32 v17, v16  }
0x82b: {  	v27 =	vadd.f32 v28, v27;
	v28 =	vadd.f32 v30, v29  }
0x82c: {  	v29 =	vadd.f32 v32, v31;
	v30 =	vadd.f32 v34, v23;
	v12 =	vpop (erf)  }
0x82d: {  	v37 =	vld [tilespmem:$0x1EA10];
	v31 =	vadd.f32 v36, v11;
	v32 =	vadd.f32 v40, v0;
	v38 =	vpop (erf)  }
0x82e: {  	v33 =	vadd.f32 v42, v9;
	v40 =	vld [tilespmem:$0x1E8A0];
	v16 =	vmul.f32 v38, v1;
	v18 =	vmul.f32 v38, v2  }
0x82f: {  	v42 =	vld [tilespmem:$0x1E8B0];
	v17 =	vmul.f32 v38, v3;
	v23 =	vmul.f32 v38, v4;
	v11 =	vadd.f32 v10, v27  }
0x830: {  	v10 =	vld [tilespmem:$0x1E920];
	v61 =	vsub.f32 $1.000000000e+00, v16;
	v62 =	vsub.f32 $1.000000000e+00, v18  }
0x831: {  	v38 =	vld [tilespmem:$0x1E970];
	v14 =	vsub.f32 $1.000000000e+00, v17;
	v15 =	vsub.f32 $1.000000000e+00, v23  }
0x832: {  	v7 =	vadd.f32 v37, v7;
	v37 =	vld [tilespmem:$0x1EA50];
	v8 =	vmul.f32 v61, v1;
	v9 =	vmul.f32 v62, v2  }
0x833: {  	v29 =	vadd.f32 v40, v29;
	v40 =	vld [tilespmem:$0x1E8E0];
	v3 =	vmul.f32 v14, v3;
	v34 =	vmul.f32 v15, v4  }
0x834: {  	v25 =	vadd.f32 v42, v25;
	v42 =	vld [tilespmem:$0x1E8F0]  }
0x835: {  	v61 =	vld [tilespmem:$0x1E8C0];
	v14 =	vadd.f32 v9, v8;
	v15 =	vadd.f32 v34, v3  }
0x836: {  	v24 =	vadd.f32 v38, v24;
	v38 =	vld [tilespmem:$0x1F960]  }
0x837: {  	v27 =	vadd.f32 v15, v14;
	v14 =	vld [tilespmem:$0x1E940]  }
0x838: {  	v15 =	vld [tilespmem:$0x1E950]  }
0x839: {  	v28 =	vadd.f32 v40, v28;
	v40 =	vld [tilespmem:$0x1E980]  }
0x83a: {  	v25 =	vadd.f32 v42, v25;
	v42 =	vld [tilespmem:$0x1E990]  }
0x83b: {  	v62 =	vadd.f32 v61, v26;
	v61 =	vld [tilespmem:$0x1E900]  }
0x83c: {  	v28 =	vadd.f32 v10, v28;
	v36 =	vperm.xlane v27, v44;
	v10 =	vld [tilespmem:$0x1E9C0]  }
0x83d: {  	v33 =	vadd.f32 v14, v33;
	v14 =	vld [tilespmem:$0x1E9E0]  }
0x83e: {  	v27 =	vadd.f32 v27, v36;
	v29 =	vadd.f32 v15, v29;
	v15 =	vld [tilespmem:$0x1E9F0]  }
0x83f: {  	v30 =	vadd.f32 v40, v30;
	v40 =	vld [tilespmem:$0x1FB00]  }
0x840: {  	v4 =	vadd.f32 v61, v62;
	v62 =	vld [tilespmem:$0x1E910];
	v36 =	vperm.xlane v27, v43  }
0x841: {  	v61 =	vld [tilespmem:$0x1E9A0]  }
0x842: {  	v27 =	vadd.f32 v27, v36;
	v36 =	vld [tilespmem:$0x1EA00]  }
0x843: {  	v4 =	vadd.f32 v10, v4;
	v10 =	vld [tilespmem:$0x1EA20]  }
0x844: {  	v29 =	vadd.f32 v15, v29;
	v15 =	vld [tilespmem:$0x1EA40]  }
0x845: {  	v26 =	vadd.f32 v62, v11;
	v11 =	vld [tilespmem:$0x1E930]  }
0x846: {  	v62 =	vld [tilespmem:$0x1E9B0]  }
0x847: {  	v33 =	vadd.f32 v61, v33;
	v61 =	vld [tilespmem:$0x1FFC0]  }
0x848: {  	v28 =	vadd.f32 v14, v28;
	v14 =	vld [tilespmem:$0x1FBA0]  }
0x849: {  	v6 =	vadd.f32 v10, v6;
	v10 =	vld [tilespmem:$0x1EA90]  }
0x84a: {  	v24 =	vadd.f32 v15, v24;
	v15 =	vld [tilespmem:$0x1FD40]  }
0x84b: {  	v32 =	vadd.f32 v11, v32;
	v11 =	vld [tilespmem:$0x1E9D0]  }
0x84c: {  	v25 =	vadd.f32 v62, v25;
	v62 =	vperm.xlane v27, v61;
	v61 =	vld [tilespmem:$0x1EA80]  }
0x84d: {  	v32 =	vadd.f32 v42, v32;
	v42 =	vadd.f32 v40, v38;
	v38 =	vld [tilespmem:$0x1EA60]  }
0x84e: {  	v40 =	vld [tilespmem:$0x1FCA0]  }
0x84f: {  	v27 =	vadd.f32 v27, v62;
	v62 =	vld [tilespmem:$0x1FCE0]  }
0x850: {  	v30 =	vadd.f32 v37, v30;
	v6 =	vadd.f32 v10, v6;
	v10 =	vld [tilespmem:$0x1FEF0]  }
0x851: {  	v31 =	vadd.f32 v36, v31;
	v36 =	vadd.f32 v14, v42;
	v37 =	vperm.xlane v27, v45;
	v42 =	vld [tilespmem:$0x1EA70]  }
0x852: {  	v14 =	vld [tilespmem:$0x1EAB0]  }
0x853: {  	v26 =	vadd.f32 v11, v26;
	v11 =	vld [tilespmem:$0x1EA30];
	v27 =	vadd.f32 v27, v37  }
0x854: {  	v7 =	vadd.f32 v61, v7;
	v61 =	vld [tilespmem:$0x1EB00]  }
0x855: {  	(erf) = vrcp.f32 v27;
	v27 =	vld [tilespmem:$0x1EAC0]  }
0x856: {  	v37 =	vld [tilespmem:$0x1EAE0]  }
0x857: {  	v31 =	vadd.f32 v38, v31;
	v36 =	vadd.f32 v40, v36;
	v38 =	vld [tilespmem:$0x1FDC0]  }
0x858: {  	v5 =	vadd.f32 v42, v5;
	v42 =	vld [tilespmem:$0x1EAF0]  }
0x859: {  	v36 =	vadd.f32 v62, v36;
	v62 =	vld [tilespmem:$0x1EB10]  }
0x85a: {  	v27 =	vadd.f32 v27, v33;
	v33 =	vld [tilespmem:$0x1EAD0]  }
0x85b: {  	v22 =	vadd.f32 v11, v22;
	v11 =	vld [tilespmem:$0x1EAA0];
	v36 =	vadd.f32 v15, v36  }
0x85c: {  	v25 =	vadd.f32 v37, v25;
	v37 =	vld [tilespmem:$0x1EB60]  }
0x85d: {  	v40 =	vadd.f32 v38, v36;
	v36 =	vld [tilespmem:$0x1EB50]  }
0x85e: {  	v38 =	vld [tilespmem:$0x1EB70]  }
0x85f: {  	v29 =	vadd.f32 v33, v29;
	v33 =	vadd.f32 v10, v40;
	v40 =	vld [tilespmem:$0x1EB80]  }
0x860: {  	v4 =	vadd.f32 v42, v4;
	v42 =	vld [tilespmem:$0x1EB90]  }
0x861: {  	v28 =	vadd.f32 v62, v28;
	v62 =	vld [tilespmem:$0x1EBA0]  }
0x862: {  	v32 =	vadd.f32 v14, v32;
	v14 =	vld [tilespmem:$0x1EB30]  }
0x863: {  	v15 =	vld [tilespmem:$0x1EB40];
	v5 =	vadd.f32 v11, v5;
	v31 =	vadd.f32 v37, v31  }
0x864: {  	v33 =	vadd.f32 v36, v33;
	v37 =	vadd.f32 v40, v6;
	v40 =	vld [tilespmem:$0x1EBC0]  }
0x865: {  	v26 =	vadd.f32 v61, v26;
	v11 =	vld [tilespmem:$0x1EB20];
	v36 =	vadd.f32 v38, v7;
	v7 =	vpop (erf)  }
0x866: {  	v10 =	vmul.f32 v7, v8;
	v61 =	vadd.f32 v42, v33;
	v33 =	vadd.f32 v62, v5;
	v62 =	vld [tilespmem:$0x1EBE0];
	_ =	sdelay $0x1  }
0x867: {  	v30 =	vadd.f32 v15, v30;
	v15 =	vmul.f32 v7, v34;
	v5 =	vld [tilespmem:$0x1EBB0];
	v38 =	vsub.f32 $1.000000000e+00, v10  }
0x868: {  	v24 =	vadd.f32 v14, v24;
	v42 =	vld [tilespmem:$0x1EBD0];
	v40 =	vadd.f32 v40, v61  }
0x869: {  	v14 =	vmul.f32 v7, v9;
	v8 =	vmul.f32 v38, v8;
	v38 =	vld [tilespmem:$0x1EBF0];
	v61 =	vsub.f32 $1.000000000e+00, v15  }
0x86a: {  	v22 =	vadd.f32 v11, v22;
	v11 =	vmul.f32 v7, v3;
	v40 =	vadd.f32 v62, v40;
	v62 =	vld [tilespmem:$0x1EC10]  }
0x86b: {  	v0 =	vsub.f32 $1.000000000e+00, v14;
	v6 =	vmul.f32 v61, v34;
	v61 =	vld [tilespmem:$0x1EC00]  }
0x86c: {  	v1 =	vsub.f32 $1.000000000e+00, v11  }
0x86d: {  	v42 =	vadd.f32 v42, v4;
	v4 =	vmul.f32 v0, v9  }
0x86e: {  	v25 =	vadd.f32 v5, v25;
	v5 =	vmul.f32 v1, v3;
	v9 =	vadd.f32 v38, v26  }
0x86f: {  	v38 =	vadd.f32 v4, v8;
	v7 =	vadd.f32 v62, v40;
	v40 =	vld [tilespmem:$0x1EC20]  }
0x870: {  	v34 =	vadd.f32 v6, v5;
	v3 =	vadd.f32 v61, v28;
	v61 =	vld [tilespmem:$0x1EC30]  }
0x871: {  	v62 =	vld [tilespmem:$0x1EC40]  }
0x872: {  	v28 =	vadd.f32 v34, v38;
	v34 =	vld [tilespmem:$0x1EC60]  }
0x873: {  	v38 =	vld [tilespmem:$0x1EC70]  }
0x874: {  	v1 =	vld [tilespmem:$0x1EDA0]  }
0x875: {  	v32 =	vadd.f32 v40, v32;
	v40 =	vld [tilespmem:$0x1EC80]  }
0x876: {  	v26 =	vadd.f32 v61, v7;
	v7 =	vld [tilespmem:$0x1EC50]  }
0x877: {  	v27 =	vadd.f32 v62, v27;
	v61 =	vld [tilespmem:$0x1EC90];
	v62 =	vperm.xlane v28, v44  }
0x878: {  	v26 =	vadd.f32 v34, v26;
	v34 =	vmul.f32 v58, v38;
	v38 =	vld [tilespmem:$0x1ECC0]  }
0x879: {  	v28 =	vadd.f32 v28, v62;
	v62 =	vld [tilespmem:$0x1ECF0]  }
0x87a: {  	v36 =	vadd.f32 v40, v36;
	v40 =	vld [tilespmem:$0x1ECD0]  }
0x87b: {  	v29 =	vadd.f32 v7, v29;
	v7 =	vld [tilespmem:$0x1ECA0]  }
0x87c: {  	v37 =	vadd.f32 v61, v37;
	v61 =	vld [tilespmem:$0x1ECE0]  }
0x87d: {  	v26 =	vadd.f32 v34, v26;
	v34 =	vld [tilespmem:$0x1ECB0]  }
0x87e: {  	v22 =	vadd.f32 v38, v22;
	v38 =	vld [tilespmem:$0x1ED00]  }
0x87f: {  	v24 =	vadd.f32 v40, v24;
	v40 =	vld [tilespmem:$0x1ED10]  }
0x880: {  	v27 =	vadd.f32 v62, v27;
	v62 =	vld [tilespmem:$0x1ED30];
	v33 =	vadd.f32 v7, v33;
	v7 =	vperm.xlane v28, v43  }
0x881: {  	v32 =	vadd.f32 v61, v32;
	v61 =	vld [tilespmem:$0x1ED20]  }
0x882: {  	v28 =	vadd.f32 v28, v7;
	v7 =	vld [tilespmem:$0x1ED40]  }
0x883: {  	v29 =	vadd.f32 v38, v29;
	v38 =	vld [tilespmem:$0x1ED60]  }
0x884: {  	v30 =	vadd.f32 v40, v30;
	v40 =	vld [tilespmem:$0x1FFC0]  }
0x885: {  	v34 =	vadd.f32 v34, v36;
	v36 =	vadd.f32 v62, v37;
	v37 =	vld [tilespmem:$0x1ED50]  }
0x886: {  	v62 =	vld [tilespmem:$0x1ED70]  }
0x887: {  	v20 =	vadd.f32 v7, v20;
	v7 =	vld [tilespmem:$0x1ED80]  }
0x888: {  	v21 =	vadd.f32 v38, v21;
	v38 =	vld [tilespmem:$0x1ED90]  }
0x889: {  	v31 =	vadd.f32 v61, v31;
	v61 =	vperm.xlane v28, v40;
	v40 =	vld [tilespmem:$0x1EDB0];
	_ =	sdelay $0x2  }
0x88a: {  	v33 =	vadd.f32 v7, v33;
	v7 =	vld [tilespmem:$0x1EDD0]  }
0x88b: {  	v19 =	vadd.f32 v37, v19;
	v13 =	vadd.f32 v62, v13;
	v62 =	vld [tilespmem:$0x1EDC0]  }
0x88c: {  	v28 =	vadd.f32 v28, v61;
	v37 =	vmul.f32 v1, v38;
	v38 =	vld [tilespmem:$0x1EDE0];
	v61 =	vmul.f32 v1, v40  }
0x88d: {  	v40 =	vld [tilespmem:$0x1EDF0]  }
0x88e: {  	v19 =	vadd.f32 v61, v19;
	v61 =	vld [tilespmem:$0x1EE00]  }
0x88f: {  	v36 =	vadd.f32 v7, v36;
	v7 =	vld [tilespmem:$0x1EE20]  }
0x890: {  	v20 =	vadd.f32 v37, v20;
	v37 =	vperm.xlane v28, v45  }
0x891: {  	v34 =	vadd.f32 v62, v34;
	v62 =	vld [tilespmem:$0x1EE10]  }
0x892: {  	v28 =	vadd.f32 v28, v37;
	v37 =	vld [tilespmem:$0x1EE30]  }
0x893: {  	v25 =	vadd.f32 v38, v25;
	v38 =	vadd.f32 v40, v42;
	v40 =	vmul.f32 v1, v61;
	v61 =	vld [tilespmem:$0x1EE40]  }
0x894: {  	v9 =	vadd.f32 v7, v9;
	v7 =	vld [tilespmem:$0x1EE50];
	_ =	sdelay $0x3  }
0x895: {  	v42 =	vmul.f32 v1, v62;
	v3 =	vadd.f32 v37, v3;
	v37 =	vld [tilespmem:$0x1EEB0];
	v62 =	vmul.f32 v58, v61  }
0x896: {  	v0 =	vmul.f32 v58, v7;
	v61 =	vld [tilespmem:$0x1EE70]  }
0x897: {  	(erf) = vrcp.f32 v28;
	v28 =	vadd.f32 v62, v33;
	v33 =	vld [tilespmem:$0x1EE90]  }
0x898: {  	v7 =	vadd.f32 v0, v34;
	v34 =	vld [tilespmem:$0x1EEA0];
	_ =	sdelay $0x2  }
0x899: {  	v24 =	vadd.f32 v37, v24;
	v37 =	vld [tilespmem:$0x1EF10]  }
0x89a: {  	v62 =	vld [tilespmem:$0x1EE80]  }
0x89b: {  	v27 =	vadd.f32 v61, v27;
	v61 =	vld [tilespmem:$0x1EEF0];
	v22 =	vadd.f32 v33, v22;
	v33 =	vmul.f32 v58, v34  }
0x89c: {  	v58 =	vld [tilespmem:$0x1EEE0]  }
0x89d: {  	v33 =	vadd.f32 v33, v36;
	v36 =	vld [tilespmem:$0x1EF00]  }
0x89e: {  	v13 =	vadd.f32 v42, v13;
	v42 =	vld [tilespmem:$0x1EE60];
	_ =	sdelay $0x2  }
0x89f: {  	v29 =	vadd.f32 v62, v29;
	v62 =	vadd.f32 v61, v58;
	v58 =	vld [tilespmem:$0x1EF50]  }
0x8a0: {  	v25 =	vadd.f32 v36, v25;
	v36 =	vadd.f32 v37, v38;
	v38 =	vld [tilespmem:$0x1EF20]  }
0x8a1: {  	v32 =	vadd.f32 v42, v32;
	v42 =	vld [tilespmem:$0x1EED0]  }
0x8a2: {  	v61 =	vld [tilespmem:$0x1EF60]  }
0x8a3: {  	v21 =	vadd.f32 v40, v21;
	v40 =	vld [tilespmem:$0x1EEC0];
	_ =	sdelay $0x1  }
0x8a4: {  	v32 =	vadd.f32 v58, v32;
	v58 =	vld [tilespmem:$0x1EF80];
	v34 =	vadd.f32 v38, v62  }
0x8a5: {  	v31 =	vadd.f32 v42, v31;
	v42 =	vld [tilespmem:$0x1EF40]  }
0x8a6: {  	v34 =	vadd.f32 v61, v34;
	v61 =	vld [tilespmem:$0x1EF90]  }
0x8a7: {  	v30 =	vadd.f32 v40, v30;
	v40 =	vld [tilespmem:$0x1EF30];
	_ =	sdelay $0x1  }
0x8a8: {  	v34 =	vadd.f32 v58, v34  }
0x8a9: {  	v3 =	vadd.f32 v42, v3;
	v42 =	vld [tilespmem:$0x1EF70]  }
0x8aa: {  	v62 =	vpop (erf);
	v34 =	vadd.f32 v61, v34;
	v61 =	vld [tilespmem:$0x1EFA0]  }
0x8ab: {  	v9 =	vadd.f32 v40, v9;
	v40 =	vmul.f32 v62, v4;
	_ =	sdelay $0x1  }
0x8ac: {  	v38 =	vmul.f32 v62, v8;
	v0 =	vsub.f32 $1.000000000e+00, v40  }
0x8ad: {  	v25 =	vadd.f32 v42, v25;
	v42 =	vmul.f32 v62, v5;
	v37 =	vmul.f32 v62, v6;
	v62 =	vld [tilespmem:$0x1EFB0]  }
0x8ae: {  	v0 =	vmul.f32 v0, v4;
	v4 =	vadd.f32 v61, v36;
	v36 =	vld [tilespmem:$0x1EFC0]  }
0x8af: {  	v58 =	vsub.f32 $1.000000000e+00, v38  }
0x8b0: {  	v1 =	vsub.f32 $1.000000000e+00, v42  }
0x8b1: {  	v2 =	vsub.f32 $1.000000000e+00, v37;
	v8 =	vmul.f32 v58, v8;
	v58 =	vld [tilespmem:$0x1EFD0]  }
0x8b2: {  	v1 =	vmul.f32 v1, v5;
	v5 =	vadd.f32 v62, v9;
	v62 =	vld [tilespmem:$0x1EFF0]  }
0x8b3: {  	v2 =	vmul.f32 v2, v6;
	v6 =	vadd.f32 v36, v34;
	v36 =	vld [tilespmem:$0x1F000]  }
0x8b4: {  	v61 =	vld [tilespmem:$0x1EFE0]  }
0x8b5: {  	v25 =	vadd.f32 v56, v25;
	v56 =	vld [tilespmem:$0x1F040];
	v9 =	vadd.f32 v0, v8  }
0x8b6: {  	v3 =	vadd.f32 v58, v3;
	v58 =	vld [tilespmem:$0x1F010];
	v34 =	vadd.f32 v2, v1  }
0x8b7: {  	v27 =	vadd.f32 v62, v27;
	v62 =	vld [tilespmem:$0x1F020]  }
0x8b8: {  	v9 =	vadd.f32 v34, v9;
	v29 =	vadd.f32 v36, v29;
	v36 =	vld [tilespmem:$0x1F090]  }
0x8b9: {  	v5 =	vadd.f32 v57, v5;
	v57 =	vld [tilespmem:$0x1F050];
	v6 =	vadd.f32 v61, v6  }
0x8ba: {  	v4 =	vadd.f32 v55, v4;
	v55 =	vld [tilespmem:$0x1F030];
	v61 =	vperm.xlane v9, v44  }
0x8bb: {  	v6 =	vadd.f32 v58, v6;
	v58 =	vld [tilespmem:$0x1F060]  }
0x8bc: {  	v9 =	vadd.f32 v9, v61;
	v61 =	vld [tilespmem:$0x1F070]  }
0x8bd: {  	v6 =	vadd.f32 v62, v6;
	v62 =	vld [tilespmem:$0x1F080];
	[tilespmem:s12+$0x8000] =	vst v36  }
0x8be: {  	v25 =	vadd.f32 v46, v25;
	v46 =	vld [tilespmem:$0x1F0B0];
	_ =	sdelay $0x4  }
0x8bf: {  	v34 =	vld [tilespmem:$0x1F0A0];
	[tilespmem:s12+$0x8010] =	vst v46  }
0x8c0: {  	v32 =	vadd.f32 v55, v32;
	v55 =	vld [tilespmem:$0x1F0C0];
	_ =	sdelay $0x2  }
0x8c1: {  	v3 =	vadd.f32 v59, v3;
	_ =	sdelay $0x1  }
0x8c2: {  	v3 =	vadd.f32 v41, v3;
	v41 =	vld [tilespmem:$0x1FFC0];
	[tilespmem:s12+$0x8020] =	vst v55  }
0x8c3: {  	v27 =	vadd.f32 v57, v27;
	v57 =	vld [tilespmem:$0x1F0F0];
	_ =	sdelay $0x3  }
0x8c4: {  	v36 =	vld [tilespmem:$0x1F0D0]  }
0x8c5: {  	v6 =	vadd.f32 v56, v6;
	v56 =	vld [tilespmem:$0x1F0E0];
	[tilespmem:s12+$0x8030] =	vst v57  }
0x8c6: {  	v59 =	vperm.xlane v9, v43;
	v29 =	vadd.f32 v58, v29;
	v58 =	vld [tilespmem:$0x1F110];
	_ =	sdelay $0x1  }
0x8c7: {  	v9 =	vadd.f32 v9, v59;
	_ =	sdelay $0x1  }
0x8c8: {  	v4 =	vadd.f32 v47, v4;
	v47 =	vperm.xlane v9, v41  }
0x8c9: {  	v27 =	vadd.f32 v36, v27;
	v36 =	vld [tilespmem:$0x1F100];
	[tilespmem:s13+$0x8040] =	vst v58  }
0x8ca: {  	v59 =	vmul.f32 v12, v60;
	v9 =	vadd.f32 v9, v47;
	v60 =	vld [tilespmem:$0x1F130];
	_ =	sdelay $0x1  }
0x8cb: {  	v6 =	vadd.f32 v62, v6;
	v62 =	vperm.xlane v9, v45;
	_ =	sdelay $0x1  }
0x8cc: {  	v9 =	vadd.f32 v9, v62  }
0x8cd: {  	v6 =	vadd.f32 v34, v6;
	v34 =	vld [tilespmem:$0x1F120];
	[tilespmem:s13+$0x8050] =	vst v60  }
0x8ce: {  	(erf) = vrcp.f32 v9;
	v29 =	vadd.f32 v36, v29;
	v36 =	vld [tilespmem:$0x1F140]  }
0x8cf: {  	v32 =	vadd.f32 v61, v32;
	v61 =	vld [tilespmem:$0x1F150];
	[tilespmem:s13+$0x8060] =	vst v63  }
0x8d0: {  	v63 =	vld [tilespmem:$0x1F160];
	[tilespmem:s14+$0x8070] =	vst v26  }
0x8d1: {  	v16 =	vadd.f32 v16, v25;
	v5 =	vadd.f32 v39, v5;
	v26 =	vld [tilespmem:$0x1F170];
	[tilespmem:s13+$0x8000] =	vst v20  }
0x8d2: {  	[tilespmem:s13+$0x8010] =	vst v19  }
0x8d3: {  	v10 =	vadd.f32 v10, v16;
	v5 =	vadd.f32 v17, v5;
	[tilespmem:s13+$0x8020] =	vst v21  }
0x8d4: {  	v3 =	vadd.f32 v23, v3;
	v4 =	vadd.f32 v18, v4;
	v39 =	vld [tilespmem:$0x1F190]  }
0x8d5: {  	v6 =	vadd.f32 v56, v6;
	v27 =	vadd.f32 v36, v27;
	v36 =	vld [tilespmem:$0x1F180];
	[tilespmem:s13+$0x8030] =	vst v13  }
0x8d6: {  	v5 =	vadd.f32 v11, v5;
	v4 =	vadd.f32 v14, v4;
	v13 =	vld [tilespmem:$0x1F1A0]  }
0x8d7: {  	v3 =	vadd.f32 v15, v3;
	v6 =	vadd.f32 v48, v6;
	v60 =	vpop (erf);
	v46 =	vld [tilespmem:$0x1F1B0]  }
0x8d8: {  	v5 =	vadd.f32 v42, v5;
	v4 =	vadd.f32 v40, v4;
	v0 =	vmul.f32 v60, v0;
	v19 =	vld [tilespmem:$0x1F1C0];
	[tilespmem:s14+$0x8040] =	vst v28  }
0x8d9: {  	v3 =	vadd.f32 v37, v3;
	v6 =	vadd.f32 v59, v6;
	v1 =	vmul.f32 v60, v1;
	v20 =	vld [tilespmem:$0x1F1D0]  }
0x8da: {  	v32 =	vadd.f32 v34, v32;
	v0 =	vadd.f32 v0, v4;
	v21 =	vld [tilespmem:$0x1F1E0]  }
0x8db: {  	v2 =	vmul.f32 v60, v2;
	v1 =	vadd.f32 v1, v5;
	v29 =	vadd.f32 v61, v29;
	v47 =	vld [tilespmem:$0x1F1F0];
	[tilespmem:s14+$0x8050] =	vst v7  }
0x8dc: {  	v8 =	vmul.f32 v60, v8;
	v61 =	vadd.f32 v38, v10;
	v32 =	vadd.f32 v63, v32;
	v7 =	vld [tilespmem:$0x1F200];
	[tilespmem:s14+$0x8060] =	vst v33  }
0x8dd: {  	v63 =	vadd.f32 v2, v3;
	v26 =	vadd.f32 v26, v27;
	[tilespmem:s15+$0x8070] =	vst v6  }
0x8de: {  	v62 =	vadd.f32 v8, v61;
	v48 =	vadd.f32 v53, v32;
	v53 =	vmul.f32 v12, v49;
	[tilespmem:s15+$0x8010] =	vst v0  }
0x8df: {  	v57 =	vmul.f32 v12, v50;
	v17 =	vadd.f32 v39, v22;
	[tilespmem:s15+$0x8020] =	vst v1;
	v51 =	vadd.f32 v51, v26  }
0x8e0: {  	[tilespmem:s15+$0x8030] =	vst v63;
	v9 =	vadd.f32 v36, v29;
	v58 =	vadd.f32 v53, v48;
	v19 =	vmul.f32 v35, v19  }
0x8e1: {  	[tilespmem:s15+$0x8000] =	vst v62;
	v13 =	vadd.f32 v13, v24;
	v59 =	vadd.f32 v57, v51;
	v21 =	vmul.f32 v35, v21  }
0x8e2: {  	v18 =	vadd.f32 v46, v30;
	v22 =	vmul.f32 v35, v47;
	[tilespmem:s15+$0x8040] =	vst v58;
	v17 =	vadd.f32 v19, v17  }
0x8e3: {  	v12 =	vmul.f32 v12, v54;
	v9 =	vadd.f32 v52, v9;
	[tilespmem:s15+$0x8050] =	vst v59;
	v55 =	vadd.f32 v21, v13  }
0x8e4: {  	v20 =	vadd.f32 v20, v31;
	v7 =	vmul.f32 v35, v7;
	v56 =	vadd.f32 v22, v18;
	[tilespmem:s14+$0x8000] =	vst v17  }
0x8e5: {  	v9 =	vadd.f32 v12, v9;
	[tilespmem:s14+$0x8010] =	vst v55  }
0x8e6: {  	s10 =	sadd.s32 $0x1, s10;
	v7 =	vadd.f32 v7, v20;
	[tilespmem:s14+$0x8020] =	vst v56  }
0x8e7: {  	p0 =	sne.s32 s10, $0x3;
	[tilespmem:s15+$0x8060] =	vst v9  }
.Ltmp1:
0x8e8: {  	s11 =	sadd.s32 s4, s11;
	[tilespmem:s14+$0x8030] =	vst v7;
	(pc) =	sbr.rel @p0 .LBB2_2-.Ltmp1, $4  }
0x8e9: {  	[hbm4b:s11+s1] =	stream.linear.scatter [tilespmem:s8], [sflag:$0x1], $0x8000, $0x38;
	[tilespmem:$0x10000] =	vst v63  }
0x8ea: {  	_ =	swait.ge [sflag:s7], $0x8000  }
0x8eb: {  	[sflag:s7] =	ssyncset.done $0x0  }
0x8ec: {  	v63 =	vmov v43;
	[sflag:s7] =	ssyncadd.s32 $0xFFFF8000  }
0x8ed: {  	s9 =	sadd.s32 $0x1, s9  }
0x8ee: {  	p0 =	sne.s32 s9, s6  }
.Ltmp2:
0x8ef: {  	_ = 	snop;
	(pc) =	sbr.rel @p0 .LBB2_1-.Ltmp2, $1  }
0x8f0: {  	_ =	sdelay $0x3  }
0x8f1: {  	_ =	sfence.sel $0x180000  }
0x8f2: {  	[bflag:$0x0] =	sbarrier.arrive $0xFFFF  }
0x8f3: {  	p0 =	sne.s32 s2, $0x0;
	_ =	strace $0x90000047  }
0x8f4: {  	s0 =	sadd.s32 @!p0 $0x100000, s0;
	[bflag:$0x2] =	sbarrier.arrive $0xFFFF  }
0x8f5: {  	[sflag:s0] =	ssyncadd.tile.s32 @!p0 $0x1;
	_ =	shalt  }
.Lfunc_end2:
_tile_overlayer_lowered:
.L_overlay_start_2:
0x8f6: {  	(tag) =	ssettag $0x2  }
0x8f7: {  	s0 =	rddreg [dreg:$0x0];
	s2 =	stileid.u32  }
0x8f8: {  	s1 =	rddreg [dreg:$0x1];
	p0 =	sne.s32 s2, $0x0  }
0x8f9: {  	s3 =	rddreg [dreg:$0x2];
	[bflag:$0x3] =	sbarrier.arrive $0xFFFF;
	s2 =	simm.s32 @!p0 $0x1C01  }
0x8fa: {  	[timem:s3], [sflag:s2] =	dma.local @!p0 [hbm:s0], s1  }
0x8fb: {  	s0 =	simm.s32 @!p0 $0x1  }
0x8fc: {  	_ =	swait.ge @!p0 [sflag:s0], s1  }
0x8fd: {  	s1 =	ssub.s32 @!p0 $0x0, s1;
	[sflag:s0] =	ssyncset.done @!p0 $0x0  }
0x8fe: {  	[sflag:s0] =	ssyncadd.s32 @!p0 s1  }
0x8ff: {  	[bflag:$0x3] =	sbarrier.arrive $0xFFFF  }
0x900: {  	_ =	shalt  }

</sc_bundles>
